<compile_context>
chip_gen: v7x
topology: tpu7x:2x2x1
jax: 0.10.2.dev20260603
libtpu: 0.0.44.dev20260713+nightly
codegen_flags: <defaults>
</compile_context>

<pallas_src>
import jax
import jax.numpy as jnp
from jax import lax
from jax.experimental import pallas as pl
from jax.experimental.pallas import tpu as pltpu
from jax.experimental.pallas import tpu_sc as plsc

N = 1 << 24
H = 1 << 23
NC = 2
NS = 16
NW = NC * NS
L = 16

SC_NUM, SC_DEN = 13, 16
S1 = H * SC_NUM // SC_DEN
W1 = S1 // NS
CH1 = 32768
NCH1 = W1 // CH1
UN1 = 8
TCB = 131072
TC_NBLK = (H - S1) // TCB

GW = 128
NROWS = N // GW
HROWS = NROWS // 2
RPW = HROWS // NW
CR = 128
NCH2 = RPW // CR

_mesh = plsc.VectorSubcoreMesh(
    core_axis_name="c", subcore_axis_name="s", num_cores=NC, num_subcores=NS
)


def _sums_body(psi_hbm, out_hbm, b0, b1, b2, accv, shv, s0, s1, s2):
    wid = lax.axis_index("s") * NC + lax.axis_index("c")
    base = jnp.where(wid < NS, wid * W1, H + (wid - NS) * W1)
    bufs = (b0, b1, b2)
    sems = (s0, s1, s2)
    handles = [None, None, None]
    handles[0] = pltpu.async_copy(psi_hbm.at[pl.ds(base, CH1)], b0, s0)
    handles[1] = pltpu.async_copy(psi_hbm.at[pl.ds(base + CH1, CH1)], b1, s1)
    accs = (jnp.zeros((L,), jnp.float32),) * 4
    for g in range(NCH1):
        p = g % 3
        if g + 2 < NCH1:
            q = (g + 2) % 3
            handles[q] = pltpu.async_copy(
                psi_hbm.at[pl.ds(base + (g + 2) * CH1, CH1)], bufs[q],
                sems[q])
        handles[p].wait()
        buf = bufs[p]

        def body(j, a):
            a0, a1, a2, a3 = a
            off = j * (UN1 * L)
            xs = [buf[pl.ds(off + k * L, L)] for k in range(UN1)]
            a0 = a0 + xs[0] * xs[0]
            a1 = a1 + xs[1] * xs[1]
            a2 = a2 + xs[2] * xs[2]
            a3 = a3 + xs[3] * xs[3]
            a0 = a0 + xs[4] * xs[4]
            a1 = a1 + xs[5] * xs[5]
            a2 = a2 + xs[6] * xs[6]
            a3 = a3 + xs[7] * xs[7]
            return (a0, a1, a2, a3)

        accs = lax.fori_loop(0, CH1 // (UN1 * L), body, accs)
    x = (accs[0] + accs[1]) + (accs[2] + accs[3])
    sid = lax.axis_index("s")
    accv[...] = jnp.zeros((L,), jnp.float32)
    pltpu.sync_copy(accv, shv.at[pl.ds(sid * L, L)])
    accv[...] = x
    idx = jnp.full((L,), sid * L, jnp.int32)
    pltpu.sync_copy(accv, shv.at[idx], add=True)
    pltpu.sync_copy(shv.at[idx], accv)
    pltpu.sync_copy(accv, out_hbm.at[wid])


_sums = pl.kernel(
    _sums_body,
    out_type=jax.ShapeDtypeStruct((NW, L), jnp.float32),
    mesh=_mesh,
    scratch_types=[
        pltpu.VMEM((CH1,), jnp.float32),
        pltpu.VMEM((CH1,), jnp.float32),
        pltpu.VMEM((CH1,), jnp.float32),
        pltpu.VMEM((L,), jnp.float32),
        pltpu.VMEM_SHARED((NS * L,), jnp.float32),
        pltpu.SemaphoreType.DMA,
        pltpu.SemaphoreType.DMA,
        pltpu.SemaphoreType.DMA,
    ],
)


def _tc_tails_body(x_ref, o_ref, acc):
    i = pl.program_id(0)
    j = pl.program_id(1)

    @pl.when(j == 0)
    def _():
        acc[...] = jnp.zeros_like(acc)

    x = x_ref[...].reshape(TCB // 1024, 8, 128)
    acc[...] += jnp.sum(x * x, axis=0)

    @pl.when(j == TC_NBLK - 1)
    def _():
        o_ref[i, 0] = jnp.sum(acc[...])


_tc_tails = pl.pallas_call(
    _tc_tails_body,
    grid=(2, TC_NBLK),
    in_specs=[pl.BlockSpec((TCB,),
                           lambda i, j: i * (H // TCB) + S1 // TCB + j)],
    out_specs=pl.BlockSpec((2, 1), lambda i, j: (0, 0),
                           memory_space=pltpu.SMEM),
    out_shape=jax.ShapeDtypeStruct((2, 1), jnp.float32),
    scratch_shapes=[pltpu.VMEM((8, 128), jnp.float32)],
)


def _copy_body(psi_hbm, part_hbm, aux_hbm, out_hbm,
               b0, b1, b2, pv, av, idxv, s0, s1, s2, o0, o1, o2):
    wid = lax.axis_index("s") * NC + lax.axis_index("c")
    pltpu.sync_copy(part_hbm, pv)
    pltpu.sync_copy(aux_hbm, av)

    acc0 = pv[0, :]
    for i in range(1, NW // 2):
        acc0 = acc0 + pv[i, :]
    acc1 = pv[NW // 2, :]
    for i in range(NW // 2 + 1, NW):
        acc1 = acc1 + pv[i, :]
    mass0 = acc0 + av[0, :]
    total = mass0 + acc1 + av[1, :]
    uvec = av[2, :]
    p0 = mass0 / total
    outcome = uvec > p0
    p_out = jnp.where(outcome, 1.0 - p0, p0)

    seed_i = 0x5F3759DF - lax.shift_right_logical(
        lax.bitcast_convert_type(p_out, jnp.int32), 1)
    y = lax.bitcast_convert_type(seed_i, jnp.float32)
    half = p_out * 0.5
    for _ in range(3):
        y = y * (1.5 - half * y * y)
    sv = y

    row0 = jnp.where(outcome, HROWS, 0) + wid * RPW
    iot = lax.iota(jnp.int32, L)

    def build_idx(g):
        q = g % NB

        def ibody(j, _):
            idxv[pl.ds(q * CR + j * L, L)] = row0 + g * CR + j * L + iot
            return 0

        lax.fori_loop(0, CR // L, ibody, 0)

    dst0 = wid * RPW
    NB = 3
    bufs = (b0, b1, b2)
    gsems = (s0, s1, s2)
    osems = (o0, o1, o2)
    gh = [None] * NB
    oh = [None] * NB

    def gather(g):
        q = g % NB
        build_idx(g)
        gh[q] = pltpu.async_copy(
            psi_hbm.at[idxv.at[pl.ds(q * CR, CR)]], bufs[q], gsems[q])

    for g in range(min(NB - 1, NCH2)):
        gather(g)
    for g in range(NCH2):
        p = g % NB
        nxt = g + NB - 1
        if nxt < NCH2:
            q = nxt % NB
            if oh[q] is not None:
                oh[q].wait()
                oh[q] = None
            gather(nxt)
        gh[p].wait()
        buf = bufs[p]

        def mbody(r, _):
            for k in range(GW // L):
                buf[r, pl.ds(k * L, L)] = buf[r, pl.ds(k * L, L)] * sv
            return 0

        lax.fori_loop(0, CR, mbody, 0)
        oh[p] = pltpu.async_copy(
            buf, out_hbm.at[pl.ds(dst0 + g * CR, CR)], osems[p])
    for q in range(NB):
        if oh[q] is not None:
            oh[q].wait()


_copy = pl.kernel(
    _copy_body,
    out_type=jax.ShapeDtypeStruct((HROWS, GW), jnp.float32),
    mesh=_mesh,
    scratch_types=[
        pltpu.VMEM((CR, GW), jnp.float32),
        pltpu.VMEM((CR, GW), jnp.float32),
        pltpu.VMEM((CR, GW), jnp.float32),
        pltpu.VMEM((NW, L), jnp.float32),
        pltpu.VMEM((3, L), jnp.float32),
        pltpu.VMEM((3 * CR,), jnp.int32),
        pltpu.SemaphoreType.DMA,
        pltpu.SemaphoreType.DMA,
        pltpu.SemaphoreType.DMA,
        pltpu.SemaphoreType.DMA,
        pltpu.SemaphoreType.DMA,
        pltpu.SemaphoreType.DMA,
    ],
)


def kernel(psi, u):
    partials = _sums(psi)
    tails = _tc_tails(psi)
    aux = jnp.stack([
        jnp.full((L,), tails[0, 0], dtype=jnp.float32),
        jnp.full((L,), tails[1, 0], dtype=jnp.float32),
        jnp.broadcast_to(u, (L,)).astype(jnp.float32),
    ])
    out2 = _copy(psi.reshape(NROWS, GW), partials, aux)
    return out2.reshape(H)

# --- scband reference (transcript-rebuilt; emitter-appended) ---
"""Pipeline reference for scband-measurement-6262062318006 (READ-ONLY COPY).

The authoritative reference and input builder live on the scoring server;
editing this copy changes nothing except your own understanding.
"""

import jax, jax.numpy as jnp
import numpy as np

P = 0  # measured qubit position (0 = most significant bit)
N_STATE = 2 ** 24


def _split_by_bits(N, p):
    """Return (idx0, idx1): indices of the state vector where bit `p` (counting
    from the most significant qubit) is 0 or 1 respectively. Mirrors
    gate_implementation.split_by_bits for a single qubit position."""
    n = int(np.log2(N))
    b = n - 1 - p  # bit position from the LSB
    base = np.arange(N // 2, dtype=np.int64)
    low = base & ((1 << b) - 1)
    high = base >> b
    idx0 = (high << (b + 1)) | low
    idx1 = idx0 | (1 << b)
    return jnp.asarray(idx0, dtype=jnp.int32), jnp.asarray(idx1, dtype=jnp.int32)


def setup_inputs(seed: int = 0) -> dict:
    key = jax.random.key(seed)
    k1, k2 = jax.random.split(key)
    psi = jax.random.normal(k1, (N_STATE,), dtype=jnp.float32)
    u = jax.random.uniform(k2, (1,), dtype=jnp.float32)
    return {"psi": psi, "u": u}


def reference(psi, u):
    # Measurement.apply_forward -> measure(psi, u) -> post-measurement state.
    N = psi.shape[0]
    idx0, idx1 = _split_by_bits(N, P)
    # probabilitymass(psi) = sum |psi|^2 (real amplitudes here)
    total_mass = jnp.sum(psi * psi)
    mass0 = jnp.sum(jnp.take(psi, idx0) ** 2)
    p0 = mass0 / total_mass
    outcome = u[0] > p0  # bool scalar: 0 if u <= p0 else 1
    p_outcome = jnp.where(outcome, 1.0 - p0, p0)
    indices = jnp.where(outcome, idx1, idx0)
    psi_post = jnp.take(psi, indices) / jnp.sqrt(p_outcome)
    return psi_post

if __name__ == "__main__":
    import jax
    _d = setup_inputs()
    print(jax.jit(kernel)(*tuple(_d.values())))

</pallas_src>

<mosaic_0001>
#map = affine_map<(d0, d1) -> (0)>
#map1 = affine_map<(d0, d1) -> (0, 0)>
module attributes {stable_mosaic.version = 14 : i64} {
  func.func @_sums_body(%arg0: i32, %arg1: i32, %arg2: memref<16777216xf32, #tpu.memory_space<hbm>>, %arg3: memref<32x16xf32, #tpu.memory_space<hbm>>, %arg4: memref<32768xf32, #tpu.memory_space<vmem>>, %arg5: memref<32768xf32, #tpu.memory_space<vmem>>, %arg6: memref<32768xf32, #tpu.memory_space<vmem>>, %arg7: memref<16xf32, #tpu.memory_space<vmem>>, %arg8: memref<256xf32, #tpu.memory_space<vmem_shared>>, %arg9: memref<!tpu.dma_semaphore, #tpu.memory_space<semaphore_mem>>, %arg10: memref<!tpu.dma_semaphore, #tpu.memory_space<semaphore_mem>>, %arg11: memref<!tpu.dma_semaphore, #tpu.memory_space<semaphore_mem>>) attributes {dimension_semantics = [#tpu.dimension_semantics<core_parallel>, #tpu.dimension_semantics<subcore_parallel>], iteration_bounds = array<i64: 2, 16>, scalar_prefetch = 0 : i64, scratch_operands = 8 : i64, tpu.core_type = #tpu.core_type<sc_vector_subcore>, window_params = [{transform_indices = #map}, {transform_indices = #map1}]} {
    %mul3A = arith.constant 2 : i32
    %mul3A_0 = arith.muli %arg1, %mul3A : i32
    %add3A = arith.addi %mul3A_0, %arg0 : i32
    %lt3A = arith.constant 16 : i32
    %lt3A_1 = arith.cmpi slt, %add3A, %lt3A : i32
    %mul3A_2 = arith.constant 425984 : i32
    %mul3A_3 = arith.muli %add3A, %mul3A_2 : i32
    %sub3A = arith.constant 16 : i32
    %sub3A_4 = arith.subi %add3A, %sub3A : i32
    %mul3A_5 = arith.constant 425984 : i32
    %mul3A_6 = arith.muli %sub3A_4, %mul3A_5 : i32
    %add3A_7 = arith.constant 8388608 : i32
    %add3A_8 = arith.addi %add3A_7, %mul3A_6 : i32
    %select_n3A = arith.select %lt3A_1, %mul3A_3, %add3A_8 : i32
    %dma_start3A = tpu.memref_slice %arg2[%select_n3A] : memref<16777216xf32, #tpu.memory_space<hbm>> -> memref<32768xf32, #tpu.memory_space<hbm>>
    %dma_start3A_9 = tpu.memref_slice %arg2[%select_n3A] : memref<16777216xf32, #tpu.memory_space<hbm>> -> memref<32768xf32, #tpu.memory_space<hbm>>
    tpu.enqueue_dma source(%dma_start3A_9 : memref<32768xf32, #tpu.memory_space<hbm>>) target(%arg4 : memref<32768xf32, #tpu.memory_space<vmem>>) target_semaphore(%arg9 : memref<!tpu.dma_semaphore, #tpu.memory_space<semaphore_mem>>)
    %add3A_10 = arith.constant 32768 : i32
    %add3A_11 = arith.addi %select_n3A, %add3A_10 : i32
    %dma_start3A_12 = tpu.memref_slice %arg2[%add3A_11] : memref<16777216xf32, #tpu.memory_space<hbm>> -> memref<32768xf32, #tpu.memory_space<hbm>>
    %dma_start3A_13 = tpu.memref_slice %arg2[%add3A_11] : memref<16777216xf32, #tpu.memory_space<hbm>> -> memref<32768xf32, #tpu.memory_space<hbm>>
    tpu.enqueue_dma source(%dma_start3A_13 : memref<32768xf32, #tpu.memory_space<hbm>>) target(%arg5 : memref<32768xf32, #tpu.memory_space<vmem>>) target_semaphore(%arg10 : memref<!tpu.dma_semaphore, #tpu.memory_space<semaphore_mem>>)
    %broadcast_in_dim3A = arith.constant 0.000000e+00 : f32
    %broadcast_in_dim3A_14 = vector.broadcast %broadcast_in_dim3A : f32 to vector<16xf32>
    %add3A_15 = arith.constant 65536 : i32
    %add3A_16 = arith.addi %select_n3A, %add3A_15 : i32
    %dma_start3A_17 = tpu.memref_slice %arg2[%add3A_16] : memref<16777216xf32, #tpu.memory_space<hbm>> -> memref<32768xf32, #tpu.memory_space<hbm>>
    %dma_start3A_18 = tpu.memref_slice %arg2[%add3A_16] : memref<16777216xf32, #tpu.memory_space<hbm>> -> memref<32768xf32, #tpu.memory_space<hbm>>
    tpu.enqueue_dma source(%dma_start3A_18 : memref<32768xf32, #tpu.memory_space<hbm>>) target(%arg6 : memref<32768xf32, #tpu.memory_space<vmem>>) target_semaphore(%arg11 : memref<!tpu.dma_semaphore, #tpu.memory_space<semaphore_mem>>)
    %dma_wait3A = tpu.memref_slice %arg2[%select_n3A] : memref<16777216xf32, #tpu.memory_space<hbm>> -> memref<32768xf32, #tpu.memory_space<hbm>>
    %dma_wait3A_19 = tpu.memref_slice %arg2[%select_n3A] : memref<16777216xf32, #tpu.memory_space<hbm>> -> memref<32768xf32, #tpu.memory_space<hbm>>
    tpu.wait_dma2 semaphore(%arg9 : memref<!tpu.dma_semaphore, #tpu.memory_space<semaphore_mem>>) src(%dma_wait3A_19 : memref<32768xf32, #tpu.memory_space<hbm>>) dst(%arg4 : memref<32768xf32, #tpu.memory_space<vmem>>)
    %scan3A = arith.constant 0 : i32
    %scan3A_20 = arith.constant 256 : i32
    %scan3A_21 = arith.addi %scan3A, %scan3A_20 : i32
    %scan3A_22 = arith.constant 1 : i32
    %scan3A_23:4 = scf.for %scan3A_178 = %scan3A to %scan3A_21 step %scan3A_22 iter_args(%scan3A_179 = %broadcast_in_dim3A_14, %scan3A_180 = %broadcast_in_dim3A_14, %scan3A_181 = %broadcast_in_dim3A_14, %scan3A_182 = %broadcast_in_dim3A_14) -> (vector<16xf32>, vector<16xf32>, vector<16xf32>, vector<16xf32>)  : i32 {
      %mul3A_183 = arith.constant 128 : i32
      %mul3A_184 = arith.muli %scan3A_178, %mul3A_183 : i32
      %add3A_185 = arith.constant 0 : i32
      %add3A_186 = arith.addi %mul3A_184, %add3A_185 : i32
      %get3A = arith.index_cast %add3A_186 : i32 to index
      %get3A_187 = tpu.vector_load %arg4[%get3A] {strides = array<i32>} : memref<32768xf32, #tpu.memory_space<vmem>>, vector<16xf32>,
      %get3A_188 = vector.shape_cast %get3A_187 : vector<16xf32> to vector<16xf32>
      %add3A_189 = arith.constant 16 : i32
      %add3A_190 = arith.addi %mul3A_184, %add3A_189 : i32
      %get3A_191 = arith.index_cast %add3A_190 : i32 to index
      %get3A_192 = tpu.vector_load %arg4[%get3A_191] {strides = array<i32>} : memref<32768xf32, #tpu.memory_space<vmem>>, vector<16xf32>,
      %get3A_193 = vector.shape_cast %get3A_192 : vector<16xf32> to vector<16xf32>
      %add3A_194 = arith.constant 32 : i32
      %add3A_195 = arith.addi %mul3A_184, %add3A_194 : i32
      %get3A_196 = arith.index_cast %add3A_195 : i32 to index
      %get3A_197 = tpu.vector_load %arg4[%get3A_196] {strides = array<i32>} : memref<32768xf32, #tpu.memory_space<vmem>>, vector<16xf32>,
      %get3A_198 = vector.shape_cast %get3A_197 : vector<16xf32> to vector<16xf32>
      %add3A_199 = arith.constant 48 : i32
      %add3A_200 = arith.addi %mul3A_184, %add3A_199 : i32
      %get3A_201 = arith.index_cast %add3A_200 : i32 to index
      %get3A_202 = tpu.vector_load %arg4[%get3A_201] {strides = array<i32>} : memref<32768xf32, #tpu.memory_space<vmem>>, vector<16xf32>,
      %get3A_203 = vector.shape_cast %get3A_202 : vector<16xf32> to vector<16xf32>
      %add3A_204 = arith.constant 64 : i32
      %add3A_205 = arith.addi %mul3A_184, %add3A_204 : i32
      %get3A_206 = arith.index_cast %add3A_205 : i32 to index
      %get3A_207 = tpu.vector_load %arg4[%get3A_206] {strides = array<i32>} : memref<32768xf32, #tpu.memory_space<vmem>>, vector<16xf32>,
      %get3A_208 = vector.shape_cast %get3A_207 : vector<16xf32> to vector<16xf32>
      %add3A_209 = arith.constant 80 : i32
      %add3A_210 = arith.addi %mul3A_184, %add3A_209 : i32
      %get3A_211 = arith.index_cast %add3A_210 : i32 to index
      %get3A_212 = tpu.vector_load %arg4[%get3A_211] {strides = array<i32>} : memref<32768xf32, #tpu.memory_space<vmem>>, vector<16xf32>,
      %get3A_213 = vector.shape_cast %get3A_212 : vector<16xf32> to vector<16xf32>
      %add3A_214 = arith.constant 96 : i32
      %add3A_215 = arith.addi %mul3A_184, %add3A_214 : i32
      %get3A_216 = arith.index_cast %add3A_215 : i32 to index
      %get3A_217 = tpu.vector_load %arg4[%get3A_216] {strides = array<i32>} : memref<32768xf32, #tpu.memory_space<vmem>>, vector<16xf32>,
      %get3A_218 = vector.shape_cast %get3A_217 : vector<16xf32> to vector<16xf32>
      %add3A_219 = arith.constant 112 : i32
      %add3A_220 = arith.addi %mul3A_184, %add3A_219 : i32
      %get3A_221 = arith.index_cast %add3A_220 : i32 to index
      %get3A_222 = tpu.vector_load %arg4[%get3A_221] {strides = array<i32>} : memref<32768xf32, #tpu.memory_space<vmem>>, vector<16xf32>,
      %get3A_223 = vector.shape_cast %get3A_222 : vector<16xf32> to vector<16xf32>
      %mul3A_224 = arith.mulf %get3A_188, %get3A_188 : vector<16xf32>
      %add3A_225 = arith.addf %scan3A_179, %mul3A_224 : vector<16xf32>
      %mul3A_226 = arith.mulf %get3A_193, %get3A_193 : vector<16xf32>
      %add3A_227 = arith.addf %scan3A_180, %mul3A_226 : vector<16xf32>
      %mul3A_228 = arith.mulf %get3A_198, %get3A_198 : vector<16xf32>
      %add3A_229 = arith.addf %scan3A_181, %mul3A_228 : vector<16xf32>
      %mul3A_230 = arith.mulf %get3A_203, %get3A_203 : vector<16xf32>
      %add3A_231 = arith.addf %scan3A_182, %mul3A_230 : vector<16xf32>
      %mul3A_232 = arith.mulf %get3A_208, %get3A_208 : vector<16xf32>
      %add3A_233 = arith.addf %add3A_225, %mul3A_232 : vector<16xf32>
      %mul3A_234 = arith.mulf %get3A_213, %get3A_213 : vector<16xf32>
      %add3A_235 = arith.addf %add3A_227, %mul3A_234 : vector<16xf32>
      %mul3A_236 = arith.mulf %get3A_218, %get3A_218 : vector<16xf32>
      %add3A_237 = arith.addf %add3A_229, %mul3A_236 : vector<16xf32>
      %mul3A_238 = arith.mulf %get3A_223, %get3A_223 : vector<16xf32>
      %add3A_239 = arith.addf %add3A_231, %mul3A_238 : vector<16xf32>
      scf.yield %add3A_233, %add3A_235, %add3A_237, %add3A_239 : vector<16xf32>, vector<16xf32>, vector<16xf32>, vector<16xf32>
    }
    %scan3A_24 = arith.constant 256 : i32
    %add3A_25 = arith.constant 98304 : i32
    %add3A_26 = arith.addi %select_n3A, %add3A_25 : i32
    %dma_start3A_27 = tpu.memref_slice %arg2[%add3A_26] : memref<16777216xf32, #tpu.memory_space<hbm>> -> memref<32768xf32, #tpu.memory_space<hbm>>
    %dma_start3A_28 = tpu.memref_slice %arg2[%add3A_26] : memref<16777216xf32, #tpu.memory_space<hbm>> -> memref<32768xf32, #tpu.memory_space<hbm>>
    tpu.enqueue_dma source(%dma_start3A_28 : memref<32768xf32, #tpu.memory_space<hbm>>) target(%arg4 : memref<32768xf32, #tpu.memory_space<vmem>>) target_semaphore(%arg9 : memref<!tpu.dma_semaphore, #tpu.memory_space<semaphore_mem>>)
    %dma_wait3A_29 = tpu.memref_slice %arg2[%add3A_11] : memref<16777216xf32, #tpu.memory_space<hbm>> -> memref<32768xf32, #tpu.memory_space<hbm>>
    %dma_wait3A_30 = tpu.memref_slice %arg2[%add3A_11] : memref<16777216xf32, #tpu.memory_space<hbm>> -> memref<32768xf32, #tpu.memory_space<hbm>>
    tpu.wait_dma2 semaphore(%arg10 : memref<!tpu.dma_semaphore, #tpu.memory_space<semaphore_mem>>) src(%dma_wait3A_30 : memref<32768xf32, #tpu.memory_space<hbm>>) dst(%arg5 : memref<32768xf32, #tpu.memory_space<vmem>>)
    %scan3A_31 = arith.constant 0 : i32
    %scan3A_32 = arith.constant 256 : i32
    %scan3A_33 = arith.addi %scan3A_31, %scan3A_32 : i32
    %scan3A_34 = arith.constant 1 : i32
    %scan3A_35:4 = scf.for %scan3A_178 = %scan3A_31 to %scan3A_33 step %scan3A_34 iter_args(%scan3A_179 = %scan3A_23#0, %scan3A_180 = %scan3A_23#1, %scan3A_181 = %scan3A_23#2, %scan3A_182 = %scan3A_23#3) -> (vector<16xf32>, vector<16xf32>, vector<16xf32>, vector<16xf32>)  : i32 {
      %mul3A_183 = arith.constant 128 : i32
      %mul3A_184 = arith.muli %scan3A_178, %mul3A_183 : i32
      %add3A_185 = arith.constant 0 : i32
      %add3A_186 = arith.addi %mul3A_184, %add3A_185 : i32
      %get3A = arith.index_cast %add3A_186 : i32 to index
      %get3A_187 = tpu.vector_load %arg5[%get3A] {strides = array<i32>} : memref<32768xf32, #tpu.memory_space<vmem>>, vector<16xf32>,
      %get3A_188 = vector.shape_cast %get3A_187 : vector<16xf32> to vector<16xf32>
      %add3A_189 = arith.constant 16 : i32
      %add3A_190 = arith.addi %mul3A_184, %add3A_189 : i32
      %get3A_191 = arith.index_cast %add3A_190 : i32 to index
      %get3A_192 = tpu.vector_load %arg5[%get3A_191] {strides = array<i32>} : memref<32768xf32, #tpu.memory_space<vmem>>, vector<16xf32>,
      %get3A_193 = vector.shape_cast %get3A_192 : vector<16xf32> to vector<16xf32>
      %add3A_194 = arith.constant 32 : i32
      %add3A_195 = arith.addi %mul3A_184, %add3A_194 : i32
      %get3A_196 = arith.index_cast %add3A_195 : i32 to index
      %get3A_197 = tpu.vector_load %arg5[%get3A_196] {strides = array<i32>} : memref<32768xf32, #tpu.memory_space<vmem>>, vector<16xf32>,
      %get3A_198 = vector.shape_cast %get3A_197 : vector<16xf32> to vector<16xf32>
      %add3A_199 = arith.constant 48 : i32
      %add3A_200 = arith.addi %mul3A_184, %add3A_199 : i32
      %get3A_201 = arith.index_cast %add3A_200 : i32 to index
      %get3A_202 = tpu.vector_load %arg5[%get3A_201] {strides = array<i32>} : memref<32768xf32, #tpu.memory_space<vmem>>, vector<16xf32>,
      %get3A_203 = vector.shape_cast %get3A_202 : vector<16xf32> to vector<16xf32>
      %add3A_204 = arith.constant 64 : i32
      %add3A_205 = arith.addi %mul3A_184, %add3A_204 : i32
      %get3A_206 = arith.index_cast %add3A_205 : i32 to index
      %get3A_207 = tpu.vector_load %arg5[%get3A_206] {strides = array<i32>} : memref<32768xf32, #tpu.memory_space<vmem>>, vector<16xf32>,
      %get3A_208 = vector.shape_cast %get3A_207 : vector<16xf32> to vector<16xf32>
      %add3A_209 = arith.constant 80 : i32
      %add3A_210 = arith.addi %mul3A_184, %add3A_209 : i32
      %get3A_211 = arith.index_cast %add3A_210 : i32 to index
      %get3A_212 = tpu.vector_load %arg5[%get3A_211] {strides = array<i32>} : memref<32768xf32, #tpu.memory_space<vmem>>, vector<16xf32>,
      %get3A_213 = vector.shape_cast %get3A_212 : vector<16xf32> to vector<16xf32>
      %add3A_214 = arith.constant 96 : i32
      %add3A_215 = arith.addi %mul3A_184, %add3A_214 : i32
      %get3A_216 = arith.index_cast %add3A_215 : i32 to index
      %get3A_217 = tpu.vector_load %arg5[%get3A_216] {strides = array<i32>} : memref<32768xf32, #tpu.memory_space<vmem>>, vector<16xf32>,
      %get3A_218 = vector.shape_cast %get3A_217 : vector<16xf32> to vector<16xf32>
      %add3A_219 = arith.constant 112 : i32
      %add3A_220 = arith.addi %mul3A_184, %add3A_219 : i32
      %get3A_221 = arith.index_cast %add3A_220 : i32 to index
      %get3A_222 = tpu.vector_load %arg5[%get3A_221] {strides = array<i32>} : memref<32768xf32, #tpu.memory_space<vmem>>, vector<16xf32>,
      %get3A_223 = vector.shape_cast %get3A_222 : vector<16xf32> to vector<16xf32>
      %mul3A_224 = arith.mulf %get3A_188, %get3A_188 : vector<16xf32>
      %add3A_225 = arith.addf %scan3A_179, %mul3A_224 : vector<16xf32>
      %mul3A_226 = arith.mulf %get3A_193, %get3A_193 : vector<16xf32>
      %add3A_227 = arith.addf %scan3A_180, %mul3A_226 : vector<16xf32>
      %mul3A_228 = arith.mulf %get3A_198, %get3A_198 : vector<16xf32>
      %add3A_229 = arith.addf %scan3A_181, %mul3A_228 : vector<16xf32>
      %mul3A_230 = arith.mulf %get3A_203, %get3A_203 : vector<16xf32>
      %add3A_231 = arith.addf %scan3A_182, %mul3A_230 : vector<16xf32>
      %mul3A_232 = arith.mulf %get3A_208, %get3A_208 : vector<16xf32>
      %add3A_233 = arith.addf %add3A_225, %mul3A_232 : vector<16xf32>
      %mul3A_234 = arith.mulf %get3A_213, %get3A_213 : vector<16xf32>
      %add3A_235 = arith.addf %add3A_227, %mul3A_234 : vector<16xf32>
      %mul3A_236 = arith.mulf %get3A_218, %get3A_218 : vector<16xf32>
      %add3A_237 = arith.addf %add3A_229, %mul3A_236 : vector<16xf32>
      %mul3A_238 = arith.mulf %get3A_223, %get3A_223 : vector<16xf32>
      %add3A_239 = arith.addf %add3A_231, %mul3A_238 : vector<16xf32>
      scf.yield %add3A_233, %add3A_235, %add3A_237, %add3A_239 : vector<16xf32>, vector<16xf32>, vector<16xf32>, vector<16xf32>
    }
    %scan3A_36 = arith.constant 256 : i32
    %add3A_37 = arith.constant 131072 : i32
    %add3A_38 = arith.addi %select_n3A, %add3A_37 : i32
    %dma_start3A_39 = tpu.memref_slice %arg2[%add3A_38] : memref<16777216xf32, #tpu.memory_space<hbm>> -> memref<32768xf32, #tpu.memory_space<hbm>>
    %dma_start3A_40 = tpu.memref_slice %arg2[%add3A_38] : memref<16777216xf32, #tpu.memory_space<hbm>> -> memref<32768xf32, #tpu.memory_space<hbm>>
    tpu.enqueue_dma source(%dma_start3A_40 : memref<32768xf32, #tpu.memory_space<hbm>>) target(%arg5 : memref<32768xf32, #tpu.memory_space<vmem>>) target_semaphore(%arg10 : memref<!tpu.dma_semaphore, #tpu.memory_space<semaphore_mem>>)
    %dma_wait3A_41 = tpu.memref_slice %arg2[%add3A_16] : memref<16777216xf32, #tpu.memory_space<hbm>> -> memref<32768xf32, #tpu.memory_space<hbm>>
    %dma_wait3A_42 = tpu.memref_slice %arg2[%add3A_16] : memref<16777216xf32, #tpu.memory_space<hbm>> -> memref<32768xf32, #tpu.memory_space<hbm>>
    tpu.wait_dma2 semaphore(%arg11 : memref<!tpu.dma_semaphore, #tpu.memory_space<semaphore_mem>>) src(%dma_wait3A_42 : memref<32768xf32, #tpu.memory_space<hbm>>) dst(%arg6 : memref<32768xf32, #tpu.memory_space<vmem>>)
    %scan3A_43 = arith.constant 0 : i32
    %scan3A_44 = arith.constant 256 : i32
    %scan3A_45 = arith.addi %scan3A_43, %scan3A_44 : i32
    %scan3A_46 = arith.constant 1 : i32
    %scan3A_47:4 = scf.for %scan3A_178 = %scan3A_43 to %scan3A_45 step %scan3A_46 iter_args(%scan3A_179 = %scan3A_35#0, %scan3A_180 = %scan3A_35#1, %scan3A_181 = %scan3A_35#2, %scan3A_182 = %scan3A_35#3) -> (vector<16xf32>, vector<16xf32>, vector<16xf32>, vector<16xf32>)  : i32 {
      %mul3A_183 = arith.constant 128 : i32
      %mul3A_184 = arith.muli %scan3A_178, %mul3A_183 : i32
      %add3A_185 = arith.constant 0 : i32
      %add3A_186 = arith.addi %mul3A_184, %add3A_185 : i32
      %get3A = arith.index_cast %add3A_186 : i32 to index
      %get3A_187 = tpu.vector_load %arg6[%get3A] {strides = array<i32>} : memref<32768xf32, #tpu.memory_space<vmem>>, vector<16xf32>,
      %get3A_188 = vector.shape_cast %get3A_187 : vector<16xf32> to vector<16xf32>
      %add3A_189 = arith.constant 16 : i32
      %add3A_190 = arith.addi %mul3A_184, %add3A_189 : i32
      %get3A_191 = arith.index_cast %add3A_190 : i32 to index
      %get3A_192 = tpu.vector_load %arg6[%get3A_191] {strides = array<i32>} : memref<32768xf32, #tpu.memory_space<vmem>>, vector<16xf32>,
      %get3A_193 = vector.shape_cast %get3A_192 : vector<16xf32> to vector<16xf32>
      %add3A_194 = arith.constant 32 : i32
      %add3A_195 = arith.addi %mul3A_184, %add3A_194 : i32
      %get3A_196 = arith.index_cast %add3A_195 : i32 to index
      %get3A_197 = tpu.vector_load %arg6[%get3A_196] {strides = array<i32>} : memref<32768xf32, #tpu.memory_space<vmem>>, vector<16xf32>,
      %get3A_198 = vector.shape_cast %get3A_197 : vector<16xf32> to vector<16xf32>
      %add3A_199 = arith.constant 48 : i32
      %add3A_200 = arith.addi %mul3A_184, %add3A_199 : i32
      %get3A_201 = arith.index_cast %add3A_200 : i32 to index
      %get3A_202 = tpu.vector_load %arg6[%get3A_201] {strides = array<i32>} : memref<32768xf32, #tpu.memory_space<vmem>>, vector<16xf32>,
      %get3A_203 = vector.shape_cast %get3A_202 : vector<16xf32> to vector<16xf32>
      %add3A_204 = arith.constant 64 : i32
      %add3A_205 = arith.addi %mul3A_184, %add3A_204 : i32
      %get3A_206 = arith.index_cast %add3A_205 : i32 to index
      %get3A_207 = tpu.vector_load %arg6[%get3A_206] {strides = array<i32>} : memref<32768xf32, #tpu.memory_space<vmem>>, vector<16xf32>,
      %get3A_208 = vector.shape_cast %get3A_207 : vector<16xf32> to vector<16xf32>
      %add3A_209 = arith.constant 80 : i32
      %add3A_210 = arith.addi %mul3A_184, %add3A_209 : i32
      %get3A_211 = arith.index_cast %add3A_210 : i32 to index
      %get3A_212 = tpu.vector_load %arg6[%get3A_211] {strides = array<i32>} : memref<32768xf32, #tpu.memory_space<vmem>>, vector<16xf32>,
      %get3A_213 = vector.shape_cast %get3A_212 : vector<16xf32> to vector<16xf32>
      %add3A_214 = arith.constant 96 : i32
      %add3A_215 = arith.addi %mul3A_184, %add3A_214 : i32
      %get3A_216 = arith.index_cast %add3A_215 : i32 to index
      %get3A_217 = tpu.vector_load %arg6[%get3A_216] {strides = array<i32>} : memref<32768xf32, #tpu.memory_space<vmem>>, vector<16xf32>,
      %get3A_218 = vector.shape_cast %get3A_217 : vector<16xf32> to vector<16xf32>
      %add3A_219 = arith.constant 112 : i32
      %add3A_220 = arith.addi %mul3A_184, %add3A_219 : i32
      %get3A_221 = arith.index_cast %add3A_220 : i32 to index
      %get3A_222 = tpu.vector_load %arg6[%get3A_221] {strides = array<i32>} : memref<32768xf32, #tpu.memory_space<vmem>>, vector<16xf32>,
      %get3A_223 = vector.shape_cast %get3A_222 : vector<16xf32> to vector<16xf32>
      %mul3A_224 = arith.mulf %get3A_188, %get3A_188 : vector<16xf32>
      %add3A_225 = arith.addf %scan3A_179, %mul3A_224 : vector<16xf32>
      %mul3A_226 = arith.mulf %get3A_193, %get3A_193 : vector<16xf32>
      %add3A_227 = arith.addf %scan3A_180, %mul3A_226 : vector<16xf32>
      %mul3A_228 = arith.mulf %get3A_198, %get3A_198 : vector<16xf32>
      %add3A_229 = arith.addf %scan3A_181, %mul3A_228 : vector<16xf32>
      %mul3A_230 = arith.mulf %get3A_203, %get3A_203 : vector<16xf32>
      %add3A_231 = arith.addf %scan3A_182, %mul3A_230 : vector<16xf32>
      %mul3A_232 = arith.mulf %get3A_208, %get3A_208 : vector<16xf32>
      %add3A_233 = arith.addf %add3A_225, %mul3A_232 : vector<16xf32>
      %mul3A_234 = arith.mulf %get3A_213, %get3A_213 : vector<16xf32>
      %add3A_235 = arith.addf %add3A_227, %mul3A_234 : vector<16xf32>
      %mul3A_236 = arith.mulf %get3A_218, %get3A_218 : vector<16xf32>
      %add3A_237 = arith.addf %add3A_229, %mul3A_236 : vector<16xf32>
      %mul3A_238 = arith.mulf %get3A_223, %get3A_223 : vector<16xf32>
      %add3A_239 = arith.addf %add3A_231, %mul3A_238 : vector<16xf32>
      scf.yield %add3A_233, %add3A_235, %add3A_237, %add3A_239 : vector<16xf32>, vector<16xf32>, vector<16xf32>, vector<16xf32>
    }
    %scan3A_48 = arith.constant 256 : i32
    %add3A_49 = arith.constant 163840 : i32
    %add3A_50 = arith.addi %select_n3A, %add3A_49 : i32
    %dma_start3A_51 = tpu.memref_slice %arg2[%add3A_50] : memref<16777216xf32, #tpu.memory_space<hbm>> -> memref<32768xf32, #tpu.memory_space<hbm>>
    %dma_start3A_52 = tpu.memref_slice %arg2[%add3A_50] : memref<16777216xf32, #tpu.memory_space<hbm>> -> memref<32768xf32, #tpu.memory_space<hbm>>
    tpu.enqueue_dma source(%dma_start3A_52 : memref<32768xf32, #tpu.memory_space<hbm>>) target(%arg6 : memref<32768xf32, #tpu.memory_space<vmem>>) target_semaphore(%arg11 : memref<!tpu.dma_semaphore, #tpu.memory_space<semaphore_mem>>)
    %dma_wait3A_53 = tpu.memref_slice %arg2[%add3A_26] : memref<16777216xf32, #tpu.memory_space<hbm>> -> memref<32768xf32, #tpu.memory_space<hbm>>
    %dma_wait3A_54 = tpu.memref_slice %arg2[%add3A_26] : memref<16777216xf32, #tpu.memory_space<hbm>> -> memref<32768xf32, #tpu.memory_space<hbm>>
    tpu.wait_dma2 semaphore(%arg9 : memref<!tpu.dma_semaphore, #tpu.memory_space<semaphore_mem>>) src(%dma_wait3A_54 : memref<32768xf32, #tpu.memory_space<hbm>>) dst(%arg4 : memref<32768xf32, #tpu.memory_space<vmem>>)
    %scan3A_55 = arith.constant 0 : i32
    %scan3A_56 = arith.constant 256 : i32
    %scan3A_57 = arith.addi %scan3A_55, %scan3A_56 : i32
    %scan3A_58 = arith.constant 1 : i32
    %scan3A_59:4 = scf.for %scan3A_178 = %scan3A_55 to %scan3A_57 step %scan3A_58 iter_args(%scan3A_179 = %scan3A_47#0, %scan3A_180 = %scan3A_47#1, %scan3A_181 = %scan3A_47#2, %scan3A_182 = %scan3A_47#3) -> (vector<16xf32>, vector<16xf32>, vector<16xf32>, vector<16xf32>)  : i32 {
      %mul3A_183 = arith.constant 128 : i32
      %mul3A_184 = arith.muli %scan3A_178, %mul3A_183 : i32
      %add3A_185 = arith.constant 0 : i32
      %add3A_186 = arith.addi %mul3A_184, %add3A_185 : i32
      %get3A = arith.index_cast %add3A_186 : i32 to index
      %get3A_187 = tpu.vector_load %arg4[%get3A] {strides = array<i32>} : memref<32768xf32, #tpu.memory_space<vmem>>, vector<16xf32>,
      %get3A_188 = vector.shape_cast %get3A_187 : vector<16xf32> to vector<16xf32>
      %add3A_189 = arith.constant 16 : i32
      %add3A_190 = arith.addi %mul3A_184, %add3A_189 : i32
      %get3A_191 = arith.index_cast %add3A_190 : i32 to index
      %get3A_192 = tpu.vector_load %arg4[%get3A_191] {strides = array<i32>} : memref<32768xf32, #tpu.memory_space<vmem>>, vector<16xf32>,
      %get3A_193 = vector.shape_cast %get3A_192 : vector<16xf32> to vector<16xf32>
      %add3A_194 = arith.constant 32 : i32
      %add3A_195 = arith.addi %mul3A_184, %add3A_194 : i32
      %get3A_196 = arith.index_cast %add3A_195 : i32 to index
      %get3A_197 = tpu.vector_load %arg4[%get3A_196] {strides = array<i32>} : memref<32768xf32, #tpu.memory_space<vmem>>, vector<16xf32>,
      %get3A_198 = vector.shape_cast %get3A_197 : vector<16xf32> to vector<16xf32>
      %add3A_199 = arith.constant 48 : i32
      %add3A_200 = arith.addi %mul3A_184, %add3A_199 : i32
      %get3A_201 = arith.index_cast %add3A_200 : i32 to index
      %get3A_202 = tpu.vector_load %arg4[%get3A_201] {strides = array<i32>} : memref<32768xf32, #tpu.memory_space<vmem>>, vector<16xf32>,
      %get3A_203 = vector.shape_cast %get3A_202 : vector<16xf32> to vector<16xf32>
      %add3A_204 = arith.constant 64 : i32
      %add3A_205 = arith.addi %mul3A_184, %add3A_204 : i32
      %get3A_206 = arith.index_cast %add3A_205 : i32 to index
      %get3A_207 = tpu.vector_load %arg4[%get3A_206] {strides = array<i32>} : memref<32768xf32, #tpu.memory_space<vmem>>, vector<16xf32>,
      %get3A_208 = vector.shape_cast %get3A_207 : vector<16xf32> to vector<16xf32>
      %add3A_209 = arith.constant 80 : i32
      %add3A_210 = arith.addi %mul3A_184, %add3A_209 : i32
      %get3A_211 = arith.index_cast %add3A_210 : i32 to index
      %get3A_212 = tpu.vector_load %arg4[%get3A_211] {strides = array<i32>} : memref<32768xf32, #tpu.memory_space<vmem>>, vector<16xf32>,
      %get3A_213 = vector.shape_cast %get3A_212 : vector<16xf32> to vector<16xf32>
      %add3A_214 = arith.constant 96 : i32
      %add3A_215 = arith.addi %mul3A_184, %add3A_214 : i32
      %get3A_216 = arith.index_cast %add3A_215 : i32 to index
      %get3A_217 = tpu.vector_load %arg4[%get3A_216] {strides = array<i32>} : memref<32768xf32, #tpu.memory_space<vmem>>, vector<16xf32>,
      %get3A_218 = vector.shape_cast %get3A_217 : vector<16xf32> to vector<16xf32>
      %add3A_219 = arith.constant 112 : i32
      %add3A_220 = arith.addi %mul3A_184, %add3A_219 : i32
      %get3A_221 = arith.index_cast %add3A_220 : i32 to index
      %get3A_222 = tpu.vector_load %arg4[%get3A_221] {strides = array<i32>} : memref<32768xf32, #tpu.memory_space<vmem>>, vector<16xf32>,
      %get3A_223 = vector.shape_cast %get3A_222 : vector<16xf32> to vector<16xf32>
      %mul3A_224 = arith.mulf %get3A_188, %get3A_188 : vector<16xf32>
      %add3A_225 = arith.addf %scan3A_179, %mul3A_224 : vector<16xf32>
      %mul3A_226 = arith.mulf %get3A_193, %get3A_193 : vector<16xf32>
      %add3A_227 = arith.addf %scan3A_180, %mul3A_226 : vector<16xf32>
      %mul3A_228 = arith.mulf %get3A_198, %get3A_198 : vector<16xf32>
      %add3A_229 = arith.addf %scan3A_181, %mul3A_228 : vector<16xf32>
      %mul3A_230 = arith.mulf %get3A_203, %get3A_203 : vector<16xf32>
      %add3A_231 = arith.addf %scan3A_182, %mul3A_230 : vector<16xf32>
      %mul3A_232 = arith.mulf %get3A_208, %get3A_208 : vector<16xf32>
      %add3A_233 = arith.addf %add3A_225, %mul3A_232 : vector<16xf32>
      %mul3A_234 = arith.mulf %get3A_213, %get3A_213 : vector<16xf32>
      %add3A_235 = arith.addf %add3A_227, %mul3A_234 : vector<16xf32>
      %mul3A_236 = arith.mulf %get3A_218, %get3A_218 : vector<16xf32>
      %add3A_237 = arith.addf %add3A_229, %mul3A_236 : vector<16xf32>
      %mul3A_238 = arith.mulf %get3A_223, %get3A_223 : vector<16xf32>
      %add3A_239 = arith.addf %add3A_231, %mul3A_238 : vector<16xf32>
      scf.yield %add3A_233, %add3A_235, %add3A_237, %add3A_239 : vector<16xf32>, vector<16xf32>, vector<16xf32>, vector<16xf32>
    }
    %scan3A_60 = arith.constant 256 : i32
    %add3A_61 = arith.constant 196608 : i32
    %add3A_62 = arith.addi %select_n3A, %add3A_61 : i32
    %dma_start3A_63 = tpu.memref_slice %arg2[%add3A_62] : memref<16777216xf32, #tpu.memory_space<hbm>> -> memref<32768xf32, #tpu.memory_space<hbm>>
    %dma_start3A_64 = tpu.memref_slice %arg2[%add3A_62] : memref<16777216xf32, #tpu.memory_space<hbm>> -> memref<32768xf32, #tpu.memory_space<hbm>>
    tpu.enqueue_dma source(%dma_start3A_64 : memref<32768xf32, #tpu.memory_space<hbm>>) target(%arg4 : memref<32768xf32, #tpu.memory_space<vmem>>) target_semaphore(%arg9 : memref<!tpu.dma_semaphore, #tpu.memory_space<semaphore_mem>>)
    %dma_wait3A_65 = tpu.memref_slice %arg2[%add3A_38] : memref<16777216xf32, #tpu.memory_space<hbm>> -> memref<32768xf32, #tpu.memory_space<hbm>>
    %dma_wait3A_66 = tpu.memref_slice %arg2[%add3A_38] : memref<16777216xf32, #tpu.memory_space<hbm>> -> memref<32768xf32, #tpu.memory_space<hbm>>
    tpu.wait_dma2 semaphore(%arg10 : memref<!tpu.dma_semaphore, #tpu.memory_space<semaphore_mem>>) src(%dma_wait3A_66 : memref<32768xf32, #tpu.memory_space<hbm>>) dst(%arg5 : memref<32768xf32, #tpu.memory_space<vmem>>)
    %scan3A_67 = arith.constant 0 : i32
    %scan3A_68 = arith.constant 256 : i32
    %scan3A_69 = arith.addi %scan3A_67, %scan3A_68 : i32
    %scan3A_70 = arith.constant 1 : i32
    %scan3A_71:4 = scf.for %scan3A_178 = %scan3A_67 to %scan3A_69 step %scan3A_70 iter_args(%scan3A_179 = %scan3A_59#0, %scan3A_180 = %scan3A_59#1, %scan3A_181 = %scan3A_59#2, %scan3A_182 = %scan3A_59#3) -> (vector<16xf32>, vector<16xf32>, vector<16xf32>, vector<16xf32>)  : i32 {
      %mul3A_183 = arith.constant 128 : i32
      %mul3A_184 = arith.muli %scan3A_178, %mul3A_183 : i32
      %add3A_185 = arith.constant 0 : i32
      %add3A_186 = arith.addi %mul3A_184, %add3A_185 : i32
      %get3A = arith.index_cast %add3A_186 : i32 to index
      %get3A_187 = tpu.vector_load %arg5[%get3A] {strides = array<i32>} : memref<32768xf32, #tpu.memory_space<vmem>>, vector<16xf32>,
      %get3A_188 = vector.shape_cast %get3A_187 : vector<16xf32> to vector<16xf32>
      %add3A_189 = arith.constant 16 : i32
      %add3A_190 = arith.addi %mul3A_184, %add3A_189 : i32
      %get3A_191 = arith.index_cast %add3A_190 : i32 to index
      %get3A_192 = tpu.vector_load %arg5[%get3A_191] {strides = array<i32>} : memref<32768xf32, #tpu.memory_space<vmem>>, vector<16xf32>,
      %get3A_193 = vector.shape_cast %get3A_192 : vector<16xf32> to vector<16xf32>
      %add3A_194 = arith.constant 32 : i32
      %add3A_195 = arith.addi %mul3A_184, %add3A_194 : i32
      %get3A_196 = arith.index_cast %add3A_195 : i32 to index
      %get3A_197 = tpu.vector_load %arg5[%get3A_196] {strides = array<i32>} : memref<32768xf32, #tpu.memory_space<vmem>>, vector<16xf32>,
      %get3A_198 = vector.shape_cast %get3A_197 : vector<16xf32> to vector<16xf32>
      %add3A_199 = arith.constant 48 : i32
      %add3A_200 = arith.addi %mul3A_184, %add3A_199 : i32
      %get3A_201 = arith.index_cast %add3A_200 : i32 to index
      %get3A_202 = tpu.vector_load %arg5[%get3A_201] {strides = array<i32>} : memref<32768xf32, #tpu.memory_space<vmem>>, vector<16xf32>,
      %get3A_203 = vector.shape_cast %get3A_202 : vector<16xf32> to vector<16xf32>
      %add3A_204 = arith.constant 64 : i32
      %add3A_205 = arith.addi %mul3A_184, %add3A_204 : i32
      %get3A_206 = arith.index_cast %add3A_205 : i32 to index
      %get3A_207 = tpu.vector_load %arg5[%get3A_206] {strides = array<i32>} : memref<32768xf32, #tpu.memory_space<vmem>>, vector<16xf32>,
      %get3A_208 = vector.shape_cast %get3A_207 : vector<16xf32> to vector<16xf32>
      %add3A_209 = arith.constant 80 : i32
      %add3A_210 = arith.addi %mul3A_184, %add3A_209 : i32
      %get3A_211 = arith.index_cast %add3A_210 : i32 to index
      %get3A_212 = tpu.vector_load %arg5[%get3A_211] {strides = array<i32>} : memref<32768xf32, #tpu.memory_space<vmem>>, vector<16xf32>,
      %get3A_213 = vector.shape_cast %get3A_212 : vector<16xf32> to vector<16xf32>
      %add3A_214 = arith.constant 96 : i32
      %add3A_215 = arith.addi %mul3A_184, %add3A_214 : i32
      %get3A_216 = arith.index_cast %add3A_215 : i32 to index
      %get3A_217 = tpu.vector_load %arg5[%get3A_216] {strides = array<i32>} : memref<32768xf32, #tpu.memory_space<vmem>>, vector<16xf32>,
      %get3A_218 = vector.shape_cast %get3A_217 : vector<16xf32> to vector<16xf32>
      %add3A_219 = arith.constant 112 : i32
      %add3A_220 = arith.addi %mul3A_184, %add3A_219 : i32
      %get3A_221 = arith.index_cast %add3A_220 : i32 to index
      %get3A_222 = tpu.vector_load %arg5[%get3A_221] {strides = array<i32>} : memref<32768xf32, #tpu.memory_space<vmem>>, vector<16xf32>,
      %get3A_223 = vector.shape_cast %get3A_222 : vector<16xf32> to vector<16xf32>
      %mul3A_224 = arith.mulf %get3A_188, %get3A_188 : vector<16xf32>
      %add3A_225 = arith.addf %scan3A_179, %mul3A_224 : vector<16xf32>
      %mul3A_226 = arith.mulf %get3A_193, %get3A_193 : vector<16xf32>
      %add3A_227 = arith.addf %scan3A_180, %mul3A_226 : vector<16xf32>
      %mul3A_228 = arith.mulf %get3A_198, %get3A_198 : vector<16xf32>
      %add3A_229 = arith.addf %scan3A_181, %mul3A_228 : vector<16xf32>
      %mul3A_230 = arith.mulf %get3A_203, %get3A_203 : vector<16xf32>
      %add3A_231 = arith.addf %scan3A_182, %mul3A_230 : vector<16xf32>
      %mul3A_232 = arith.mulf %get3A_208, %get3A_208 : vector<16xf32>
      %add3A_233 = arith.addf %add3A_225, %mul3A_232 : vector<16xf32>
      %mul3A_234 = arith.mulf %get3A_213, %get3A_213 : vector<16xf32>
      %add3A_235 = arith.addf %add3A_227, %mul3A_234 : vector<16xf32>
      %mul3A_236 = arith.mulf %get3A_218, %get3A_218 : vector<16xf32>
      %add3A_237 = arith.addf %add3A_229, %mul3A_236 : vector<16xf32>
      %mul3A_238 = arith.mulf %get3A_223, %get3A_223 : vector<16xf32>
      %add3A_239 = arith.addf %add3A_231, %mul3A_238 : vector<16xf32>
      scf.yield %add3A_233, %add3A_235, %add3A_237, %add3A_239 : vector<16xf32>, vector<16xf32>, vector<16xf32>, vector<16xf32>
    }
    %scan3A_72 = arith.constant 256 : i32
    %add3A_73 = arith.constant 229376 : i32
    %add3A_74 = arith.addi %select_n3A, %add3A_73 : i32
    %dma_start3A_75 = tpu.memref_slice %arg2[%add3A_74] : memref<16777216xf32, #tpu.memory_space<hbm>> -> memref<32768xf32, #tpu.memory_space<hbm>>
    %dma_start3A_76 = tpu.memref_slice %arg2[%add3A_74] : memref<16777216xf32, #tpu.memory_space<hbm>> -> memref<32768xf32, #tpu.memory_space<hbm>>
    tpu.enqueue_dma source(%dma_start3A_76 : memref<32768xf32, #tpu.memory_space<hbm>>) target(%arg5 : memref<32768xf32, #tpu.memory_space<vmem>>) target_semaphore(%arg10 : memref<!tpu.dma_semaphore, #tpu.memory_space<semaphore_mem>>)
    %dma_wait3A_77 = tpu.memref_slice %arg2[%add3A_50] : memref<16777216xf32, #tpu.memory_space<hbm>> -> memref<32768xf32, #tpu.memory_space<hbm>>
    %dma_wait3A_78 = tpu.memref_slice %arg2[%add3A_50] : memref<16777216xf32, #tpu.memory_space<hbm>> -> memref<32768xf32, #tpu.memory_space<hbm>>
    tpu.wait_dma2 semaphore(%arg11 : memref<!tpu.dma_semaphore, #tpu.memory_space<semaphore_mem>>) src(%dma_wait3A_78 : memref<32768xf32, #tpu.memory_space<hbm>>) dst(%arg6 : memref<32768xf32, #tpu.memory_space<vmem>>)
    %scan3A_79 = arith.constant 0 : i32
    %scan3A_80 = arith.constant 256 : i32
    %scan3A_81 = arith.addi %scan3A_79, %scan3A_80 : i32
    %scan3A_82 = arith.constant 1 : i32
    %scan3A_83:4 = scf.for %scan3A_178 = %scan3A_79 to %scan3A_81 step %scan3A_82 iter_args(%scan3A_179 = %scan3A_71#0, %scan3A_180 = %scan3A_71#1, %scan3A_181 = %scan3A_71#2, %scan3A_182 = %scan3A_71#3) -> (vector<16xf32>, vector<16xf32>, vector<16xf32>, vector<16xf32>)  : i32 {
      %mul3A_183 = arith.constant 128 : i32
      %mul3A_184 = arith.muli %scan3A_178, %mul3A_183 : i32
      %add3A_185 = arith.constant 0 : i32
      %add3A_186 = arith.addi %mul3A_184, %add3A_185 : i32
      %get3A = arith.index_cast %add3A_186 : i32 to index
      %get3A_187 = tpu.vector_load %arg6[%get3A] {strides = array<i32>} : memref<32768xf32, #tpu.memory_space<vmem>>, vector<16xf32>,
      %get3A_188 = vector.shape_cast %get3A_187 : vector<16xf32> to vector<16xf32>
      %add3A_189 = arith.constant 16 : i32
      %add3A_190 = arith.addi %mul3A_184, %add3A_189 : i32
      %get3A_191 = arith.index_cast %add3A_190 : i32 to index
      %get3A_192 = tpu.vector_load %arg6[%get3A_191] {strides = array<i32>} : memref<32768xf32, #tpu.memory_space<vmem>>, vector<16xf32>,
      %get3A_193 = vector.shape_cast %get3A_192 : vector<16xf32> to vector<16xf32>
      %add3A_194 = arith.constant 32 : i32
      %add3A_195 = arith.addi %mul3A_184, %add3A_194 : i32
      %get3A_196 = arith.index_cast %add3A_195 : i32 to index
      %get3A_197 = tpu.vector_load %arg6[%get3A_196] {strides = array<i32>} : memref<32768xf32, #tpu.memory_space<vmem>>, vector<16xf32>,
      %get3A_198 = vector.shape_cast %get3A_197 : vector<16xf32> to vector<16xf32>
      %add3A_199 = arith.constant 48 : i32
      %add3A_200 = arith.addi %mul3A_184, %add3A_199 : i32
      %get3A_201 = arith.index_cast %add3A_200 : i32 to index
      %get3A_202 = tpu.vector_load %arg6[%get3A_201] {strides = array<i32>} : memref<32768xf32, #tpu.memory_space<vmem>>, vector<16xf32>,
      %get3A_203 = vector.shape_cast %get3A_202 : vector<16xf32> to vector<16xf32>
      %add3A_204 = arith.constant 64 : i32
      %add3A_205 = arith.addi %mul3A_184, %add3A_204 : i32
      %get3A_206 = arith.index_cast %add3A_205 : i32 to index
      %get3A_207 = tpu.vector_load %arg6[%get3A_206] {strides = array<i32>} : memref<32768xf32, #tpu.memory_space<vmem>>, vector<16xf32>,
      %get3A_208 = vector.shape_cast %get3A_207 : vector<16xf32> to vector<16xf32>
      %add3A_209 = arith.constant 80 : i32
      %add3A_210 = arith.addi %mul3A_184, %add3A_209 : i32
      %get3A_211 = arith.index_cast %add3A_210 : i32 to index
      %get3A_212 = tpu.vector_load %arg6[%get3A_211] {strides = array<i32>} : memref<32768xf32, #tpu.memory_space<vmem>>, vector<16xf32>,
      %get3A_213 = vector.shape_cast %get3A_212 : vector<16xf32> to vector<16xf32>
      %add3A_214 = arith.constant 96 : i32
      %add3A_215 = arith.addi %mul3A_184, %add3A_214 : i32
      %get3A_216 = arith.index_cast %add3A_215 : i32 to index
      %get3A_217 = tpu.vector_load %arg6[%get3A_216] {strides = array<i32>} : memref<32768xf32, #tpu.memory_space<vmem>>, vector<16xf32>,
      %get3A_218 = vector.shape_cast %get3A_217 : vector<16xf32> to vector<16xf32>
      %add3A_219 = arith.constant 112 : i32
      %add3A_220 = arith.addi %mul3A_184, %add3A_219 : i32
      %get3A_221 = arith.index_cast %add3A_220 : i32 to index
      %get3A_222 = tpu.vector_load %arg6[%get3A_221] {strides = array<i32>} : memref<32768xf32, #tpu.memory_space<vmem>>, vector<16xf32>,
      %get3A_223 = vector.shape_cast %get3A_222 : vector<16xf32> to vector<16xf32>
      %mul3A_224 = arith.mulf %get3A_188, %get3A_188 : vector<16xf32>
      %add3A_225 = arith.addf %scan3A_179, %mul3A_224 : vector<16xf32>
      %mul3A_226 = arith.mulf %get3A_193, %get3A_193 : vector<16xf32>
      %add3A_227 = arith.addf %scan3A_180, %mul3A_226 : vector<16xf32>
      %mul3A_228 = arith.mulf %get3A_198, %get3A_198 : vector<16xf32>
      %add3A_229 = arith.addf %scan3A_181, %mul3A_228 : vector<16xf32>
      %mul3A_230 = arith.mulf %get3A_203, %get3A_203 : vector<16xf32>
      %add3A_231 = arith.addf %scan3A_182, %mul3A_230 : vector<16xf32>
      %mul3A_232 = arith.mulf %get3A_208, %get3A_208 : vector<16xf32>
      %add3A_233 = arith.addf %add3A_225, %mul3A_232 : vector<16xf32>
      %mul3A_234 = arith.mulf %get3A_213, %get3A_213 : vector<16xf32>
      %add3A_235 = arith.addf %add3A_227, %mul3A_234 : vector<16xf32>
      %mul3A_236 = arith.mulf %get3A_218, %get3A_218 : vector<16xf32>
      %add3A_237 = arith.addf %add3A_229, %mul3A_236 : vector<16xf32>
      %mul3A_238 = arith.mulf %get3A_223, %get3A_223 : vector<16xf32>
      %add3A_239 = arith.addf %add3A_231, %mul3A_238 : vector<16xf32>
      scf.yield %add3A_233, %add3A_235, %add3A_237, %add3A_239 : vector<16xf32>, vector<16xf32>, vector<16xf32>, vector<16xf32>
    }
    %scan3A_84 = arith.constant 256 : i32
    %add3A_85 = arith.constant 262144 : i32
    %add3A_86 = arith.addi %select_n3A, %add3A_85 : i32
    %dma_start3A_87 = tpu.memref_slice %arg2[%add3A_86] : memref<16777216xf32, #tpu.memory_space<hbm>> -> memref<32768xf32, #tpu.memory_space<hbm>>
    %dma_start3A_88 = tpu.memref_slice %arg2[%add3A_86] : memref<16777216xf32, #tpu.memory_space<hbm>> -> memref<32768xf32, #tpu.memory_space<hbm>>
    tpu.enqueue_dma source(%dma_start3A_88 : memref<32768xf32, #tpu.memory_space<hbm>>) target(%arg6 : memref<32768xf32, #tpu.memory_space<vmem>>) target_semaphore(%arg11 : memref<!tpu.dma_semaphore, #tpu.memory_space<semaphore_mem>>)
    %dma_wait3A_89 = tpu.memref_slice %arg2[%add3A_62] : memref<16777216xf32, #tpu.memory_space<hbm>> -> memref<32768xf32, #tpu.memory_space<hbm>>
    %dma_wait3A_90 = tpu.memref_slice %arg2[%add3A_62] : memref<16777216xf32, #tpu.memory_space<hbm>> -> memref<32768xf32, #tpu.memory_space<hbm>>
    tpu.wait_dma2 semaphore(%arg9 : memref<!tpu.dma_semaphore, #tpu.memory_space<semaphore_mem>>) src(%dma_wait3A_90 : memref<32768xf32, #tpu.memory_space<hbm>>) dst(%arg4 : memref<32768xf32, #tpu.memory_space<vmem>>)
    %scan3A_91 = arith.constant 0 : i32
    %scan3A_92 = arith.constant 256 : i32
    %scan3A_93 = arith.addi %scan3A_91, %scan3A_92 : i32
    %scan3A_94 = arith.constant 1 : i32
    %scan3A_95:4 = scf.for %scan3A_178 = %scan3A_91 to %scan3A_93 step %scan3A_94 iter_args(%scan3A_179 = %scan3A_83#0, %scan3A_180 = %scan3A_83#1, %scan3A_181 = %scan3A_83#2, %scan3A_182 = %scan3A_83#3) -> (vector<16xf32>, vector<16xf32>, vector<16xf32>, vector<16xf32>)  : i32 {
      %mul3A_183 = arith.constant 128 : i32
      %mul3A_184 = arith.muli %scan3A_178, %mul3A_183 : i32
      %add3A_185 = arith.constant 0 : i32
      %add3A_186 = arith.addi %mul3A_184, %add3A_185 : i32
      %get3A = arith.index_cast %add3A_186 : i32 to index
      %get3A_187 = tpu.vector_load %arg4[%get3A] {strides = array<i32>} : memref<32768xf32, #tpu.memory_space<vmem>>, vector<16xf32>,
      %get3A_188 = vector.shape_cast %get3A_187 : vector<16xf32> to vector<16xf32>
      %add3A_189 = arith.constant 16 : i32
      %add3A_190 = arith.addi %mul3A_184, %add3A_189 : i32
      %get3A_191 = arith.index_cast %add3A_190 : i32 to index
      %get3A_192 = tpu.vector_load %arg4[%get3A_191] {strides = array<i32>} : memref<32768xf32, #tpu.memory_space<vmem>>, vector<16xf32>,
      %get3A_193 = vector.shape_cast %get3A_192 : vector<16xf32> to vector<16xf32>
      %add3A_194 = arith.constant 32 : i32
      %add3A_195 = arith.addi %mul3A_184, %add3A_194 : i32
      %get3A_196 = arith.index_cast %add3A_195 : i32 to index
      %get3A_197 = tpu.vector_load %arg4[%get3A_196] {strides = array<i32>} : memref<32768xf32, #tpu.memory_space<vmem>>, vector<16xf32>,
      %get3A_198 = vector.shape_cast %get3A_197 : vector<16xf32> to vector<16xf32>
      %add3A_199 = arith.constant 48 : i32
      %add3A_200 = arith.addi %mul3A_184, %add3A_199 : i32
      %get3A_201 = arith.index_cast %add3A_200 : i32 to index
      %get3A_202 = tpu.vector_load %arg4[%get3A_201] {strides = array<i32>} : memref<32768xf32, #tpu.memory_space<vmem>>, vector<16xf32>,
      %get3A_203 = vector.shape_cast %get3A_202 : vector<16xf32> to vector<16xf32>
      %add3A_204 = arith.constant 64 : i32
      %add3A_205 = arith.addi %mul3A_184, %add3A_204 : i32
      %get3A_206 = arith.index_cast %add3A_205 : i32 to index
      %get3A_207 = tpu.vector_load %arg4[%get3A_206] {strides = array<i32>} : memref<32768xf32, #tpu.memory_space<vmem>>, vector<16xf32>,
      %get3A_208 = vector.shape_cast %get3A_207 : vector<16xf32> to vector<16xf32>
      %add3A_209 = arith.constant 80 : i32
      %add3A_210 = arith.addi %mul3A_184, %add3A_209 : i32
      %get3A_211 = arith.index_cast %add3A_210 : i32 to index
      %get3A_212 = tpu.vector_load %arg4[%get3A_211] {strides = array<i32>} : memref<32768xf32, #tpu.memory_space<vmem>>, vector<16xf32>,
      %get3A_213 = vector.shape_cast %get3A_212 : vector<16xf32> to vector<16xf32>
      %add3A_214 = arith.constant 96 : i32
      %add3A_215 = arith.addi %mul3A_184, %add3A_214 : i32
      %get3A_216 = arith.index_cast %add3A_215 : i32 to index
      %get3A_217 = tpu.vector_load %arg4[%get3A_216] {strides = array<i32>} : memref<32768xf32, #tpu.memory_space<vmem>>, vector<16xf32>,
      %get3A_218 = vector.shape_cast %get3A_217 : vector<16xf32> to vector<16xf32>
      %add3A_219 = arith.constant 112 : i32
      %add3A_220 = arith.addi %mul3A_184, %add3A_219 : i32
      %get3A_221 = arith.index_cast %add3A_220 : i32 to index
      %get3A_222 = tpu.vector_load %arg4[%get3A_221] {strides = array<i32>} : memref<32768xf32, #tpu.memory_space<vmem>>, vector<16xf32>,
      %get3A_223 = vector.shape_cast %get3A_222 : vector<16xf32> to vector<16xf32>
      %mul3A_224 = arith.mulf %get3A_188, %get3A_188 : vector<16xf32>
      %add3A_225 = arith.addf %scan3A_179, %mul3A_224 : vector<16xf32>
      %mul3A_226 = arith.mulf %get3A_193, %get3A_193 : vector<16xf32>
      %add3A_227 = arith.addf %scan3A_180, %mul3A_226 : vector<16xf32>
      %mul3A_228 = arith.mulf %get3A_198, %get3A_198 : vector<16xf32>
      %add3A_229 = arith.addf %scan3A_181, %mul3A_228 : vector<16xf32>
      %mul3A_230 = arith.mulf %get3A_203, %get3A_203 : vector<16xf32>
      %add3A_231 = arith.addf %scan3A_182, %mul3A_230 : vector<16xf32>
      %mul3A_232 = arith.mulf %get3A_208, %get3A_208 : vector<16xf32>
      %add3A_233 = arith.addf %add3A_225, %mul3A_232 : vector<16xf32>
      %mul3A_234 = arith.mulf %get3A_213, %get3A_213 : vector<16xf32>
      %add3A_235 = arith.addf %add3A_227, %mul3A_234 : vector<16xf32>
      %mul3A_236 = arith.mulf %get3A_218, %get3A_218 : vector<16xf32>
      %add3A_237 = arith.addf %add3A_229, %mul3A_236 : vector<16xf32>
      %mul3A_238 = arith.mulf %get3A_223, %get3A_223 : vector<16xf32>
      %add3A_239 = arith.addf %add3A_231, %mul3A_238 : vector<16xf32>
      scf.yield %add3A_233, %add3A_235, %add3A_237, %add3A_239 : vector<16xf32>, vector<16xf32>, vector<16xf32>, vector<16xf32>
    }
    %scan3A_96 = arith.constant 256 : i32
    %add3A_97 = arith.constant 294912 : i32
    %add3A_98 = arith.addi %select_n3A, %add3A_97 : i32
    %dma_start3A_99 = tpu.memref_slice %arg2[%add3A_98] : memref<16777216xf32, #tpu.memory_space<hbm>> -> memref<32768xf32, #tpu.memory_space<hbm>>
    %dma_start3A_100 = tpu.memref_slice %arg2[%add3A_98] : memref<16777216xf32, #tpu.memory_space<hbm>> -> memref<32768xf32, #tpu.memory_space<hbm>>
    tpu.enqueue_dma source(%dma_start3A_100 : memref<32768xf32, #tpu.memory_space<hbm>>) target(%arg4 : memref<32768xf32, #tpu.memory_space<vmem>>) target_semaphore(%arg9 : memref<!tpu.dma_semaphore, #tpu.memory_space<semaphore_mem>>)
    %dma_wait3A_101 = tpu.memref_slice %arg2[%add3A_74] : memref<16777216xf32, #tpu.memory_space<hbm>> -> memref<32768xf32, #tpu.memory_space<hbm>>
    %dma_wait3A_102 = tpu.memref_slice %arg2[%add3A_74] : memref<16777216xf32, #tpu.memory_space<hbm>> -> memref<32768xf32, #tpu.memory_space<hbm>>
    tpu.wait_dma2 semaphore(%arg10 : memref<!tpu.dma_semaphore, #tpu.memory_space<semaphore_mem>>) src(%dma_wait3A_102 : memref<32768xf32, #tpu.memory_space<hbm>>) dst(%arg5 : memref<32768xf32, #tpu.memory_space<vmem>>)
    %scan3A_103 = arith.constant 0 : i32
    %scan3A_104 = arith.constant 256 : i32
    %scan3A_105 = arith.addi %scan3A_103, %scan3A_104 : i32
    %scan3A_106 = arith.constant 1 : i32
    %scan3A_107:4 = scf.for %scan3A_178 = %scan3A_103 to %scan3A_105 step %scan3A_106 iter_args(%scan3A_179 = %scan3A_95#0, %scan3A_180 = %scan3A_95#1, %scan3A_181 = %scan3A_95#2, %scan3A_182 = %scan3A_95#3) -> (vector<16xf32>, vector<16xf32>, vector<16xf32>, vector<16xf32>)  : i32 {
      %mul3A_183 = arith.constant 128 : i32
      %mul3A_184 = arith.muli %scan3A_178, %mul3A_183 : i32
      %add3A_185 = arith.constant 0 : i32
      %add3A_186 = arith.addi %mul3A_184, %add3A_185 : i32
      %get3A = arith.index_cast %add3A_186 : i32 to index
      %get3A_187 = tpu.vector_load %arg5[%get3A] {strides = array<i32>} : memref<32768xf32, #tpu.memory_space<vmem>>, vector<16xf32>,
      %get3A_188 = vector.shape_cast %get3A_187 : vector<16xf32> to vector<16xf32>
      %add3A_189 = arith.constant 16 : i32
      %add3A_190 = arith.addi %mul3A_184, %add3A_189 : i32
      %get3A_191 = arith.index_cast %add3A_190 : i32 to index
      %get3A_192 = tpu.vector_load %arg5[%get3A_191] {strides = array<i32>} : memref<32768xf32, #tpu.memory_space<vmem>>, vector<16xf32>,
      %get3A_193 = vector.shape_cast %get3A_192 : vector<16xf32> to vector<16xf32>
      %add3A_194 = arith.constant 32 : i32
      %add3A_195 = arith.addi %mul3A_184, %add3A_194 : i32
      %get3A_196 = arith.index_cast %add3A_195 : i32 to index
      %get3A_197 = tpu.vector_load %arg5[%get3A_196] {strides = array<i32>} : memref<32768xf32, #tpu.memory_space<vmem>>, vector<16xf32>,
      %get3A_198 = vector.shape_cast %get3A_197 : vector<16xf32> to vector<16xf32>
      %add3A_199 = arith.constant 48 : i32
      %add3A_200 = arith.addi %mul3A_184, %add3A_199 : i32
      %get3A_201 = arith.index_cast %add3A_200 : i32 to index
      %get3A_202 = tpu.vector_load %arg5[%get3A_201] {strides = array<i32>} : memref<32768xf32, #tpu.memory_space<vmem>>, vector<16xf32>,
      %get3A_203 = vector.shape_cast %get3A_202 : vector<16xf32> to vector<16xf32>
      %add3A_204 = arith.constant 64 : i32
      %add3A_205 = arith.addi %mul3A_184, %add3A_204 : i32
      %get3A_206 = arith.index_cast %add3A_205 : i32 to index
      %get3A_207 = tpu.vector_load %arg5[%get3A_206] {strides = array<i32>} : memref<32768xf32, #tpu.memory_space<vmem>>, vector<16xf32>,
      %get3A_208 = vector.shape_cast %get3A_207 : vector<16xf32> to vector<16xf32>
      %add3A_209 = arith.constant 80 : i32
      %add3A_210 = arith.addi %mul3A_184, %add3A_209 : i32
      %get3A_211 = arith.index_cast %add3A_210 : i32 to index
      %get3A_212 = tpu.vector_load %arg5[%get3A_211] {strides = array<i32>} : memref<32768xf32, #tpu.memory_space<vmem>>, vector<16xf32>,
      %get3A_213 = vector.shape_cast %get3A_212 : vector<16xf32> to vector<16xf32>
      %add3A_214 = arith.constant 96 : i32
      %add3A_215 = arith.addi %mul3A_184, %add3A_214 : i32
      %get3A_216 = arith.index_cast %add3A_215 : i32 to index
      %get3A_217 = tpu.vector_load %arg5[%get3A_216] {strides = array<i32>} : memref<32768xf32, #tpu.memory_space<vmem>>, vector<16xf32>,
      %get3A_218 = vector.shape_cast %get3A_217 : vector<16xf32> to vector<16xf32>
      %add3A_219 = arith.constant 112 : i32
      %add3A_220 = arith.addi %mul3A_184, %add3A_219 : i32
      %get3A_221 = arith.index_cast %add3A_220 : i32 to index
      %get3A_222 = tpu.vector_load %arg5[%get3A_221] {strides = array<i32>} : memref<32768xf32, #tpu.memory_space<vmem>>, vector<16xf32>,
      %get3A_223 = vector.shape_cast %get3A_222 : vector<16xf32> to vector<16xf32>
      %mul3A_224 = arith.mulf %get3A_188, %get3A_188 : vector<16xf32>
      %add3A_225 = arith.addf %scan3A_179, %mul3A_224 : vector<16xf32>
      %mul3A_226 = arith.mulf %get3A_193, %get3A_193 : vector<16xf32>
      %add3A_227 = arith.addf %scan3A_180, %mul3A_226 : vector<16xf32>
      %mul3A_228 = arith.mulf %get3A_198, %get3A_198 : vector<16xf32>
      %add3A_229 = arith.addf %scan3A_181, %mul3A_228 : vector<16xf32>
      %mul3A_230 = arith.mulf %get3A_203, %get3A_203 : vector<16xf32>
      %add3A_231 = arith.addf %scan3A_182, %mul3A_230 : vector<16xf32>
      %mul3A_232 = arith.mulf %get3A_208, %get3A_208 : vector<16xf32>
      %add3A_233 = arith.addf %add3A_225, %mul3A_232 : vector<16xf32>
      %mul3A_234 = arith.mulf %get3A_213, %get3A_213 : vector<16xf32>
      %add3A_235 = arith.addf %add3A_227, %mul3A_234 : vector<16xf32>
      %mul3A_236 = arith.mulf %get3A_218, %get3A_218 : vector<16xf32>
      %add3A_237 = arith.addf %add3A_229, %mul3A_236 : vector<16xf32>
      %mul3A_238 = arith.mulf %get3A_223, %get3A_223 : vector<16xf32>
      %add3A_239 = arith.addf %add3A_231, %mul3A_238 : vector<16xf32>
      scf.yield %add3A_233, %add3A_235, %add3A_237, %add3A_239 : vector<16xf32>, vector<16xf32>, vector<16xf32>, vector<16xf32>
    }
    %scan3A_108 = arith.constant 256 : i32
    %add3A_109 = arith.constant 327680 : i32
    %add3A_110 = arith.addi %select_n3A, %add3A_109 : i32
    %dma_start3A_111 = tpu.memref_slice %arg2[%add3A_110] : memref<16777216xf32, #tpu.memory_space<hbm>> -> memref<32768xf32, #tpu.memory_space<hbm>>
    %dma_start3A_112 = tpu.memref_slice %arg2[%add3A_110] : memref<16777216xf32, #tpu.memory_space<hbm>> -> memref<32768xf32, #tpu.memory_space<hbm>>
    tpu.enqueue_dma source(%dma_start3A_112 : memref<32768xf32, #tpu.memory_space<hbm>>) target(%arg5 : memref<32768xf32, #tpu.memory_space<vmem>>) target_semaphore(%arg10 : memref<!tpu.dma_semaphore, #tpu.memory_space<semaphore_mem>>)
    %dma_wait3A_113 = tpu.memref_slice %arg2[%add3A_86] : memref<16777216xf32, #tpu.memory_space<hbm>> -> memref<32768xf32, #tpu.memory_space<hbm>>
    %dma_wait3A_114 = tpu.memref_slice %arg2[%add3A_86] : memref<16777216xf32, #tpu.memory_space<hbm>> -> memref<32768xf32, #tpu.memory_space<hbm>>
    tpu.wait_dma2 semaphore(%arg11 : memref<!tpu.dma_semaphore, #tpu.memory_space<semaphore_mem>>) src(%dma_wait3A_114 : memref<32768xf32, #tpu.memory_space<hbm>>) dst(%arg6 : memref<32768xf32, #tpu.memory_space<vmem>>)
    %scan3A_115 = arith.constant 0 : i32
    %scan3A_116 = arith.constant 256 : i32
    %scan3A_117 = arith.addi %scan3A_115, %scan3A_116 : i32
    %scan3A_118 = arith.constant 1 : i32
    %scan3A_119:4 = scf.for %scan3A_178 = %scan3A_115 to %scan3A_117 step %scan3A_118 iter_args(%scan3A_179 = %scan3A_107#0, %scan3A_180 = %scan3A_107#1, %scan3A_181 = %scan3A_107#2, %scan3A_182 = %scan3A_107#3) -> (vector<16xf32>, vector<16xf32>, vector<16xf32>, vector<16xf32>)  : i32 {
      %mul3A_183 = arith.constant 128 : i32
      %mul3A_184 = arith.muli %scan3A_178, %mul3A_183 : i32
      %add3A_185 = arith.constant 0 : i32
      %add3A_186 = arith.addi %mul3A_184, %add3A_185 : i32
      %get3A = arith.index_cast %add3A_186 : i32 to index
      %get3A_187 = tpu.vector_load %arg6[%get3A] {strides = array<i32>} : memref<32768xf32, #tpu.memory_space<vmem>>, vector<16xf32>,
      %get3A_188 = vector.shape_cast %get3A_187 : vector<16xf32> to vector<16xf32>
      %add3A_189 = arith.constant 16 : i32
      %add3A_190 = arith.addi %mul3A_184, %add3A_189 : i32
      %get3A_191 = arith.index_cast %add3A_190 : i32 to index
      %get3A_192 = tpu.vector_load %arg6[%get3A_191] {strides = array<i32>} : memref<32768xf32, #tpu.memory_space<vmem>>, vector<16xf32>,
      %get3A_193 = vector.shape_cast %get3A_192 : vector<16xf32> to vector<16xf32>
      %add3A_194 = arith.constant 32 : i32
      %add3A_195 = arith.addi %mul3A_184, %add3A_194 : i32
      %get3A_196 = arith.index_cast %add3A_195 : i32 to index
      %get3A_197 = tpu.vector_load %arg6[%get3A_196] {strides = array<i32>} : memref<32768xf32, #tpu.memory_space<vmem>>, vector<16xf32>,
      %get3A_198 = vector.shape_cast %get3A_197 : vector<16xf32> to vector<16xf32>
      %add3A_199 = arith.constant 48 : i32
      %add3A_200 = arith.addi %mul3A_184, %add3A_199 : i32
      %get3A_201 = arith.index_cast %add3A_200 : i32 to index
      %get3A_202 = tpu.vector_load %arg6[%get3A_201] {strides = array<i32>} : memref<32768xf32, #tpu.memory_space<vmem>>, vector<16xf32>,
      %get3A_203 = vector.shape_cast %get3A_202 : vector<16xf32> to vector<16xf32>
      %add3A_204 = arith.constant 64 : i32
      %add3A_205 = arith.addi %mul3A_184, %add3A_204 : i32
      %get3A_206 = arith.index_cast %add3A_205 : i32 to index
      %get3A_207 = tpu.vector_load %arg6[%get3A_206] {strides = array<i32>} : memref<32768xf32, #tpu.memory_space<vmem>>, vector<16xf32>,
      %get3A_208 = vector.shape_cast %get3A_207 : vector<16xf32> to vector<16xf32>
      %add3A_209 = arith.constant 80 : i32
      %add3A_210 = arith.addi %mul3A_184, %add3A_209 : i32
      %get3A_211 = arith.index_cast %add3A_210 : i32 to index
      %get3A_212 = tpu.vector_load %arg6[%get3A_211] {strides = array<i32>} : memref<32768xf32, #tpu.memory_space<vmem>>, vector<16xf32>,
      %get3A_213 = vector.shape_cast %get3A_212 : vector<16xf32> to vector<16xf32>
      %add3A_214 = arith.constant 96 : i32
      %add3A_215 = arith.addi %mul3A_184, %add3A_214 : i32
      %get3A_216 = arith.index_cast %add3A_215 : i32 to index
      %get3A_217 = tpu.vector_load %arg6[%get3A_216] {strides = array<i32>} : memref<32768xf32, #tpu.memory_space<vmem>>, vector<16xf32>,
      %get3A_218 = vector.shape_cast %get3A_217 : vector<16xf32> to vector<16xf32>
      %add3A_219 = arith.constant 112 : i32
      %add3A_220 = arith.addi %mul3A_184, %add3A_219 : i32
      %get3A_221 = arith.index_cast %add3A_220 : i32 to index
      %get3A_222 = tpu.vector_load %arg6[%get3A_221] {strides = array<i32>} : memref<32768xf32, #tpu.memory_space<vmem>>, vector<16xf32>,
      %get3A_223 = vector.shape_cast %get3A_222 : vector<16xf32> to vector<16xf32>
      %mul3A_224 = arith.mulf %get3A_188, %get3A_188 : vector<16xf32>
      %add3A_225 = arith.addf %scan3A_179, %mul3A_224 : vector<16xf32>
      %mul3A_226 = arith.mulf %get3A_193, %get3A_193 : vector<16xf32>
      %add3A_227 = arith.addf %scan3A_180, %mul3A_226 : vector<16xf32>
      %mul3A_228 = arith.mulf %get3A_198, %get3A_198 : vector<16xf32>
      %add3A_229 = arith.addf %scan3A_181, %mul3A_228 : vector<16xf32>
      %mul3A_230 = arith.mulf %get3A_203, %get3A_203 : vector<16xf32>
      %add3A_231 = arith.addf %scan3A_182, %mul3A_230 : vector<16xf32>
      %mul3A_232 = arith.mulf %get3A_208, %get3A_208 : vector<16xf32>
      %add3A_233 = arith.addf %add3A_225, %mul3A_232 : vector<16xf32>
      %mul3A_234 = arith.mulf %get3A_213, %get3A_213 : vector<16xf32>
      %add3A_235 = arith.addf %add3A_227, %mul3A_234 : vector<16xf32>
      %mul3A_236 = arith.mulf %get3A_218, %get3A_218 : vector<16xf32>
      %add3A_237 = arith.addf %add3A_229, %mul3A_236 : vector<16xf32>
      %mul3A_238 = arith.mulf %get3A_223, %get3A_223 : vector<16xf32>
      %add3A_239 = arith.addf %add3A_231, %mul3A_238 : vector<16xf32>
      scf.yield %add3A_233, %add3A_235, %add3A_237, %add3A_239 : vector<16xf32>, vector<16xf32>, vector<16xf32>, vector<16xf32>
    }
    %scan3A_120 = arith.constant 256 : i32
    %add3A_121 = arith.constant 360448 : i32
    %add3A_122 = arith.addi %select_n3A, %add3A_121 : i32
    %dma_start3A_123 = tpu.memref_slice %arg2[%add3A_122] : memref<16777216xf32, #tpu.memory_space<hbm>> -> memref<32768xf32, #tpu.memory_space<hbm>>
    %dma_start3A_124 = tpu.memref_slice %arg2[%add3A_122] : memref<16777216xf32, #tpu.memory_space<hbm>> -> memref<32768xf32, #tpu.memory_space<hbm>>
    tpu.enqueue_dma source(%dma_start3A_124 : memref<32768xf32, #tpu.memory_space<hbm>>) target(%arg6 : memref<32768xf32, #tpu.memory_space<vmem>>) target_semaphore(%arg11 : memref<!tpu.dma_semaphore, #tpu.memory_space<semaphore_mem>>)
    %dma_wait3A_125 = tpu.memref_slice %arg2[%add3A_98] : memref<16777216xf32, #tpu.memory_space<hbm>> -> memref<32768xf32, #tpu.memory_space<hbm>>
    %dma_wait3A_126 = tpu.memref_slice %arg2[%add3A_98] : memref<16777216xf32, #tpu.memory_space<hbm>> -> memref<32768xf32, #tpu.memory_space<hbm>>
    tpu.wait_dma2 semaphore(%arg9 : memref<!tpu.dma_semaphore, #tpu.memory_space<semaphore_mem>>) src(%dma_wait3A_126 : memref<32768xf32, #tpu.memory_space<hbm>>) dst(%arg4 : memref<32768xf32, #tpu.memory_space<vmem>>)
    %scan3A_127 = arith.constant 0 : i32
    %scan3A_128 = arith.constant 256 : i32
    %scan3A_129 = arith.addi %scan3A_127, %scan3A_128 : i32
    %scan3A_130 = arith.constant 1 : i32
    %scan3A_131:4 = scf.for %scan3A_178 = %scan3A_127 to %scan3A_129 step %scan3A_130 iter_args(%scan3A_179 = %scan3A_119#0, %scan3A_180 = %scan3A_119#1, %scan3A_181 = %scan3A_119#2, %scan3A_182 = %scan3A_119#3) -> (vector<16xf32>, vector<16xf32>, vector<16xf32>, vector<16xf32>)  : i32 {
      %mul3A_183 = arith.constant 128 : i32
      %mul3A_184 = arith.muli %scan3A_178, %mul3A_183 : i32
      %add3A_185 = arith.constant 0 : i32
      %add3A_186 = arith.addi %mul3A_184, %add3A_185 : i32
      %get3A = arith.index_cast %add3A_186 : i32 to index
      %get3A_187 = tpu.vector_load %arg4[%get3A] {strides = array<i32>} : memref<32768xf32, #tpu.memory_space<vmem>>, vector<16xf32>,
      %get3A_188 = vector.shape_cast %get3A_187 : vector<16xf32> to vector<16xf32>
      %add3A_189 = arith.constant 16 : i32
      %add3A_190 = arith.addi %mul3A_184, %add3A_189 : i32
      %get3A_191 = arith.index_cast %add3A_190 : i32 to index
      %get3A_192 = tpu.vector_load %arg4[%get3A_191] {strides = array<i32>} : memref<32768xf32, #tpu.memory_space<vmem>>, vector<16xf32>,
      %get3A_193 = vector.shape_cast %get3A_192 : vector<16xf32> to vector<16xf32>
      %add3A_194 = arith.constant 32 : i32
      %add3A_195 = arith.addi %mul3A_184, %add3A_194 : i32
      %get3A_196 = arith.index_cast %add3A_195 : i32 to index
      %get3A_197 = tpu.vector_load %arg4[%get3A_196] {strides = array<i32>} : memref<32768xf32, #tpu.memory_space<vmem>>, vector<16xf32>,
      %get3A_198 = vector.shape_cast %get3A_197 : vector<16xf32> to vector<16xf32>
      %add3A_199 = arith.constant 48 : i32
      %add3A_200 = arith.addi %mul3A_184, %add3A_199 : i32
      %get3A_201 = arith.index_cast %add3A_200 : i32 to index
      %get3A_202 = tpu.vector_load %arg4[%get3A_201] {strides = array<i32>} : memref<32768xf32, #tpu.memory_space<vmem>>, vector<16xf32>,
      %get3A_203 = vector.shape_cast %get3A_202 : vector<16xf32> to vector<16xf32>
      %add3A_204 = arith.constant 64 : i32
      %add3A_205 = arith.addi %mul3A_184, %add3A_204 : i32
      %get3A_206 = arith.index_cast %add3A_205 : i32 to index
      %get3A_207 = tpu.vector_load %arg4[%get3A_206] {strides = array<i32>} : memref<32768xf32, #tpu.memory_space<vmem>>, vector<16xf32>,
      %get3A_208 = vector.shape_cast %get3A_207 : vector<16xf32> to vector<16xf32>
      %add3A_209 = arith.constant 80 : i32
      %add3A_210 = arith.addi %mul3A_184, %add3A_209 : i32
      %get3A_211 = arith.index_cast %add3A_210 : i32 to index
      %get3A_212 = tpu.vector_load %arg4[%get3A_211] {strides = array<i32>} : memref<32768xf32, #tpu.memory_space<vmem>>, vector<16xf32>,
      %get3A_213 = vector.shape_cast %get3A_212 : vector<16xf32> to vector<16xf32>
      %add3A_214 = arith.constant 96 : i32
      %add3A_215 = arith.addi %mul3A_184, %add3A_214 : i32
      %get3A_216 = arith.index_cast %add3A_215 : i32 to index
      %get3A_217 = tpu.vector_load %arg4[%get3A_216] {strides = array<i32>} : memref<32768xf32, #tpu.memory_space<vmem>>, vector<16xf32>,
      %get3A_218 = vector.shape_cast %get3A_217 : vector<16xf32> to vector<16xf32>
      %add3A_219 = arith.constant 112 : i32
      %add3A_220 = arith.addi %mul3A_184, %add3A_219 : i32
      %get3A_221 = arith.index_cast %add3A_220 : i32 to index
      %get3A_222 = tpu.vector_load %arg4[%get3A_221] {strides = array<i32>} : memref<32768xf32, #tpu.memory_space<vmem>>, vector<16xf32>,
      %get3A_223 = vector.shape_cast %get3A_222 : vector<16xf32> to vector<16xf32>
      %mul3A_224 = arith.mulf %get3A_188, %get3A_188 : vector<16xf32>
      %add3A_225 = arith.addf %scan3A_179, %mul3A_224 : vector<16xf32>
      %mul3A_226 = arith.mulf %get3A_193, %get3A_193 : vector<16xf32>
      %add3A_227 = arith.addf %scan3A_180, %mul3A_226 : vector<16xf32>
      %mul3A_228 = arith.mulf %get3A_198, %get3A_198 : vector<16xf32>
      %add3A_229 = arith.addf %scan3A_181, %mul3A_228 : vector<16xf32>
      %mul3A_230 = arith.mulf %get3A_203, %get3A_203 : vector<16xf32>
      %add3A_231 = arith.addf %scan3A_182, %mul3A_230 : vector<16xf32>
      %mul3A_232 = arith.mulf %get3A_208, %get3A_208 : vector<16xf32>
      %add3A_233 = arith.addf %add3A_225, %mul3A_232 : vector<16xf32>
      %mul3A_234 = arith.mulf %get3A_213, %get3A_213 : vector<16xf32>
      %add3A_235 = arith.addf %add3A_227, %mul3A_234 : vector<16xf32>
      %mul3A_236 = arith.mulf %get3A_218, %get3A_218 : vector<16xf32>
      %add3A_237 = arith.addf %add3A_229, %mul3A_236 : vector<16xf32>
      %mul3A_238 = arith.mulf %get3A_223, %get3A_223 : vector<16xf32>
      %add3A_239 = arith.addf %add3A_231, %mul3A_238 : vector<16xf32>
      scf.yield %add3A_233, %add3A_235, %add3A_237, %add3A_239 : vector<16xf32>, vector<16xf32>, vector<16xf32>, vector<16xf32>
    }
    %scan3A_132 = arith.constant 256 : i32
    %add3A_133 = arith.constant 393216 : i32
    %add3A_134 = arith.addi %select_n3A, %add3A_133 : i32
    %dma_start3A_135 = tpu.memref_slice %arg2[%add3A_134] : memref<16777216xf32, #tpu.memory_space<hbm>> -> memref<32768xf32, #tpu.memory_space<hbm>>
    %dma_start3A_136 = tpu.memref_slice %arg2[%add3A_134] : memref<16777216xf32, #tpu.memory_space<hbm>> -> memref<32768xf32, #tpu.memory_space<hbm>>
    tpu.enqueue_dma source(%dma_start3A_136 : memref<32768xf32, #tpu.memory_space<hbm>>) target(%arg4 : memref<32768xf32, #tpu.memory_space<vmem>>) target_semaphore(%arg9 : memref<!tpu.dma_semaphore, #tpu.memory_space<semaphore_mem>>)
    %dma_wait3A_137 = tpu.memref_slice %arg2[%add3A_110] : memref<16777216xf32, #tpu.memory_space<hbm>> -> memref<32768xf32, #tpu.memory_space<hbm>>
    %dma_wait3A_138 = tpu.memref_slice %arg2[%add3A_110] : memref<16777216xf32, #tpu.memory_space<hbm>> -> memref<32768xf32, #tpu.memory_space<hbm>>
    tpu.wait_dma2 semaphore(%arg10 : memref<!tpu.dma_semaphore, #tpu.memory_space<semaphore_mem>>) src(%dma_wait3A_138 : memref<32768xf32, #tpu.memory_space<hbm>>) dst(%arg5 : memref<32768xf32, #tpu.memory_space<vmem>>)
    %scan3A_139 = arith.constant 0 : i32
    %scan3A_140 = arith.constant 256 : i32
    %scan3A_141 = arith.addi %scan3A_139, %scan3A_140 : i32
    %scan3A_142 = arith.constant 1 : i32
    %scan3A_143:4 = scf.for %scan3A_178 = %scan3A_139 to %scan3A_141 step %scan3A_142 iter_args(%scan3A_179 = %scan3A_131#0, %scan3A_180 = %scan3A_131#1, %scan3A_181 = %scan3A_131#2, %scan3A_182 = %scan3A_131#3) -> (vector<16xf32>, vector<16xf32>, vector<16xf32>, vector<16xf32>)  : i32 {
      %mul3A_183 = arith.constant 128 : i32
      %mul3A_184 = arith.muli %scan3A_178, %mul3A_183 : i32
      %add3A_185 = arith.constant 0 : i32
      %add3A_186 = arith.addi %mul3A_184, %add3A_185 : i32
      %get3A = arith.index_cast %add3A_186 : i32 to index
      %get3A_187 = tpu.vector_load %arg5[%get3A] {strides = array<i32>} : memref<32768xf32, #tpu.memory_space<vmem>>, vector<16xf32>,
      %get3A_188 = vector.shape_cast %get3A_187 : vector<16xf32> to vector<16xf32>
      %add3A_189 = arith.constant 16 : i32
      %add3A_190 = arith.addi %mul3A_184, %add3A_189 : i32
      %get3A_191 = arith.index_cast %add3A_190 : i32 to index
      %get3A_192 = tpu.vector_load %arg5[%get3A_191] {strides = array<i32>} : memref<32768xf32, #tpu.memory_space<vmem>>, vector<16xf32>,
      %get3A_193 = vector.shape_cast %get3A_192 : vector<16xf32> to vector<16xf32>
      %add3A_194 = arith.constant 32 : i32
      %add3A_195 = arith.addi %mul3A_184, %add3A_194 : i32
      %get3A_196 = arith.index_cast %add3A_195 : i32 to index
      %get3A_197 = tpu.vector_load %arg5[%get3A_196] {strides = array<i32>} : memref<32768xf32, #tpu.memory_space<vmem>>, vector<16xf32>,
      %get3A_198 = vector.shape_cast %get3A_197 : vector<16xf32> to vector<16xf32>
      %add3A_199 = arith.constant 48 : i32
      %add3A_200 = arith.addi %mul3A_184, %add3A_199 : i32
      %get3A_201 = arith.index_cast %add3A_200 : i32 to index
      %get3A_202 = tpu.vector_load %arg5[%get3A_201] {strides = array<i32>} : memref<32768xf32, #tpu.memory_space<vmem>>, vector<16xf32>,
      %get3A_203 = vector.shape_cast %get3A_202 : vector<16xf32> to vector<16xf32>
      %add3A_204 = arith.constant 64 : i32
      %add3A_205 = arith.addi %mul3A_184, %add3A_204 : i32
      %get3A_206 = arith.index_cast %add3A_205 : i32 to index
      %get3A_207 = tpu.vector_load %arg5[%get3A_206] {strides = array<i32>} : memref<32768xf32, #tpu.memory_space<vmem>>, vector<16xf32>,
      %get3A_208 = vector.shape_cast %get3A_207 : vector<16xf32> to vector<16xf32>
      %add3A_209 = arith.constant 80 : i32
      %add3A_210 = arith.addi %mul3A_184, %add3A_209 : i32
      %get3A_211 = arith.index_cast %add3A_210 : i32 to index
      %get3A_212 = tpu.vector_load %arg5[%get3A_211] {strides = array<i32>} : memref<32768xf32, #tpu.memory_space<vmem>>, vector<16xf32>,
      %get3A_213 = vector.shape_cast %get3A_212 : vector<16xf32> to vector<16xf32>
      %add3A_214 = arith.constant 96 : i32
      %add3A_215 = arith.addi %mul3A_184, %add3A_214 : i32
      %get3A_216 = arith.index_cast %add3A_215 : i32 to index
      %get3A_217 = tpu.vector_load %arg5[%get3A_216] {strides = array<i32>} : memref<32768xf32, #tpu.memory_space<vmem>>, vector<16xf32>,
      %get3A_218 = vector.shape_cast %get3A_217 : vector<16xf32> to vector<16xf32>
      %add3A_219 = arith.constant 112 : i32
      %add3A_220 = arith.addi %mul3A_184, %add3A_219 : i32
      %get3A_221 = arith.index_cast %add3A_220 : i32 to index
      %get3A_222 = tpu.vector_load %arg5[%get3A_221] {strides = array<i32>} : memref<32768xf32, #tpu.memory_space<vmem>>, vector<16xf32>,
      %get3A_223 = vector.shape_cast %get3A_222 : vector<16xf32> to vector<16xf32>
      %mul3A_224 = arith.mulf %get3A_188, %get3A_188 : vector<16xf32>
      %add3A_225 = arith.addf %scan3A_179, %mul3A_224 : vector<16xf32>
      %mul3A_226 = arith.mulf %get3A_193, %get3A_193 : vector<16xf32>
      %add3A_227 = arith.addf %scan3A_180, %mul3A_226 : vector<16xf32>
      %mul3A_228 = arith.mulf %get3A_198, %get3A_198 : vector<16xf32>
      %add3A_229 = arith.addf %scan3A_181, %mul3A_228 : vector<16xf32>
      %mul3A_230 = arith.mulf %get3A_203, %get3A_203 : vector<16xf32>
      %add3A_231 = arith.addf %scan3A_182, %mul3A_230 : vector<16xf32>
      %mul3A_232 = arith.mulf %get3A_208, %get3A_208 : vector<16xf32>
      %add3A_233 = arith.addf %add3A_225, %mul3A_232 : vector<16xf32>
      %mul3A_234 = arith.mulf %get3A_213, %get3A_213 : vector<16xf32>
      %add3A_235 = arith.addf %add3A_227, %mul3A_234 : vector<16xf32>
      %mul3A_236 = arith.mulf %get3A_218, %get3A_218 : vector<16xf32>
      %add3A_237 = arith.addf %add3A_229, %mul3A_236 : vector<16xf32>
      %mul3A_238 = arith.mulf %get3A_223, %get3A_223 : vector<16xf32>
      %add3A_239 = arith.addf %add3A_231, %mul3A_238 : vector<16xf32>
      scf.yield %add3A_233, %add3A_235, %add3A_237, %add3A_239 : vector<16xf32>, vector<16xf32>, vector<16xf32>, vector<16xf32>
    }
    %scan3A_144 = arith.constant 256 : i32
    %dma_wait3A_145 = tpu.memref_slice %arg2[%add3A_122] : memref<16777216xf32, #tpu.memory_space<hbm>> -> memref<32768xf32, #tpu.memory_space<hbm>>
    %dma_wait3A_146 = tpu.memref_slice %arg2[%add3A_122] : memref<16777216xf32, #tpu.memory_space<hbm>> -> memref<32768xf32, #tpu.memory_space<hbm>>
    tpu.wait_dma2 semaphore(%arg11 : memref<!tpu.dma_semaphore, #tpu.memory_space<semaphore_mem>>) src(%dma_wait3A_146 : memref<32768xf32, #tpu.memory_space<hbm>>) dst(%arg6 : memref<32768xf32, #tpu.memory_space<vmem>>)
    %scan3A_147 = arith.constant 0 : i32
    %scan3A_148 = arith.constant 256 : i32
    %scan3A_149 = arith.addi %scan3A_147, %scan3A_148 : i32
    %scan3A_150 = arith.constant 1 : i32
    %scan3A_151:4 = scf.for %scan3A_178 = %scan3A_147 to %scan3A_149 step %scan3A_150 iter_args(%scan3A_179 = %scan3A_143#0, %scan3A_180 = %scan3A_143#1, %scan3A_181 = %scan3A_143#2, %scan3A_182 = %scan3A_143#3) -> (vector<16xf32>, vector<16xf32>, vector<16xf32>, vector<16xf32>)  : i32 {
      %mul3A_183 = arith.constant 128 : i32
      %mul3A_184 = arith.muli %scan3A_178, %mul3A_183 : i32
      %add3A_185 = arith.constant 0 : i32
      %add3A_186 = arith.addi %mul3A_184, %add3A_185 : i32
      %get3A = arith.index_cast %add3A_186 : i32 to index
      %get3A_187 = tpu.vector_load %arg6[%get3A] {strides = array<i32>} : memref<32768xf32, #tpu.memory_space<vmem>>, vector<16xf32>,
      %get3A_188 = vector.shape_cast %get3A_187 : vector<16xf32> to vector<16xf32>
      %add3A_189 = arith.constant 16 : i32
      %add3A_190 = arith.addi %mul3A_184, %add3A_189 : i32
      %get3A_191 = arith.index_cast %add3A_190 : i32 to index
      %get3A_192 = tpu.vector_load %arg6[%get3A_191] {strides = array<i32>} : memref<32768xf32, #tpu.memory_space<vmem>>, vector<16xf32>,
      %get3A_193 = vector.shape_cast %get3A_192 : vector<16xf32> to vector<16xf32>
      %add3A_194 = arith.constant 32 : i32
      %add3A_195 = arith.addi %mul3A_184, %add3A_194 : i32
      %get3A_196 = arith.index_cast %add3A_195 : i32 to index
      %get3A_197 = tpu.vector_load %arg6[%get3A_196] {strides = array<i32>} : memref<32768xf32, #tpu.memory_space<vmem>>, vector<16xf32>,
      %get3A_198 = vector.shape_cast %get3A_197 : vector<16xf32> to vector<16xf32>
      %add3A_199 = arith.constant 48 : i32
      %add3A_200 = arith.addi %mul3A_184, %add3A_199 : i32
      %get3A_201 = arith.index_cast %add3A_200 : i32 to index
      %get3A_202 = tpu.vector_load %arg6[%get3A_201] {strides = array<i32>} : memref<32768xf32, #tpu.memory_space<vmem>>, vector<16xf32>,
      %get3A_203 = vector.shape_cast %get3A_202 : vector<16xf32> to vector<16xf32>
      %add3A_204 = arith.constant 64 : i32
      %add3A_205 = arith.addi %mul3A_184, %add3A_204 : i32
      %get3A_206 = arith.index_cast %add3A_205 : i32 to index
      %get3A_207 = tpu.vector_load %arg6[%get3A_206] {strides = array<i32>} : memref<32768xf32, #tpu.memory_space<vmem>>, vector<16xf32>,
      %get3A_208 = vector.shape_cast %get3A_207 : vector<16xf32> to vector<16xf32>
      %add3A_209 = arith.constant 80 : i32
      %add3A_210 = arith.addi %mul3A_184, %add3A_209 : i32
      %get3A_211 = arith.index_cast %add3A_210 : i32 to index
      %get3A_212 = tpu.vector_load %arg6[%get3A_211] {strides = array<i32>} : memref<32768xf32, #tpu.memory_space<vmem>>, vector<16xf32>,
      %get3A_213 = vector.shape_cast %get3A_212 : vector<16xf32> to vector<16xf32>
      %add3A_214 = arith.constant 96 : i32
      %add3A_215 = arith.addi %mul3A_184, %add3A_214 : i32
      %get3A_216 = arith.index_cast %add3A_215 : i32 to index
      %get3A_217 = tpu.vector_load %arg6[%get3A_216] {strides = array<i32>} : memref<32768xf32, #tpu.memory_space<vmem>>, vector<16xf32>,
      %get3A_218 = vector.shape_cast %get3A_217 : vector<16xf32> to vector<16xf32>
      %add3A_219 = arith.constant 112 : i32
      %add3A_220 = arith.addi %mul3A_184, %add3A_219 : i32
      %get3A_221 = arith.index_cast %add3A_220 : i32 to index
      %get3A_222 = tpu.vector_load %arg6[%get3A_221] {strides = array<i32>} : memref<32768xf32, #tpu.memory_space<vmem>>, vector<16xf32>,
      %get3A_223 = vector.shape_cast %get3A_222 : vector<16xf32> to vector<16xf32>
      %mul3A_224 = arith.mulf %get3A_188, %get3A_188 : vector<16xf32>
      %add3A_225 = arith.addf %scan3A_179, %mul3A_224 : vector<16xf32>
      %mul3A_226 = arith.mulf %get3A_193, %get3A_193 : vector<16xf32>
      %add3A_227 = arith.addf %scan3A_180, %mul3A_226 : vector<16xf32>
      %mul3A_228 = arith.mulf %get3A_198, %get3A_198 : vector<16xf32>
      %add3A_229 = arith.addf %scan3A_181, %mul3A_228 : vector<16xf32>
      %mul3A_230 = arith.mulf %get3A_203, %get3A_203 : vector<16xf32>
      %add3A_231 = arith.addf %scan3A_182, %mul3A_230 : vector<16xf32>
      %mul3A_232 = arith.mulf %get3A_208, %get3A_208 : vector<16xf32>
      %add3A_233 = arith.addf %add3A_225, %mul3A_232 : vector<16xf32>
      %mul3A_234 = arith.mulf %get3A_213, %get3A_213 : vector<16xf32>
      %add3A_235 = arith.addf %add3A_227, %mul3A_234 : vector<16xf32>
      %mul3A_236 = arith.mulf %get3A_218, %get3A_218 : vector<16xf32>
      %add3A_237 = arith.addf %add3A_229, %mul3A_236 : vector<16xf32>
      %mul3A_238 = arith.mulf %get3A_223, %get3A_223 : vector<16xf32>
      %add3A_239 = arith.addf %add3A_231, %mul3A_238 : vector<16xf32>
      scf.yield %add3A_233, %add3A_235, %add3A_237, %add3A_239 : vector<16xf32>, vector<16xf32>, vector<16xf32>, vector<16xf32>
    }
    %scan3A_152 = arith.constant 256 : i32
    %dma_wait3A_153 = tpu.memref_slice %arg2[%add3A_134] : memref<16777216xf32, #tpu.memory_space<hbm>> -> memref<32768xf32, #tpu.memory_space<hbm>>
    %dma_wait3A_154 = tpu.memref_slice %arg2[%add3A_134] : memref<16777216xf32, #tpu.memory_space<hbm>> -> memref<32768xf32, #tpu.memory_space<hbm>>
    tpu.wait_dma2 semaphore(%arg9 : memref<!tpu.dma_semaphore, #tpu.memory_space<semaphore_mem>>) src(%dma_wait3A_154 : memref<32768xf32, #tpu.memory_space<hbm>>) dst(%arg4 : memref<32768xf32, #tpu.memory_space<vmem>>)
    %scan3A_155 = arith.constant 0 : i32
    %scan3A_156 = arith.constant 256 : i32
    %scan3A_157 = arith.addi %scan3A_155, %scan3A_156 : i32
    %scan3A_158 = arith.constant 1 : i32
    %scan3A_159:4 = scf.for %scan3A_178 = %scan3A_155 to %scan3A_157 step %scan3A_158 iter_args(%scan3A_179 = %scan3A_151#0, %scan3A_180 = %scan3A_151#1, %scan3A_181 = %scan3A_151#2, %scan3A_182 = %scan3A_151#3) -> (vector<16xf32>, vector<16xf32>, vector<16xf32>, vector<16xf32>)  : i32 {
      %mul3A_183 = arith.constant 128 : i32
      %mul3A_184 = arith.muli %scan3A_178, %mul3A_183 : i32
      %add3A_185 = arith.constant 0 : i32
      %add3A_186 = arith.addi %mul3A_184, %add3A_185 : i32
      %get3A = arith.index_cast %add3A_186 : i32 to index
      %get3A_187 = tpu.vector_load %arg4[%get3A] {strides = array<i32>} : memref<32768xf32, #tpu.memory_space<vmem>>, vector<16xf32>,
      %get3A_188 = vector.shape_cast %get3A_187 : vector<16xf32> to vector<16xf32>
      %add3A_189 = arith.constant 16 : i32
      %add3A_190 = arith.addi %mul3A_184, %add3A_189 : i32
      %get3A_191 = arith.index_cast %add3A_190 : i32 to index
      %get3A_192 = tpu.vector_load %arg4[%get3A_191] {strides = array<i32>} : memref<32768xf32, #tpu.memory_space<vmem>>, vector<16xf32>,
      %get3A_193 = vector.shape_cast %get3A_192 : vector<16xf32> to vector<16xf32>
      %add3A_194 = arith.constant 32 : i32
      %add3A_195 = arith.addi %mul3A_184, %add3A_194 : i32
      %get3A_196 = arith.index_cast %add3A_195 : i32 to index
      %get3A_197 = tpu.vector_load %arg4[%get3A_196] {strides = array<i32>} : memref<32768xf32, #tpu.memory_space<vmem>>, vector<16xf32>,
      %get3A_198 = vector.shape_cast %get3A_197 : vector<16xf32> to vector<16xf32>
      %add3A_199 = arith.constant 48 : i32
      %add3A_200 = arith.addi %mul3A_184, %add3A_199 : i32
      %get3A_201 = arith.index_cast %add3A_200 : i32 to index
      %get3A_202 = tpu.vector_load %arg4[%get3A_201] {strides = array<i32>} : memref<32768xf32, #tpu.memory_space<vmem>>, vector<16xf32>,
      %get3A_203 = vector.shape_cast %get3A_202 : vector<16xf32> to vector<16xf32>
      %add3A_204 = arith.constant 64 : i32
      %add3A_205 = arith.addi %mul3A_184, %add3A_204 : i32
      %get3A_206 = arith.index_cast %add3A_205 : i32 to index
      %get3A_207 = tpu.vector_load %arg4[%get3A_206] {strides = array<i32>} : memref<32768xf32, #tpu.memory_space<vmem>>, vector<16xf32>,
      %get3A_208 = vector.shape_cast %get3A_207 : vector<16xf32> to vector<16xf32>
      %add3A_209 = arith.constant 80 : i32
      %add3A_210 = arith.addi %mul3A_184, %add3A_209 : i32
      %get3A_211 = arith.index_cast %add3A_210 : i32 to index
      %get3A_212 = tpu.vector_load %arg4[%get3A_211] {strides = array<i32>} : memref<32768xf32, #tpu.memory_space<vmem>>, vector<16xf32>,
      %get3A_213 = vector.shape_cast %get3A_212 : vector<16xf32> to vector<16xf32>
      %add3A_214 = arith.constant 96 : i32
      %add3A_215 = arith.addi %mul3A_184, %add3A_214 : i32
      %get3A_216 = arith.index_cast %add3A_215 : i32 to index
      %get3A_217 = tpu.vector_load %arg4[%get3A_216] {strides = array<i32>} : memref<32768xf32, #tpu.memory_space<vmem>>, vector<16xf32>,
      %get3A_218 = vector.shape_cast %get3A_217 : vector<16xf32> to vector<16xf32>
      %add3A_219 = arith.constant 112 : i32
      %add3A_220 = arith.addi %mul3A_184, %add3A_219 : i32
      %get3A_221 = arith.index_cast %add3A_220 : i32 to index
      %get3A_222 = tpu.vector_load %arg4[%get3A_221] {strides = array<i32>} : memref<32768xf32, #tpu.memory_space<vmem>>, vector<16xf32>,
      %get3A_223 = vector.shape_cast %get3A_222 : vector<16xf32> to vector<16xf32>
      %mul3A_224 = arith.mulf %get3A_188, %get3A_188 : vector<16xf32>
      %add3A_225 = arith.addf %scan3A_179, %mul3A_224 : vector<16xf32>
      %mul3A_226 = arith.mulf %get3A_193, %get3A_193 : vector<16xf32>
      %add3A_227 = arith.addf %scan3A_180, %mul3A_226 : vector<16xf32>
      %mul3A_228 = arith.mulf %get3A_198, %get3A_198 : vector<16xf32>
      %add3A_229 = arith.addf %scan3A_181, %mul3A_228 : vector<16xf32>
      %mul3A_230 = arith.mulf %get3A_203, %get3A_203 : vector<16xf32>
      %add3A_231 = arith.addf %scan3A_182, %mul3A_230 : vector<16xf32>
      %mul3A_232 = arith.mulf %get3A_208, %get3A_208 : vector<16xf32>
      %add3A_233 = arith.addf %add3A_225, %mul3A_232 : vector<16xf32>
      %mul3A_234 = arith.mulf %get3A_213, %get3A_213 : vector<16xf32>
      %add3A_235 = arith.addf %add3A_227, %mul3A_234 : vector<16xf32>
      %mul3A_236 = arith.mulf %get3A_218, %get3A_218 : vector<16xf32>
      %add3A_237 = arith.addf %add3A_229, %mul3A_236 : vector<16xf32>
      %mul3A_238 = arith.mulf %get3A_223, %get3A_223 : vector<16xf32>
      %add3A_239 = arith.addf %add3A_231, %mul3A_238 : vector<16xf32>
      scf.yield %add3A_233, %add3A_235, %add3A_237, %add3A_239 : vector<16xf32>, vector<16xf32>, vector<16xf32>, vector<16xf32>
    }
    %scan3A_160 = arith.constant 256 : i32
    %add3A_161 = arith.addf %scan3A_159#0, %scan3A_159#1 : vector<16xf32>
    %add3A_162 = arith.addf %scan3A_159#2, %scan3A_159#3 : vector<16xf32>
    %add3A_163 = arith.addf %add3A_161, %add3A_162 : vector<16xf32>
    %broadcast_in_dim3A_164 = arith.constant 0.000000e+00 : f32
    %broadcast_in_dim3A_165 = vector.broadcast %broadcast_in_dim3A_164 : f32 to vector<16xf32>
    %swap3A = arith.constant 0 : index
    %swap3A_166 = tpu.vector_load %arg7[%swap3A] {strides = array<i32>} : memref<16xf32, #tpu.memory_space<vmem>>, vector<16xf32>,
    %swap3A_167 = vector.shape_cast %swap3A_166 : vector<16xf32> to vector<16xf32>
    %swap3A_168 = vector.shape_cast %broadcast_in_dim3A_165 : vector<16xf32> to vector<16xf32>
    tpu.vector_store %arg7[%swap3A], %swap3A_168 {strides = array<i32>} : memref<16xf32, #tpu.memory_space<vmem>>, vector<16xf32>,
    %mul3A_169 = arith.constant 16 : i32
    %mul3A_170 = arith.muli %arg1, %mul3A_169 : i32
    "tpu.region"() ({
      %run_scoped3A = tpu.sem_alloc : memref<!tpu.dma_semaphore, #tpu.memory_space<semaphore_mem>>
      %dma_start3A_178 = tpu.memref_slice %arg8[%mul3A_170] : memref<256xf32, #tpu.memory_space<vmem_shared>> -> memref<16xf32, #tpu.memory_space<vmem_shared>>
      %dma_start3A_179 = tpu.memref_slice %arg8[%mul3A_170] : memref<256xf32, #tpu.memory_space<vmem_shared>> -> memref<16xf32, #tpu.memory_space<vmem_shared>>
      tpu.enqueue_dma source(%arg7 : memref<16xf32, #tpu.memory_space<vmem>>) target(%dma_start3A_179 : memref<16xf32, #tpu.memory_space<vmem_shared>>) target_semaphore(%run_scoped3A : memref<!tpu.dma_semaphore, #tpu.memory_space<semaphore_mem>>)
      %dma_wait3A_180 = tpu.memref_slice %arg8[%mul3A_170] : memref<256xf32, #tpu.memory_space<vmem_shared>> -> memref<16xf32, #tpu.memory_space<vmem_shared>>
      %dma_wait3A_181 = tpu.memref_slice %arg8[%mul3A_170] : memref<256xf32, #tpu.memory_space<vmem_shared>> -> memref<16xf32, #tpu.memory_space<vmem_shared>>
      tpu.wait_dma2 semaphore(%run_scoped3A : memref<!tpu.dma_semaphore, #tpu.memory_space<semaphore_mem>>) src(%arg7 : memref<16xf32, #tpu.memory_space<vmem>>) dst(%dma_wait3A_181 : memref<16xf32, #tpu.memory_space<vmem_shared>>)
      tpu.yield
    }) : () -> ()
    %swap3A_171 = arith.constant 0 : index
    %swap3A_172 = tpu.vector_load %arg7[%swap3A_171] {strides = array<i32>} : memref<16xf32, #tpu.memory_space<vmem>>, vector<16xf32>,
    %swap3A_173 = vector.shape_cast %swap3A_172 : vector<16xf32> to vector<16xf32>
    %swap3A_174 = vector.shape_cast %add3A_163 : vector<16xf32> to vector<16xf32>
    tpu.vector_store %arg7[%swap3A_171], %swap3A_174 {strides = array<i32>} : memref<16xf32, #tpu.memory_space<vmem>>, vector<16xf32>,
    %mul3A_175 = arith.constant 16 : i32
    %mul3A_176 = arith.muli %arg1, %mul3A_175 : i32
    %broadcast_in_dim3A_177 = vector.broadcast %mul3A_176 : i32 to vector<16xi32>
    "tpu.region"() ({
      %run_scoped3A = tpu.sem_alloc : memref<!tpu.dma_semaphore, #tpu.memory_space<semaphore_mem>>
      %dma_start3A_178 = arith.constant 0 : i32
      %dma_start3A_179 = tpu.memref_slice %arg8[%dma_start3A_178] : memref<256xf32, #tpu.memory_space<vmem_shared>> -> memref<256xf32, #tpu.memory_space<vmem_shared>>
      tpu.enqueue_indirect_dma source(%arg7 : memref<16xf32, #tpu.memory_space<vmem>>) target(%dma_start3A_179 : memref<256xf32, #tpu.memory_space<vmem_shared>>) offsets(%broadcast_in_dim3A_177 : vector<16xi32>) semaphore(%run_scoped3A : memref<!tpu.dma_semaphore, #tpu.memory_space<semaphore_mem>>) {add = true}
      %dma_wait3A_180 = arith.constant 0 : i32
      %dma_wait3A_181 = tpu.memref_slice %arg8[%dma_wait3A_180] : memref<256xf32, #tpu.memory_space<vmem_shared>> -> memref<256xf32, #tpu.memory_space<vmem_shared>>
      tpu.wait_indirect_dma semaphore(%run_scoped3A : memref<!tpu.dma_semaphore, #tpu.memory_space<semaphore_mem>>) src(%arg7 : memref<16xf32, #tpu.memory_space<vmem>>) dst(%dma_wait3A_181 : memref<256xf32, #tpu.memory_space<vmem_shared>>)
      tpu.yield
    }) : () -> ()
    "tpu.region"() ({
      %run_scoped3A = tpu.sem_alloc : memref<!tpu.dma_semaphore, #tpu.memory_space<semaphore_mem>>
      %dma_start3A_178 = arith.constant 0 : i32
      %dma_start3A_179 = tpu.memref_slice %arg8[%dma_start3A_178] : memref<256xf32, #tpu.memory_space<vmem_shared>> -> memref<256xf32, #tpu.memory_space<vmem_shared>>
      tpu.enqueue_indirect_dma source(%dma_start3A_179 : memref<256xf32, #tpu.memory_space<vmem_shared>>) target(%arg7 : memref<16xf32, #tpu.memory_space<vmem>>) offsets(%broadcast_in_dim3A_177 : vector<16xi32>) semaphore(%run_scoped3A : memref<!tpu.dma_semaphore, #tpu.memory_space<semaphore_mem>>)
      %dma_wait3A_180 = arith.constant 0 : i32
      %dma_wait3A_181 = tpu.memref_slice %arg8[%dma_wait3A_180] : memref<256xf32, #tpu.memory_space<vmem_shared>> -> memref<256xf32, #tpu.memory_space<vmem_shared>>
      tpu.wait_indirect_dma semaphore(%run_scoped3A : memref<!tpu.dma_semaphore, #tpu.memory_space<semaphore_mem>>) src(%dma_wait3A_181 : memref<256xf32, #tpu.memory_space<vmem_shared>>) dst(%arg7 : memref<16xf32, #tpu.memory_space<vmem>>)
      tpu.yield
    }) : () -> ()
    "tpu.region"() ({
      %run_scoped3A = tpu.sem_alloc : memref<!tpu.dma_semaphore, #tpu.memory_space<semaphore_mem>>
      %dma_start3A_178 = arith.constant 0 : i32
      %dma_start3A_179 = tpu.memref_slice %arg3[%add3A, %dma_start3A_178] : memref<32x16xf32, #tpu.memory_space<hbm>> -> memref<1x16xf32, #tpu.memory_space<hbm>>
      %dma_start3A_180 = tpu.memref_squeeze %dma_start3A_179 : memref<1x16xf32, #tpu.memory_space<hbm>> -> memref<16xf32, #tpu.memory_space<hbm>>
      %dma_start3A_181 = arith.constant 0 : i32
      %dma_start3A_182 = tpu.memref_slice %arg3[%add3A, %dma_start3A_181] : memref<32x16xf32, #tpu.memory_space<hbm>> -> memref<1x16xf32, #tpu.memory_space<hbm>>
      %dma_start3A_183 = tpu.memref_squeeze %dma_start3A_182 : memref<1x16xf32, #tpu.memory_space<hbm>> -> memref<16xf32, #tpu.memory_space<hbm>>
      tpu.enqueue_dma source(%arg7 : memref<16xf32, #tpu.memory_space<vmem>>) target(%dma_start3A_183 : memref<16xf32, #tpu.memory_space<hbm>>) target_semaphore(%run_scoped3A : memref<!tpu.dma_semaphore, #tpu.memory_space<semaphore_mem>>)
      %dma_wait3A_184 = arith.constant 0 : i32
      %dma_wait3A_185 = tpu.memref_slice %arg3[%add3A, %dma_wait3A_184] : memref<32x16xf32, #tpu.memory_space<hbm>> -> memref<1x16xf32, #tpu.memory_space<hbm>>
      %dma_wait3A_186 = tpu.memref_squeeze %dma_wait3A_185 : memref<1x16xf32, #tpu.memory_space<hbm>> -> memref<16xf32, #tpu.memory_space<hbm>>
      %dma_wait3A_187 = arith.constant 0 : i32
      %dma_wait3A_188 = tpu.memref_slice %arg3[%add3A, %dma_wait3A_187] : memref<32x16xf32, #tpu.memory_space<hbm>> -> memref<1x16xf32, #tpu.memory_space<hbm>>
      %dma_wait3A_189 = tpu.memref_squeeze %dma_wait3A_188 : memref<1x16xf32, #tpu.memory_space<hbm>> -> memref<16xf32, #tpu.memory_space<hbm>>
      tpu.wait_dma2 semaphore(%run_scoped3A : memref<!tpu.dma_semaphore, #tpu.memory_space<semaphore_mem>>) src(%arg7 : memref<16xf32, #tpu.memory_space<vmem>>) dst(%dma_wait3A_189 : memref<16xf32, #tpu.memory_space<hbm>>)
      tpu.yield
    }) : () -> ()
    return
  }
}

#map = affine_map<(d0, d1) -> (0, 0)>
module attributes {stable_mosaic.version = 14 : i64} {
  func.func @_copy_body(%arg0: i32, %arg1: i32, %arg2: memref<131072x128xf32, #tpu.memory_space<hbm>>, %arg3: memref<32x16xf32, #tpu.memory_space<hbm>>, %arg4: memref<3x16xf32, #tpu.memory_space<hbm>>, %arg5: memref<65536x128xf32, #tpu.memory_space<hbm>>, %arg6: memref<128x128xf32, #tpu.memory_space<vmem>>, %arg7: memref<128x128xf32, #tpu.memory_space<vmem>>, %arg8: memref<128x128xf32, #tpu.memory_space<vmem>>, %arg9: memref<32x16xf32, #tpu.memory_space<vmem>>, %arg10: memref<3x16xf32, #tpu.memory_space<vmem>>, %arg11: memref<384xi32, #tpu.memory_space<vmem>>, %arg12: memref<!tpu.dma_semaphore, #tpu.memory_space<semaphore_mem>>, %arg13: memref<!tpu.dma_semaphore, #tpu.memory_space<semaphore_mem>>, %arg14: memref<!tpu.dma_semaphore, #tpu.memory_space<semaphore_mem>>, %arg15: memref<!tpu.dma_semaphore, #tpu.memory_space<semaphore_mem>>, %arg16: memref<!tpu.dma_semaphore, #tpu.memory_space<semaphore_mem>>, %arg17: memref<!tpu.dma_semaphore, #tpu.memory_space<semaphore_mem>>) attributes {dimension_semantics = [#tpu.dimension_semantics<core_parallel>, #tpu.dimension_semantics<subcore_parallel>], iteration_bounds = array<i64: 2, 16>, scalar_prefetch = 0 : i64, scratch_operands = 12 : i64, tpu.core_type = #tpu.core_type<sc_vector_subcore>, window_params = [{transform_indices = #map}, {transform_indices = #map}, {transform_indices = #map}, {transform_indices = #map}]} {
    %mul3A = arith.constant 2 : i32
    %mul3A_0 = arith.muli %arg1, %mul3A : i32
    %add3A = arith.addi %mul3A_0, %arg0 : i32
    "tpu.region"() ({
      %run_scoped3A = tpu.sem_alloc : memref<!tpu.dma_semaphore, #tpu.memory_space<semaphore_mem>>
      tpu.enqueue_dma source(%arg3 : memref<32x16xf32, #tpu.memory_space<hbm>>) target(%arg9 : memref<32x16xf32, #tpu.memory_space<vmem>>) target_semaphore(%run_scoped3A : memref<!tpu.dma_semaphore, #tpu.memory_space<semaphore_mem>>)
      tpu.wait_dma2 semaphore(%run_scoped3A : memref<!tpu.dma_semaphore, #tpu.memory_space<semaphore_mem>>) src(%arg3 : memref<32x16xf32, #tpu.memory_space<hbm>>) dst(%arg9 : memref<32x16xf32, #tpu.memory_space<vmem>>)
      tpu.yield
    }) : () -> ()
    "tpu.region"() ({
      %run_scoped3A = tpu.sem_alloc : memref<!tpu.dma_semaphore, #tpu.memory_space<semaphore_mem>>
      tpu.enqueue_dma source(%arg4 : memref<3x16xf32, #tpu.memory_space<hbm>>) target(%arg10 : memref<3x16xf32, #tpu.memory_space<vmem>>) target_semaphore(%run_scoped3A : memref<!tpu.dma_semaphore, #tpu.memory_space<semaphore_mem>>)
      tpu.wait_dma2 semaphore(%run_scoped3A : memref<!tpu.dma_semaphore, #tpu.memory_space<semaphore_mem>>) src(%arg4 : memref<3x16xf32, #tpu.memory_space<hbm>>) dst(%arg10 : memref<3x16xf32, #tpu.memory_space<vmem>>)
      tpu.yield
    }) : () -> ()
    %get3A = arith.constant 0 : i32
    %get3A_1 = arith.index_cast %get3A : i32 to index
    %get3A_2 = arith.constant 0 : index
    %get3A_3 = tpu.vector_load %arg9[%get3A_1, %get3A_2] {strides = array<i32>} : memref<32x16xf32, #tpu.memory_space<vmem>>, vector<1x16xf32>,
    %get3A_4 = vector.shape_cast %get3A_3 : vector<1x16xf32> to vector<16xf32>
    %get3A_5 = arith.constant 1 : i32
    %get3A_6 = arith.index_cast %get3A_5 : i32 to index
    %get3A_7 = arith.constant 0 : index
    %get3A_8 = tpu.vector_load %arg9[%get3A_6, %get3A_7] {strides = array<i32>} : memref<32x16xf32, #tpu.memory_space<vmem>>, vector<1x16xf32>,
    %get3A_9 = vector.shape_cast %get3A_8 : vector<1x16xf32> to vector<16xf32>
    %add3A_10 = arith.addf %get3A_4, %get3A_9 : vector<16xf32>
    %get3A_11 = arith.constant 2 : i32
    %get3A_12 = arith.index_cast %get3A_11 : i32 to index
    %get3A_13 = arith.constant 0 : index
    %get3A_14 = tpu.vector_load %arg9[%get3A_12, %get3A_13] {strides = array<i32>} : memref<32x16xf32, #tpu.memory_space<vmem>>, vector<1x16xf32>,
    %get3A_15 = vector.shape_cast %get3A_14 : vector<1x16xf32> to vector<16xf32>
    %add3A_16 = arith.addf %add3A_10, %get3A_15 : vector<16xf32>
    %get3A_17 = arith.constant 3 : i32
    %get3A_18 = arith.index_cast %get3A_17 : i32 to index
    %get3A_19 = arith.constant 0 : index
    %get3A_20 = tpu.vector_load %arg9[%get3A_18, %get3A_19] {strides = array<i32>} : memref<32x16xf32, #tpu.memory_space<vmem>>, vector<1x16xf32>,
    %get3A_21 = vector.shape_cast %get3A_20 : vector<1x16xf32> to vector<16xf32>
    %add3A_22 = arith.addf %add3A_16, %get3A_21 : vector<16xf32>
    %get3A_23 = arith.constant 4 : i32
    %get3A_24 = arith.index_cast %get3A_23 : i32 to index
    %get3A_25 = arith.constant 0 : index
    %get3A_26 = tpu.vector_load %arg9[%get3A_24, %get3A_25] {strides = array<i32>} : memref<32x16xf32, #tpu.memory_space<vmem>>, vector<1x16xf32>,
    %get3A_27 = vector.shape_cast %get3A_26 : vector<1x16xf32> to vector<16xf32>
    %add3A_28 = arith.addf %add3A_22, %get3A_27 : vector<16xf32>
    %get3A_29 = arith.constant 5 : i32
    %get3A_30 = arith.index_cast %get3A_29 : i32 to index
    %get3A_31 = arith.constant 0 : index
    %get3A_32 = tpu.vector_load %arg9[%get3A_30, %get3A_31] {strides = array<i32>} : memref<32x16xf32, #tpu.memory_space<vmem>>, vector<1x16xf32>,
    %get3A_33 = vector.shape_cast %get3A_32 : vector<1x16xf32> to vector<16xf32>
    %add3A_34 = arith.addf %add3A_28, %get3A_33 : vector<16xf32>
    %get3A_35 = arith.constant 6 : i32
    %get3A_36 = arith.index_cast %get3A_35 : i32 to index
    %get3A_37 = arith.constant 0 : index
    %get3A_38 = tpu.vector_load %arg9[%get3A_36, %get3A_37] {strides = array<i32>} : memref<32x16xf32, #tpu.memory_space<vmem>>, vector<1x16xf32>,
    %get3A_39 = vector.shape_cast %get3A_38 : vector<1x16xf32> to vector<16xf32>
    %add3A_40 = arith.addf %add3A_34, %get3A_39 : vector<16xf32>
    %get3A_41 = arith.constant 7 : i32
    %get3A_42 = arith.index_cast %get3A_41 : i32 to index
    %get3A_43 = arith.constant 0 : index
    %get3A_44 = tpu.vector_load %arg9[%get3A_42, %get3A_43] {strides = array<i32>} : memref<32x16xf32, #tpu.memory_space<vmem>>, vector<1x16xf32>,
    %get3A_45 = vector.shape_cast %get3A_44 : vector<1x16xf32> to vector<16xf32>
    %add3A_46 = arith.addf %add3A_40, %get3A_45 : vector<16xf32>
    %get3A_47 = arith.constant 8 : i32
    %get3A_48 = arith.index_cast %get3A_47 : i32 to index
    %get3A_49 = arith.constant 0 : index
    %get3A_50 = tpu.vector_load %arg9[%get3A_48, %get3A_49] {strides = array<i32>} : memref<32x16xf32, #tpu.memory_space<vmem>>, vector<1x16xf32>,
    %get3A_51 = vector.shape_cast %get3A_50 : vector<1x16xf32> to vector<16xf32>
    %add3A_52 = arith.addf %add3A_46, %get3A_51 : vector<16xf32>
    %get3A_53 = arith.constant 9 : i32
    %get3A_54 = arith.index_cast %get3A_53 : i32 to index
    %get3A_55 = arith.constant 0 : index
    %get3A_56 = tpu.vector_load %arg9[%get3A_54, %get3A_55] {strides = array<i32>} : memref<32x16xf32, #tpu.memory_space<vmem>>, vector<1x16xf32>,
    %get3A_57 = vector.shape_cast %get3A_56 : vector<1x16xf32> to vector<16xf32>
    %add3A_58 = arith.addf %add3A_52, %get3A_57 : vector<16xf32>
    %get3A_59 = arith.constant 10 : i32
    %get3A_60 = arith.index_cast %get3A_59 : i32 to index
    %get3A_61 = arith.constant 0 : index
    %get3A_62 = tpu.vector_load %arg9[%get3A_60, %get3A_61] {strides = array<i32>} : memref<32x16xf32, #tpu.memory_space<vmem>>, vector<1x16xf32>,
    %get3A_63 = vector.shape_cast %get3A_62 : vector<1x16xf32> to vector<16xf32>
    %add3A_64 = arith.addf %add3A_58, %get3A_63 : vector<16xf32>
    %get3A_65 = arith.constant 11 : i32
    %get3A_66 = arith.index_cast %get3A_65 : i32 to index
    %get3A_67 = arith.constant 0 : index
    %get3A_68 = tpu.vector_load %arg9[%get3A_66, %get3A_67] {strides = array<i32>} : memref<32x16xf32, #tpu.memory_space<vmem>>, vector<1x16xf32>,
    %get3A_69 = vector.shape_cast %get3A_68 : vector<1x16xf32> to vector<16xf32>
    %add3A_70 = arith.addf %add3A_64, %get3A_69 : vector<16xf32>
    %get3A_71 = arith.constant 12 : i32
    %get3A_72 = arith.index_cast %get3A_71 : i32 to index
    %get3A_73 = arith.constant 0 : index
    %get3A_74 = tpu.vector_load %arg9[%get3A_72, %get3A_73] {strides = array<i32>} : memref<32x16xf32, #tpu.memory_space<vmem>>, vector<1x16xf32>,
    %get3A_75 = vector.shape_cast %get3A_74 : vector<1x16xf32> to vector<16xf32>
    %add3A_76 = arith.addf %add3A_70, %get3A_75 : vector<16xf32>
    %get3A_77 = arith.constant 13 : i32
    %get3A_78 = arith.index_cast %get3A_77 : i32 to index
    %get3A_79 = arith.constant 0 : index
    %get3A_80 = tpu.vector_load %arg9[%get3A_78, %get3A_79] {strides = array<i32>} : memref<32x16xf32, #tpu.memory_space<vmem>>, vector<1x16xf32>,
    %get3A_81 = vector.shape_cast %get3A_80 : vector<1x16xf32> to vector<16xf32>
    %add3A_82 = arith.addf %add3A_76, %get3A_81 : vector<16xf32>
    %get3A_83 = arith.constant 14 : i32
    %get3A_84 = arith.index_cast %get3A_83 : i32 to index
    %get3A_85 = arith.constant 0 : index
    %get3A_86 = tpu.vector_load %arg9[%get3A_84, %get3A_85] {strides = array<i32>} : memref<32x16xf32, #tpu.memory_space<vmem>>, vector<1x16xf32>,
    %get3A_87 = vector.shape_cast %get3A_86 : vector<1x16xf32> to vector<16xf32>
    %add3A_88 = arith.addf %add3A_82, %get3A_87 : vector<16xf32>
    %get3A_89 = arith.constant 15 : i32
    %get3A_90 = arith.index_cast %get3A_89 : i32 to index
    %get3A_91 = arith.constant 0 : index
    %get3A_92 = tpu.vector_load %arg9[%get3A_90, %get3A_91] {strides = array<i32>} : memref<32x16xf32, #tpu.memory_space<vmem>>, vector<1x16xf32>,
    %get3A_93 = vector.shape_cast %get3A_92 : vector<1x16xf32> to vector<16xf32>
    %add3A_94 = arith.addf %add3A_88, %get3A_93 : vector<16xf32>
    %get3A_95 = arith.constant 16 : i32
    %get3A_96 = arith.index_cast %get3A_95 : i32 to index
    %get3A_97 = arith.constant 0 : index
    %get3A_98 = tpu.vector_load %arg9[%get3A_96, %get3A_97] {strides = array<i32>} : memref<32x16xf32, #tpu.memory_space<vmem>>, vector<1x16xf32>,
    %get3A_99 = vector.shape_cast %get3A_98 : vector<1x16xf32> to vector<16xf32>
    %get3A_100 = arith.constant 17 : i32
    %get3A_101 = arith.index_cast %get3A_100 : i32 to index
    %get3A_102 = arith.constant 0 : index
    %get3A_103 = tpu.vector_load %arg9[%get3A_101, %get3A_102] {strides = array<i32>} : memref<32x16xf32, #tpu.memory_space<vmem>>, vector<1x16xf32>,
    %get3A_104 = vector.shape_cast %get3A_103 : vector<1x16xf32> to vector<16xf32>
    %add3A_105 = arith.addf %get3A_99, %get3A_104 : vector<16xf32>
    %get3A_106 = arith.constant 18 : i32
    %get3A_107 = arith.index_cast %get3A_106 : i32 to index
    %get3A_108 = arith.constant 0 : index
    %get3A_109 = tpu.vector_load %arg9[%get3A_107, %get3A_108] {strides = array<i32>} : memref<32x16xf32, #tpu.memory_space<vmem>>, vector<1x16xf32>,
    %get3A_110 = vector.shape_cast %get3A_109 : vector<1x16xf32> to vector<16xf32>
    %add3A_111 = arith.addf %add3A_105, %get3A_110 : vector<16xf32>
    %get3A_112 = arith.constant 19 : i32
    %get3A_113 = arith.index_cast %get3A_112 : i32 to index
    %get3A_114 = arith.constant 0 : index
    %get3A_115 = tpu.vector_load %arg9[%get3A_113, %get3A_114] {strides = array<i32>} : memref<32x16xf32, #tpu.memory_space<vmem>>, vector<1x16xf32>,
    %get3A_116 = vector.shape_cast %get3A_115 : vector<1x16xf32> to vector<16xf32>
    %add3A_117 = arith.addf %add3A_111, %get3A_116 : vector<16xf32>
    %get3A_118 = arith.constant 20 : i32
    %get3A_119 = arith.index_cast %get3A_118 : i32 to index
    %get3A_120 = arith.constant 0 : index
    %get3A_121 = tpu.vector_load %arg9[%get3A_119, %get3A_120] {strides = array<i32>} : memref<32x16xf32, #tpu.memory_space<vmem>>, vector<1x16xf32>,
    %get3A_122 = vector.shape_cast %get3A_121 : vector<1x16xf32> to vector<16xf32>
    %add3A_123 = arith.addf %add3A_117, %get3A_122 : vector<16xf32>
    %get3A_124 = arith.constant 21 : i32
    %get3A_125 = arith.index_cast %get3A_124 : i32 to index
    %get3A_126 = arith.constant 0 : index
    %get3A_127 = tpu.vector_load %arg9[%get3A_125, %get3A_126] {strides = array<i32>} : memref<32x16xf32, #tpu.memory_space<vmem>>, vector<1x16xf32>,
    %get3A_128 = vector.shape_cast %get3A_127 : vector<1x16xf32> to vector<16xf32>
    %add3A_129 = arith.addf %add3A_123, %get3A_128 : vector<16xf32>
    %get3A_130 = arith.constant 22 : i32
    %get3A_131 = arith.index_cast %get3A_130 : i32 to index
    %get3A_132 = arith.constant 0 : index
    %get3A_133 = tpu.vector_load %arg9[%get3A_131, %get3A_132] {strides = array<i32>} : memref<32x16xf32, #tpu.memory_space<vmem>>, vector<1x16xf32>,
    %get3A_134 = vector.shape_cast %get3A_133 : vector<1x16xf32> to vector<16xf32>
    %add3A_135 = arith.addf %add3A_129, %get3A_134 : vector<16xf32>
    %get3A_136 = arith.constant 23 : i32
    %get3A_137 = arith.index_cast %get3A_136 : i32 to index
    %get3A_138 = arith.constant 0 : index
    %get3A_139 = tpu.vector_load %arg9[%get3A_137, %get3A_138] {strides = array<i32>} : memref<32x16xf32, #tpu.memory_space<vmem>>, vector<1x16xf32>,
    %get3A_140 = vector.shape_cast %get3A_139 : vector<1x16xf32> to vector<16xf32>
    %add3A_141 = arith.addf %add3A_135, %get3A_140 : vector<16xf32>
    %get3A_142 = arith.constant 24 : i32
    %get3A_143 = arith.index_cast %get3A_142 : i32 to index
    %get3A_144 = arith.constant 0 : index
    %get3A_145 = tpu.vector_load %arg9[%get3A_143, %get3A_144] {strides = array<i32>} : memref<32x16xf32, #tpu.memory_space<vmem>>, vector<1x16xf32>,
    %get3A_146 = vector.shape_cast %get3A_145 : vector<1x16xf32> to vector<16xf32>
    %add3A_147 = arith.addf %add3A_141, %get3A_146 : vector<16xf32>
    %get3A_148 = arith.constant 25 : i32
    %get3A_149 = arith.index_cast %get3A_148 : i32 to index
    %get3A_150 = arith.constant 0 : index
    %get3A_151 = tpu.vector_load %arg9[%get3A_149, %get3A_150] {strides = array<i32>} : memref<32x16xf32, #tpu.memory_space<vmem>>, vector<1x16xf32>,
    %get3A_152 = vector.shape_cast %get3A_151 : vector<1x16xf32> to vector<16xf32>
    %add3A_153 = arith.addf %add3A_147, %get3A_152 : vector<16xf32>
    %get3A_154 = arith.constant 26 : i32
    %get3A_155 = arith.index_cast %get3A_154 : i32 to index
    %get3A_156 = arith.constant 0 : index
    %get3A_157 = tpu.vector_load %arg9[%get3A_155, %get3A_156] {strides = array<i32>} : memref<32x16xf32, #tpu.memory_space<vmem>>, vector<1x16xf32>,
    %get3A_158 = vector.shape_cast %get3A_157 : vector<1x16xf32> to vector<16xf32>
    %add3A_159 = arith.addf %add3A_153, %get3A_158 : vector<16xf32>
    %get3A_160 = arith.constant 27 : i32
    %get3A_161 = arith.index_cast %get3A_160 : i32 to index
    %get3A_162 = arith.constant 0 : index
    %get3A_163 = tpu.vector_load %arg9[%get3A_161, %get3A_162] {strides = array<i32>} : memref<32x16xf32, #tpu.memory_space<vmem>>, vector<1x16xf32>,
    %get3A_164 = vector.shape_cast %get3A_163 : vector<1x16xf32> to vector<16xf32>
    %add3A_165 = arith.addf %add3A_159, %get3A_164 : vector<16xf32>
    %get3A_166 = arith.constant 28 : i32
    %get3A_167 = arith.index_cast %get3A_166 : i32 to index
    %get3A_168 = arith.constant 0 : index
    %get3A_169 = tpu.vector_load %arg9[%get3A_167, %get3A_168] {strides = array<i32>} : memref<32x16xf32, #tpu.memory_space<vmem>>, vector<1x16xf32>,
    %get3A_170 = vector.shape_cast %get3A_169 : vector<1x16xf32> to vector<16xf32>
    %add3A_171 = arith.addf %add3A_165, %get3A_170 : vector<16xf32>
    %get3A_172 = arith.constant 29 : i32
    %get3A_173 = arith.index_cast %get3A_172 : i32 to index
    %get3A_174 = arith.constant 0 : index
    %get3A_175 = tpu.vector_load %arg9[%get3A_173, %get3A_174] {strides = array<i32>} : memref<32x16xf32, #tpu.memory_space<vmem>>, vector<1x16xf32>,
    %get3A_176 = vector.shape_cast %get3A_175 : vector<1x16xf32> to vector<16xf32>
    %add3A_177 = arith.addf %add3A_171, %get3A_176 : vector<16xf32>
    %get3A_178 = arith.constant 30 : i32
    %get3A_179 = arith.index_cast %get3A_178 : i32 to index
    %get3A_180 = arith.constant 0 : index
    %get3A_181 = tpu.vector_load %arg9[%get3A_179, %get3A_180] {strides = array<i32>} : memref<32x16xf32, #tpu.memory_space<vmem>>, vector<1x16xf32>,
    %get3A_182 = vector.shape_cast %get3A_181 : vector<1x16xf32> to vector<16xf32>
    %add3A_183 = arith.addf %add3A_177, %get3A_182 : vector<16xf32>
    %get3A_184 = arith.constant 31 : i32
    %get3A_185 = arith.index_cast %get3A_184 : i32 to index
    %get3A_186 = arith.constant 0 : index
    %get3A_187 = tpu.vector_load %arg9[%get3A_185, %get3A_186] {strides = array<i32>} : memref<32x16xf32, #tpu.memory_space<vmem>>, vector<1x16xf32>,
    %get3A_188 = vector.shape_cast %get3A_187 : vector<1x16xf32> to vector<16xf32>
    %add3A_189 = arith.addf %add3A_183, %get3A_188 : vector<16xf32>
    %get3A_190 = arith.constant 0 : i32
    %get3A_191 = arith.index_cast %get3A_190 : i32 to index
    %get3A_192 = arith.constant 0 : index
    %get3A_193 = tpu.vector_load %arg10[%get3A_191, %get3A_192] {strides = array<i32>} : memref<3x16xf32, #tpu.memory_space<vmem>>, vector<1x16xf32>,
    %get3A_194 = vector.shape_cast %get3A_193 : vector<1x16xf32> to vector<16xf32>
    %add3A_195 = arith.addf %add3A_94, %get3A_194 : vector<16xf32>
    %add3A_196 = arith.addf %add3A_195, %add3A_189 : vector<16xf32>
    %get3A_197 = arith.constant 1 : i32
    %get3A_198 = arith.index_cast %get3A_197 : i32 to index
    %get3A_199 = arith.constant 0 : index
    %get3A_200 = tpu.vector_load %arg10[%get3A_198, %get3A_199] {strides = array<i32>} : memref<3x16xf32, #tpu.memory_space<vmem>>, vector<1x16xf32>,
    %get3A_201 = vector.shape_cast %get3A_200 : vector<1x16xf32> to vector<16xf32>
    %add3A_202 = arith.addf %add3A_196, %get3A_201 : vector<16xf32>
    %get3A_203 = arith.constant 2 : i32
    %get3A_204 = arith.index_cast %get3A_203 : i32 to index
    %get3A_205 = arith.constant 0 : index
    %get3A_206 = tpu.vector_load %arg10[%get3A_204, %get3A_205] {strides = array<i32>} : memref<3x16xf32, #tpu.memory_space<vmem>>, vector<1x16xf32>,
    %get3A_207 = vector.shape_cast %get3A_206 : vector<1x16xf32> to vector<16xf32>
    %div3A = arith.divf %add3A_195, %add3A_202 : vector<16xf32>
    %gt3A = arith.cmpf ogt, %get3A_207, %div3A : vector<16xf32>
    %sub3A = arith.constant 1.000000e+00 : f32
    %sub3A_208 = vector.broadcast %sub3A : f32 to vector<16xf32>
    %sub3A_209 = arith.subf %sub3A_208, %div3A : vector<16xf32>
    %select_n3A = arith.select %gt3A, %sub3A_209, %div3A : vector<16xi1>, vector<16xf32>
    %bitcast_convert_type3A = tpu.bitcast %select_n3A : vector<16xf32> -> vector<16xi32>
    %shift_right_logical3A = arith.constant 1 : i32
    %shift_right_logical3A_210 = vector.broadcast %shift_right_logical3A : i32 to vector<16xi32>
    %shift_right_logical3A_211 = arith.shrui %bitcast_convert_type3A, %shift_right_logical3A_210 : vector<16xi32>
    %sub3A_212 = arith.constant 1597463007 : i32
    %sub3A_213 = vector.broadcast %sub3A_212 : i32 to vector<16xi32>
    %sub3A_214 = arith.subi %sub3A_213, %shift_right_logical3A_211 : vector<16xi32>
    %bitcast_convert_type3A_215 = tpu.bitcast %sub3A_214 : vector<16xi32> -> vector<16xf32>
    %mul3A_216 = arith.constant 5.000000e-01 : f32
    %mul3A_217 = vector.broadcast %mul3A_216 : f32 to vector<16xf32>
    %mul3A_218 = arith.mulf %select_n3A, %mul3A_217 : vector<16xf32>
    %mul3A_219 = arith.mulf %mul3A_218, %bitcast_convert_type3A_215 : vector<16xf32>
    %mul3A_220 = arith.mulf %mul3A_219, %bitcast_convert_type3A_215 : vector<16xf32>
    %sub3A_221 = arith.constant 1.500000e+00 : f32
    %sub3A_222 = vector.broadcast %sub3A_221 : f32 to vector<16xf32>
    %sub3A_223 = arith.subf %sub3A_222, %mul3A_220 : vector<16xf32>
    %mul3A_224 = arith.mulf %bitcast_convert_type3A_215, %sub3A_223 : vector<16xf32>
    %mul3A_225 = arith.mulf %mul3A_218, %mul3A_224 : vector<16xf32>
    %mul3A_226 = arith.mulf %mul3A_225, %mul3A_224 : vector<16xf32>
    %sub3A_227 = arith.constant 1.500000e+00 : f32
    %sub3A_228 = vector.broadcast %sub3A_227 : f32 to vector<16xf32>
    %sub3A_229 = arith.subf %sub3A_228, %mul3A_226 : vector<16xf32>
    %mul3A_230 = arith.mulf %mul3A_224, %sub3A_229 : vector<16xf32>
    %mul3A_231 = arith.mulf %mul3A_218, %mul3A_230 : vector<16xf32>
    %mul3A_232 = arith.mulf %mul3A_231, %mul3A_230 : vector<16xf32>
    %sub3A_233 = arith.constant 1.500000e+00 : f32
    %sub3A_234 = vector.broadcast %sub3A_233 : f32 to vector<16xf32>
    %sub3A_235 = arith.subf %sub3A_234, %mul3A_232 : vector<16xf32>
    %mul3A_236 = arith.mulf %mul3A_230, %sub3A_235 : vector<16xf32>
    %jit3A = arith.constant 65536 : i32
    %jit3A_237 = arith.constant 0 : i32
    %broadcast_in_dim3A = vector.broadcast %jit3A : i32 to vector<16xi32>
    %broadcast_in_dim3A_238 = vector.broadcast %jit3A_237 : i32 to vector<16xi32>
    %select_n3A_239 = arith.select %gt3A, %broadcast_in_dim3A, %broadcast_in_dim3A_238 : vector<16xi1>, vector<16xi32>
    %mul3A_240 = arith.constant 2048 : i32
    %mul3A_241 = arith.muli %add3A, %mul3A_240 : i32
    %add3A_242 = vector.broadcast %mul3A_241 : i32 to vector<16xi32>
    %add3A_243 = arith.addi %select_n3A_239, %add3A_242 : vector<16xi32>
    %iota3A = tpu.iota {dimensions = array<i32: 0>} : vector<16xi32>
    %mul3A_244 = arith.constant 2048 : i32
    %mul3A_245 = arith.muli %add3A, %mul3A_244 : i32
    %scan3A = arith.constant 0 : i32
    %scan3A_246 = arith.constant 0 : i32
    %scan3A_247 = arith.constant 8 : i32
    %scan3A_248 = arith.addi %scan3A_246, %scan3A_247 : i32
    %scan3A_249 = arith.constant 1 : i32
    %scan3A_250 = scf.for %scan3A_787 = %scan3A_246 to %scan3A_248 step %scan3A_249 iter_args(%scan3A_788 = %scan3A) -> (i32)  : i32 {
      %add3A_789 = arith.constant 0 : i32
      %add3A_790 = vector.broadcast %add3A_789 : i32 to vector<16xi32>
      %add3A_791 = arith.addi %add3A_243, %add3A_790 : vector<16xi32>
      %mul3A_792 = arith.constant 16 : i32
      %mul3A_793 = arith.muli %scan3A_787, %mul3A_792 : i32
      %add3A_794 = vector.broadcast %mul3A_793 : i32 to vector<16xi32>
      %add3A_795 = arith.addi %add3A_791, %add3A_794 : vector<16xi32>
      %add3A_796 = arith.addi %add3A_795, %iota3A : vector<16xi32>
      %mul3A_797 = arith.constant 16 : i32
      %mul3A_798 = arith.muli %scan3A_787, %mul3A_797 : i32
      %add3A_799 = arith.constant 0 : i32
      %add3A_800 = arith.addi %add3A_799, %mul3A_798 : i32
      %swap3A = arith.index_cast %add3A_800 : i32 to index
      %swap3A_801 = tpu.vector_load %arg11[%swap3A] {strides = array<i32>} : memref<384xi32, #tpu.memory_space<vmem>>, vector<16xi32>,
      %swap3A_802 = vector.shape_cast %swap3A_801 : vector<16xi32> to vector<16xi32>
      %swap3A_803 = vector.shape_cast %add3A_796 : vector<16xi32> to vector<16xi32>
      tpu.vector_store %arg11[%swap3A], %swap3A_803 {strides = array<i32>} : memref<384xi32, #tpu.memory_space<vmem>>, vector<16xi32>,
      %scan3A_804 = arith.constant 0 : i32
      scf.yield %scan3A_804 : i32
    }
    %scan3A_251 = arith.constant 8 : i32
    %dma_start3A = arith.constant 0 : i32
    %dma_start3A_252 = tpu.memref_slice %arg11[%dma_start3A] : memref<384xi32, #tpu.memory_space<vmem>> -> memref<128xi32, #tpu.memory_space<vmem>>
    %dma_start3A_253 = arith.constant 0 : i32
    %dma_start3A_254 = arith.constant 0 : i32
    %dma_start3A_255 = tpu.memref_slice %arg2[%dma_start3A_253, %dma_start3A_254] : memref<131072x128xf32, #tpu.memory_space<hbm>> -> memref<131072x128xf32, #tpu.memory_space<hbm>>
    tpu.enqueue_indirect_dma source(%dma_start3A_255 : memref<131072x128xf32, #tpu.memory_space<hbm>>) target(%arg6 : memref<128x128xf32, #tpu.memory_space<vmem>>) offsets(%dma_start3A_252 : memref<128xi32, #tpu.memory_space<vmem>>) semaphore(%arg12 : memref<!tpu.dma_semaphore, #tpu.memory_space<semaphore_mem>>)
    %scan3A_256 = arith.constant 0 : i32
    %scan3A_257 = arith.constant 0 : i32
    %scan3A_258 = arith.constant 8 : i32
    %scan3A_259 = arith.addi %scan3A_257, %scan3A_258 : i32
    %scan3A_260 = arith.constant 1 : i32
    %scan3A_261 = scf.for %scan3A_787 = %scan3A_257 to %scan3A_259 step %scan3A_260 iter_args(%scan3A_788 = %scan3A_256) -> (i32)  : i32 {
      %add3A_789 = arith.constant 128 : i32
      %add3A_790 = vector.broadcast %add3A_789 : i32 to vector<16xi32>
      %add3A_791 = arith.addi %add3A_243, %add3A_790 : vector<16xi32>
      %mul3A_792 = arith.constant 16 : i32
      %mul3A_793 = arith.muli %scan3A_787, %mul3A_792 : i32
      %add3A_794 = vector.broadcast %mul3A_793 : i32 to vector<16xi32>
      %add3A_795 = arith.addi %add3A_791, %add3A_794 : vector<16xi32>
      %add3A_796 = arith.addi %add3A_795, %iota3A : vector<16xi32>
      %mul3A_797 = arith.constant 16 : i32
      %mul3A_798 = arith.muli %scan3A_787, %mul3A_797 : i32
      %add3A_799 = arith.constant 128 : i32
      %add3A_800 = arith.addi %add3A_799, %mul3A_798 : i32
      %swap3A = arith.index_cast %add3A_800 : i32 to index
      %swap3A_801 = tpu.vector_load %arg11[%swap3A] {strides = array<i32>} : memref<384xi32, #tpu.memory_space<vmem>>, vector<16xi32>,
      %swap3A_802 = vector.shape_cast %swap3A_801 : vector<16xi32> to vector<16xi32>
      %swap3A_803 = vector.shape_cast %add3A_796 : vector<16xi32> to vector<16xi32>
      tpu.vector_store %arg11[%swap3A], %swap3A_803 {strides = array<i32>} : memref<384xi32, #tpu.memory_space<vmem>>, vector<16xi32>,
      %scan3A_804 = arith.constant 0 : i32
      scf.yield %scan3A_804 : i32
    }
    %scan3A_262 = arith.constant 8 : i32
    %dma_start3A_263 = arith.constant 128 : i32
    %dma_start3A_264 = tpu.memref_slice %arg11[%dma_start3A_263] : memref<384xi32, #tpu.memory_space<vmem>> -> memref<128xi32, #tpu.memory_space<vmem>>
    %dma_start3A_265 = arith.constant 0 : i32
    %dma_start3A_266 = arith.constant 0 : i32
    %dma_start3A_267 = tpu.memref_slice %arg2[%dma_start3A_265, %dma_start3A_266] : memref<131072x128xf32, #tpu.memory_space<hbm>> -> memref<131072x128xf32, #tpu.memory_space<hbm>>
    tpu.enqueue_indirect_dma source(%dma_start3A_267 : memref<131072x128xf32, #tpu.memory_space<hbm>>) target(%arg7 : memref<128x128xf32, #tpu.memory_space<vmem>>) offsets(%dma_start3A_264 : memref<128xi32, #tpu.memory_space<vmem>>) semaphore(%arg13 : memref<!tpu.dma_semaphore, #tpu.memory_space<semaphore_mem>>)
    %scan3A_268 = arith.constant 0 : i32
    %scan3A_269 = arith.constant 0 : i32
    %scan3A_270 = arith.constant 8 : i32
    %scan3A_271 = arith.addi %scan3A_269, %scan3A_270 : i32
    %scan3A_272 = arith.constant 1 : i32
    %scan3A_273 = scf.for %scan3A_787 = %scan3A_269 to %scan3A_271 step %scan3A_272 iter_args(%scan3A_788 = %scan3A_268) -> (i32)  : i32 {
      %add3A_789 = arith.constant 256 : i32
      %add3A_790 = vector.broadcast %add3A_789 : i32 to vector<16xi32>
      %add3A_791 = arith.addi %add3A_243, %add3A_790 : vector<16xi32>
      %mul3A_792 = arith.constant 16 : i32
      %mul3A_793 = arith.muli %scan3A_787, %mul3A_792 : i32
      %add3A_794 = vector.broadcast %mul3A_793 : i32 to vector<16xi32>
      %add3A_795 = arith.addi %add3A_791, %add3A_794 : vector<16xi32>
      %add3A_796 = arith.addi %add3A_795, %iota3A : vector<16xi32>
      %mul3A_797 = arith.constant 16 : i32
      %mul3A_798 = arith.muli %scan3A_787, %mul3A_797 : i32
      %add3A_799 = arith.constant 256 : i32
      %add3A_800 = arith.addi %add3A_799, %mul3A_798 : i32
      %swap3A = arith.index_cast %add3A_800 : i32 to index
      %swap3A_801 = tpu.vector_load %arg11[%swap3A] {strides = array<i32>} : memref<384xi32, #tpu.memory_space<vmem>>, vector<16xi32>,
      %swap3A_802 = vector.shape_cast %swap3A_801 : vector<16xi32> to vector<16xi32>
      %swap3A_803 = vector.shape_cast %add3A_796 : vector<16xi32> to vector<16xi32>
      tpu.vector_store %arg11[%swap3A], %swap3A_803 {strides = array<i32>} : memref<384xi32, #tpu.memory_space<vmem>>, vector<16xi32>,
      %scan3A_804 = arith.constant 0 : i32
      scf.yield %scan3A_804 : i32
    }
    %scan3A_274 = arith.constant 8 : i32
    %dma_start3A_275 = arith.constant 256 : i32
    %dma_start3A_276 = tpu.memref_slice %arg11[%dma_start3A_275] : memref<384xi32, #tpu.memory_space<vmem>> -> memref<128xi32, #tpu.memory_space<vmem>>
    %dma_start3A_277 = arith.constant 0 : i32
    %dma_start3A_278 = arith.constant 0 : i32
    %dma_start3A_279 = tpu.memref_slice %arg2[%dma_start3A_277, %dma_start3A_278] : memref<131072x128xf32, #tpu.memory_space<hbm>> -> memref<131072x128xf32, #tpu.memory_space<hbm>>
    tpu.enqueue_indirect_dma source(%dma_start3A_279 : memref<131072x128xf32, #tpu.memory_space<hbm>>) target(%arg8 : memref<128x128xf32, #tpu.memory_space<vmem>>) offsets(%dma_start3A_276 : memref<128xi32, #tpu.memory_space<vmem>>) semaphore(%arg14 : memref<!tpu.dma_semaphore, #tpu.memory_space<semaphore_mem>>)
    %dma_wait3A = arith.constant 0 : i32
    %dma_wait3A_280 = tpu.memref_slice %arg11[%dma_wait3A] : memref<384xi32, #tpu.memory_space<vmem>> -> memref<128xi32, #tpu.memory_space<vmem>>
    %dma_wait3A_281 = arith.constant 0 : i32
    %dma_wait3A_282 = arith.constant 0 : i32
    %dma_wait3A_283 = tpu.memref_slice %arg2[%dma_wait3A_281, %dma_wait3A_282] : memref<131072x128xf32, #tpu.memory_space<hbm>> -> memref<131072x128xf32, #tpu.memory_space<hbm>>
    tpu.wait_indirect_dma semaphore(%arg12 : memref<!tpu.dma_semaphore, #tpu.memory_space<semaphore_mem>>) src(%dma_wait3A_283 : memref<131072x128xf32, #tpu.memory_space<hbm>>) dst(%arg6 : memref<128x128xf32, #tpu.memory_space<vmem>>)
    %scan3A_284 = arith.constant 0 : i32
    %scan3A_285 = arith.constant 0 : i32
    %scan3A_286 = arith.constant 128 : i32
    %scan3A_287 = arith.addi %scan3A_285, %scan3A_286 : i32
    %scan3A_288 = arith.constant 1 : i32
    %scan3A_289 = scf.for %scan3A_787 = %scan3A_285 to %scan3A_287 step %scan3A_288 iter_args(%scan3A_788 = %scan3A_284) -> (i32)  : i32 {
      %get3A_789 = arith.index_cast %scan3A_787 : i32 to index
      %get3A_790 = arith.constant 0 : index
      %get3A_791 = tpu.vector_load %arg6[%get3A_789, %get3A_790] {strides = array<i32>} : memref<128x128xf32, #tpu.memory_space<vmem>>, vector<1x16xf32>,
      %get3A_792 = vector.shape_cast %get3A_791 : vector<1x16xf32> to vector<16xf32>
      %mul3A_793 = arith.mulf %get3A_792, %mul3A_236 : vector<16xf32>
      %swap3A = arith.index_cast %scan3A_787 : i32 to index
      %swap3A_794 = arith.constant 0 : index
      %swap3A_795 = tpu.vector_load %arg6[%swap3A, %swap3A_794] {strides = array<i32>} : memref<128x128xf32, #tpu.memory_space<vmem>>, vector<1x16xf32>,
      %swap3A_796 = vector.shape_cast %swap3A_795 : vector<1x16xf32> to vector<16xf32>
      %swap3A_797 = vector.shape_cast %mul3A_793 : vector<16xf32> to vector<1x16xf32>
      tpu.vector_store %arg6[%swap3A, %swap3A_794], %swap3A_797 {strides = array<i32>} : memref<128x128xf32, #tpu.memory_space<vmem>>, vector<1x16xf32>,
      %get3A_798 = arith.index_cast %scan3A_787 : i32 to index
      %get3A_799 = arith.constant 16 : index
      %get3A_800 = tpu.vector_load %arg6[%get3A_798, %get3A_799] {strides = array<i32>} : memref<128x128xf32, #tpu.memory_space<vmem>>, vector<1x16xf32>,
      %get3A_801 = vector.shape_cast %get3A_800 : vector<1x16xf32> to vector<16xf32>
      %mul3A_802 = arith.mulf %get3A_801, %mul3A_236 : vector<16xf32>
      %swap3A_803 = arith.index_cast %scan3A_787 : i32 to index
      %swap3A_804 = arith.constant 16 : index
      %swap3A_805 = tpu.vector_load %arg6[%swap3A_803, %swap3A_804] {strides = array<i32>} : memref<128x128xf32, #tpu.memory_space<vmem>>, vector<1x16xf32>,
      %swap3A_806 = vector.shape_cast %swap3A_805 : vector<1x16xf32> to vector<16xf32>
      %swap3A_807 = vector.shape_cast %mul3A_802 : vector<16xf32> to vector<1x16xf32>
      tpu.vector_store %arg6[%swap3A_803, %swap3A_804], %swap3A_807 {strides = array<i32>} : memref<128x128xf32, #tpu.memory_space<vmem>>, vector<1x16xf32>,
      %get3A_808 = arith.index_cast %scan3A_787 : i32 to index
      %get3A_809 = arith.constant 32 : index
      %get3A_810 = tpu.vector_load %arg6[%get3A_808, %get3A_809] {strides = array<i32>} : memref<128x128xf32, #tpu.memory_space<vmem>>, vector<1x16xf32>,
      %get3A_811 = vector.shape_cast %get3A_810 : vector<1x16xf32> to vector<16xf32>
      %mul3A_812 = arith.mulf %get3A_811, %mul3A_236 : vector<16xf32>
      %swap3A_813 = arith.index_cast %scan3A_787 : i32 to index
      %swap3A_814 = arith.constant 32 : index
      %swap3A_815 = tpu.vector_load %arg6[%swap3A_813, %swap3A_814] {strides = array<i32>} : memref<128x128xf32, #tpu.memory_space<vmem>>, vector<1x16xf32>,
      %swap3A_816 = vector.shape_cast %swap3A_815 : vector<1x16xf32> to vector<16xf32>
      %swap3A_817 = vector.shape_cast %mul3A_812 : vector<16xf32> to vector<1x16xf32>
      tpu.vector_store %arg6[%swap3A_813, %swap3A_814], %swap3A_817 {strides = array<i32>} : memref<128x128xf32, #tpu.memory_space<vmem>>, vector<1x16xf32>,
      %get3A_818 = arith.index_cast %scan3A_787 : i32 to index
      %get3A_819 = arith.constant 48 : index
      %get3A_820 = tpu.vector_load %arg6[%get3A_818, %get3A_819] {strides = array<i32>} : memref<128x128xf32, #tpu.memory_space<vmem>>, vector<1x16xf32>,
      %get3A_821 = vector.shape_cast %get3A_820 : vector<1x16xf32> to vector<16xf32>
      %mul3A_822 = arith.mulf %get3A_821, %mul3A_236 : vector<16xf32>
      %swap3A_823 = arith.index_cast %scan3A_787 : i32 to index
      %swap3A_824 = arith.constant 48 : index
      %swap3A_825 = tpu.vector_load %arg6[%swap3A_823, %swap3A_824] {strides = array<i32>} : memref<128x128xf32, #tpu.memory_space<vmem>>, vector<1x16xf32>,
      %swap3A_826 = vector.shape_cast %swap3A_825 : vector<1x16xf32> to vector<16xf32>
      %swap3A_827 = vector.shape_cast %mul3A_822 : vector<16xf32> to vector<1x16xf32>
      tpu.vector_store %arg6[%swap3A_823, %swap3A_824], %swap3A_827 {strides = array<i32>} : memref<128x128xf32, #tpu.memory_space<vmem>>, vector<1x16xf32>,
      %get3A_828 = arith.index_cast %scan3A_787 : i32 to index
      %get3A_829 = arith.constant 64 : index
      %get3A_830 = tpu.vector_load %arg6[%get3A_828, %get3A_829] {strides = array<i32>} : memref<128x128xf32, #tpu.memory_space<vmem>>, vector<1x16xf32>,
      %get3A_831 = vector.shape_cast %get3A_830 : vector<1x16xf32> to vector<16xf32>
      %mul3A_832 = arith.mulf %get3A_831, %mul3A_236 : vector<16xf32>
      %swap3A_833 = arith.index_cast %scan3A_787 : i32 to index
      %swap3A_834 = arith.constant 64 : index
      %swap3A_835 = tpu.vector_load %arg6[%swap3A_833, %swap3A_834] {strides = array<i32>} : memref<128x128xf32, #tpu.memory_space<vmem>>, vector<1x16xf32>,
      %swap3A_836 = vector.shape_cast %swap3A_835 : vector<1x16xf32> to vector<16xf32>
      %swap3A_837 = vector.shape_cast %mul3A_832 : vector<16xf32> to vector<1x16xf32>
      tpu.vector_store %arg6[%swap3A_833, %swap3A_834], %swap3A_837 {strides = array<i32>} : memref<128x128xf32, #tpu.memory_space<vmem>>, vector<1x16xf32>,
      %get3A_838 = arith.index_cast %scan3A_787 : i32 to index
      %get3A_839 = arith.constant 80 : index
      %get3A_840 = tpu.vector_load %arg6[%get3A_838, %get3A_839] {strides = array<i32>} : memref<128x128xf32, #tpu.memory_space<vmem>>, vector<1x16xf32>,
      %get3A_841 = vector.shape_cast %get3A_840 : vector<1x16xf32> to vector<16xf32>
      %mul3A_842 = arith.mulf %get3A_841, %mul3A_236 : vector<16xf32>
      %swap3A_843 = arith.index_cast %scan3A_787 : i32 to index
      %swap3A_844 = arith.constant 80 : index
      %swap3A_845 = tpu.vector_load %arg6[%swap3A_843, %swap3A_844] {strides = array<i32>} : memref<128x128xf32, #tpu.memory_space<vmem>>, vector<1x16xf32>,
      %swap3A_846 = vector.shape_cast %swap3A_845 : vector<1x16xf32> to vector<16xf32>
      %swap3A_847 = vector.shape_cast %mul3A_842 : vector<16xf32> to vector<1x16xf32>
      tpu.vector_store %arg6[%swap3A_843, %swap3A_844], %swap3A_847 {strides = array<i32>} : memref<128x128xf32, #tpu.memory_space<vmem>>, vector<1x16xf32>,
      %get3A_848 = arith.index_cast %scan3A_787 : i32 to index
      %get3A_849 = arith.constant 96 : index
      %get3A_850 = tpu.vector_load %arg6[%get3A_848, %get3A_849] {strides = array<i32>} : memref<128x128xf32, #tpu.memory_space<vmem>>, vector<1x16xf32>,
      %get3A_851 = vector.shape_cast %get3A_850 : vector<1x16xf32> to vector<16xf32>
      %mul3A_852 = arith.mulf %get3A_851, %mul3A_236 : vector<16xf32>
      %swap3A_853 = arith.index_cast %scan3A_787 : i32 to index
      %swap3A_854 = arith.constant 96 : index
      %swap3A_855 = tpu.vector_load %arg6[%swap3A_853, %swap3A_854] {strides = array<i32>} : memref<128x128xf32, #tpu.memory_space<vmem>>, vector<1x16xf32>,
      %swap3A_856 = vector.shape_cast %swap3A_855 : vector<1x16xf32> to vector<16xf32>
      %swap3A_857 = vector.shape_cast %mul3A_852 : vector<16xf32> to vector<1x16xf32>
      tpu.vector_store %arg6[%swap3A_853, %swap3A_854], %swap3A_857 {strides = array<i32>} : memref<128x128xf32, #tpu.memory_space<vmem>>, vector<1x16xf32>,
      %get3A_858 = arith.index_cast %scan3A_787 : i32 to index
      %get3A_859 = arith.constant 112 : index
      %get3A_860 = tpu.vector_load %arg6[%get3A_858, %get3A_859] {strides = array<i32>} : memref<128x128xf32, #tpu.memory_space<vmem>>, vector<1x16xf32>,
      %get3A_861 = vector.shape_cast %get3A_860 : vector<1x16xf32> to vector<16xf32>
      %mul3A_862 = arith.mulf %get3A_861, %mul3A_236 : vector<16xf32>
      %swap3A_863 = arith.index_cast %scan3A_787 : i32 to index
      %swap3A_864 = arith.constant 112 : index
      %swap3A_865 = tpu.vector_load %arg6[%swap3A_863, %swap3A_864] {strides = array<i32>} : memref<128x128xf32, #tpu.memory_space<vmem>>, vector<1x16xf32>,
      %swap3A_866 = vector.shape_cast %swap3A_865 : vector<1x16xf32> to vector<16xf32>
      %swap3A_867 = vector.shape_cast %mul3A_862 : vector<16xf32> to vector<1x16xf32>
      tpu.vector_store %arg6[%swap3A_863, %swap3A_864], %swap3A_867 {strides = array<i32>} : memref<128x128xf32, #tpu.memory_space<vmem>>, vector<1x16xf32>,
      %scan3A_868 = arith.constant 0 : i32
      scf.yield %scan3A_868 : i32
    }
    %scan3A_290 = arith.constant 128 : i32
    %add3A_291 = arith.constant 0 : i32
    %add3A_292 = arith.addi %mul3A_245, %add3A_291 : i32
    %dma_start3A_293 = arith.constant 0 : i32
    %dma_start3A_294 = tpu.memref_slice %arg5[%add3A_292, %dma_start3A_293] : memref<65536x128xf32, #tpu.memory_space<hbm>> -> memref<128x128xf32, #tpu.memory_space<hbm>>
    %dma_start3A_295 = arith.constant 0 : i32
    %dma_start3A_296 = tpu.memref_slice %arg5[%add3A_292, %dma_start3A_295] : memref<65536x128xf32, #tpu.memory_space<hbm>> -> memref<128x128xf32, #tpu.memory_space<hbm>>
    tpu.enqueue_dma source(%arg6 : memref<128x128xf32, #tpu.memory_space<vmem>>) target(%dma_start3A_296 : memref<128x128xf32, #tpu.memory_space<hbm>>) target_semaphore(%arg15 : memref<!tpu.dma_semaphore, #tpu.memory_space<semaphore_mem>>)
    %dma_wait3A_297 = arith.constant 0 : i32
    %dma_wait3A_298 = tpu.memref_slice %arg5[%add3A_292, %dma_wait3A_297] : memref<65536x128xf32, #tpu.memory_space<hbm>> -> memref<128x128xf32, #tpu.memory_space<hbm>>
    %dma_wait3A_299 = arith.constant 0 : i32
    %dma_wait3A_300 = tpu.memref_slice %arg5[%add3A_292, %dma_wait3A_299] : memref<65536x128xf32, #tpu.memory_space<hbm>> -> memref<128x128xf32, #tpu.memory_space<hbm>>
    tpu.wait_dma2 semaphore(%arg15 : memref<!tpu.dma_semaphore, #tpu.memory_space<semaphore_mem>>) src(%arg6 : memref<128x128xf32, #tpu.memory_space<vmem>>) dst(%dma_wait3A_300 : memref<128x128xf32, #tpu.memory_space<hbm>>)
    %scan3A_301 = arith.constant 0 : i32
    %scan3A_302 = arith.constant 0 : i32
    %scan3A_303 = arith.constant 8 : i32
    %scan3A_304 = arith.addi %scan3A_302, %scan3A_303 : i32
    %scan3A_305 = arith.constant 1 : i32
    %scan3A_306 = scf.for %scan3A_787 = %scan3A_302 to %scan3A_304 step %scan3A_305 iter_args(%scan3A_788 = %scan3A_301) -> (i32)  : i32 {
      %add3A_789 = arith.constant 384 : i32
      %add3A_790 = vector.broadcast %add3A_789 : i32 to vector<16xi32>
      %add3A_791 = arith.addi %add3A_243, %add3A_790 : vector<16xi32>
      %mul3A_792 = arith.constant 16 : i32
      %mul3A_793 = arith.muli %scan3A_787, %mul3A_792 : i32
      %add3A_794 = vector.broadcast %mul3A_793 : i32 to vector<16xi32>
      %add3A_795 = arith.addi %add3A_791, %add3A_794 : vector<16xi32>
      %add3A_796 = arith.addi %add3A_795, %iota3A : vector<16xi32>
      %mul3A_797 = arith.constant 16 : i32
      %mul3A_798 = arith.muli %scan3A_787, %mul3A_797 : i32
      %add3A_799 = arith.constant 0 : i32
      %add3A_800 = arith.addi %add3A_799, %mul3A_798 : i32
      %swap3A = arith.index_cast %add3A_800 : i32 to index
      %swap3A_801 = tpu.vector_load %arg11[%swap3A] {strides = array<i32>} : memref<384xi32, #tpu.memory_space<vmem>>, vector<16xi32>,
      %swap3A_802 = vector.shape_cast %swap3A_801 : vector<16xi32> to vector<16xi32>
      %swap3A_803 = vector.shape_cast %add3A_796 : vector<16xi32> to vector<16xi32>
      tpu.vector_store %arg11[%swap3A], %swap3A_803 {strides = array<i32>} : memref<384xi32, #tpu.memory_space<vmem>>, vector<16xi32>,
      %scan3A_804 = arith.constant 0 : i32
      scf.yield %scan3A_804 : i32
    }
    %scan3A_307 = arith.constant 8 : i32
    %dma_start3A_308 = arith.constant 0 : i32
    %dma_start3A_309 = tpu.memref_slice %arg11[%dma_start3A_308] : memref<384xi32, #tpu.memory_space<vmem>> -> memref<128xi32, #tpu.memory_space<vmem>>
    %dma_start3A_310 = arith.constant 0 : i32
    %dma_start3A_311 = arith.constant 0 : i32
    %dma_start3A_312 = tpu.memref_slice %arg2[%dma_start3A_310, %dma_start3A_311] : memref<131072x128xf32, #tpu.memory_space<hbm>> -> memref<131072x128xf32, #tpu.memory_space<hbm>>
    tpu.enqueue_indirect_dma source(%dma_start3A_312 : memref<131072x128xf32, #tpu.memory_space<hbm>>) target(%arg6 : memref<128x128xf32, #tpu.memory_space<vmem>>) offsets(%dma_start3A_309 : memref<128xi32, #tpu.memory_space<vmem>>) semaphore(%arg12 : memref<!tpu.dma_semaphore, #tpu.memory_space<semaphore_mem>>)
    %dma_wait3A_313 = arith.constant 128 : i32
    %dma_wait3A_314 = tpu.memref_slice %arg11[%dma_wait3A_313] : memref<384xi32, #tpu.memory_space<vmem>> -> memref<128xi32, #tpu.memory_space<vmem>>
    %dma_wait3A_315 = arith.constant 0 : i32
    %dma_wait3A_316 = arith.constant 0 : i32
    %dma_wait3A_317 = tpu.memref_slice %arg2[%dma_wait3A_315, %dma_wait3A_316] : memref<131072x128xf32, #tpu.memory_space<hbm>> -> memref<131072x128xf32, #tpu.memory_space<hbm>>
    tpu.wait_indirect_dma semaphore(%arg13 : memref<!tpu.dma_semaphore, #tpu.memory_space<semaphore_mem>>) src(%dma_wait3A_317 : memref<131072x128xf32, #tpu.memory_space<hbm>>) dst(%arg7 : memref<128x128xf32, #tpu.memory_space<vmem>>)
    %scan3A_318 = arith.constant 0 : i32
    %scan3A_319 = arith.constant 0 : i32
    %scan3A_320 = arith.constant 128 : i32
    %scan3A_321 = arith.addi %scan3A_319, %scan3A_320 : i32
    %scan3A_322 = arith.constant 1 : i32
    %scan3A_323 = scf.for %scan3A_787 = %scan3A_319 to %scan3A_321 step %scan3A_322 iter_args(%scan3A_788 = %scan3A_318) -> (i32)  : i32 {
      %get3A_789 = arith.index_cast %scan3A_787 : i32 to index
      %get3A_790 = arith.constant 0 : index
      %get3A_791 = tpu.vector_load %arg7[%get3A_789, %get3A_790] {strides = array<i32>} : memref<128x128xf32, #tpu.memory_space<vmem>>, vector<1x16xf32>,
      %get3A_792 = vector.shape_cast %get3A_791 : vector<1x16xf32> to vector<16xf32>
      %mul3A_793 = arith.mulf %get3A_792, %mul3A_236 : vector<16xf32>
      %swap3A = arith.index_cast %scan3A_787 : i32 to index
      %swap3A_794 = arith.constant 0 : index
      %swap3A_795 = tpu.vector_load %arg7[%swap3A, %swap3A_794] {strides = array<i32>} : memref<128x128xf32, #tpu.memory_space<vmem>>, vector<1x16xf32>,
      %swap3A_796 = vector.shape_cast %swap3A_795 : vector<1x16xf32> to vector<16xf32>
      %swap3A_797 = vector.shape_cast %mul3A_793 : vector<16xf32> to vector<1x16xf32>
      tpu.vector_store %arg7[%swap3A, %swap3A_794], %swap3A_797 {strides = array<i32>} : memref<128x128xf32, #tpu.memory_space<vmem>>, vector<1x16xf32>,
      %get3A_798 = arith.index_cast %scan3A_787 : i32 to index
      %get3A_799 = arith.constant 16 : index
      %get3A_800 = tpu.vector_load %arg7[%get3A_798, %get3A_799] {strides = array<i32>} : memref<128x128xf32, #tpu.memory_space<vmem>>, vector<1x16xf32>,
      %get3A_801 = vector.shape_cast %get3A_800 : vector<1x16xf32> to vector<16xf32>
      %mul3A_802 = arith.mulf %get3A_801, %mul3A_236 : vector<16xf32>
      %swap3A_803 = arith.index_cast %scan3A_787 : i32 to index
      %swap3A_804 = arith.constant 16 : index
      %swap3A_805 = tpu.vector_load %arg7[%swap3A_803, %swap3A_804] {strides = array<i32>} : memref<128x128xf32, #tpu.memory_space<vmem>>, vector<1x16xf32>,
      %swap3A_806 = vector.shape_cast %swap3A_805 : vector<1x16xf32> to vector<16xf32>
      %swap3A_807 = vector.shape_cast %mul3A_802 : vector<16xf32> to vector<1x16xf32>
      tpu.vector_store %arg7[%swap3A_803, %swap3A_804], %swap3A_807 {strides = array<i32>} : memref<128x128xf32, #tpu.memory_space<vmem>>, vector<1x16xf32>,
      %get3A_808 = arith.index_cast %scan3A_787 : i32 to index
      %get3A_809 = arith.constant 32 : index
      %get3A_810 = tpu.vector_load %arg7[%get3A_808, %get3A_809] {strides = array<i32>} : memref<128x128xf32, #tpu.memory_space<vmem>>, vector<1x16xf32>,
      %get3A_811 = vector.shape_cast %get3A_810 : vector<1x16xf32> to vector<16xf32>
      %mul3A_812 = arith.mulf %get3A_811, %mul3A_236 : vector<16xf32>
      %swap3A_813 = arith.index_cast %scan3A_787 : i32 to index
      %swap3A_814 = arith.constant 32 : index
      %swap3A_815 = tpu.vector_load %arg7[%swap3A_813, %swap3A_814] {strides = array<i32>} : memref<128x128xf32, #tpu.memory_space<vmem>>, vector<1x16xf32>,
      %swap3A_816 = vector.shape_cast %swap3A_815 : vector<1x16xf32> to vector<16xf32>
      %swap3A_817 = vector.shape_cast %mul3A_812 : vector<16xf32> to vector<1x16xf32>
      tpu.vector_store %arg7[%swap3A_813, %swap3A_814], %swap3A_817 {strides = array<i32>} : memref<128x128xf32, #tpu.memory_space<vmem>>, vector<1x16xf32>,
      %get3A_818 = arith.index_cast %scan3A_787 : i32 to index
      %get3A_819 = arith.constant 48 : index
      %get3A_820 = tpu.vector_load %arg7[%get3A_818, %get3A_819] {strides = array<i32>} : memref<128x128xf32, #tpu.memory_space<vmem>>, vector<1x16xf32>,
      %get3A_821 = vector.shape_cast %get3A_820 : vector<1x16xf32> to vector<16xf32>
      %mul3A_822 = arith.mulf %get3A_821, %mul3A_236 : vector<16xf32>
      %swap3A_823 = arith.index_cast %scan3A_787 : i32 to index
      %swap3A_824 = arith.constant 48 : index
      %swap3A_825 = tpu.vector_load %arg7[%swap3A_823, %swap3A_824] {strides = array<i32>} : memref<128x128xf32, #tpu.memory_space<vmem>>, vector<1x16xf32>,
      %swap3A_826 = vector.shape_cast %swap3A_825 : vector<1x16xf32> to vector<16xf32>
      %swap3A_827 = vector.shape_cast %mul3A_822 : vector<16xf32> to vector<1x16xf32>
      tpu.vector_store %arg7[%swap3A_823, %swap3A_824], %swap3A_827 {strides = array<i32>} : memref<128x128xf32, #tpu.memory_space<vmem>>, vector<1x16xf32>,
      %get3A_828 = arith.index_cast %scan3A_787 : i32 to index
      %get3A_829 = arith.constant 64 : index
      %get3A_830 = tpu.vector_load %arg7[%get3A_828, %get3A_829] {strides = array<i32>} : memref<128x128xf32, #tpu.memory_space<vmem>>, vector<1x16xf32>,
      %get3A_831 = vector.shape_cast %get3A_830 : vector<1x16xf32> to vector<16xf32>
      %mul3A_832 = arith.mulf %get3A_831, %mul3A_236 : vector<16xf32>
      %swap3A_833 = arith.index_cast %scan3A_787 : i32 to index
      %swap3A_834 = arith.constant 64 : index
      %swap3A_835 = tpu.vector_load %arg7[%swap3A_833, %swap3A_834] {strides = array<i32>} : memref<128x128xf32, #tpu.memory_space<vmem>>, vector<1x16xf32>,
      %swap3A_836 = vector.shape_cast %swap3A_835 : vector<1x16xf32> to vector<16xf32>
      %swap3A_837 = vector.shape_cast %mul3A_832 : vector<16xf32> to vector<1x16xf32>
      tpu.vector_store %arg7[%swap3A_833, %swap3A_834], %swap3A_837 {strides = array<i32>} : memref<128x128xf32, #tpu.memory_space<vmem>>, vector<1x16xf32>,
      %get3A_838 = arith.index_cast %scan3A_787 : i32 to index
      %get3A_839 = arith.constant 80 : index
      %get3A_840 = tpu.vector_load %arg7[%get3A_838, %get3A_839] {strides = array<i32>} : memref<128x128xf32, #tpu.memory_space<vmem>>, vector<1x16xf32>,
      %get3A_841 = vector.shape_cast %get3A_840 : vector<1x16xf32> to vector<16xf32>
      %mul3A_842 = arith.mulf %get3A_841, %mul3A_236 : vector<16xf32>
      %swap3A_843 = arith.index_cast %scan3A_787 : i32 to index
      %swap3A_844 = arith.constant 80 : index
      %swap3A_845 = tpu.vector_load %arg7[%swap3A_843, %swap3A_844] {strides = array<i32>} : memref<128x128xf32, #tpu.memory_space<vmem>>, vector<1x16xf32>,
      %swap3A_846 = vector.shape_cast %swap3A_845 : vector<1x16xf32> to vector<16xf32>
      %swap3A_847 = vector.shape_cast %mul3A_842 : vector<16xf32> to vector<1x16xf32>
      tpu.vector_store %arg7[%swap3A_843, %swap3A_844], %swap3A_847 {strides = array<i32>} : memref<128x128xf32, #tpu.memory_space<vmem>>, vector<1x16xf32>,
      %get3A_848 = arith.index_cast %scan3A_787 : i32 to index
      %get3A_849 = arith.constant 96 : index
      %get3A_850 = tpu.vector_load %arg7[%get3A_848, %get3A_849] {strides = array<i32>} : memref<128x128xf32, #tpu.memory_space<vmem>>, vector<1x16xf32>,
      %get3A_851 = vector.shape_cast %get3A_850 : vector<1x16xf32> to vector<16xf32>
      %mul3A_852 = arith.mulf %get3A_851, %mul3A_236 : vector<16xf32>
      %swap3A_853 = arith.index_cast %scan3A_787 : i32 to index
      %swap3A_854 = arith.constant 96 : index
      %swap3A_855 = tpu.vector_load %arg7[%swap3A_853, %swap3A_854] {strides = array<i32>} : memref<128x128xf32, #tpu.memory_space<vmem>>, vector<1x16xf32>,
      %swap3A_856 = vector.shape_cast %swap3A_855 : vector<1x16xf32> to vector<16xf32>
      %swap3A_857 = vector.shape_cast %mul3A_852 : vector<16xf32> to vector<1x16xf32>
      tpu.vector_store %arg7[%swap3A_853, %swap3A_854], %swap3A_857 {strides = array<i32>} : memref<128x128xf32, #tpu.memory_space<vmem>>, vector<1x16xf32>,
      %get3A_858 = arith.index_cast %scan3A_787 : i32 to index
      %get3A_859 = arith.constant 112 : index
      %get3A_860 = tpu.vector_load %arg7[%get3A_858, %get3A_859] {strides = array<i32>} : memref<128x128xf32, #tpu.memory_space<vmem>>, vector<1x16xf32>,
      %get3A_861 = vector.shape_cast %get3A_860 : vector<1x16xf32> to vector<16xf32>
      %mul3A_862 = arith.mulf %get3A_861, %mul3A_236 : vector<16xf32>
      %swap3A_863 = arith.index_cast %scan3A_787 : i32 to index
      %swap3A_864 = arith.constant 112 : index
      %swap3A_865 = tpu.vector_load %arg7[%swap3A_863, %swap3A_864] {strides = array<i32>} : memref<128x128xf32, #tpu.memory_space<vmem>>, vector<1x16xf32>,
      %swap3A_866 = vector.shape_cast %swap3A_865 : vector<1x16xf32> to vector<16xf32>
      %swap3A_867 = vector.shape_cast %mul3A_862 : vector<16xf32> to vector<1x16xf32>
      tpu.vector_store %arg7[%swap3A_863, %swap3A_864], %swap3A_867 {strides = array<i32>} : memref<128x128xf32, #tpu.memory_space<vmem>>, vector<1x16xf32>,
      %scan3A_868 = arith.constant 0 : i32
      scf.yield %scan3A_868 : i32
    }
    %scan3A_324 = arith.constant 128 : i32
    %add3A_325 = arith.constant 128 : i32
    %add3A_326 = arith.addi %mul3A_245, %add3A_325 : i32
    %dma_start3A_327 = arith.constant 0 : i32
    %dma_start3A_328 = tpu.memref_slice %arg5[%add3A_326, %dma_start3A_327] : memref<65536x128xf32, #tpu.memory_space<hbm>> -> memref<128x128xf32, #tpu.memory_space<hbm>>
    %dma_start3A_329 = arith.constant 0 : i32
    %dma_start3A_330 = tpu.memref_slice %arg5[%add3A_326, %dma_start3A_329] : memref<65536x128xf32, #tpu.memory_space<hbm>> -> memref<128x128xf32, #tpu.memory_space<hbm>>
    tpu.enqueue_dma source(%arg7 : memref<128x128xf32, #tpu.memory_space<vmem>>) target(%dma_start3A_330 : memref<128x128xf32, #tpu.memory_space<hbm>>) target_semaphore(%arg16 : memref<!tpu.dma_semaphore, #tpu.memory_space<semaphore_mem>>)
    %dma_wait3A_331 = arith.constant 0 : i32
    %dma_wait3A_332 = tpu.memref_slice %arg5[%add3A_326, %dma_wait3A_331] : memref<65536x128xf32, #tpu.memory_space<hbm>> -> memref<128x128xf32, #tpu.memory_space<hbm>>
    %dma_wait3A_333 = arith.constant 0 : i32
    %dma_wait3A_334 = tpu.memref_slice %arg5[%add3A_326, %dma_wait3A_333] : memref<65536x128xf32, #tpu.memory_space<hbm>> -> memref<128x128xf32, #tpu.memory_space<hbm>>
    tpu.wait_dma2 semaphore(%arg16 : memref<!tpu.dma_semaphore, #tpu.memory_space<semaphore_mem>>) src(%arg7 : memref<128x128xf32, #tpu.memory_space<vmem>>) dst(%dma_wait3A_334 : memref<128x128xf32, #tpu.memory_space<hbm>>)
    %scan3A_335 = arith.constant 0 : i32
    %scan3A_336 = arith.constant 0 : i32
    %scan3A_337 = arith.constant 8 : i32
    %scan3A_338 = arith.addi %scan3A_336, %scan3A_337 : i32
    %scan3A_339 = arith.constant 1 : i32
    %scan3A_340 = scf.for %scan3A_787 = %scan3A_336 to %scan3A_338 step %scan3A_339 iter_args(%scan3A_788 = %scan3A_335) -> (i32)  : i32 {
      %add3A_789 = arith.constant 512 : i32
      %add3A_790 = vector.broadcast %add3A_789 : i32 to vector<16xi32>
      %add3A_791 = arith.addi %add3A_243, %add3A_790 : vector<16xi32>
      %mul3A_792 = arith.constant 16 : i32
      %mul3A_793 = arith.muli %scan3A_787, %mul3A_792 : i32
      %add3A_794 = vector.broadcast %mul3A_793 : i32 to vector<16xi32>
      %add3A_795 = arith.addi %add3A_791, %add3A_794 : vector<16xi32>
      %add3A_796 = arith.addi %add3A_795, %iota3A : vector<16xi32>
      %mul3A_797 = arith.constant 16 : i32
      %mul3A_798 = arith.muli %scan3A_787, %mul3A_797 : i32
      %add3A_799 = arith.constant 128 : i32
      %add3A_800 = arith.addi %add3A_799, %mul3A_798 : i32
      %swap3A = arith.index_cast %add3A_800 : i32 to index
      %swap3A_801 = tpu.vector_load %arg11[%swap3A] {strides = array<i32>} : memref<384xi32, #tpu.memory_space<vmem>>, vector<16xi32>,
      %swap3A_802 = vector.shape_cast %swap3A_801 : vector<16xi32> to vector<16xi32>
      %swap3A_803 = vector.shape_cast %add3A_796 : vector<16xi32> to vector<16xi32>
      tpu.vector_store %arg11[%swap3A], %swap3A_803 {strides = array<i32>} : memref<384xi32, #tpu.memory_space<vmem>>, vector<16xi32>,
      %scan3A_804 = arith.constant 0 : i32
      scf.yield %scan3A_804 : i32
    }
    %scan3A_341 = arith.constant 8 : i32
    %dma_start3A_342 = arith.constant 128 : i32
    %dma_start3A_343 = tpu.memref_slice %arg11[%dma_start3A_342] : memref<384xi32, #tpu.memory_space<vmem>> -> memref<128xi32, #tpu.memory_space<vmem>>
    %dma_start3A_344 = arith.constant 0 : i32
    %dma_start3A_345 = arith.constant 0 : i32
    %dma_start3A_346 = tpu.memref_slice %arg2[%dma_start3A_344, %dma_start3A_345] : memref<131072x128xf32, #tpu.memory_space<hbm>> -> memref<131072x128xf32, #tpu.memory_space<hbm>>
    tpu.enqueue_indirect_dma source(%dma_start3A_346 : memref<131072x128xf32, #tpu.memory_space<hbm>>) target(%arg7 : memref<128x128xf32, #tpu.memory_space<vmem>>) offsets(%dma_start3A_343 : memref<128xi32, #tpu.memory_space<vmem>>) semaphore(%arg13 : memref<!tpu.dma_semaphore, #tpu.memory_space<semaphore_mem>>)
    %dma_wait3A_347 = arith.constant 256 : i32
    %dma_wait3A_348 = tpu.memref_slice %arg11[%dma_wait3A_347] : memref<384xi32, #tpu.memory_space<vmem>> -> memref<128xi32, #tpu.memory_space<vmem>>
    %dma_wait3A_349 = arith.constant 0 : i32
    %dma_wait3A_350 = arith.constant 0 : i32
    %dma_wait3A_351 = tpu.memref_slice %arg2[%dma_wait3A_349, %dma_wait3A_350] : memref<131072x128xf32, #tpu.memory_space<hbm>> -> memref<131072x128xf32, #tpu.memory_space<hbm>>
    tpu.wait_indirect_dma semaphore(%arg14 : memref<!tpu.dma_semaphore, #tpu.memory_space<semaphore_mem>>) src(%dma_wait3A_351 : memref<131072x128xf32, #tpu.memory_space<hbm>>) dst(%arg8 : memref<128x128xf32, #tpu.memory_space<vmem>>)
    %scan3A_352 = arith.constant 0 : i32
    %scan3A_353 = arith.constant 0 : i32
    %scan3A_354 = arith.constant 128 : i32
    %scan3A_355 = arith.addi %scan3A_353, %scan3A_354 : i32
    %scan3A_356 = arith.constant 1 : i32
    %scan3A_357 = scf.for %scan3A_787 = %scan3A_353 to %scan3A_355 step %scan3A_356 iter_args(%scan3A_788 = %scan3A_352) -> (i32)  : i32 {
      %get3A_789 = arith.index_cast %scan3A_787 : i32 to index
      %get3A_790 = arith.constant 0 : index
      %get3A_791 = tpu.vector_load %arg8[%get3A_789, %get3A_790] {strides = array<i32>} : memref<128x128xf32, #tpu.memory_space<vmem>>, vector<1x16xf32>,
      %get3A_792 = vector.shape_cast %get3A_791 : vector<1x16xf32> to vector<16xf32>
      %mul3A_793 = arith.mulf %get3A_792, %mul3A_236 : vector<16xf32>
      %swap3A = arith.index_cast %scan3A_787 : i32 to index
      %swap3A_794 = arith.constant 0 : index
      %swap3A_795 = tpu.vector_load %arg8[%swap3A, %swap3A_794] {strides = array<i32>} : memref<128x128xf32, #tpu.memory_space<vmem>>, vector<1x16xf32>,
      %swap3A_796 = vector.shape_cast %swap3A_795 : vector<1x16xf32> to vector<16xf32>
      %swap3A_797 = vector.shape_cast %mul3A_793 : vector<16xf32> to vector<1x16xf32>
      tpu.vector_store %arg8[%swap3A, %swap3A_794], %swap3A_797 {strides = array<i32>} : memref<128x128xf32, #tpu.memory_space<vmem>>, vector<1x16xf32>,
      %get3A_798 = arith.index_cast %scan3A_787 : i32 to index
      %get3A_799 = arith.constant 16 : index
      %get3A_800 = tpu.vector_load %arg8[%get3A_798, %get3A_799] {strides = array<i32>} : memref<128x128xf32, #tpu.memory_space<vmem>>, vector<1x16xf32>,
      %get3A_801 = vector.shape_cast %get3A_800 : vector<1x16xf32> to vector<16xf32>
      %mul3A_802 = arith.mulf %get3A_801, %mul3A_236 : vector<16xf32>
      %swap3A_803 = arith.index_cast %scan3A_787 : i32 to index
      %swap3A_804 = arith.constant 16 : index
      %swap3A_805 = tpu.vector_load %arg8[%swap3A_803, %swap3A_804] {strides = array<i32>} : memref<128x128xf32, #tpu.memory_space<vmem>>, vector<1x16xf32>,
      %swap3A_806 = vector.shape_cast %swap3A_805 : vector<1x16xf32> to vector<16xf32>
      %swap3A_807 = vector.shape_cast %mul3A_802 : vector<16xf32> to vector<1x16xf32>
      tpu.vector_store %arg8[%swap3A_803, %swap3A_804], %swap3A_807 {strides = array<i32>} : memref<128x128xf32, #tpu.memory_space<vmem>>, vector<1x16xf32>,
      %get3A_808 = arith.index_cast %scan3A_787 : i32 to index
      %get3A_809 = arith.constant 32 : index
      %get3A_810 = tpu.vector_load %arg8[%get3A_808, %get3A_809] {strides = array<i32>} : memref<128x128xf32, #tpu.memory_space<vmem>>, vector<1x16xf32>,
      %get3A_811 = vector.shape_cast %get3A_810 : vector<1x16xf32> to vector<16xf32>
      %mul3A_812 = arith.mulf %get3A_811, %mul3A_236 : vector<16xf32>
      %swap3A_813 = arith.index_cast %scan3A_787 : i32 to index
      %swap3A_814 = arith.constant 32 : index
      %swap3A_815 = tpu.vector_load %arg8[%swap3A_813, %swap3A_814] {strides = array<i32>} : memref<128x128xf32, #tpu.memory_space<vmem>>, vector<1x16xf32>,
      %swap3A_816 = vector.shape_cast %swap3A_815 : vector<1x16xf32> to vector<16xf32>
      %swap3A_817 = vector.shape_cast %mul3A_812 : vector<16xf32> to vector<1x16xf32>
      tpu.vector_store %arg8[%swap3A_813, %swap3A_814], %swap3A_817 {strides = array<i32>} : memref<128x128xf32, #tpu.memory_space<vmem>>, vector<1x16xf32>,
      %get3A_818 = arith.index_cast %scan3A_787 : i32 to index
      %get3A_819 = arith.constant 48 : index
      %get3A_820 = tpu.vector_load %arg8[%get3A_818, %get3A_819] {strides = array<i32>} : memref<128x128xf32, #tpu.memory_space<vmem>>, vector<1x16xf32>,
      %get3A_821 = vector.shape_cast %get3A_820 : vector<1x16xf32> to vector<16xf32>
      %mul3A_822 = arith.mulf %get3A_821, %mul3A_236 : vector<16xf32>
      %swap3A_823 = arith.index_cast %scan3A_787 : i32 to index
      %swap3A_824 = arith.constant 48 : index
      %swap3A_825 = tpu.vector_load %arg8[%swap3A_823, %swap3A_824] {strides = array<i32>} : memref<128x128xf32, #tpu.memory_space<vmem>>, vector<1x16xf32>,
      %swap3A_826 = vector.shape_cast %swap3A_825 : vector<1x16xf32> to vector<16xf32>
      %swap3A_827 = vector.shape_cast %mul3A_822 : vector<16xf32> to vector<1x16xf32>
      tpu.vector_store %arg8[%swap3A_823, %swap3A_824], %swap3A_827 {strides = array<i32>} : memref<128x128xf32, #tpu.memory_space<vmem>>, vector<1x16xf32>,
      %get3A_828 = arith.index_cast %scan3A_787 : i32 to index
      %get3A_829 = arith.constant 64 : index
      %get3A_830 = tpu.vector_load %arg8[%get3A_828, %get3A_829] {strides = array<i32>} : memref<128x128xf32, #tpu.memory_space<vmem>>, vector<1x16xf32>,
      %get3A_831 = vector.shape_cast %get3A_830 : vector<1x16xf32> to vector<16xf32>
      %mul3A_832 = arith.mulf %get3A_831, %mul3A_236 : vector<16xf32>
      %swap3A_833 = arith.index_cast %scan3A_787 : i32 to index
      %swap3A_834 = arith.constant 64 : index
      %swap3A_835 = tpu.vector_load %arg8[%swap3A_833, %swap3A_834] {strides = array<i32>} : memref<128x128xf32, #tpu.memory_space<vmem>>, vector<1x16xf32>,
      %swap3A_836 = vector.shape_cast %swap3A_835 : vector<1x16xf32> to vector<16xf32>
      %swap3A_837 = vector.shape_cast %mul3A_832 : vector<16xf32> to vector<1x16xf32>
      tpu.vector_store %arg8[%swap3A_833, %swap3A_834], %swap3A_837 {strides = array<i32>} : memref<128x128xf32, #tpu.memory_space<vmem>>, vector<1x16xf32>,
      %get3A_838 = arith.index_cast %scan3A_787 : i32 to index
      %get3A_839 = arith.constant 80 : index
      %get3A_840 = tpu.vector_load %arg8[%get3A_838, %get3A_839] {strides = array<i32>} : memref<128x128xf32, #tpu.memory_space<vmem>>, vector<1x16xf32>,
      %get3A_841 = vector.shape_cast %get3A_840 : vector<1x16xf32> to vector<16xf32>
      %mul3A_842 = arith.mulf %get3A_841, %mul3A_236 : vector<16xf32>
      %swap3A_843 = arith.index_cast %scan3A_787 : i32 to index
      %swap3A_844 = arith.constant 80 : index
      %swap3A_845 = tpu.vector_load %arg8[%swap3A_843, %swap3A_844] {strides = array<i32>} : memref<128x128xf32, #tpu.memory_space<vmem>>, vector<1x16xf32>,
      %swap3A_846 = vector.shape_cast %swap3A_845 : vector<1x16xf32> to vector<16xf32>
      %swap3A_847 = vector.shape_cast %mul3A_842 : vector<16xf32> to vector<1x16xf32>
      tpu.vector_store %arg8[%swap3A_843, %swap3A_844], %swap3A_847 {strides = array<i32>} : memref<128x128xf32, #tpu.memory_space<vmem>>, vector<1x16xf32>,
      %get3A_848 = arith.index_cast %scan3A_787 : i32 to index
      %get3A_849 = arith.constant 96 : index
      %get3A_850 = tpu.vector_load %arg8[%get3A_848, %get3A_849] {strides = array<i32>} : memref<128x128xf32, #tpu.memory_space<vmem>>, vector<1x16xf32>,
      %get3A_851 = vector.shape_cast %get3A_850 : vector<1x16xf32> to vector<16xf32>
      %mul3A_852 = arith.mulf %get3A_851, %mul3A_236 : vector<16xf32>
      %swap3A_853 = arith.index_cast %scan3A_787 : i32 to index
      %swap3A_854 = arith.constant 96 : index
      %swap3A_855 = tpu.vector_load %arg8[%swap3A_853, %swap3A_854] {strides = array<i32>} : memref<128x128xf32, #tpu.memory_space<vmem>>, vector<1x16xf32>,
      %swap3A_856 = vector.shape_cast %swap3A_855 : vector<1x16xf32> to vector<16xf32>
      %swap3A_857 = vector.shape_cast %mul3A_852 : vector<16xf32> to vector<1x16xf32>
      tpu.vector_store %arg8[%swap3A_853, %swap3A_854], %swap3A_857 {strides = array<i32>} : memref<128x128xf32, #tpu.memory_space<vmem>>, vector<1x16xf32>,
      %get3A_858 = arith.index_cast %scan3A_787 : i32 to index
      %get3A_859 = arith.constant 112 : index
      %get3A_860 = tpu.vector_load %arg8[%get3A_858, %get3A_859] {strides = array<i32>} : memref<128x128xf32, #tpu.memory_space<vmem>>, vector<1x16xf32>,
      %get3A_861 = vector.shape_cast %get3A_860 : vector<1x16xf32> to vector<16xf32>
      %mul3A_862 = arith.mulf %get3A_861, %mul3A_236 : vector<16xf32>
      %swap3A_863 = arith.index_cast %scan3A_787 : i32 to index
      %swap3A_864 = arith.constant 112 : index
      %swap3A_865 = tpu.vector_load %arg8[%swap3A_863, %swap3A_864] {strides = array<i32>} : memref<128x128xf32, #tpu.memory_space<vmem>>, vector<1x16xf32>,
      %swap3A_866 = vector.shape_cast %swap3A_865 : vector<1x16xf32> to vector<16xf32>
      %swap3A_867 = vector.shape_cast %mul3A_862 : vector<16xf32> to vector<1x16xf32>
      tpu.vector_store %arg8[%swap3A_863, %swap3A_864], %swap3A_867 {strides = array<i32>} : memref<128x128xf32, #tpu.memory_space<vmem>>, vector<1x16xf32>,
      %scan3A_868 = arith.constant 0 : i32
      scf.yield %scan3A_868 : i32
    }
    %scan3A_358 = arith.constant 128 : i32
    %add3A_359 = arith.constant 256 : i32
    %add3A_360 = arith.addi %mul3A_245, %add3A_359 : i32
    %dma_start3A_361 = arith.constant 0 : i32
    %dma_start3A_362 = tpu.memref_slice %arg5[%add3A_360, %dma_start3A_361] : memref<65536x128xf32, #tpu.memory_space<hbm>> -> memref<128x128xf32, #tpu.memory_space<hbm>>
    %dma_start3A_363 = arith.constant 0 : i32
    %dma_start3A_364 = tpu.memref_slice %arg5[%add3A_360, %dma_start3A_363] : memref<65536x128xf32, #tpu.memory_space<hbm>> -> memref<128x128xf32, #tpu.memory_space<hbm>>
    tpu.enqueue_dma source(%arg8 : memref<128x128xf32, #tpu.memory_space<vmem>>) target(%dma_start3A_364 : memref<128x128xf32, #tpu.memory_space<hbm>>) target_semaphore(%arg17 : memref<!tpu.dma_semaphore, #tpu.memory_space<semaphore_mem>>)
    %dma_wait3A_365 = arith.constant 0 : i32
    %dma_wait3A_366 = tpu.memref_slice %arg5[%add3A_360, %dma_wait3A_365] : memref<65536x128xf32, #tpu.memory_space<hbm>> -> memref<128x128xf32, #tpu.memory_space<hbm>>
    %dma_wait3A_367 = arith.constant 0 : i32
    %dma_wait3A_368 = tpu.memref_slice %arg5[%add3A_360, %dma_wait3A_367] : memref<65536x128xf32, #tpu.memory_space<hbm>> -> memref<128x128xf32, #tpu.memory_space<hbm>>
    tpu.wait_dma2 semaphore(%arg17 : memref<!tpu.dma_semaphore, #tpu.memory_space<semaphore_mem>>) src(%arg8 : memref<128x128xf32, #tpu.memory_space<vmem>>) dst(%dma_wait3A_368 : memref<128x128xf32, #tpu.memory_space<hbm>>)
    %scan3A_369 = arith.constant 0 : i32
    %scan3A_370 = arith.constant 0 : i32
    %scan3A_371 = arith.constant 8 : i32
    %scan3A_372 = arith.addi %scan3A_370, %scan3A_371 : i32
    %scan3A_373 = arith.constant 1 : i32
    %scan3A_374 = scf.for %scan3A_787 = %scan3A_370 to %scan3A_372 step %scan3A_373 iter_args(%scan3A_788 = %scan3A_369) -> (i32)  : i32 {
      %add3A_789 = arith.constant 640 : i32
      %add3A_790 = vector.broadcast %add3A_789 : i32 to vector<16xi32>
      %add3A_791 = arith.addi %add3A_243, %add3A_790 : vector<16xi32>
      %mul3A_792 = arith.constant 16 : i32
      %mul3A_793 = arith.muli %scan3A_787, %mul3A_792 : i32
      %add3A_794 = vector.broadcast %mul3A_793 : i32 to vector<16xi32>
      %add3A_795 = arith.addi %add3A_791, %add3A_794 : vector<16xi32>
      %add3A_796 = arith.addi %add3A_795, %iota3A : vector<16xi32>
      %mul3A_797 = arith.constant 16 : i32
      %mul3A_798 = arith.muli %scan3A_787, %mul3A_797 : i32
      %add3A_799 = arith.constant 256 : i32
      %add3A_800 = arith.addi %add3A_799, %mul3A_798 : i32
      %swap3A = arith.index_cast %add3A_800 : i32 to index
      %swap3A_801 = tpu.vector_load %arg11[%swap3A] {strides = array<i32>} : memref<384xi32, #tpu.memory_space<vmem>>, vector<16xi32>,
      %swap3A_802 = vector.shape_cast %swap3A_801 : vector<16xi32> to vector<16xi32>
      %swap3A_803 = vector.shape_cast %add3A_796 : vector<16xi32> to vector<16xi32>
      tpu.vector_store %arg11[%swap3A], %swap3A_803 {strides = array<i32>} : memref<384xi32, #tpu.memory_space<vmem>>, vector<16xi32>,
      %scan3A_804 = arith.constant 0 : i32
      scf.yield %scan3A_804 : i32
    }
    %scan3A_375 = arith.constant 8 : i32
    %dma_start3A_376 = arith.constant 256 : i32
    %dma_start3A_377 = tpu.memref_slice %arg11[%dma_start3A_376] : memref<384xi32, #tpu.memory_space<vmem>> -> memref<128xi32, #tpu.memory_space<vmem>>
    %dma_start3A_378 = arith.constant 0 : i32
    %dma_start3A_379 = arith.constant 0 : i32
    %dma_start3A_380 = tpu.memref_slice %arg2[%dma_start3A_378, %dma_start3A_379] : memref<131072x128xf32, #tpu.memory_space<hbm>> -> memref<131072x128xf32, #tpu.memory_space<hbm>>
    tpu.enqueue_indirect_dma source(%dma_start3A_380 : memref<131072x128xf32, #tpu.memory_space<hbm>>) target(%arg8 : memref<128x128xf32, #tpu.memory_space<vmem>>) offsets(%dma_start3A_377 : memref<128xi32, #tpu.memory_space<vmem>>) semaphore(%arg14 : memref<!tpu.dma_semaphore, #tpu.memory_space<semaphore_mem>>)
    %dma_wait3A_381 = arith.constant 0 : i32
    %dma_wait3A_382 = tpu.memref_slice %arg11[%dma_wait3A_381] : memref<384xi32, #tpu.memory_space<vmem>> -> memref<128xi32, #tpu.memory_space<vmem>>
    %dma_wait3A_383 = arith.constant 0 : i32
    %dma_wait3A_384 = arith.constant 0 : i32
    %dma_wait3A_385 = tpu.memref_slice %arg2[%dma_wait3A_383, %dma_wait3A_384] : memref<131072x128xf32, #tpu.memory_space<hbm>> -> memref<131072x128xf32, #tpu.memory_space<hbm>>
    tpu.wait_indirect_dma semaphore(%arg12 : memref<!tpu.dma_semaphore, #tpu.memory_space<semaphore_mem>>) src(%dma_wait3A_385 : memref<131072x128xf32, #tpu.memory_space<hbm>>) dst(%arg6 : memref<128x128xf32, #tpu.memory_space<vmem>>)
    %scan3A_386 = arith.constant 0 : i32
    %scan3A_387 = arith.constant 0 : i32
    %scan3A_388 = arith.constant 128 : i32
    %scan3A_389 = arith.addi %scan3A_387, %scan3A_388 : i32
    %scan3A_390 = arith.constant 1 : i32
    %scan3A_391 = scf.for %scan3A_787 = %scan3A_387 to %scan3A_389 step %scan3A_390 iter_args(%scan3A_788 = %scan3A_386) -> (i32)  : i32 {
      %get3A_789 = arith.index_cast %scan3A_787 : i32 to index
      %get3A_790 = arith.constant 0 : index
      %get3A_791 = tpu.vector_load %arg6[%get3A_789, %get3A_790] {strides = array<i32>} : memref<128x128xf32, #tpu.memory_space<vmem>>, vector<1x16xf32>,
      %get3A_792 = vector.shape_cast %get3A_791 : vector<1x16xf32> to vector<16xf32>
      %mul3A_793 = arith.mulf %get3A_792, %mul3A_236 : vector<16xf32>
      %swap3A = arith.index_cast %scan3A_787 : i32 to index
      %swap3A_794 = arith.constant 0 : index
      %swap3A_795 = tpu.vector_load %arg6[%swap3A, %swap3A_794] {strides = array<i32>} : memref<128x128xf32, #tpu.memory_space<vmem>>, vector<1x16xf32>,
      %swap3A_796 = vector.shape_cast %swap3A_795 : vector<1x16xf32> to vector<16xf32>
      %swap3A_797 = vector.shape_cast %mul3A_793 : vector<16xf32> to vector<1x16xf32>
      tpu.vector_store %arg6[%swap3A, %swap3A_794], %swap3A_797 {strides = array<i32>} : memref<128x128xf32, #tpu.memory_space<vmem>>, vector<1x16xf32>,
      %get3A_798 = arith.index_cast %scan3A_787 : i32 to index
      %get3A_799 = arith.constant 16 : index
      %get3A_800 = tpu.vector_load %arg6[%get3A_798, %get3A_799] {strides = array<i32>} : memref<128x128xf32, #tpu.memory_space<vmem>>, vector<1x16xf32>,
      %get3A_801 = vector.shape_cast %get3A_800 : vector<1x16xf32> to vector<16xf32>
      %mul3A_802 = arith.mulf %get3A_801, %mul3A_236 : vector<16xf32>
      %swap3A_803 = arith.index_cast %scan3A_787 : i32 to index
      %swap3A_804 = arith.constant 16 : index
      %swap3A_805 = tpu.vector_load %arg6[%swap3A_803, %swap3A_804] {strides = array<i32>} : memref<128x128xf32, #tpu.memory_space<vmem>>, vector<1x16xf32>,
      %swap3A_806 = vector.shape_cast %swap3A_805 : vector<1x16xf32> to vector<16xf32>
      %swap3A_807 = vector.shape_cast %mul3A_802 : vector<16xf32> to vector<1x16xf32>
      tpu.vector_store %arg6[%swap3A_803, %swap3A_804], %swap3A_807 {strides = array<i32>} : memref<128x128xf32, #tpu.memory_space<vmem>>, vector<1x16xf32>,
      %get3A_808 = arith.index_cast %scan3A_787 : i32 to index
      %get3A_809 = arith.constant 32 : index
      %get3A_810 = tpu.vector_load %arg6[%get3A_808, %get3A_809] {strides = array<i32>} : memref<128x128xf32, #tpu.memory_space<vmem>>, vector<1x16xf32>,
      %get3A_811 = vector.shape_cast %get3A_810 : vector<1x16xf32> to vector<16xf32>
      %mul3A_812 = arith.mulf %get3A_811, %mul3A_236 : vector<16xf32>
      %swap3A_813 = arith.index_cast %scan3A_787 : i32 to index
      %swap3A_814 = arith.constant 32 : index
      %swap3A_815 = tpu.vector_load %arg6[%swap3A_813, %swap3A_814] {strides = array<i32>} : memref<128x128xf32, #tpu.memory_space<vmem>>, vector<1x16xf32>,
      %swap3A_816 = vector.shape_cast %swap3A_815 : vector<1x16xf32> to vector<16xf32>
      %swap3A_817 = vector.shape_cast %mul3A_812 : vector<16xf32> to vector<1x16xf32>
      tpu.vector_store %arg6[%swap3A_813, %swap3A_814], %swap3A_817 {strides = array<i32>} : memref<128x128xf32, #tpu.memory_space<vmem>>, vector<1x16xf32>,
      %get3A_818 = arith.index_cast %scan3A_787 : i32 to index
      %get3A_819 = arith.constant 48 : index
      %get3A_820 = tpu.vector_load %arg6[%get3A_818, %get3A_819] {strides = array<i32>} : memref<128x128xf32, #tpu.memory_space<vmem>>, vector<1x16xf32>,
      %get3A_821 = vector.shape_cast %get3A_820 : vector<1x16xf32> to vector<16xf32>
      %mul3A_822 = arith.mulf %get3A_821, %mul3A_236 : vector<16xf32>
      %swap3A_823 = arith.index_cast %scan3A_787 : i32 to index
      %swap3A_824 = arith.constant 48 : index
      %swap3A_825 = tpu.vector_load %arg6[%swap3A_823, %swap3A_824] {strides = array<i32>} : memref<128x128xf32, #tpu.memory_space<vmem>>, vector<1x16xf32>,
      %swap3A_826 = vector.shape_cast %swap3A_825 : vector<1x16xf32> to vector<16xf32>
      %swap3A_827 = vector.shape_cast %mul3A_822 : vector<16xf32> to vector<1x16xf32>
      tpu.vector_store %arg6[%swap3A_823, %swap3A_824], %swap3A_827 {strides = array<i32>} : memref<128x128xf32, #tpu.memory_space<vmem>>, vector<1x16xf32>,
      %get3A_828 = arith.index_cast %scan3A_787 : i32 to index
      %get3A_829 = arith.constant 64 : index
      %get3A_830 = tpu.vector_load %arg6[%get3A_828, %get3A_829] {strides = array<i32>} : memref<128x128xf32, #tpu.memory_space<vmem>>, vector<1x16xf32>,
      %get3A_831 = vector.shape_cast %get3A_830 : vector<1x16xf32> to vector<16xf32>
      %mul3A_832 = arith.mulf %get3A_831, %mul3A_236 : vector<16xf32>
      %swap3A_833 = arith.index_cast %scan3A_787 : i32 to index
      %swap3A_834 = arith.constant 64 : index
      %swap3A_835 = tpu.vector_load %arg6[%swap3A_833, %swap3A_834] {strides = array<i32>} : memref<128x128xf32, #tpu.memory_space<vmem>>, vector<1x16xf32>,
      %swap3A_836 = vector.shape_cast %swap3A_835 : vector<1x16xf32> to vector<16xf32>
      %swap3A_837 = vector.shape_cast %mul3A_832 : vector<16xf32> to vector<1x16xf32>
      tpu.vector_store %arg6[%swap3A_833, %swap3A_834], %swap3A_837 {strides = array<i32>} : memref<128x128xf32, #tpu.memory_space<vmem>>, vector<1x16xf32>,
      %get3A_838 = arith.index_cast %scan3A_787 : i32 to index
      %get3A_839 = arith.constant 80 : index
      %get3A_840 = tpu.vector_load %arg6[%get3A_838, %get3A_839] {strides = array<i32>} : memref<128x128xf32, #tpu.memory_space<vmem>>, vector<1x16xf32>,
      %get3A_841 = vector.shape_cast %get3A_840 : vector<1x16xf32> to vector<16xf32>
      %mul3A_842 = arith.mulf %get3A_841, %mul3A_236 : vector<16xf32>
      %swap3A_843 = arith.index_cast %scan3A_787 : i32 to index
      %swap3A_844 = arith.constant 80 : index
      %swap3A_845 = tpu.vector_load %arg6[%swap3A_843, %swap3A_844] {strides = array<i32>} : memref<128x128xf32, #tpu.memory_space<vmem>>, vector<1x16xf32>,
      %swap3A_846 = vector.shape_cast %swap3A_845 : vector<1x16xf32> to vector<16xf32>
      %swap3A_847 = vector.shape_cast %mul3A_842 : vector<16xf32> to vector<1x16xf32>
      tpu.vector_store %arg6[%swap3A_843, %swap3A_844], %swap3A_847 {strides = array<i32>} : memref<128x128xf32, #tpu.memory_space<vmem>>, vector<1x16xf32>,
      %get3A_848 = arith.index_cast %scan3A_787 : i32 to index
      %get3A_849 = arith.constant 96 : index
      %get3A_850 = tpu.vector_load %arg6[%get3A_848, %get3A_849] {strides = array<i32>} : memref<128x128xf32, #tpu.memory_space<vmem>>, vector<1x16xf32>,
      %get3A_851 = vector.shape_cast %get3A_850 : vector<1x16xf32> to vector<16xf32>
      %mul3A_852 = arith.mulf %get3A_851, %mul3A_236 : vector<16xf32>
      %swap3A_853 = arith.index_cast %scan3A_787 : i32 to index
      %swap3A_854 = arith.constant 96 : index
      %swap3A_855 = tpu.vector_load %arg6[%swap3A_853, %swap3A_854] {strides = array<i32>} : memref<128x128xf32, #tpu.memory_space<vmem>>, vector<1x16xf32>,
      %swap3A_856 = vector.shape_cast %swap3A_855 : vector<1x16xf32> to vector<16xf32>
      %swap3A_857 = vector.shape_cast %mul3A_852 : vector<16xf32> to vector<1x16xf32>
      tpu.vector_store %arg6[%swap3A_853, %swap3A_854], %swap3A_857 {strides = array<i32>} : memref<128x128xf32, #tpu.memory_space<vmem>>, vector<1x16xf32>,
      %get3A_858 = arith.index_cast %scan3A_787 : i32 to index
      %get3A_859 = arith.constant 112 : index
      %get3A_860 = tpu.vector_load %arg6[%get3A_858, %get3A_859] {strides = array<i32>} : memref<128x128xf32, #tpu.memory_space<vmem>>, vector<1x16xf32>,
      %get3A_861 = vector.shape_cast %get3A_860 : vector<1x16xf32> to vector<16xf32>
      %mul3A_862 = arith.mulf %get3A_861, %mul3A_236 : vector<16xf32>
      %swap3A_863 = arith.index_cast %scan3A_787 : i32 to index
      %swap3A_864 = arith.constant 112 : index
      %swap3A_865 = tpu.vector_load %arg6[%swap3A_863, %swap3A_864] {strides = array<i32>} : memref<128x128xf32, #tpu.memory_space<vmem>>, vector<1x16xf32>,
      %swap3A_866 = vector.shape_cast %swap3A_865 : vector<1x16xf32> to vector<16xf32>
      %swap3A_867 = vector.shape_cast %mul3A_862 : vector<16xf32> to vector<1x16xf32>
      tpu.vector_store %arg6[%swap3A_863, %swap3A_864], %swap3A_867 {strides = array<i32>} : memref<128x128xf32, #tpu.memory_space<vmem>>, vector<1x16xf32>,
      %scan3A_868 = arith.constant 0 : i32
      scf.yield %scan3A_868 : i32
    }
    %scan3A_392 = arith.constant 128 : i32
    %add3A_393 = arith.constant 384 : i32
    %add3A_394 = arith.addi %mul3A_245, %add3A_393 : i32
    %dma_start3A_395 = arith.constant 0 : i32
    %dma_start3A_396 = tpu.memref_slice %arg5[%add3A_394, %dma_start3A_395] : memref<65536x128xf32, #tpu.memory_space<hbm>> -> memref<128x128xf32, #tpu.memory_space<hbm>>
    %dma_start3A_397 = arith.constant 0 : i32
    %dma_start3A_398 = tpu.memref_slice %arg5[%add3A_394, %dma_start3A_397] : memref<65536x128xf32, #tpu.memory_space<hbm>> -> memref<128x128xf32, #tpu.memory_space<hbm>>
    tpu.enqueue_dma source(%arg6 : memref<128x128xf32, #tpu.memory_space<vmem>>) target(%dma_start3A_398 : memref<128x128xf32, #tpu.memory_space<hbm>>) target_semaphore(%arg15 : memref<!tpu.dma_semaphore, #tpu.memory_space<semaphore_mem>>)
    %dma_wait3A_399 = arith.constant 0 : i32
    %dma_wait3A_400 = tpu.memref_slice %arg5[%add3A_394, %dma_wait3A_399] : memref<65536x128xf32, #tpu.memory_space<hbm>> -> memref<128x128xf32, #tpu.memory_space<hbm>>
    %dma_wait3A_401 = arith.constant 0 : i32
    %dma_wait3A_402 = tpu.memref_slice %arg5[%add3A_394, %dma_wait3A_401] : memref<65536x128xf32, #tpu.memory_space<hbm>> -> memref<128x128xf32, #tpu.memory_space<hbm>>
    tpu.wait_dma2 semaphore(%arg15 : memref<!tpu.dma_semaphore, #tpu.memory_space<semaphore_mem>>) src(%arg6 : memref<128x128xf32, #tpu.memory_space<vmem>>) dst(%dma_wait3A_402 : memref<128x128xf32, #tpu.memory_space<hbm>>)
    %scan3A_403 = arith.constant 0 : i32
    %scan3A_404 = arith.constant 0 : i32
    %scan3A_405 = arith.constant 8 : i32
    %scan3A_406 = arith.addi %scan3A_404, %scan3A_405 : i32
    %scan3A_407 = arith.constant 1 : i32
    %scan3A_408 = scf.for %scan3A_787 = %scan3A_404 to %scan3A_406 step %scan3A_407 iter_args(%scan3A_788 = %scan3A_403) -> (i32)  : i32 {
      %add3A_789 = arith.constant 768 : i32
      %add3A_790 = vector.broadcast %add3A_789 : i32 to vector<16xi32>
      %add3A_791 = arith.addi %add3A_243, %add3A_790 : vector<16xi32>
      %mul3A_792 = arith.constant 16 : i32
      %mul3A_793 = arith.muli %scan3A_787, %mul3A_792 : i32
      %add3A_794 = vector.broadcast %mul3A_793 : i32 to vector<16xi32>
      %add3A_795 = arith.addi %add3A_791, %add3A_794 : vector<16xi32>
      %add3A_796 = arith.addi %add3A_795, %iota3A : vector<16xi32>
      %mul3A_797 = arith.constant 16 : i32
      %mul3A_798 = arith.muli %scan3A_787, %mul3A_797 : i32
      %add3A_799 = arith.constant 0 : i32
      %add3A_800 = arith.addi %add3A_799, %mul3A_798 : i32
      %swap3A = arith.index_cast %add3A_800 : i32 to index
      %swap3A_801 = tpu.vector_load %arg11[%swap3A] {strides = array<i32>} : memref<384xi32, #tpu.memory_space<vmem>>, vector<16xi32>,
      %swap3A_802 = vector.shape_cast %swap3A_801 : vector<16xi32> to vector<16xi32>
      %swap3A_803 = vector.shape_cast %add3A_796 : vector<16xi32> to vector<16xi32>
      tpu.vector_store %arg11[%swap3A], %swap3A_803 {strides = array<i32>} : memref<384xi32, #tpu.memory_space<vmem>>, vector<16xi32>,
      %scan3A_804 = arith.constant 0 : i32
      scf.yield %scan3A_804 : i32
    }
    %scan3A_409 = arith.constant 8 : i32
    %dma_start3A_410 = arith.constant 0 : i32
    %dma_start3A_411 = tpu.memref_slice %arg11[%dma_start3A_410] : memref<384xi32, #tpu.memory_space<vmem>> -> memref<128xi32, #tpu.memory_space<vmem>>
    %dma_start3A_412 = arith.constant 0 : i32
    %dma_start3A_413 = arith.constant 0 : i32
    %dma_start3A_414 = tpu.memref_slice %arg2[%dma_start3A_412, %dma_start3A_413] : memref<131072x128xf32, #tpu.memory_space<hbm>> -> memref<131072x128xf32, #tpu.memory_space<hbm>>
    tpu.enqueue_indirect_dma source(%dma_start3A_414 : memref<131072x128xf32, #tpu.memory_space<hbm>>) target(%arg6 : memref<128x128xf32, #tpu.memory_space<vmem>>) offsets(%dma_start3A_411 : memref<128xi32, #tpu.memory_space<vmem>>) semaphore(%arg12 : memref<!tpu.dma_semaphore, #tpu.memory_space<semaphore_mem>>)
    %dma_wait3A_415 = arith.constant 128 : i32
    %dma_wait3A_416 = tpu.memref_slice %arg11[%dma_wait3A_415] : memref<384xi32, #tpu.memory_space<vmem>> -> memref<128xi32, #tpu.memory_space<vmem>>
    %dma_wait3A_417 = arith.constant 0 : i32
    %dma_wait3A_418 = arith.constant 0 : i32
    %dma_wait3A_419 = tpu.memref_slice %arg2[%dma_wait3A_417, %dma_wait3A_418] : memref<131072x128xf32, #tpu.memory_space<hbm>> -> memref<131072x128xf32, #tpu.memory_space<hbm>>
    tpu.wait_indirect_dma semaphore(%arg13 : memref<!tpu.dma_semaphore, #tpu.memory_space<semaphore_mem>>) src(%dma_wait3A_419 : memref<131072x128xf32, #tpu.memory_space<hbm>>) dst(%arg7 : memref<128x128xf32, #tpu.memory_space<vmem>>)
    %scan3A_420 = arith.constant 0 : i32
    %scan3A_421 = arith.constant 0 : i32
    %scan3A_422 = arith.constant 128 : i32
    %scan3A_423 = arith.addi %scan3A_421, %scan3A_422 : i32
    %scan3A_424 = arith.constant 1 : i32
    %scan3A_425 = scf.for %scan3A_787 = %scan3A_421 to %scan3A_423 step %scan3A_424 iter_args(%scan3A_788 = %scan3A_420) -> (i32)  : i32 {
      %get3A_789 = arith.index_cast %scan3A_787 : i32 to index
      %get3A_790 = arith.constant 0 : index
      %get3A_791 = tpu.vector_load %arg7[%get3A_789, %get3A_790] {strides = array<i32>} : memref<128x128xf32, #tpu.memory_space<vmem>>, vector<1x16xf32>,
      %get3A_792 = vector.shape_cast %get3A_791 : vector<1x16xf32> to vector<16xf32>
      %mul3A_793 = arith.mulf %get3A_792, %mul3A_236 : vector<16xf32>
      %swap3A = arith.index_cast %scan3A_787 : i32 to index
      %swap3A_794 = arith.constant 0 : index
      %swap3A_795 = tpu.vector_load %arg7[%swap3A, %swap3A_794] {strides = array<i32>} : memref<128x128xf32, #tpu.memory_space<vmem>>, vector<1x16xf32>,
      %swap3A_796 = vector.shape_cast %swap3A_795 : vector<1x16xf32> to vector<16xf32>
      %swap3A_797 = vector.shape_cast %mul3A_793 : vector<16xf32> to vector<1x16xf32>
      tpu.vector_store %arg7[%swap3A, %swap3A_794], %swap3A_797 {strides = array<i32>} : memref<128x128xf32, #tpu.memory_space<vmem>>, vector<1x16xf32>,
      %get3A_798 = arith.index_cast %scan3A_787 : i32 to index
      %get3A_799 = arith.constant 16 : index
      %get3A_800 = tpu.vector_load %arg7[%get3A_798, %get3A_799] {strides = array<i32>} : memref<128x128xf32, #tpu.memory_space<vmem>>, vector<1x16xf32>,
      %get3A_801 = vector.shape_cast %get3A_800 : vector<1x16xf32> to vector<16xf32>
      %mul3A_802 = arith.mulf %get3A_801, %mul3A_236 : vector<16xf32>
      %swap3A_803 = arith.index_cast %scan3A_787 : i32 to index
      %swap3A_804 = arith.constant 16 : index
      %swap3A_805 = tpu.vector_load %arg7[%swap3A_803, %swap3A_804] {strides = array<i32>} : memref<128x128xf32, #tpu.memory_space<vmem>>, vector<1x16xf32>,
      %swap3A_806 = vector.shape_cast %swap3A_805 : vector<1x16xf32> to vector<16xf32>
      %swap3A_807 = vector.shape_cast %mul3A_802 : vector<16xf32> to vector<1x16xf32>
      tpu.vector_store %arg7[%swap3A_803, %swap3A_804], %swap3A_807 {strides = array<i32>} : memref<128x128xf32, #tpu.memory_space<vmem>>, vector<1x16xf32>,
      %get3A_808 = arith.index_cast %scan3A_787 : i32 to index
      %get3A_809 = arith.constant 32 : index
      %get3A_810 = tpu.vector_load %arg7[%get3A_808, %get3A_809] {strides = array<i32>} : memref<128x128xf32, #tpu.memory_space<vmem>>, vector<1x16xf32>,
      %get3A_811 = vector.shape_cast %get3A_810 : vector<1x16xf32> to vector<16xf32>
      %mul3A_812 = arith.mulf %get3A_811, %mul3A_236 : vector<16xf32>
      %swap3A_813 = arith.index_cast %scan3A_787 : i32 to index
      %swap3A_814 = arith.constant 32 : index
      %swap3A_815 = tpu.vector_load %arg7[%swap3A_813, %swap3A_814] {strides = array<i32>} : memref<128x128xf32, #tpu.memory_space<vmem>>, vector<1x16xf32>,
      %swap3A_816 = vector.shape_cast %swap3A_815 : vector<1x16xf32> to vector<16xf32>
      %swap3A_817 = vector.shape_cast %mul3A_812 : vector<16xf32> to vector<1x16xf32>
      tpu.vector_store %arg7[%swap3A_813, %swap3A_814], %swap3A_817 {strides = array<i32>} : memref<128x128xf32, #tpu.memory_space<vmem>>, vector<1x16xf32>,
      %get3A_818 = arith.index_cast %scan3A_787 : i32 to index
      %get3A_819 = arith.constant 48 : index
      %get3A_820 = tpu.vector_load %arg7[%get3A_818, %get3A_819] {strides = array<i32>} : memref<128x128xf32, #tpu.memory_space<vmem>>, vector<1x16xf32>,
      %get3A_821 = vector.shape_cast %get3A_820 : vector<1x16xf32> to vector<16xf32>
      %mul3A_822 = arith.mulf %get3A_821, %mul3A_236 : vector<16xf32>
      %swap3A_823 = arith.index_cast %scan3A_787 : i32 to index
      %swap3A_824 = arith.constant 48 : index
      %swap3A_825 = tpu.vector_load %arg7[%swap3A_823, %swap3A_824] {strides = array<i32>} : memref<128x128xf32, #tpu.memory_space<vmem>>, vector<1x16xf32>,
      %swap3A_826 = vector.shape_cast %swap3A_825 : vector<1x16xf32> to vector<16xf32>
      %swap3A_827 = vector.shape_cast %mul3A_822 : vector<16xf32> to vector<1x16xf32>
      tpu.vector_store %arg7[%swap3A_823, %swap3A_824], %swap3A_827 {strides = array<i32>} : memref<128x128xf32, #tpu.memory_space<vmem>>, vector<1x16xf32>,
      %get3A_828 = arith.index_cast %scan3A_787 : i32 to index
      %get3A_829 = arith.constant 64 : index
      %get3A_830 = tpu.vector_load %arg7[%get3A_828, %get3A_829] {strides = array<i32>} : memref<128x128xf32, #tpu.memory_space<vmem>>, vector<1x16xf32>,
      %get3A_831 = vector.shape_cast %get3A_830 : vector<1x16xf32> to vector<16xf32>
      %mul3A_832 = arith.mulf %get3A_831, %mul3A_236 : vector<16xf32>
      %swap3A_833 = arith.index_cast %scan3A_787 : i32 to index
      %swap3A_834 = arith.constant 64 : index
      %swap3A_835 = tpu.vector_load %arg7[%swap3A_833, %swap3A_834] {strides = array<i32>} : memref<128x128xf32, #tpu.memory_space<vmem>>, vector<1x16xf32>,
      %swap3A_836 = vector.shape_cast %swap3A_835 : vector<1x16xf32> to vector<16xf32>
      %swap3A_837 = vector.shape_cast %mul3A_832 : vector<16xf32> to vector<1x16xf32>
      tpu.vector_store %arg7[%swap3A_833, %swap3A_834], %swap3A_837 {strides = array<i32>} : memref<128x128xf32, #tpu.memory_space<vmem>>, vector<1x16xf32>,
      %get3A_838 = arith.index_cast %scan3A_787 : i32 to index
      %get3A_839 = arith.constant 80 : index
      %get3A_840 = tpu.vector_load %arg7[%get3A_838, %get3A_839] {strides = array<i32>} : memref<128x128xf32, #tpu.memory_space<vmem>>, vector<1x16xf32>,
      %get3A_841 = vector.shape_cast %get3A_840 : vector<1x16xf32> to vector<16xf32>
      %mul3A_842 = arith.mulf %get3A_841, %mul3A_236 : vector<16xf32>
      %swap3A_843 = arith.index_cast %scan3A_787 : i32 to index
      %swap3A_844 = arith.constant 80 : index
      %swap3A_845 = tpu.vector_load %arg7[%swap3A_843, %swap3A_844] {strides = array<i32>} : memref<128x128xf32, #tpu.memory_space<vmem>>, vector<1x16xf32>,
      %swap3A_846 = vector.shape_cast %swap3A_845 : vector<1x16xf32> to vector<16xf32>
      %swap3A_847 = vector.shape_cast %mul3A_842 : vector<16xf32> to vector<1x16xf32>
      tpu.vector_store %arg7[%swap3A_843, %swap3A_844], %swap3A_847 {strides = array<i32>} : memref<128x128xf32, #tpu.memory_space<vmem>>, vector<1x16xf32>,
      %get3A_848 = arith.index_cast %scan3A_787 : i32 to index
      %get3A_849 = arith.constant 96 : index
      %get3A_850 = tpu.vector_load %arg7[%get3A_848, %get3A_849] {strides = array<i32>} : memref<128x128xf32, #tpu.memory_space<vmem>>, vector<1x16xf32>,
      %get3A_851 = vector.shape_cast %get3A_850 : vector<1x16xf32> to vector<16xf32>
      %mul3A_852 = arith.mulf %get3A_851, %mul3A_236 : vector<16xf32>
      %swap3A_853 = arith.index_cast %scan3A_787 : i32 to index
      %swap3A_854 = arith.constant 96 : index
      %swap3A_855 = tpu.vector_load %arg7[%swap3A_853, %swap3A_854] {strides = array<i32>} : memref<128x128xf32, #tpu.memory_space<vmem>>, vector<1x16xf32>,
      %swap3A_856 = vector.shape_cast %swap3A_855 : vector<1x16xf32> to vector<16xf32>
      %swap3A_857 = vector.shape_cast %mul3A_852 : vector<16xf32> to vector<1x16xf32>
      tpu.vector_store %arg7[%swap3A_853, %swap3A_854], %swap3A_857 {strides = array<i32>} : memref<128x128xf32, #tpu.memory_space<vmem>>, vector<1x16xf32>,
      %get3A_858 = arith.index_cast %scan3A_787 : i32 to index
      %get3A_859 = arith.constant 112 : index
      %get3A_860 = tpu.vector_load %arg7[%get3A_858, %get3A_859] {strides = array<i32>} : memref<128x128xf32, #tpu.memory_space<vmem>>, vector<1x16xf32>,
      %get3A_861 = vector.shape_cast %get3A_860 : vector<1x16xf32> to vector<16xf32>
      %mul3A_862 = arith.mulf %get3A_861, %mul3A_236 : vector<16xf32>
      %swap3A_863 = arith.index_cast %scan3A_787 : i32 to index
      %swap3A_864 = arith.constant 112 : index
      %swap3A_865 = tpu.vector_load %arg7[%swap3A_863, %swap3A_864] {strides = array<i32>} : memref<128x128xf32, #tpu.memory_space<vmem>>, vector<1x16xf32>,
      %swap3A_866 = vector.shape_cast %swap3A_865 : vector<1x16xf32> to vector<16xf32>
      %swap3A_867 = vector.shape_cast %mul3A_862 : vector<16xf32> to vector<1x16xf32>
      tpu.vector_store %arg7[%swap3A_863, %swap3A_864], %swap3A_867 {strides = array<i32>} : memref<128x128xf32, #tpu.memory_space<vmem>>, vector<1x16xf32>,
      %scan3A_868 = arith.constant 0 : i32
      scf.yield %scan3A_868 : i32
    }
    %scan3A_426 = arith.constant 128 : i32
    %add3A_427 = arith.constant 512 : i32
    %add3A_428 = arith.addi %mul3A_245, %add3A_427 : i32
    %dma_start3A_429 = arith.constant 0 : i32
    %dma_start3A_430 = tpu.memref_slice %arg5[%add3A_428, %dma_start3A_429] : memref<65536x128xf32, #tpu.memory_space<hbm>> -> memref<128x128xf32, #tpu.memory_space<hbm>>
    %dma_start3A_431 = arith.constant 0 : i32
    %dma_start3A_432 = tpu.memref_slice %arg5[%add3A_428, %dma_start3A_431] : memref<65536x128xf32, #tpu.memory_space<hbm>> -> memref<128x128xf32, #tpu.memory_space<hbm>>
    tpu.enqueue_dma source(%arg7 : memref<128x128xf32, #tpu.memory_space<vmem>>) target(%dma_start3A_432 : memref<128x128xf32, #tpu.memory_space<hbm>>) target_semaphore(%arg16 : memref<!tpu.dma_semaphore, #tpu.memory_space<semaphore_mem>>)
    %dma_wait3A_433 = arith.constant 0 : i32
    %dma_wait3A_434 = tpu.memref_slice %arg5[%add3A_428, %dma_wait3A_433] : memref<65536x128xf32, #tpu.memory_space<hbm>> -> memref<128x128xf32, #tpu.memory_space<hbm>>
    %dma_wait3A_435 = arith.constant 0 : i32
    %dma_wait3A_436 = tpu.memref_slice %arg5[%add3A_428, %dma_wait3A_435] : memref<65536x128xf32, #tpu.memory_space<hbm>> -> memref<128x128xf32, #tpu.memory_space<hbm>>
    tpu.wait_dma2 semaphore(%arg16 : memref<!tpu.dma_semaphore, #tpu.memory_space<semaphore_mem>>) src(%arg7 : memref<128x128xf32, #tpu.memory_space<vmem>>) dst(%dma_wait3A_436 : memref<128x128xf32, #tpu.memory_space<hbm>>)
    %scan3A_437 = arith.constant 0 : i32
    %scan3A_438 = arith.constant 0 : i32
    %scan3A_439 = arith.constant 8 : i32
    %scan3A_440 = arith.addi %scan3A_438, %scan3A_439 : i32
    %scan3A_441 = arith.constant 1 : i32
    %scan3A_442 = scf.for %scan3A_787 = %scan3A_438 to %scan3A_440 step %scan3A_441 iter_args(%scan3A_788 = %scan3A_437) -> (i32)  : i32 {
      %add3A_789 = arith.constant 896 : i32
      %add3A_790 = vector.broadcast %add3A_789 : i32 to vector<16xi32>
      %add3A_791 = arith.addi %add3A_243, %add3A_790 : vector<16xi32>
      %mul3A_792 = arith.constant 16 : i32
      %mul3A_793 = arith.muli %scan3A_787, %mul3A_792 : i32
      %add3A_794 = vector.broadcast %mul3A_793 : i32 to vector<16xi32>
      %add3A_795 = arith.addi %add3A_791, %add3A_794 : vector<16xi32>
      %add3A_796 = arith.addi %add3A_795, %iota3A : vector<16xi32>
      %mul3A_797 = arith.constant 16 : i32
      %mul3A_798 = arith.muli %scan3A_787, %mul3A_797 : i32
      %add3A_799 = arith.constant 128 : i32
      %add3A_800 = arith.addi %add3A_799, %mul3A_798 : i32
      %swap3A = arith.index_cast %add3A_800 : i32 to index
      %swap3A_801 = tpu.vector_load %arg11[%swap3A] {strides = array<i32>} : memref<384xi32, #tpu.memory_space<vmem>>, vector<16xi32>,
      %swap3A_802 = vector.shape_cast %swap3A_801 : vector<16xi32> to vector<16xi32>
      %swap3A_803 = vector.shape_cast %add3A_796 : vector<16xi32> to vector<16xi32>
      tpu.vector_store %arg11[%swap3A], %swap3A_803 {strides = array<i32>} : memref<384xi32, #tpu.memory_space<vmem>>, vector<16xi32>,
      %scan3A_804 = arith.constant 0 : i32
      scf.yield %scan3A_804 : i32
    }
    %scan3A_443 = arith.constant 8 : i32
    %dma_start3A_444 = arith.constant 128 : i32
    %dma_start3A_445 = tpu.memref_slice %arg11[%dma_start3A_444] : memref<384xi32, #tpu.memory_space<vmem>> -> memref<128xi32, #tpu.memory_space<vmem>>
    %dma_start3A_446 = arith.constant 0 : i32
    %dma_start3A_447 = arith.constant 0 : i32
    %dma_start3A_448 = tpu.memref_slice %arg2[%dma_start3A_446, %dma_start3A_447] : memref<131072x128xf32, #tpu.memory_space<hbm>> -> memref<131072x128xf32, #tpu.memory_space<hbm>>
    tpu.enqueue_indirect_dma source(%dma_start3A_448 : memref<131072x128xf32, #tpu.memory_space<hbm>>) target(%arg7 : memref<128x128xf32, #tpu.memory_space<vmem>>) offsets(%dma_start3A_445 : memref<128xi32, #tpu.memory_space<vmem>>) semaphore(%arg13 : memref<!tpu.dma_semaphore, #tpu.memory_space<semaphore_mem>>)
    %dma_wait3A_449 = arith.constant 256 : i32
    %dma_wait3A_450 = tpu.memref_slice %arg11[%dma_wait3A_449] : memref<384xi32, #tpu.memory_space<vmem>> -> memref<128xi32, #tpu.memory_space<vmem>>
    %dma_wait3A_451 = arith.constant 0 : i32
    %dma_wait3A_452 = arith.constant 0 : i32
    %dma_wait3A_453 = tpu.memref_slice %arg2[%dma_wait3A_451, %dma_wait3A_452] : memref<131072x128xf32, #tpu.memory_space<hbm>> -> memref<131072x128xf32, #tpu.memory_space<hbm>>
    tpu.wait_indirect_dma semaphore(%arg14 : memref<!tpu.dma_semaphore, #tpu.memory_space<semaphore_mem>>) src(%dma_wait3A_453 : memref<131072x128xf32, #tpu.memory_space<hbm>>) dst(%arg8 : memref<128x128xf32, #tpu.memory_space<vmem>>)
    %scan3A_454 = arith.constant 0 : i32
    %scan3A_455 = arith.constant 0 : i32
    %scan3A_456 = arith.constant 128 : i32
    %scan3A_457 = arith.addi %scan3A_455, %scan3A_456 : i32
    %scan3A_458 = arith.constant 1 : i32
    %scan3A_459 = scf.for %scan3A_787 = %scan3A_455 to %scan3A_457 step %scan3A_458 iter_args(%scan3A_788 = %scan3A_454) -> (i32)  : i32 {
      %get3A_789 = arith.index_cast %scan3A_787 : i32 to index
      %get3A_790 = arith.constant 0 : index
      %get3A_791 = tpu.vector_load %arg8[%get3A_789, %get3A_790] {strides = array<i32>} : memref<128x128xf32, #tpu.memory_space<vmem>>, vector<1x16xf32>,
      %get3A_792 = vector.shape_cast %get3A_791 : vector<1x16xf32> to vector<16xf32>
      %mul3A_793 = arith.mulf %get3A_792, %mul3A_236 : vector<16xf32>
      %swap3A = arith.index_cast %scan3A_787 : i32 to index
      %swap3A_794 = arith.constant 0 : index
      %swap3A_795 = tpu.vector_load %arg8[%swap3A, %swap3A_794] {strides = array<i32>} : memref<128x128xf32, #tpu.memory_space<vmem>>, vector<1x16xf32>,
      %swap3A_796 = vector.shape_cast %swap3A_795 : vector<1x16xf32> to vector<16xf32>
      %swap3A_797 = vector.shape_cast %mul3A_793 : vector<16xf32> to vector<1x16xf32>
      tpu.vector_store %arg8[%swap3A, %swap3A_794], %swap3A_797 {strides = array<i32>} : memref<128x128xf32, #tpu.memory_space<vmem>>, vector<1x16xf32>,
      %get3A_798 = arith.index_cast %scan3A_787 : i32 to index
      %get3A_799 = arith.constant 16 : index
      %get3A_800 = tpu.vector_load %arg8[%get3A_798, %get3A_799] {strides = array<i32>} : memref<128x128xf32, #tpu.memory_space<vmem>>, vector<1x16xf32>,
      %get3A_801 = vector.shape_cast %get3A_800 : vector<1x16xf32> to vector<16xf32>
      %mul3A_802 = arith.mulf %get3A_801, %mul3A_236 : vector<16xf32>
      %swap3A_803 = arith.index_cast %scan3A_787 : i32 to index
      %swap3A_804 = arith.constant 16 : index
      %swap3A_805 = tpu.vector_load %arg8[%swap3A_803, %swap3A_804] {strides = array<i32>} : memref<128x128xf32, #tpu.memory_space<vmem>>, vector<1x16xf32>,
      %swap3A_806 = vector.shape_cast %swap3A_805 : vector<1x16xf32> to vector<16xf32>
      %swap3A_807 = vector.shape_cast %mul3A_802 : vector<16xf32> to vector<1x16xf32>
      tpu.vector_store %arg8[%swap3A_803, %swap3A_804], %swap3A_807 {strides = array<i32>} : memref<128x128xf32, #tpu.memory_space<vmem>>, vector<1x16xf32>,
      %get3A_808 = arith.index_cast %scan3A_787 : i32 to index
      %get3A_809 = arith.constant 32 : index
      %get3A_810 = tpu.vector_load %arg8[%get3A_808, %get3A_809] {strides = array<i32>} : memref<128x128xf32, #tpu.memory_space<vmem>>, vector<1x16xf32>,
      %get3A_811 = vector.shape_cast %get3A_810 : vector<1x16xf32> to vector<16xf32>
      %mul3A_812 = arith.mulf %get3A_811, %mul3A_236 : vector<16xf32>
      %swap3A_813 = arith.index_cast %scan3A_787 : i32 to index
      %swap3A_814 = arith.constant 32 : index
      %swap3A_815 = tpu.vector_load %arg8[%swap3A_813, %swap3A_814] {strides = array<i32>} : memref<128x128xf32, #tpu.memory_space<vmem>>, vector<1x16xf32>,
      %swap3A_816 = vector.shape_cast %swap3A_815 : vector<1x16xf32> to vector<16xf32>
      %swap3A_817 = vector.shape_cast %mul3A_812 : vector<16xf32> to vector<1x16xf32>
      tpu.vector_store %arg8[%swap3A_813, %swap3A_814], %swap3A_817 {strides = array<i32>} : memref<128x128xf32, #tpu.memory_space<vmem>>, vector<1x16xf32>,
      %get3A_818 = arith.index_cast %scan3A_787 : i32 to index
      %get3A_819 = arith.constant 48 : index
      %get3A_820 = tpu.vector_load %arg8[%get3A_818, %get3A_819] {strides = array<i32>} : memref<128x128xf32, #tpu.memory_space<vmem>>, vector<1x16xf32>,
      %get3A_821 = vector.shape_cast %get3A_820 : vector<1x16xf32> to vector<16xf32>
      %mul3A_822 = arith.mulf %get3A_821, %mul3A_236 : vector<16xf32>
      %swap3A_823 = arith.index_cast %scan3A_787 : i32 to index
      %swap3A_824 = arith.constant 48 : index
      %swap3A_825 = tpu.vector_load %arg8[%swap3A_823, %swap3A_824] {strides = array<i32>} : memref<128x128xf32, #tpu.memory_space<vmem>>, vector<1x16xf32>,
      %swap3A_826 = vector.shape_cast %swap3A_825 : vector<1x16xf32> to vector<16xf32>
      %swap3A_827 = vector.shape_cast %mul3A_822 : vector<16xf32> to vector<1x16xf32>
      tpu.vector_store %arg8[%swap3A_823, %swap3A_824], %swap3A_827 {strides = array<i32>} : memref<128x128xf32, #tpu.memory_space<vmem>>, vector<1x16xf32>,
      %get3A_828 = arith.index_cast %scan3A_787 : i32 to index
      %get3A_829 = arith.constant 64 : index
      %get3A_830 = tpu.vector_load %arg8[%get3A_828, %get3A_829] {strides = array<i32>} : memref<128x128xf32, #tpu.memory_space<vmem>>, vector<1x16xf32>,
      %get3A_831 = vector.shape_cast %get3A_830 : vector<1x16xf32> to vector<16xf32>
      %mul3A_832 = arith.mulf %get3A_831, %mul3A_236 : vector<16xf32>
      %swap3A_833 = arith.index_cast %scan3A_787 : i32 to index
      %swap3A_834 = arith.constant 64 : index
      %swap3A_835 = tpu.vector_load %arg8[%swap3A_833, %swap3A_834] {strides = array<i32>} : memref<128x128xf32, #tpu.memory_space<vmem>>, vector<1x16xf32>,
      %swap3A_836 = vector.shape_cast %swap3A_835 : vector<1x16xf32> to vector<16xf32>
      %swap3A_837 = vector.shape_cast %mul3A_832 : vector<16xf32> to vector<1x16xf32>
      tpu.vector_store %arg8[%swap3A_833, %swap3A_834], %swap3A_837 {strides = array<i32>} : memref<128x128xf32, #tpu.memory_space<vmem>>, vector<1x16xf32>,
      %get3A_838 = arith.index_cast %scan3A_787 : i32 to index
      %get3A_839 = arith.constant 80 : index
      %get3A_840 = tpu.vector_load %arg8[%get3A_838, %get3A_839] {strides = array<i32>} : memref<128x128xf32, #tpu.memory_space<vmem>>, vector<1x16xf32>,
      %get3A_841 = vector.shape_cast %get3A_840 : vector<1x16xf32> to vector<16xf32>
      %mul3A_842 = arith.mulf %get3A_841, %mul3A_236 : vector<16xf32>
      %swap3A_843 = arith.index_cast %scan3A_787 : i32 to index
      %swap3A_844 = arith.constant 80 : index
      %swap3A_845 = tpu.vector_load %arg8[%swap3A_843, %swap3A_844] {strides = array<i32>} : memref<128x128xf32, #tpu.memory_space<vmem>>, vector<1x16xf32>,
      %swap3A_846 = vector.shape_cast %swap3A_845 : vector<1x16xf32> to vector<16xf32>
      %swap3A_847 = vector.shape_cast %mul3A_842 : vector<16xf32> to vector<1x16xf32>
      tpu.vector_store %arg8[%swap3A_843, %swap3A_844], %swap3A_847 {strides = array<i32>} : memref<128x128xf32, #tpu.memory_space<vmem>>, vector<1x16xf32>,
      %get3A_848 = arith.index_cast %scan3A_787 : i32 to index
      %get3A_849 = arith.constant 96 : index
      %get3A_850 = tpu.vector_load %arg8[%get3A_848, %get3A_849] {strides = array<i32>} : memref<128x128xf32, #tpu.memory_space<vmem>>, vector<1x16xf32>,
      %get3A_851 = vector.shape_cast %get3A_850 : vector<1x16xf32> to vector<16xf32>
      %mul3A_852 = arith.mulf %get3A_851, %mul3A_236 : vector<16xf32>
      %swap3A_853 = arith.index_cast %scan3A_787 : i32 to index
      %swap3A_854 = arith.constant 96 : index
      %swap3A_855 = tpu.vector_load %arg8[%swap3A_853, %swap3A_854] {strides = array<i32>} : memref<128x128xf32, #tpu.memory_space<vmem>>, vector<1x16xf32>,
      %swap3A_856 = vector.shape_cast %swap3A_855 : vector<1x16xf32> to vector<16xf32>
      %swap3A_857 = vector.shape_cast %mul3A_852 : vector<16xf32> to vector<1x16xf32>
      tpu.vector_store %arg8[%swap3A_853, %swap3A_854], %swap3A_857 {strides = array<i32>} : memref<128x128xf32, #tpu.memory_space<vmem>>, vector<1x16xf32>,
      %get3A_858 = arith.index_cast %scan3A_787 : i32 to index
      %get3A_859 = arith.constant 112 : index
      %get3A_860 = tpu.vector_load %arg8[%get3A_858, %get3A_859] {strides = array<i32>} : memref<128x128xf32, #tpu.memory_space<vmem>>, vector<1x16xf32>,
      %get3A_861 = vector.shape_cast %get3A_860 : vector<1x16xf32> to vector<16xf32>
      %mul3A_862 = arith.mulf %get3A_861, %mul3A_236 : vector<16xf32>
      %swap3A_863 = arith.index_cast %scan3A_787 : i32 to index
      %swap3A_864 = arith.constant 112 : index
      %swap3A_865 = tpu.vector_load %arg8[%swap3A_863, %swap3A_864] {strides = array<i32>} : memref<128x128xf32, #tpu.memory_space<vmem>>, vector<1x16xf32>,
      %swap3A_866 = vector.shape_cast %swap3A_865 : vector<1x16xf32> to vector<16xf32>
      %swap3A_867 = vector.shape_cast %mul3A_862 : vector<16xf32> to vector<1x16xf32>
      tpu.vector_store %arg8[%swap3A_863, %swap3A_864], %swap3A_867 {strides = array<i32>} : memref<128x128xf32, #tpu.memory_space<vmem>>, vector<1x16xf32>,
      %scan3A_868 = arith.constant 0 : i32
      scf.yield %scan3A_868 : i32
    }
    %scan3A_460 = arith.constant 128 : i32
    %add3A_461 = arith.constant 640 : i32
    %add3A_462 = arith.addi %mul3A_245, %add3A_461 : i32
    %dma_start3A_463 = arith.constant 0 : i32
    %dma_start3A_464 = tpu.memref_slice %arg5[%add3A_462, %dma_start3A_463] : memref<65536x128xf32, #tpu.memory_space<hbm>> -> memref<128x128xf32, #tpu.memory_space<hbm>>
    %dma_start3A_465 = arith.constant 0 : i32
    %dma_start3A_466 = tpu.memref_slice %arg5[%add3A_462, %dma_start3A_465] : memref<65536x128xf32, #tpu.memory_space<hbm>> -> memref<128x128xf32, #tpu.memory_space<hbm>>
    tpu.enqueue_dma source(%arg8 : memref<128x128xf32, #tpu.memory_space<vmem>>) target(%dma_start3A_466 : memref<128x128xf32, #tpu.memory_space<hbm>>) target_semaphore(%arg17 : memref<!tpu.dma_semaphore, #tpu.memory_space<semaphore_mem>>)
    %dma_wait3A_467 = arith.constant 0 : i32
    %dma_wait3A_468 = tpu.memref_slice %arg5[%add3A_462, %dma_wait3A_467] : memref<65536x128xf32, #tpu.memory_space<hbm>> -> memref<128x128xf32, #tpu.memory_space<hbm>>
    %dma_wait3A_469 = arith.constant 0 : i32
    %dma_wait3A_470 = tpu.memref_slice %arg5[%add3A_462, %dma_wait3A_469] : memref<65536x128xf32, #tpu.memory_space<hbm>> -> memref<128x128xf32, #tpu.memory_space<hbm>>
    tpu.wait_dma2 semaphore(%arg17 : memref<!tpu.dma_semaphore, #tpu.memory_space<semaphore_mem>>) src(%arg8 : memref<128x128xf32, #tpu.memory_space<vmem>>) dst(%dma_wait3A_470 : memref<128x128xf32, #tpu.memory_space<hbm>>)
    %scan3A_471 = arith.constant 0 : i32
    %scan3A_472 = arith.constant 0 : i32
    %scan3A_473 = arith.constant 8 : i32
    %scan3A_474 = arith.addi %scan3A_472, %scan3A_473 : i32
    %scan3A_475 = arith.constant 1 : i32
    %scan3A_476 = scf.for %scan3A_787 = %scan3A_472 to %scan3A_474 step %scan3A_475 iter_args(%scan3A_788 = %scan3A_471) -> (i32)  : i32 {
      %add3A_789 = arith.constant 1024 : i32
      %add3A_790 = vector.broadcast %add3A_789 : i32 to vector<16xi32>
      %add3A_791 = arith.addi %add3A_243, %add3A_790 : vector<16xi32>
      %mul3A_792 = arith.constant 16 : i32
      %mul3A_793 = arith.muli %scan3A_787, %mul3A_792 : i32
      %add3A_794 = vector.broadcast %mul3A_793 : i32 to vector<16xi32>
      %add3A_795 = arith.addi %add3A_791, %add3A_794 : vector<16xi32>
      %add3A_796 = arith.addi %add3A_795, %iota3A : vector<16xi32>
      %mul3A_797 = arith.constant 16 : i32
      %mul3A_798 = arith.muli %scan3A_787, %mul3A_797 : i32
      %add3A_799 = arith.constant 256 : i32
      %add3A_800 = arith.addi %add3A_799, %mul3A_798 : i32
      %swap3A = arith.index_cast %add3A_800 : i32 to index
      %swap3A_801 = tpu.vector_load %arg11[%swap3A] {strides = array<i32>} : memref<384xi32, #tpu.memory_space<vmem>>, vector<16xi32>,
      %swap3A_802 = vector.shape_cast %swap3A_801 : vector<16xi32> to vector<16xi32>
      %swap3A_803 = vector.shape_cast %add3A_796 : vector<16xi32> to vector<16xi32>
      tpu.vector_store %arg11[%swap3A], %swap3A_803 {strides = array<i32>} : memref<384xi32, #tpu.memory_space<vmem>>, vector<16xi32>,
      %scan3A_804 = arith.constant 0 : i32
      scf.yield %scan3A_804 : i32
    }
    %scan3A_477 = arith.constant 8 : i32
    %dma_start3A_478 = arith.constant 256 : i32
    %dma_start3A_479 = tpu.memref_slice %arg11[%dma_start3A_478] : memref<384xi32, #tpu.memory_space<vmem>> -> memref<128xi32, #tpu.memory_space<vmem>>
    %dma_start3A_480 = arith.constant 0 : i32
    %dma_start3A_481 = arith.constant 0 : i32
    %dma_start3A_482 = tpu.memref_slice %arg2[%dma_start3A_480, %dma_start3A_481] : memref<131072x128xf32, #tpu.memory_space<hbm>> -> memref<131072x128xf32, #tpu.memory_space<hbm>>
    tpu.enqueue_indirect_dma source(%dma_start3A_482 : memref<131072x128xf32, #tpu.memory_space<hbm>>) target(%arg8 : memref<128x128xf32, #tpu.memory_space<vmem>>) offsets(%dma_start3A_479 : memref<128xi32, #tpu.memory_space<vmem>>) semaphore(%arg14 : memref<!tpu.dma_semaphore, #tpu.memory_space<semaphore_mem>>)
    %dma_wait3A_483 = arith.constant 0 : i32
    %dma_wait3A_484 = tpu.memref_slice %arg11[%dma_wait3A_483] : memref<384xi32, #tpu.memory_space<vmem>> -> memref<128xi32, #tpu.memory_space<vmem>>
    %dma_wait3A_485 = arith.constant 0 : i32
    %dma_wait3A_486 = arith.constant 0 : i32
    %dma_wait3A_487 = tpu.memref_slice %arg2[%dma_wait3A_485, %dma_wait3A_486] : memref<131072x128xf32, #tpu.memory_space<hbm>> -> memref<131072x128xf32, #tpu.memory_space<hbm>>
    tpu.wait_indirect_dma semaphore(%arg12 : memref<!tpu.dma_semaphore, #tpu.memory_space<semaphore_mem>>) src(%dma_wait3A_487 : memref<131072x128xf32, #tpu.memory_space<hbm>>) dst(%arg6 : memref<128x128xf32, #tpu.memory_space<vmem>>)
    %scan3A_488 = arith.constant 0 : i32
    %scan3A_489 = arith.constant 0 : i32
    %scan3A_490 = arith.constant 128 : i32
    %scan3A_491 = arith.addi %scan3A_489, %scan3A_490 : i32
    %scan3A_492 = arith.constant 1 : i32
    %scan3A_493 = scf.for %scan3A_787 = %scan3A_489 to %scan3A_491 step %scan3A_492 iter_args(%scan3A_788 = %scan3A_488) -> (i32)  : i32 {
      %get3A_789 = arith.index_cast %scan3A_787 : i32 to index
      %get3A_790 = arith.constant 0 : index
      %get3A_791 = tpu.vector_load %arg6[%get3A_789, %get3A_790] {strides = array<i32>} : memref<128x128xf32, #tpu.memory_space<vmem>>, vector<1x16xf32>,
      %get3A_792 = vector.shape_cast %get3A_791 : vector<1x16xf32> to vector<16xf32>
      %mul3A_793 = arith.mulf %get3A_792, %mul3A_236 : vector<16xf32>
      %swap3A = arith.index_cast %scan3A_787 : i32 to index
      %swap3A_794 = arith.constant 0 : index
      %swap3A_795 = tpu.vector_load %arg6[%swap3A, %swap3A_794] {strides = array<i32>} : memref<128x128xf32, #tpu.memory_space<vmem>>, vector<1x16xf32>,
      %swap3A_796 = vector.shape_cast %swap3A_795 : vector<1x16xf32> to vector<16xf32>
      %swap3A_797 = vector.shape_cast %mul3A_793 : vector<16xf32> to vector<1x16xf32>
      tpu.vector_store %arg6[%swap3A, %swap3A_794], %swap3A_797 {strides = array<i32>} : memref<128x128xf32, #tpu.memory_space<vmem>>, vector<1x16xf32>,
      %get3A_798 = arith.index_cast %scan3A_787 : i32 to index
      %get3A_799 = arith.constant 16 : index
      %get3A_800 = tpu.vector_load %arg6[%get3A_798, %get3A_799] {strides = array<i32>} : memref<128x128xf32, #tpu.memory_space<vmem>>, vector<1x16xf32>,
      %get3A_801 = vector.shape_cast %get3A_800 : vector<1x16xf32> to vector<16xf32>
      %mul3A_802 = arith.mulf %get3A_801, %mul3A_236 : vector<16xf32>
      %swap3A_803 = arith.index_cast %scan3A_787 : i32 to index
      %swap3A_804 = arith.constant 16 : index
      %swap3A_805 = tpu.vector_load %arg6[%swap3A_803, %swap3A_804] {strides = array<i32>} : memref<128x128xf32, #tpu.memory_space<vmem>>, vector<1x16xf32>,
      %swap3A_806 = vector.shape_cast %swap3A_805 : vector<1x16xf32> to vector<16xf32>
      %swap3A_807 = vector.shape_cast %mul3A_802 : vector<16xf32> to vector<1x16xf32>
      tpu.vector_store %arg6[%swap3A_803, %swap3A_804], %swap3A_807 {strides = array<i32>} : memref<128x128xf32, #tpu.memory_space<vmem>>, vector<1x16xf32>,
      %get3A_808 = arith.index_cast %scan3A_787 : i32 to index
      %get3A_809 = arith.constant 32 : index
      %get3A_810 = tpu.vector_load %arg6[%get3A_808, %get3A_809] {strides = array<i32>} : memref<128x128xf32, #tpu.memory_space<vmem>>, vector<1x16xf32>,
      %get3A_811 = vector.shape_cast %get3A_810 : vector<1x16xf32> to vector<16xf32>
      %mul3A_812 = arith.mulf %get3A_811, %mul3A_236 : vector<16xf32>
      %swap3A_813 = arith.index_cast %scan3A_787 : i32 to index
      %swap3A_814 = arith.constant 32 : index
      %swap3A_815 = tpu.vector_load %arg6[%swap3A_813, %swap3A_814] {strides = array<i32>} : memref<128x128xf32, #tpu.memory_space<vmem>>, vector<1x16xf32>,
      %swap3A_816 = vector.shape_cast %swap3A_815 : vector<1x16xf32> to vector<16xf32>
      %swap3A_817 = vector.shape_cast %mul3A_812 : vector<16xf32> to vector<1x16xf32>
      tpu.vector_store %arg6[%swap3A_813, %swap3A_814], %swap3A_817 {strides = array<i32>} : memref<128x128xf32, #tpu.memory_space<vmem>>, vector<1x16xf32>,
      %get3A_818 = arith.index_cast %scan3A_787 : i32 to index
      %get3A_819 = arith.constant 48 : index
      %get3A_820 = tpu.vector_load %arg6[%get3A_818, %get3A_819] {strides = array<i32>} : memref<128x128xf32, #tpu.memory_space<vmem>>, vector<1x16xf32>,
      %get3A_821 = vector.shape_cast %get3A_820 : vector<1x16xf32> to vector<16xf32>
      %mul3A_822 = arith.mulf %get3A_821, %mul3A_236 : vector<16xf32>
      %swap3A_823 = arith.index_cast %scan3A_787 : i32 to index
      %swap3A_824 = arith.constant 48 : index
      %swap3A_825 = tpu.vector_load %arg6[%swap3A_823, %swap3A_824] {strides = array<i32>} : memref<128x128xf32, #tpu.memory_space<vmem>>, vector<1x16xf32>,
      %swap3A_826 = vector.shape_cast %swap3A_825 : vector<1x16xf32> to vector<16xf32>
      %swap3A_827 = vector.shape_cast %mul3A_822 : vector<16xf32> to vector<1x16xf32>
      tpu.vector_store %arg6[%swap3A_823, %swap3A_824], %swap3A_827 {strides = array<i32>} : memref<128x128xf32, #tpu.memory_space<vmem>>, vector<1x16xf32>,
      %get3A_828 = arith.index_cast %scan3A_787 : i32 to index
      %get3A_829 = arith.constant 64 : index
      %get3A_830 = tpu.vector_load %arg6[%get3A_828, %get3A_829] {strides = array<i32>} : memref<128x128xf32, #tpu.memory_space<vmem>>, vector<1x16xf32>,
      %get3A_831 = vector.shape_cast %get3A_830 : vector<1x16xf32> to vector<16xf32>
      %mul3A_832 = arith.mulf %get3A_831, %mul3A_236 : vector<16xf32>
      %swap3A_833 = arith.index_cast %scan3A_787 : i32 to index
      %swap3A_834 = arith.constant 64 : index
      %swap3A_835 = tpu.vector_load %arg6[%swap3A_833, %swap3A_834] {strides = array<i32>} : memref<128x128xf32, #tpu.memory_space<vmem>>, vector<1x16xf32>,
      %swap3A_836 = vector.shape_cast %swap3A_835 : vector<1x16xf32> to vector<16xf32>
      %swap3A_837 = vector.shape_cast %mul3A_832 : vector<16xf32> to vector<1x16xf32>
      tpu.vector_store %arg6[%swap3A_833, %swap3A_834], %swap3A_837 {strides = array<i32>} : memref<128x128xf32, #tpu.memory_space<vmem>>, vector<1x16xf32>,
      %get3A_838 = arith.index_cast %scan3A_787 : i32 to index
      %get3A_839 = arith.constant 80 : index
      %get3A_840 = tpu.vector_load %arg6[%get3A_838, %get3A_839] {strides = array<i32>} : memref<128x128xf32, #tpu.memory_space<vmem>>, vector<1x16xf32>,
      %get3A_841 = vector.shape_cast %get3A_840 : vector<1x16xf32> to vector<16xf32>
      %mul3A_842 = arith.mulf %get3A_841, %mul3A_236 : vector<16xf32>
      %swap3A_843 = arith.index_cast %scan3A_787 : i32 to index
      %swap3A_844 = arith.constant 80 : index
      %swap3A_845 = tpu.vector_load %arg6[%swap3A_843, %swap3A_844] {strides = array<i32>} : memref<128x128xf32, #tpu.memory_space<vmem>>, vector<1x16xf32>,
      %swap3A_846 = vector.shape_cast %swap3A_845 : vector<1x16xf32> to vector<16xf32>
      %swap3A_847 = vector.shape_cast %mul3A_842 : vector<16xf32> to vector<1x16xf32>
      tpu.vector_store %arg6[%swap3A_843, %swap3A_844], %swap3A_847 {strides = array<i32>} : memref<128x128xf32, #tpu.memory_space<vmem>>, vector<1x16xf32>,
      %get3A_848 = arith.index_cast %scan3A_787 : i32 to index
      %get3A_849 = arith.constant 96 : index
      %get3A_850 = tpu.vector_load %arg6[%get3A_848, %get3A_849] {strides = array<i32>} : memref<128x128xf32, #tpu.memory_space<vmem>>, vector<1x16xf32>,
      %get3A_851 = vector.shape_cast %get3A_850 : vector<1x16xf32> to vector<16xf32>
      %mul3A_852 = arith.mulf %get3A_851, %mul3A_236 : vector<16xf32>
      %swap3A_853 = arith.index_cast %scan3A_787 : i32 to index
      %swap3A_854 = arith.constant 96 : index
      %swap3A_855 = tpu.vector_load %arg6[%swap3A_853, %swap3A_854] {strides = array<i32>} : memref<128x128xf32, #tpu.memory_space<vmem>>, vector<1x16xf32>,
      %swap3A_856 = vector.shape_cast %swap3A_855 : vector<1x16xf32> to vector<16xf32>
      %swap3A_857 = vector.shape_cast %mul3A_852 : vector<16xf32> to vector<1x16xf32>
      tpu.vector_store %arg6[%swap3A_853, %swap3A_854], %swap3A_857 {strides = array<i32>} : memref<128x128xf32, #tpu.memory_space<vmem>>, vector<1x16xf32>,
      %get3A_858 = arith.index_cast %scan3A_787 : i32 to index
      %get3A_859 = arith.constant 112 : index
      %get3A_860 = tpu.vector_load %arg6[%get3A_858, %get3A_859] {strides = array<i32>} : memref<128x128xf32, #tpu.memory_space<vmem>>, vector<1x16xf32>,
      %get3A_861 = vector.shape_cast %get3A_860 : vector<1x16xf32> to vector<16xf32>
      %mul3A_862 = arith.mulf %get3A_861, %mul3A_236 : vector<16xf32>
      %swap3A_863 = arith.index_cast %scan3A_787 : i32 to index
      %swap3A_864 = arith.constant 112 : index
      %swap3A_865 = tpu.vector_load %arg6[%swap3A_863, %swap3A_864] {strides = array<i32>} : memref<128x128xf32, #tpu.memory_space<vmem>>, vector<1x16xf32>,
      %swap3A_866 = vector.shape_cast %swap3A_865 : vector<1x16xf32> to vector<16xf32>
      %swap3A_867 = vector.shape_cast %mul3A_862 : vector<16xf32> to vector<1x16xf32>
      tpu.vector_store %arg6[%swap3A_863, %swap3A_864], %swap3A_867 {strides = array<i32>} : memref<128x128xf32, #tpu.memory_space<vmem>>, vector<1x16xf32>,
      %scan3A_868 = arith.constant 0 : i32
      scf.yield %scan3A_868 : i32
    }
    %scan3A_494 = arith.constant 128 : i32
    %add3A_495 = arith.constant 768 : i32
    %add3A_496 = arith.addi %mul3A_245, %add3A_495 : i32
    %dma_start3A_497 = arith.constant 0 : i32
    %dma_start3A_498 = tpu.memref_slice %arg5[%add3A_496, %dma_start3A_497] : memref<65536x128xf32, #tpu.memory_space<hbm>> -> memref<128x128xf32, #tpu.memory_space<hbm>>
    %dma_start3A_499 = arith.constant 0 : i32
    %dma_start3A_500 = tpu.memref_slice %arg5[%add3A_496, %dma_start3A_499] : memref<65536x128xf32, #tpu.memory_space<hbm>> -> memref<128x128xf32, #tpu.memory_space<hbm>>
    tpu.enqueue_dma source(%arg6 : memref<128x128xf32, #tpu.memory_space<vmem>>) target(%dma_start3A_500 : memref<128x128xf32, #tpu.memory_space<hbm>>) target_semaphore(%arg15 : memref<!tpu.dma_semaphore, #tpu.memory_space<semaphore_mem>>)
    %dma_wait3A_501 = arith.constant 0 : i32
    %dma_wait3A_502 = tpu.memref_slice %arg5[%add3A_496, %dma_wait3A_501] : memref<65536x128xf32, #tpu.memory_space<hbm>> -> memref<128x128xf32, #tpu.memory_space<hbm>>
    %dma_wait3A_503 = arith.constant 0 : i32
    %dma_wait3A_504 = tpu.memref_slice %arg5[%add3A_496, %dma_wait3A_503] : memref<65536x128xf32, #tpu.memory_space<hbm>> -> memref<128x128xf32, #tpu.memory_space<hbm>>
    tpu.wait_dma2 semaphore(%arg15 : memref<!tpu.dma_semaphore, #tpu.memory_space<semaphore_mem>>) src(%arg6 : memref<128x128xf32, #tpu.memory_space<vmem>>) dst(%dma_wait3A_504 : memref<128x128xf32, #tpu.memory_space<hbm>>)
    %scan3A_505 = arith.constant 0 : i32
    %scan3A_506 = arith.constant 0 : i32
    %scan3A_507 = arith.constant 8 : i32
    %scan3A_508 = arith.addi %scan3A_506, %scan3A_507 : i32
    %scan3A_509 = arith.constant 1 : i32
    %scan3A_510 = scf.for %scan3A_787 = %scan3A_506 to %scan3A_508 step %scan3A_509 iter_args(%scan3A_788 = %scan3A_505) -> (i32)  : i32 {
      %add3A_789 = arith.constant 1152 : i32
      %add3A_790 = vector.broadcast %add3A_789 : i32 to vector<16xi32>
      %add3A_791 = arith.addi %add3A_243, %add3A_790 : vector<16xi32>
      %mul3A_792 = arith.constant 16 : i32
      %mul3A_793 = arith.muli %scan3A_787, %mul3A_792 : i32
      %add3A_794 = vector.broadcast %mul3A_793 : i32 to vector<16xi32>
      %add3A_795 = arith.addi %add3A_791, %add3A_794 : vector<16xi32>
      %add3A_796 = arith.addi %add3A_795, %iota3A : vector<16xi32>
      %mul3A_797 = arith.constant 16 : i32
      %mul3A_798 = arith.muli %scan3A_787, %mul3A_797 : i32
      %add3A_799 = arith.constant 0 : i32
      %add3A_800 = arith.addi %add3A_799, %mul3A_798 : i32
      %swap3A = arith.index_cast %add3A_800 : i32 to index
      %swap3A_801 = tpu.vector_load %arg11[%swap3A] {strides = array<i32>} : memref<384xi32, #tpu.memory_space<vmem>>, vector<16xi32>,
      %swap3A_802 = vector.shape_cast %swap3A_801 : vector<16xi32> to vector<16xi32>
      %swap3A_803 = vector.shape_cast %add3A_796 : vector<16xi32> to vector<16xi32>
      tpu.vector_store %arg11[%swap3A], %swap3A_803 {strides = array<i32>} : memref<384xi32, #tpu.memory_space<vmem>>, vector<16xi32>,
      %scan3A_804 = arith.constant 0 : i32
      scf.yield %scan3A_804 : i32
    }
    %scan3A_511 = arith.constant 8 : i32
    %dma_start3A_512 = arith.constant 0 : i32
    %dma_start3A_513 = tpu.memref_slice %arg11[%dma_start3A_512] : memref<384xi32, #tpu.memory_space<vmem>> -> memref<128xi32, #tpu.memory_space<vmem>>
    %dma_start3A_514 = arith.constant 0 : i32
    %dma_start3A_515 = arith.constant 0 : i32
    %dma_start3A_516 = tpu.memref_slice %arg2[%dma_start3A_514, %dma_start3A_515] : memref<131072x128xf32, #tpu.memory_space<hbm>> -> memref<131072x128xf32, #tpu.memory_space<hbm>>
    tpu.enqueue_indirect_dma source(%dma_start3A_516 : memref<131072x128xf32, #tpu.memory_space<hbm>>) target(%arg6 : memref<128x128xf32, #tpu.memory_space<vmem>>) offsets(%dma_start3A_513 : memref<128xi32, #tpu.memory_space<vmem>>) semaphore(%arg12 : memref<!tpu.dma_semaphore, #tpu.memory_space<semaphore_mem>>)
    %dma_wait3A_517 = arith.constant 128 : i32
    %dma_wait3A_518 = tpu.memref_slice %arg11[%dma_wait3A_517] : memref<384xi32, #tpu.memory_space<vmem>> -> memref<128xi32, #tpu.memory_space<vmem>>
    %dma_wait3A_519 = arith.constant 0 : i32
    %dma_wait3A_520 = arith.constant 0 : i32
    %dma_wait3A_521 = tpu.memref_slice %arg2[%dma_wait3A_519, %dma_wait3A_520] : memref<131072x128xf32, #tpu.memory_space<hbm>> -> memref<131072x128xf32, #tpu.memory_space<hbm>>
    tpu.wait_indirect_dma semaphore(%arg13 : memref<!tpu.dma_semaphore, #tpu.memory_space<semaphore_mem>>) src(%dma_wait3A_521 : memref<131072x128xf32, #tpu.memory_space<hbm>>) dst(%arg7 : memref<128x128xf32, #tpu.memory_space<vmem>>)
    %scan3A_522 = arith.constant 0 : i32
    %scan3A_523 = arith.constant 0 : i32
    %scan3A_524 = arith.constant 128 : i32
    %scan3A_525 = arith.addi %scan3A_523, %scan3A_524 : i32
    %scan3A_526 = arith.constant 1 : i32
    %scan3A_527 = scf.for %scan3A_787 = %scan3A_523 to %scan3A_525 step %scan3A_526 iter_args(%scan3A_788 = %scan3A_522) -> (i32)  : i32 {
      %get3A_789 = arith.index_cast %scan3A_787 : i32 to index
      %get3A_790 = arith.constant 0 : index
      %get3A_791 = tpu.vector_load %arg7[%get3A_789, %get3A_790] {strides = array<i32>} : memref<128x128xf32, #tpu.memory_space<vmem>>, vector<1x16xf32>,
      %get3A_792 = vector.shape_cast %get3A_791 : vector<1x16xf32> to vector<16xf32>
      %mul3A_793 = arith.mulf %get3A_792, %mul3A_236 : vector<16xf32>
      %swap3A = arith.index_cast %scan3A_787 : i32 to index
      %swap3A_794 = arith.constant 0 : index
      %swap3A_795 = tpu.vector_load %arg7[%swap3A, %swap3A_794] {strides = array<i32>} : memref<128x128xf32, #tpu.memory_space<vmem>>, vector<1x16xf32>,
      %swap3A_796 = vector.shape_cast %swap3A_795 : vector<1x16xf32> to vector<16xf32>
      %swap3A_797 = vector.shape_cast %mul3A_793 : vector<16xf32> to vector<1x16xf32>
      tpu.vector_store %arg7[%swap3A, %swap3A_794], %swap3A_797 {strides = array<i32>} : memref<128x128xf32, #tpu.memory_space<vmem>>, vector<1x16xf32>,
      %get3A_798 = arith.index_cast %scan3A_787 : i32 to index
      %get3A_799 = arith.constant 16 : index
      %get3A_800 = tpu.vector_load %arg7[%get3A_798, %get3A_799] {strides = array<i32>} : memref<128x128xf32, #tpu.memory_space<vmem>>, vector<1x16xf32>,
      %get3A_801 = vector.shape_cast %get3A_800 : vector<1x16xf32> to vector<16xf32>
      %mul3A_802 = arith.mulf %get3A_801, %mul3A_236 : vector<16xf32>
      %swap3A_803 = arith.index_cast %scan3A_787 : i32 to index
      %swap3A_804 = arith.constant 16 : index
      %swap3A_805 = tpu.vector_load %arg7[%swap3A_803, %swap3A_804] {strides = array<i32>} : memref<128x128xf32, #tpu.memory_space<vmem>>, vector<1x16xf32>,
      %swap3A_806 = vector.shape_cast %swap3A_805 : vector<1x16xf32> to vector<16xf32>
      %swap3A_807 = vector.shape_cast %mul3A_802 : vector<16xf32> to vector<1x16xf32>
      tpu.vector_store %arg7[%swap3A_803, %swap3A_804], %swap3A_807 {strides = array<i32>} : memref<128x128xf32, #tpu.memory_space<vmem>>, vector<1x16xf32>,
      %get3A_808 = arith.index_cast %scan3A_787 : i32 to index
      %get3A_809 = arith.constant 32 : index
      %get3A_810 = tpu.vector_load %arg7[%get3A_808, %get3A_809] {strides = array<i32>} : memref<128x128xf32, #tpu.memory_space<vmem>>, vector<1x16xf32>,
      %get3A_811 = vector.shape_cast %get3A_810 : vector<1x16xf32> to vector<16xf32>
      %mul3A_812 = arith.mulf %get3A_811, %mul3A_236 : vector<16xf32>
      %swap3A_813 = arith.index_cast %scan3A_787 : i32 to index
      %swap3A_814 = arith.constant 32 : index
      %swap3A_815 = tpu.vector_load %arg7[%swap3A_813, %swap3A_814] {strides = array<i32>} : memref<128x128xf32, #tpu.memory_space<vmem>>, vector<1x16xf32>,
      %swap3A_816 = vector.shape_cast %swap3A_815 : vector<1x16xf32> to vector<16xf32>
      %swap3A_817 = vector.shape_cast %mul3A_812 : vector<16xf32> to vector<1x16xf32>
      tpu.vector_store %arg7[%swap3A_813, %swap3A_814], %swap3A_817 {strides = array<i32>} : memref<128x128xf32, #tpu.memory_space<vmem>>, vector<1x16xf32>,
      %get3A_818 = arith.index_cast %scan3A_787 : i32 to index
      %get3A_819 = arith.constant 48 : index
      %get3A_820 = tpu.vector_load %arg7[%get3A_818, %get3A_819] {strides = array<i32>} : memref<128x128xf32, #tpu.memory_space<vmem>>, vector<1x16xf32>,
      %get3A_821 = vector.shape_cast %get3A_820 : vector<1x16xf32> to vector<16xf32>
      %mul3A_822 = arith.mulf %get3A_821, %mul3A_236 : vector<16xf32>
      %swap3A_823 = arith.index_cast %scan3A_787 : i32 to index
      %swap3A_824 = arith.constant 48 : index
      %swap3A_825 = tpu.vector_load %arg7[%swap3A_823, %swap3A_824] {strides = array<i32>} : memref<128x128xf32, #tpu.memory_space<vmem>>, vector<1x16xf32>,
      %swap3A_826 = vector.shape_cast %swap3A_825 : vector<1x16xf32> to vector<16xf32>
      %swap3A_827 = vector.shape_cast %mul3A_822 : vector<16xf32> to vector<1x16xf32>
      tpu.vector_store %arg7[%swap3A_823, %swap3A_824], %swap3A_827 {strides = array<i32>} : memref<128x128xf32, #tpu.memory_space<vmem>>, vector<1x16xf32>,
      %get3A_828 = arith.index_cast %scan3A_787 : i32 to index
      %get3A_829 = arith.constant 64 : index
      %get3A_830 = tpu.vector_load %arg7[%get3A_828, %get3A_829] {strides = array<i32>} : memref<128x128xf32, #tpu.memory_space<vmem>>, vector<1x16xf32>,
      %get3A_831 = vector.shape_cast %get3A_830 : vector<1x16xf32> to vector<16xf32>
      %mul3A_832 = arith.mulf %get3A_831, %mul3A_236 : vector<16xf32>
      %swap3A_833 = arith.index_cast %scan3A_787 : i32 to index
      %swap3A_834 = arith.constant 64 : index
      %swap3A_835 = tpu.vector_load %arg7[%swap3A_833, %swap3A_834] {strides = array<i32>} : memref<128x128xf32, #tpu.memory_space<vmem>>, vector<1x16xf32>,
      %swap3A_836 = vector.shape_cast %swap3A_835 : vector<1x16xf32> to vector<16xf32>
      %swap3A_837 = vector.shape_cast %mul3A_832 : vector<16xf32> to vector<1x16xf32>
      tpu.vector_store %arg7[%swap3A_833, %swap3A_834], %swap3A_837 {strides = array<i32>} : memref<128x128xf32, #tpu.memory_space<vmem>>, vector<1x16xf32>,
      %get3A_838 = arith.index_cast %scan3A_787 : i32 to index
      %get3A_839 = arith.constant 80 : index
      %get3A_840 = tpu.vector_load %arg7[%get3A_838, %get3A_839] {strides = array<i32>} : memref<128x128xf32, #tpu.memory_space<vmem>>, vector<1x16xf32>,
      %get3A_841 = vector.shape_cast %get3A_840 : vector<1x16xf32> to vector<16xf32>
      %mul3A_842 = arith.mulf %get3A_841, %mul3A_236 : vector<16xf32>
      %swap3A_843 = arith.index_cast %scan3A_787 : i32 to index
      %swap3A_844 = arith.constant 80 : index
      %swap3A_845 = tpu.vector_load %arg7[%swap3A_843, %swap3A_844] {strides = array<i32>} : memref<128x128xf32, #tpu.memory_space<vmem>>, vector<1x16xf32>,
      %swap3A_846 = vector.shape_cast %swap3A_845 : vector<1x16xf32> to vector<16xf32>
      %swap3A_847 = vector.shape_cast %mul3A_842 : vector<16xf32> to vector<1x16xf32>
      tpu.vector_store %arg7[%swap3A_843, %swap3A_844], %swap3A_847 {strides = array<i32>} : memref<128x128xf32, #tpu.memory_space<vmem>>, vector<1x16xf32>,
      %get3A_848 = arith.index_cast %scan3A_787 : i32 to index
      %get3A_849 = arith.constant 96 : index
      %get3A_850 = tpu.vector_load %arg7[%get3A_848, %get3A_849] {strides = array<i32>} : memref<128x128xf32, #tpu.memory_space<vmem>>, vector<1x16xf32>,
      %get3A_851 = vector.shape_cast %get3A_850 : vector<1x16xf32> to vector<16xf32>
      %mul3A_852 = arith.mulf %get3A_851, %mul3A_236 : vector<16xf32>
      %swap3A_853 = arith.index_cast %scan3A_787 : i32 to index
      %swap3A_854 = arith.constant 96 : index
      %swap3A_855 = tpu.vector_load %arg7[%swap3A_853, %swap3A_854] {strides = array<i32>} : memref<128x128xf32, #tpu.memory_space<vmem>>, vector<1x16xf32>,
      %swap3A_856 = vector.shape_cast %swap3A_855 : vector<1x16xf32> to vector<16xf32>
      %swap3A_857 = vector.shape_cast %mul3A_852 : vector<16xf32> to vector<1x16xf32>
      tpu.vector_store %arg7[%swap3A_853, %swap3A_854], %swap3A_857 {strides = array<i32>} : memref<128x128xf32, #tpu.memory_space<vmem>>, vector<1x16xf32>,
      %get3A_858 = arith.index_cast %scan3A_787 : i32 to index
      %get3A_859 = arith.constant 112 : index
      %get3A_860 = tpu.vector_load %arg7[%get3A_858, %get3A_859] {strides = array<i32>} : memref<128x128xf32, #tpu.memory_space<vmem>>, vector<1x16xf32>,
      %get3A_861 = vector.shape_cast %get3A_860 : vector<1x16xf32> to vector<16xf32>
      %mul3A_862 = arith.mulf %get3A_861, %mul3A_236 : vector<16xf32>
      %swap3A_863 = arith.index_cast %scan3A_787 : i32 to index
      %swap3A_864 = arith.constant 112 : index
      %swap3A_865 = tpu.vector_load %arg7[%swap3A_863, %swap3A_864] {strides = array<i32>} : memref<128x128xf32, #tpu.memory_space<vmem>>, vector<1x16xf32>,
      %swap3A_866 = vector.shape_cast %swap3A_865 : vector<1x16xf32> to vector<16xf32>
      %swap3A_867 = vector.shape_cast %mul3A_862 : vector<16xf32> to vector<1x16xf32>
      tpu.vector_store %arg7[%swap3A_863, %swap3A_864], %swap3A_867 {strides = array<i32>} : memref<128x128xf32, #tpu.memory_space<vmem>>, vector<1x16xf32>,
      %scan3A_868 = arith.constant 0 : i32
      scf.yield %scan3A_868 : i32
    }
    %scan3A_528 = arith.constant 128 : i32
    %add3A_529 = arith.constant 896 : i32
    %add3A_530 = arith.addi %mul3A_245, %add3A_529 : i32
    %dma_start3A_531 = arith.constant 0 : i32
    %dma_start3A_532 = tpu.memref_slice %arg5[%add3A_530, %dma_start3A_531] : memref<65536x128xf32, #tpu.memory_space<hbm>> -> memref<128x128xf32, #tpu.memory_space<hbm>>
    %dma_start3A_533 = arith.constant 0 : i32
    %dma_start3A_534 = tpu.memref_slice %arg5[%add3A_530, %dma_start3A_533] : memref<65536x128xf32, #tpu.memory_space<hbm>> -> memref<128x128xf32, #tpu.memory_space<hbm>>
    tpu.enqueue_dma source(%arg7 : memref<128x128xf32, #tpu.memory_space<vmem>>) target(%dma_start3A_534 : memref<128x128xf32, #tpu.memory_space<hbm>>) target_semaphore(%arg16 : memref<!tpu.dma_semaphore, #tpu.memory_space<semaphore_mem>>)
    %dma_wait3A_535 = arith.constant 0 : i32
    %dma_wait3A_536 = tpu.memref_slice %arg5[%add3A_530, %dma_wait3A_535] : memref<65536x128xf32, #tpu.memory_space<hbm>> -> memref<128x128xf32, #tpu.memory_space<hbm>>
    %dma_wait3A_537 = arith.constant 0 : i32
    %dma_wait3A_538 = tpu.memref_slice %arg5[%add3A_530, %dma_wait3A_537] : memref<65536x128xf32, #tpu.memory_space<hbm>> -> memref<128x128xf32, #tpu.memory_space<hbm>>
    tpu.wait_dma2 semaphore(%arg16 : memref<!tpu.dma_semaphore, #tpu.memory_space<semaphore_mem>>) src(%arg7 : memref<128x128xf32, #tpu.memory_space<vmem>>) dst(%dma_wait3A_538 : memref<128x128xf32, #tpu.memory_space<hbm>>)
    %scan3A_539 = arith.constant 0 : i32
    %scan3A_540 = arith.constant 0 : i32
    %scan3A_541 = arith.constant 8 : i32
    %scan3A_542 = arith.addi %scan3A_540, %scan3A_541 : i32
    %scan3A_543 = arith.constant 1 : i32
    %scan3A_544 = scf.for %scan3A_787 = %scan3A_540 to %scan3A_542 step %scan3A_543 iter_args(%scan3A_788 = %scan3A_539) -> (i32)  : i32 {
      %add3A_789 = arith.constant 1280 : i32
      %add3A_790 = vector.broadcast %add3A_789 : i32 to vector<16xi32>
      %add3A_791 = arith.addi %add3A_243, %add3A_790 : vector<16xi32>
      %mul3A_792 = arith.constant 16 : i32
      %mul3A_793 = arith.muli %scan3A_787, %mul3A_792 : i32
      %add3A_794 = vector.broadcast %mul3A_793 : i32 to vector<16xi32>
      %add3A_795 = arith.addi %add3A_791, %add3A_794 : vector<16xi32>
      %add3A_796 = arith.addi %add3A_795, %iota3A : vector<16xi32>
      %mul3A_797 = arith.constant 16 : i32
      %mul3A_798 = arith.muli %scan3A_787, %mul3A_797 : i32
      %add3A_799 = arith.constant 128 : i32
      %add3A_800 = arith.addi %add3A_799, %mul3A_798 : i32
      %swap3A = arith.index_cast %add3A_800 : i32 to index
      %swap3A_801 = tpu.vector_load %arg11[%swap3A] {strides = array<i32>} : memref<384xi32, #tpu.memory_space<vmem>>, vector<16xi32>,
      %swap3A_802 = vector.shape_cast %swap3A_801 : vector<16xi32> to vector<16xi32>
      %swap3A_803 = vector.shape_cast %add3A_796 : vector<16xi32> to vector<16xi32>
      tpu.vector_store %arg11[%swap3A], %swap3A_803 {strides = array<i32>} : memref<384xi32, #tpu.memory_space<vmem>>, vector<16xi32>,
      %scan3A_804 = arith.constant 0 : i32
      scf.yield %scan3A_804 : i32
    }
    %scan3A_545 = arith.constant 8 : i32
    %dma_start3A_546 = arith.constant 128 : i32
    %dma_start3A_547 = tpu.memref_slice %arg11[%dma_start3A_546] : memref<384xi32, #tpu.memory_space<vmem>> -> memref<128xi32, #tpu.memory_space<vmem>>
    %dma_start3A_548 = arith.constant 0 : i32
    %dma_start3A_549 = arith.constant 0 : i32
    %dma_start3A_550 = tpu.memref_slice %arg2[%dma_start3A_548, %dma_start3A_549] : memref<131072x128xf32, #tpu.memory_space<hbm>> -> memref<131072x128xf32, #tpu.memory_space<hbm>>
    tpu.enqueue_indirect_dma source(%dma_start3A_550 : memref<131072x128xf32, #tpu.memory_space<hbm>>) target(%arg7 : memref<128x128xf32, #tpu.memory_space<vmem>>) offsets(%dma_start3A_547 : memref<128xi32, #tpu.memory_space<vmem>>) semaphore(%arg13 : memref<!tpu.dma_semaphore, #tpu.memory_space<semaphore_mem>>)
    %dma_wait3A_551 = arith.constant 256 : i32
    %dma_wait3A_552 = tpu.memref_slice %arg11[%dma_wait3A_551] : memref<384xi32, #tpu.memory_space<vmem>> -> memref<128xi32, #tpu.memory_space<vmem>>
    %dma_wait3A_553 = arith.constant 0 : i32
    %dma_wait3A_554 = arith.constant 0 : i32
    %dma_wait3A_555 = tpu.memref_slice %arg2[%dma_wait3A_553, %dma_wait3A_554] : memref<131072x128xf32, #tpu.memory_space<hbm>> -> memref<131072x128xf32, #tpu.memory_space<hbm>>
    tpu.wait_indirect_dma semaphore(%arg14 : memref<!tpu.dma_semaphore, #tpu.memory_space<semaphore_mem>>) src(%dma_wait3A_555 : memref<131072x128xf32, #tpu.memory_space<hbm>>) dst(%arg8 : memref<128x128xf32, #tpu.memory_space<vmem>>)
    %scan3A_556 = arith.constant 0 : i32
    %scan3A_557 = arith.constant 0 : i32
    %scan3A_558 = arith.constant 128 : i32
    %scan3A_559 = arith.addi %scan3A_557, %scan3A_558 : i32
    %scan3A_560 = arith.constant 1 : i32
    %scan3A_561 = scf.for %scan3A_787 = %scan3A_557 to %scan3A_559 step %scan3A_560 iter_args(%scan3A_788 = %scan3A_556) -> (i32)  : i32 {
      %get3A_789 = arith.index_cast %scan3A_787 : i32 to index
      %get3A_790 = arith.constant 0 : index
      %get3A_791 = tpu.vector_load %arg8[%get3A_789, %get3A_790] {strides = array<i32>} : memref<128x128xf32, #tpu.memory_space<vmem>>, vector<1x16xf32>,
      %get3A_792 = vector.shape_cast %get3A_791 : vector<1x16xf32> to vector<16xf32>
      %mul3A_793 = arith.mulf %get3A_792, %mul3A_236 : vector<16xf32>
      %swap3A = arith.index_cast %scan3A_787 : i32 to index
      %swap3A_794 = arith.constant 0 : index
      %swap3A_795 = tpu.vector_load %arg8[%swap3A, %swap3A_794] {strides = array<i32>} : memref<128x128xf32, #tpu.memory_space<vmem>>, vector<1x16xf32>,
      %swap3A_796 = vector.shape_cast %swap3A_795 : vector<1x16xf32> to vector<16xf32>
      %swap3A_797 = vector.shape_cast %mul3A_793 : vector<16xf32> to vector<1x16xf32>
      tpu.vector_store %arg8[%swap3A, %swap3A_794], %swap3A_797 {strides = array<i32>} : memref<128x128xf32, #tpu.memory_space<vmem>>, vector<1x16xf32>,
      %get3A_798 = arith.index_cast %scan3A_787 : i32 to index
      %get3A_799 = arith.constant 16 : index
      %get3A_800 = tpu.vector_load %arg8[%get3A_798, %get3A_799] {strides = array<i32>} : memref<128x128xf32, #tpu.memory_space<vmem>>, vector<1x16xf32>,
      %get3A_801 = vector.shape_cast %get3A_800 : vector<1x16xf32> to vector<16xf32>
      %mul3A_802 = arith.mulf %get3A_801, %mul3A_236 : vector<16xf32>
      %swap3A_803 = arith.index_cast %scan3A_787 : i32 to index
      %swap3A_804 = arith.constant 16 : index
      %swap3A_805 = tpu.vector_load %arg8[%swap3A_803, %swap3A_804] {strides = array<i32>} : memref<128x128xf32, #tpu.memory_space<vmem>>, vector<1x16xf32>,
      %swap3A_806 = vector.shape_cast %swap3A_805 : vector<1x16xf32> to vector<16xf32>
      %swap3A_807 = vector.shape_cast %mul3A_802 : vector<16xf32> to vector<1x16xf32>
      tpu.vector_store %arg8[%swap3A_803, %swap3A_804], %swap3A_807 {strides = array<i32>} : memref<128x128xf32, #tpu.memory_space<vmem>>, vector<1x16xf32>,
      %get3A_808 = arith.index_cast %scan3A_787 : i32 to index
      %get3A_809 = arith.constant 32 : index
      %get3A_810 = tpu.vector_load %arg8[%get3A_808, %get3A_809] {strides = array<i32>} : memref<128x128xf32, #tpu.memory_space<vmem>>, vector<1x16xf32>,
      %get3A_811 = vector.shape_cast %get3A_810 : vector<1x16xf32> to vector<16xf32>
      %mul3A_812 = arith.mulf %get3A_811, %mul3A_236 : vector<16xf32>
      %swap3A_813 = arith.index_cast %scan3A_787 : i32 to index
      %swap3A_814 = arith.constant 32 : index
      %swap3A_815 = tpu.vector_load %arg8[%swap3A_813, %swap3A_814] {strides = array<i32>} : memref<128x128xf32, #tpu.memory_space<vmem>>, vector<1x16xf32>,
      %swap3A_816 = vector.shape_cast %swap3A_815 : vector<1x16xf32> to vector<16xf32>
      %swap3A_817 = vector.shape_cast %mul3A_812 : vector<16xf32> to vector<1x16xf32>
      tpu.vector_store %arg8[%swap3A_813, %swap3A_814], %swap3A_817 {strides = array<i32>} : memref<128x128xf32, #tpu.memory_space<vmem>>, vector<1x16xf32>,
      %get3A_818 = arith.index_cast %scan3A_787 : i32 to index
      %get3A_819 = arith.constant 48 : index
      %get3A_820 = tpu.vector_load %arg8[%get3A_818, %get3A_819] {strides = array<i32>} : memref<128x128xf32, #tpu.memory_space<vmem>>, vector<1x16xf32>,
      %get3A_821 = vector.shape_cast %get3A_820 : vector<1x16xf32> to vector<16xf32>
      %mul3A_822 = arith.mulf %get3A_821, %mul3A_236 : vector<16xf32>
      %swap3A_823 = arith.index_cast %scan3A_787 : i32 to index
      %swap3A_824 = arith.constant 48 : index
      %swap3A_825 = tpu.vector_load %arg8[%swap3A_823, %swap3A_824] {strides = array<i32>} : memref<128x128xf32, #tpu.memory_space<vmem>>, vector<1x16xf32>,
      %swap3A_826 = vector.shape_cast %swap3A_825 : vector<1x16xf32> to vector<16xf32>
      %swap3A_827 = vector.shape_cast %mul3A_822 : vector<16xf32> to vector<1x16xf32>
      tpu.vector_store %arg8[%swap3A_823, %swap3A_824], %swap3A_827 {strides = array<i32>} : memref<128x128xf32, #tpu.memory_space<vmem>>, vector<1x16xf32>,
      %get3A_828 = arith.index_cast %scan3A_787 : i32 to index
      %get3A_829 = arith.constant 64 : index
      %get3A_830 = tpu.vector_load %arg8[%get3A_828, %get3A_829] {strides = array<i32>} : memref<128x128xf32, #tpu.memory_space<vmem>>, vector<1x16xf32>,
      %get3A_831 = vector.shape_cast %get3A_830 : vector<1x16xf32> to vector<16xf32>
      %mul3A_832 = arith.mulf %get3A_831, %mul3A_236 : vector<16xf32>
      %swap3A_833 = arith.index_cast %scan3A_787 : i32 to index
      %swap3A_834 = arith.constant 64 : index
      %swap3A_835 = tpu.vector_load %arg8[%swap3A_833, %swap3A_834] {strides = array<i32>} : memref<128x128xf32, #tpu.memory_space<vmem>>, vector<1x16xf32>,
      %swap3A_836 = vector.shape_cast %swap3A_835 : vector<1x16xf32> to vector<16xf32>
      %swap3A_837 = vector.shape_cast %mul3A_832 : vector<16xf32> to vector<1x16xf32>
      tpu.vector_store %arg8[%swap3A_833, %swap3A_834], %swap3A_837 {strides = array<i32>} : memref<128x128xf32, #tpu.memory_space<vmem>>, vector<1x16xf32>,
      %get3A_838 = arith.index_cast %scan3A_787 : i32 to index
      %get3A_839 = arith.constant 80 : index
      %get3A_840 = tpu.vector_load %arg8[%get3A_838, %get3A_839] {strides = array<i32>} : memref<128x128xf32, #tpu.memory_space<vmem>>, vector<1x16xf32>,
      %get3A_841 = vector.shape_cast %get3A_840 : vector<1x16xf32> to vector<16xf32>
      %mul3A_842 = arith.mulf %get3A_841, %mul3A_236 : vector<16xf32>
      %swap3A_843 = arith.index_cast %scan3A_787 : i32 to index
      %swap3A_844 = arith.constant 80 : index
      %swap3A_845 = tpu.vector_load %arg8[%swap3A_843, %swap3A_844] {strides = array<i32>} : memref<128x128xf32, #tpu.memory_space<vmem>>, vector<1x16xf32>,
      %swap3A_846 = vector.shape_cast %swap3A_845 : vector<1x16xf32> to vector<16xf32>
      %swap3A_847 = vector.shape_cast %mul3A_842 : vector<16xf32> to vector<1x16xf32>
      tpu.vector_store %arg8[%swap3A_843, %swap3A_844], %swap3A_847 {strides = array<i32>} : memref<128x128xf32, #tpu.memory_space<vmem>>, vector<1x16xf32>,
      %get3A_848 = arith.index_cast %scan3A_787 : i32 to index
      %get3A_849 = arith.constant 96 : index
      %get3A_850 = tpu.vector_load %arg8[%get3A_848, %get3A_849] {strides = array<i32>} : memref<128x128xf32, #tpu.memory_space<vmem>>, vector<1x16xf32>,
      %get3A_851 = vector.shape_cast %get3A_850 : vector<1x16xf32> to vector<16xf32>
      %mul3A_852 = arith.mulf %get3A_851, %mul3A_236 : vector<16xf32>
      %swap3A_853 = arith.index_cast %scan3A_787 : i32 to index
      %swap3A_854 = arith.constant 96 : index
      %swap3A_855 = tpu.vector_load %arg8[%swap3A_853, %swap3A_854] {strides = array<i32>} : memref<128x128xf32, #tpu.memory_space<vmem>>, vector<1x16xf32>,
      %swap3A_856 = vector.shape_cast %swap3A_855 : vector<1x16xf32> to vector<16xf32>
      %swap3A_857 = vector.shape_cast %mul3A_852 : vector<16xf32> to vector<1x16xf32>
      tpu.vector_store %arg8[%swap3A_853, %swap3A_854], %swap3A_857 {strides = array<i32>} : memref<128x128xf32, #tpu.memory_space<vmem>>, vector<1x16xf32>,
      %get3A_858 = arith.index_cast %scan3A_787 : i32 to index
      %get3A_859 = arith.constant 112 : index
      %get3A_860 = tpu.vector_load %arg8[%get3A_858, %get3A_859] {strides = array<i32>} : memref<128x128xf32, #tpu.memory_space<vmem>>, vector<1x16xf32>,
      %get3A_861 = vector.shape_cast %get3A_860 : vector<1x16xf32> to vector<16xf32>
      %mul3A_862 = arith.mulf %get3A_861, %mul3A_236 : vector<16xf32>
      %swap3A_863 = arith.index_cast %scan3A_787 : i32 to index
      %swap3A_864 = arith.constant 112 : index
      %swap3A_865 = tpu.vector_load %arg8[%swap3A_863, %swap3A_864] {strides = array<i32>} : memref<128x128xf32, #tpu.memory_space<vmem>>, vector<1x16xf32>,
      %swap3A_866 = vector.shape_cast %swap3A_865 : vector<1x16xf32> to vector<16xf32>
      %swap3A_867 = vector.shape_cast %mul3A_862 : vector<16xf32> to vector<1x16xf32>
      tpu.vector_store %arg8[%swap3A_863, %swap3A_864], %swap3A_867 {strides = array<i32>} : memref<128x128xf32, #tpu.memory_space<vmem>>, vector<1x16xf32>,
      %scan3A_868 = arith.constant 0 : i32
      scf.yield %scan3A_868 : i32
    }
    %scan3A_562 = arith.constant 128 : i32
    %add3A_563 = arith.constant 1024 : i32
    %add3A_564 = arith.addi %mul3A_245, %add3A_563 : i32
    %dma_start3A_565 = arith.constant 0 : i32
    %dma_start3A_566 = tpu.memref_slice %arg5[%add3A_564, %dma_start3A_565] : memref<65536x128xf32, #tpu.memory_space<hbm>> -> memref<128x128xf32, #tpu.memory_space<hbm>>
    %dma_start3A_567 = arith.constant 0 : i32
    %dma_start3A_568 = tpu.memref_slice %arg5[%add3A_564, %dma_start3A_567] : memref<65536x128xf32, #tpu.memory_space<hbm>> -> memref<128x128xf32, #tpu.memory_space<hbm>>
    tpu.enqueue_dma source(%arg8 : memref<128x128xf32, #tpu.memory_space<vmem>>) target(%dma_start3A_568 : memref<128x128xf32, #tpu.memory_space<hbm>>) target_semaphore(%arg17 : memref<!tpu.dma_semaphore, #tpu.memory_space<semaphore_mem>>)
    %dma_wait3A_569 = arith.constant 0 : i32
    %dma_wait3A_570 = tpu.memref_slice %arg5[%add3A_564, %dma_wait3A_569] : memref<65536x128xf32, #tpu.memory_space<hbm>> -> memref<128x128xf32, #tpu.memory_space<hbm>>
    %dma_wait3A_571 = arith.constant 0 : i32
    %dma_wait3A_572 = tpu.memref_slice %arg5[%add3A_564, %dma_wait3A_571] : memref<65536x128xf32, #tpu.memory_space<hbm>> -> memref<128x128xf32, #tpu.memory_space<hbm>>
    tpu.wait_dma2 semaphore(%arg17 : memref<!tpu.dma_semaphore, #tpu.memory_space<semaphore_mem>>) src(%arg8 : memref<128x128xf32, #tpu.memory_space<vmem>>) dst(%dma_wait3A_572 : memref<128x128xf32, #tpu.memory_space<hbm>>)
    %scan3A_573 = arith.constant 0 : i32
    %scan3A_574 = arith.constant 0 : i32
    %scan3A_575 = arith.constant 8 : i32
    %scan3A_576 = arith.addi %scan3A_574, %scan3A_575 : i32
    %scan3A_577 = arith.constant 1 : i32
    %scan3A_578 = scf.for %scan3A_787 = %scan3A_574 to %scan3A_576 step %scan3A_577 iter_args(%scan3A_788 = %scan3A_573) -> (i32)  : i32 {
      %add3A_789 = arith.constant 1408 : i32
      %add3A_790 = vector.broadcast %add3A_789 : i32 to vector<16xi32>
      %add3A_791 = arith.addi %add3A_243, %add3A_790 : vector<16xi32>
      %mul3A_792 = arith.constant 16 : i32
      %mul3A_793 = arith.muli %scan3A_787, %mul3A_792 : i32
      %add3A_794 = vector.broadcast %mul3A_793 : i32 to vector<16xi32>
      %add3A_795 = arith.addi %add3A_791, %add3A_794 : vector<16xi32>
      %add3A_796 = arith.addi %add3A_795, %iota3A : vector<16xi32>
      %mul3A_797 = arith.constant 16 : i32
      %mul3A_798 = arith.muli %scan3A_787, %mul3A_797 : i32
      %add3A_799 = arith.constant 256 : i32
      %add3A_800 = arith.addi %add3A_799, %mul3A_798 : i32
      %swap3A = arith.index_cast %add3A_800 : i32 to index
      %swap3A_801 = tpu.vector_load %arg11[%swap3A] {strides = array<i32>} : memref<384xi32, #tpu.memory_space<vmem>>, vector<16xi32>,
      %swap3A_802 = vector.shape_cast %swap3A_801 : vector<16xi32> to vector<16xi32>
      %swap3A_803 = vector.shape_cast %add3A_796 : vector<16xi32> to vector<16xi32>
      tpu.vector_store %arg11[%swap3A], %swap3A_803 {strides = array<i32>} : memref<384xi32, #tpu.memory_space<vmem>>, vector<16xi32>,
      %scan3A_804 = arith.constant 0 : i32
      scf.yield %scan3A_804 : i32
    }
    %scan3A_579 = arith.constant 8 : i32
    %dma_start3A_580 = arith.constant 256 : i32
    %dma_start3A_581 = tpu.memref_slice %arg11[%dma_start3A_580] : memref<384xi32, #tpu.memory_space<vmem>> -> memref<128xi32, #tpu.memory_space<vmem>>
    %dma_start3A_582 = arith.constant 0 : i32
    %dma_start3A_583 = arith.constant 0 : i32
    %dma_start3A_584 = tpu.memref_slice %arg2[%dma_start3A_582, %dma_start3A_583] : memref<131072x128xf32, #tpu.memory_space<hbm>> -> memref<131072x128xf32, #tpu.memory_space<hbm>>
    tpu.enqueue_indirect_dma source(%dma_start3A_584 : memref<131072x128xf32, #tpu.memory_space<hbm>>) target(%arg8 : memref<128x128xf32, #tpu.memory_space<vmem>>) offsets(%dma_start3A_581 : memref<128xi32, #tpu.memory_space<vmem>>) semaphore(%arg14 : memref<!tpu.dma_semaphore, #tpu.memory_space<semaphore_mem>>)
    %dma_wait3A_585 = arith.constant 0 : i32
    %dma_wait3A_586 = tpu.memref_slice %arg11[%dma_wait3A_585] : memref<384xi32, #tpu.memory_space<vmem>> -> memref<128xi32, #tpu.memory_space<vmem>>
    %dma_wait3A_587 = arith.constant 0 : i32
    %dma_wait3A_588 = arith.constant 0 : i32
    %dma_wait3A_589 = tpu.memref_slice %arg2[%dma_wait3A_587, %dma_wait3A_588] : memref<131072x128xf32, #tpu.memory_space<hbm>> -> memref<131072x128xf32, #tpu.memory_space<hbm>>
    tpu.wait_indirect_dma semaphore(%arg12 : memref<!tpu.dma_semaphore, #tpu.memory_space<semaphore_mem>>) src(%dma_wait3A_589 : memref<131072x128xf32, #tpu.memory_space<hbm>>) dst(%arg6 : memref<128x128xf32, #tpu.memory_space<vmem>>)
    %scan3A_590 = arith.constant 0 : i32
    %scan3A_591 = arith.constant 0 : i32
    %scan3A_592 = arith.constant 128 : i32
    %scan3A_593 = arith.addi %scan3A_591, %scan3A_592 : i32
    %scan3A_594 = arith.constant 1 : i32
    %scan3A_595 = scf.for %scan3A_787 = %scan3A_591 to %scan3A_593 step %scan3A_594 iter_args(%scan3A_788 = %scan3A_590) -> (i32)  : i32 {
      %get3A_789 = arith.index_cast %scan3A_787 : i32 to index
      %get3A_790 = arith.constant 0 : index
      %get3A_791 = tpu.vector_load %arg6[%get3A_789, %get3A_790] {strides = array<i32>} : memref<128x128xf32, #tpu.memory_space<vmem>>, vector<1x16xf32>,
      %get3A_792 = vector.shape_cast %get3A_791 : vector<1x16xf32> to vector<16xf32>
      %mul3A_793 = arith.mulf %get3A_792, %mul3A_236 : vector<16xf32>
      %swap3A = arith.index_cast %scan3A_787 : i32 to index
      %swap3A_794 = arith.constant 0 : index
      %swap3A_795 = tpu.vector_load %arg6[%swap3A, %swap3A_794] {strides = array<i32>} : memref<128x128xf32, #tpu.memory_space<vmem>>, vector<1x16xf32>,
      %swap3A_796 = vector.shape_cast %swap3A_795 : vector<1x16xf32> to vector<16xf32>
      %swap3A_797 = vector.shape_cast %mul3A_793 : vector<16xf32> to vector<1x16xf32>
      tpu.vector_store %arg6[%swap3A, %swap3A_794], %swap3A_797 {strides = array<i32>} : memref<128x128xf32, #tpu.memory_space<vmem>>, vector<1x16xf32>,
      %get3A_798 = arith.index_cast %scan3A_787 : i32 to index
      %get3A_799 = arith.constant 16 : index
      %get3A_800 = tpu.vector_load %arg6[%get3A_798, %get3A_799] {strides = array<i32>} : memref<128x128xf32, #tpu.memory_space<vmem>>, vector<1x16xf32>,
      %get3A_801 = vector.shape_cast %get3A_800 : vector<1x16xf32> to vector<16xf32>
      %mul3A_802 = arith.mulf %get3A_801, %mul3A_236 : vector<16xf32>
      %swap3A_803 = arith.index_cast %scan3A_787 : i32 to index
      %swap3A_804 = arith.constant 16 : index
      %swap3A_805 = tpu.vector_load %arg6[%swap3A_803, %swap3A_804] {strides = array<i32>} : memref<128x128xf32, #tpu.memory_space<vmem>>, vector<1x16xf32>,
      %swap3A_806 = vector.shape_cast %swap3A_805 : vector<1x16xf32> to vector<16xf32>
      %swap3A_807 = vector.shape_cast %mul3A_802 : vector<16xf32> to vector<1x16xf32>
      tpu.vector_store %arg6[%swap3A_803, %swap3A_804], %swap3A_807 {strides = array<i32>} : memref<128x128xf32, #tpu.memory_space<vmem>>, vector<1x16xf32>,
      %get3A_808 = arith.index_cast %scan3A_787 : i32 to index
      %get3A_809 = arith.constant 32 : index
      %get3A_810 = tpu.vector_load %arg6[%get3A_808, %get3A_809] {strides = array<i32>} : memref<128x128xf32, #tpu.memory_space<vmem>>, vector<1x16xf32>,
      %get3A_811 = vector.shape_cast %get3A_810 : vector<1x16xf32> to vector<16xf32>
      %mul3A_812 = arith.mulf %get3A_811, %mul3A_236 : vector<16xf32>
      %swap3A_813 = arith.index_cast %scan3A_787 : i32 to index
      %swap3A_814 = arith.constant 32 : index
      %swap3A_815 = tpu.vector_load %arg6[%swap3A_813, %swap3A_814] {strides = array<i32>} : memref<128x128xf32, #tpu.memory_space<vmem>>, vector<1x16xf32>,
      %swap3A_816 = vector.shape_cast %swap3A_815 : vector<1x16xf32> to vector<16xf32>
      %swap3A_817 = vector.shape_cast %mul3A_812 : vector<16xf32> to vector<1x16xf32>
      tpu.vector_store %arg6[%swap3A_813, %swap3A_814], %swap3A_817 {strides = array<i32>} : memref<128x128xf32, #tpu.memory_space<vmem>>, vector<1x16xf32>,
      %get3A_818 = arith.index_cast %scan3A_787 : i32 to index
      %get3A_819 = arith.constant 48 : index
      %get3A_820 = tpu.vector_load %arg6[%get3A_818, %get3A_819] {strides = array<i32>} : memref<128x128xf32, #tpu.memory_space<vmem>>, vector<1x16xf32>,
      %get3A_821 = vector.shape_cast %get3A_820 : vector<1x16xf32> to vector<16xf32>
      %mul3A_822 = arith.mulf %get3A_821, %mul3A_236 : vector<16xf32>
      %swap3A_823 = arith.index_cast %scan3A_787 : i32 to index
      %swap3A_824 = arith.constant 48 : index
      %swap3A_825 = tpu.vector_load %arg6[%swap3A_823, %swap3A_824] {strides = array<i32>} : memref<128x128xf32, #tpu.memory_space<vmem>>, vector<1x16xf32>,
      %swap3A_826 = vector.shape_cast %swap3A_825 : vector<1x16xf32> to vector<16xf32>
      %swap3A_827 = vector.shape_cast %mul3A_822 : vector<16xf32> to vector<1x16xf32>
      tpu.vector_store %arg6[%swap3A_823, %swap3A_824], %swap3A_827 {strides = array<i32>} : memref<128x128xf32, #tpu.memory_space<vmem>>, vector<1x16xf32>,
      %get3A_828 = arith.index_cast %scan3A_787 : i32 to index
      %get3A_829 = arith.constant 64 : index
      %get3A_830 = tpu.vector_load %arg6[%get3A_828, %get3A_829] {strides = array<i32>} : memref<128x128xf32, #tpu.memory_space<vmem>>, vector<1x16xf32>,
      %get3A_831 = vector.shape_cast %get3A_830 : vector<1x16xf32> to vector<16xf32>
      %mul3A_832 = arith.mulf %get3A_831, %mul3A_236 : vector<16xf32>
      %swap3A_833 = arith.index_cast %scan3A_787 : i32 to index
      %swap3A_834 = arith.constant 64 : index
      %swap3A_835 = tpu.vector_load %arg6[%swap3A_833, %swap3A_834] {strides = array<i32>} : memref<128x128xf32, #tpu.memory_space<vmem>>, vector<1x16xf32>,
      %swap3A_836 = vector.shape_cast %swap3A_835 : vector<1x16xf32> to vector<16xf32>
      %swap3A_837 = vector.shape_cast %mul3A_832 : vector<16xf32> to vector<1x16xf32>
      tpu.vector_store %arg6[%swap3A_833, %swap3A_834], %swap3A_837 {strides = array<i32>} : memref<128x128xf32, #tpu.memory_space<vmem>>, vector<1x16xf32>,
      %get3A_838 = arith.index_cast %scan3A_787 : i32 to index
      %get3A_839 = arith.constant 80 : index
      %get3A_840 = tpu.vector_load %arg6[%get3A_838, %get3A_839] {strides = array<i32>} : memref<128x128xf32, #tpu.memory_space<vmem>>, vector<1x16xf32>,
      %get3A_841 = vector.shape_cast %get3A_840 : vector<1x16xf32> to vector<16xf32>
      %mul3A_842 = arith.mulf %get3A_841, %mul3A_236 : vector<16xf32>
      %swap3A_843 = arith.index_cast %scan3A_787 : i32 to index
      %swap3A_844 = arith.constant 80 : index
      %swap3A_845 = tpu.vector_load %arg6[%swap3A_843, %swap3A_844] {strides = array<i32>} : memref<128x128xf32, #tpu.memory_space<vmem>>, vector<1x16xf32>,
      %swap3A_846 = vector.shape_cast %swap3A_845 : vector<1x16xf32> to vector<16xf32>
      %swap3A_847 = vector.shape_cast %mul3A_842 : vector<16xf32> to vector<1x16xf32>
      tpu.vector_store %arg6[%swap3A_843, %swap3A_844], %swap3A_847 {strides = array<i32>} : memref<128x128xf32, #tpu.memory_space<vmem>>, vector<1x16xf32>,
      %get3A_848 = arith.index_cast %scan3A_787 : i32 to index
      %get3A_849 = arith.constant 96 : index
      %get3A_850 = tpu.vector_load %arg6[%get3A_848, %get3A_849] {strides = array<i32>} : memref<128x128xf32, #tpu.memory_space<vmem>>, vector<1x16xf32>,
      %get3A_851 = vector.shape_cast %get3A_850 : vector<1x16xf32> to vector<16xf32>
      %mul3A_852 = arith.mulf %get3A_851, %mul3A_236 : vector<16xf32>
      %swap3A_853 = arith.index_cast %scan3A_787 : i32 to index
      %swap3A_854 = arith.constant 96 : index
      %swap3A_855 = tpu.vector_load %arg6[%swap3A_853, %swap3A_854] {strides = array<i32>} : memref<128x128xf32, #tpu.memory_space<vmem>>, vector<1x16xf32>,
      %swap3A_856 = vector.shape_cast %swap3A_855 : vector<1x16xf32> to vector<16xf32>
      %swap3A_857 = vector.shape_cast %mul3A_852 : vector<16xf32> to vector<1x16xf32>
      tpu.vector_store %arg6[%swap3A_853, %swap3A_854], %swap3A_857 {strides = array<i32>} : memref<128x128xf32, #tpu.memory_space<vmem>>, vector<1x16xf32>,
      %get3A_858 = arith.index_cast %scan3A_787 : i32 to index
      %get3A_859 = arith.constant 112 : index
      %get3A_860 = tpu.vector_load %arg6[%get3A_858, %get3A_859] {strides = array<i32>} : memref<128x128xf32, #tpu.memory_space<vmem>>, vector<1x16xf32>,
      %get3A_861 = vector.shape_cast %get3A_860 : vector<1x16xf32> to vector<16xf32>
      %mul3A_862 = arith.mulf %get3A_861, %mul3A_236 : vector<16xf32>
      %swap3A_863 = arith.index_cast %scan3A_787 : i32 to index
      %swap3A_864 = arith.constant 112 : index
      %swap3A_865 = tpu.vector_load %arg6[%swap3A_863, %swap3A_864] {strides = array<i32>} : memref<128x128xf32, #tpu.memory_space<vmem>>, vector<1x16xf32>,
      %swap3A_866 = vector.shape_cast %swap3A_865 : vector<1x16xf32> to vector<16xf32>
      %swap3A_867 = vector.shape_cast %mul3A_862 : vector<16xf32> to vector<1x16xf32>
      tpu.vector_store %arg6[%swap3A_863, %swap3A_864], %swap3A_867 {strides = array<i32>} : memref<128x128xf32, #tpu.memory_space<vmem>>, vector<1x16xf32>,
      %scan3A_868 = arith.constant 0 : i32
      scf.yield %scan3A_868 : i32
    }
    %scan3A_596 = arith.constant 128 : i32
    %add3A_597 = arith.constant 1152 : i32
    %add3A_598 = arith.addi %mul3A_245, %add3A_597 : i32
    %dma_start3A_599 = arith.constant 0 : i32
    %dma_start3A_600 = tpu.memref_slice %arg5[%add3A_598, %dma_start3A_599] : memref<65536x128xf32, #tpu.memory_space<hbm>> -> memref<128x128xf32, #tpu.memory_space<hbm>>
    %dma_start3A_601 = arith.constant 0 : i32
    %dma_start3A_602 = tpu.memref_slice %arg5[%add3A_598, %dma_start3A_601] : memref<65536x128xf32, #tpu.memory_space<hbm>> -> memref<128x128xf32, #tpu.memory_space<hbm>>
    tpu.enqueue_dma source(%arg6 : memref<128x128xf32, #tpu.memory_space<vmem>>) target(%dma_start3A_602 : memref<128x128xf32, #tpu.memory_space<hbm>>) target_semaphore(%arg15 : memref<!tpu.dma_semaphore, #tpu.memory_space<semaphore_mem>>)
    %dma_wait3A_603 = arith.constant 0 : i32
    %dma_wait3A_604 = tpu.memref_slice %arg5[%add3A_598, %dma_wait3A_603] : memref<65536x128xf32, #tpu.memory_space<hbm>> -> memref<128x128xf32, #tpu.memory_space<hbm>>
    %dma_wait3A_605 = arith.constant 0 : i32
    %dma_wait3A_606 = tpu.memref_slice %arg5[%add3A_598, %dma_wait3A_605] : memref<65536x128xf32, #tpu.memory_space<hbm>> -> memref<128x128xf32, #tpu.memory_space<hbm>>
    tpu.wait_dma2 semaphore(%arg15 : memref<!tpu.dma_semaphore, #tpu.memory_space<semaphore_mem>>) src(%arg6 : memref<128x128xf32, #tpu.memory_space<vmem>>) dst(%dma_wait3A_606 : memref<128x128xf32, #tpu.memory_space<hbm>>)
    %scan3A_607 = arith.constant 0 : i32
    %scan3A_608 = arith.constant 0 : i32
    %scan3A_609 = arith.constant 8 : i32
    %scan3A_610 = arith.addi %scan3A_608, %scan3A_609 : i32
    %scan3A_611 = arith.constant 1 : i32
    %scan3A_612 = scf.for %scan3A_787 = %scan3A_608 to %scan3A_610 step %scan3A_611 iter_args(%scan3A_788 = %scan3A_607) -> (i32)  : i32 {
      %add3A_789 = arith.constant 1536 : i32
      %add3A_790 = vector.broadcast %add3A_789 : i32 to vector<16xi32>
      %add3A_791 = arith.addi %add3A_243, %add3A_790 : vector<16xi32>
      %mul3A_792 = arith.constant 16 : i32
      %mul3A_793 = arith.muli %scan3A_787, %mul3A_792 : i32
      %add3A_794 = vector.broadcast %mul3A_793 : i32 to vector<16xi32>
      %add3A_795 = arith.addi %add3A_791, %add3A_794 : vector<16xi32>
      %add3A_796 = arith.addi %add3A_795, %iota3A : vector<16xi32>
      %mul3A_797 = arith.constant 16 : i32
      %mul3A_798 = arith.muli %scan3A_787, %mul3A_797 : i32
      %add3A_799 = arith.constant 0 : i32
      %add3A_800 = arith.addi %add3A_799, %mul3A_798 : i32
      %swap3A = arith.index_cast %add3A_800 : i32 to index
      %swap3A_801 = tpu.vector_load %arg11[%swap3A] {strides = array<i32>} : memref<384xi32, #tpu.memory_space<vmem>>, vector<16xi32>,
      %swap3A_802 = vector.shape_cast %swap3A_801 : vector<16xi32> to vector<16xi32>
      %swap3A_803 = vector.shape_cast %add3A_796 : vector<16xi32> to vector<16xi32>
      tpu.vector_store %arg11[%swap3A], %swap3A_803 {strides = array<i32>} : memref<384xi32, #tpu.memory_space<vmem>>, vector<16xi32>,
      %scan3A_804 = arith.constant 0 : i32
      scf.yield %scan3A_804 : i32
    }
    %scan3A_613 = arith.constant 8 : i32
    %dma_start3A_614 = arith.constant 0 : i32
    %dma_start3A_615 = tpu.memref_slice %arg11[%dma_start3A_614] : memref<384xi32, #tpu.memory_space<vmem>> -> memref<128xi32, #tpu.memory_space<vmem>>
    %dma_start3A_616 = arith.constant 0 : i32
    %dma_start3A_617 = arith.constant 0 : i32
    %dma_start3A_618 = tpu.memref_slice %arg2[%dma_start3A_616, %dma_start3A_617] : memref<131072x128xf32, #tpu.memory_space<hbm>> -> memref<131072x128xf32, #tpu.memory_space<hbm>>
    tpu.enqueue_indirect_dma source(%dma_start3A_618 : memref<131072x128xf32, #tpu.memory_space<hbm>>) target(%arg6 : memref<128x128xf32, #tpu.memory_space<vmem>>) offsets(%dma_start3A_615 : memref<128xi32, #tpu.memory_space<vmem>>) semaphore(%arg12 : memref<!tpu.dma_semaphore, #tpu.memory_space<semaphore_mem>>)
    %dma_wait3A_619 = arith.constant 128 : i32
    %dma_wait3A_620 = tpu.memref_slice %arg11[%dma_wait3A_619] : memref<384xi32, #tpu.memory_space<vmem>> -> memref<128xi32, #tpu.memory_space<vmem>>
    %dma_wait3A_621 = arith.constant 0 : i32
    %dma_wait3A_622 = arith.constant 0 : i32
    %dma_wait3A_623 = tpu.memref_slice %arg2[%dma_wait3A_621, %dma_wait3A_622] : memref<131072x128xf32, #tpu.memory_space<hbm>> -> memref<131072x128xf32, #tpu.memory_space<hbm>>
    tpu.wait_indirect_dma semaphore(%arg13 : memref<!tpu.dma_semaphore, #tpu.memory_space<semaphore_mem>>) src(%dma_wait3A_623 : memref<131072x128xf32, #tpu.memory_space<hbm>>) dst(%arg7 : memref<128x128xf32, #tpu.memory_space<vmem>>)
    %scan3A_624 = arith.constant 0 : i32
    %scan3A_625 = arith.constant 0 : i32
    %scan3A_626 = arith.constant 128 : i32
    %scan3A_627 = arith.addi %scan3A_625, %scan3A_626 : i32
    %scan3A_628 = arith.constant 1 : i32
    %scan3A_629 = scf.for %scan3A_787 = %scan3A_625 to %scan3A_627 step %scan3A_628 iter_args(%scan3A_788 = %scan3A_624) -> (i32)  : i32 {
      %get3A_789 = arith.index_cast %scan3A_787 : i32 to index
      %get3A_790 = arith.constant 0 : index
      %get3A_791 = tpu.vector_load %arg7[%get3A_789, %get3A_790] {strides = array<i32>} : memref<128x128xf32, #tpu.memory_space<vmem>>, vector<1x16xf32>,
      %get3A_792 = vector.shape_cast %get3A_791 : vector<1x16xf32> to vector<16xf32>
      %mul3A_793 = arith.mulf %get3A_792, %mul3A_236 : vector<16xf32>
      %swap3A = arith.index_cast %scan3A_787 : i32 to index
      %swap3A_794 = arith.constant 0 : index
      %swap3A_795 = tpu.vector_load %arg7[%swap3A, %swap3A_794] {strides = array<i32>} : memref<128x128xf32, #tpu.memory_space<vmem>>, vector<1x16xf32>,
      %swap3A_796 = vector.shape_cast %swap3A_795 : vector<1x16xf32> to vector<16xf32>
      %swap3A_797 = vector.shape_cast %mul3A_793 : vector<16xf32> to vector<1x16xf32>
      tpu.vector_store %arg7[%swap3A, %swap3A_794], %swap3A_797 {strides = array<i32>} : memref<128x128xf32, #tpu.memory_space<vmem>>, vector<1x16xf32>,
      %get3A_798 = arith.index_cast %scan3A_787 : i32 to index
      %get3A_799 = arith.constant 16 : index
      %get3A_800 = tpu.vector_load %arg7[%get3A_798, %get3A_799] {strides = array<i32>} : memref<128x128xf32, #tpu.memory_space<vmem>>, vector<1x16xf32>,
      %get3A_801 = vector.shape_cast %get3A_800 : vector<1x16xf32> to vector<16xf32>
      %mul3A_802 = arith.mulf %get3A_801, %mul3A_236 : vector<16xf32>
      %swap3A_803 = arith.index_cast %scan3A_787 : i32 to index
      %swap3A_804 = arith.constant 16 : index
      %swap3A_805 = tpu.vector_load %arg7[%swap3A_803, %swap3A_804] {strides = array<i32>} : memref<128x128xf32, #tpu.memory_space<vmem>>, vector<1x16xf32>,
      %swap3A_806 = vector.shape_cast %swap3A_805 : vector<1x16xf32> to vector<16xf32>
      %swap3A_807 = vector.shape_cast %mul3A_802 : vector<16xf32> to vector<1x16xf32>
      tpu.vector_store %arg7[%swap3A_803, %swap3A_804], %swap3A_807 {strides = array<i32>} : memref<128x128xf32, #tpu.memory_space<vmem>>, vector<1x16xf32>,
      %get3A_808 = arith.index_cast %scan3A_787 : i32 to index
      %get3A_809 = arith.constant 32 : index
      %get3A_810 = tpu.vector_load %arg7[%get3A_808, %get3A_809] {strides = array<i32>} : memref<128x128xf32, #tpu.memory_space<vmem>>, vector<1x16xf32>,
      %get3A_811 = vector.shape_cast %get3A_810 : vector<1x16xf32> to vector<16xf32>
      %mul3A_812 = arith.mulf %get3A_811, %mul3A_236 : vector<16xf32>
      %swap3A_813 = arith.index_cast %scan3A_787 : i32 to index
      %swap3A_814 = arith.constant 32 : index
      %swap3A_815 = tpu.vector_load %arg7[%swap3A_813, %swap3A_814] {strides = array<i32>} : memref<128x128xf32, #tpu.memory_space<vmem>>, vector<1x16xf32>,
      %swap3A_816 = vector.shape_cast %swap3A_815 : vector<1x16xf32> to vector<16xf32>
      %swap3A_817 = vector.shape_cast %mul3A_812 : vector<16xf32> to vector<1x16xf32>
      tpu.vector_store %arg7[%swap3A_813, %swap3A_814], %swap3A_817 {strides = array<i32>} : memref<128x128xf32, #tpu.memory_space<vmem>>, vector<1x16xf32>,
      %get3A_818 = arith.index_cast %scan3A_787 : i32 to index
      %get3A_819 = arith.constant 48 : index
      %get3A_820 = tpu.vector_load %arg7[%get3A_818, %get3A_819] {strides = array<i32>} : memref<128x128xf32, #tpu.memory_space<vmem>>, vector<1x16xf32>,
      %get3A_821 = vector.shape_cast %get3A_820 : vector<1x16xf32> to vector<16xf32>
      %mul3A_822 = arith.mulf %get3A_821, %mul3A_236 : vector<16xf32>
      %swap3A_823 = arith.index_cast %scan3A_787 : i32 to index
      %swap3A_824 = arith.constant 48 : index
      %swap3A_825 = tpu.vector_load %arg7[%swap3A_823, %swap3A_824] {strides = array<i32>} : memref<128x128xf32, #tpu.memory_space<vmem>>, vector<1x16xf32>,
      %swap3A_826 = vector.shape_cast %swap3A_825 : vector<1x16xf32> to vector<16xf32>
      %swap3A_827 = vector.shape_cast %mul3A_822 : vector<16xf32> to vector<1x16xf32>
      tpu.vector_store %arg7[%swap3A_823, %swap3A_824], %swap3A_827 {strides = array<i32>} : memref<128x128xf32, #tpu.memory_space<vmem>>, vector<1x16xf32>,
      %get3A_828 = arith.index_cast %scan3A_787 : i32 to index
      %get3A_829 = arith.constant 64 : index
      %get3A_830 = tpu.vector_load %arg7[%get3A_828, %get3A_829] {strides = array<i32>} : memref<128x128xf32, #tpu.memory_space<vmem>>, vector<1x16xf32>,
      %get3A_831 = vector.shape_cast %get3A_830 : vector<1x16xf32> to vector<16xf32>
      %mul3A_832 = arith.mulf %get3A_831, %mul3A_236 : vector<16xf32>
      %swap3A_833 = arith.index_cast %scan3A_787 : i32 to index
      %swap3A_834 = arith.constant 64 : index
      %swap3A_835 = tpu.vector_load %arg7[%swap3A_833, %swap3A_834] {strides = array<i32>} : memref<128x128xf32, #tpu.memory_space<vmem>>, vector<1x16xf32>,
      %swap3A_836 = vector.shape_cast %swap3A_835 : vector<1x16xf32> to vector<16xf32>
      %swap3A_837 = vector.shape_cast %mul3A_832 : vector<16xf32> to vector<1x16xf32>
      tpu.vector_store %arg7[%swap3A_833, %swap3A_834], %swap3A_837 {strides = array<i32>} : memref<128x128xf32, #tpu.memory_space<vmem>>, vector<1x16xf32>,
      %get3A_838 = arith.index_cast %scan3A_787 : i32 to index
      %get3A_839 = arith.constant 80 : index
      %get3A_840 = tpu.vector_load %arg7[%get3A_838, %get3A_839] {strides = array<i32>} : memref<128x128xf32, #tpu.memory_space<vmem>>, vector<1x16xf32>,
      %get3A_841 = vector.shape_cast %get3A_840 : vector<1x16xf32> to vector<16xf32>
      %mul3A_842 = arith.mulf %get3A_841, %mul3A_236 : vector<16xf32>
      %swap3A_843 = arith.index_cast %scan3A_787 : i32 to index
      %swap3A_844 = arith.constant 80 : index
      %swap3A_845 = tpu.vector_load %arg7[%swap3A_843, %swap3A_844] {strides = array<i32>} : memref<128x128xf32, #tpu.memory_space<vmem>>, vector<1x16xf32>,
      %swap3A_846 = vector.shape_cast %swap3A_845 : vector<1x16xf32> to vector<16xf32>
      %swap3A_847 = vector.shape_cast %mul3A_842 : vector<16xf32> to vector<1x16xf32>
      tpu.vector_store %arg7[%swap3A_843, %swap3A_844], %swap3A_847 {strides = array<i32>} : memref<128x128xf32, #tpu.memory_space<vmem>>, vector<1x16xf32>,
      %get3A_848 = arith.index_cast %scan3A_787 : i32 to index
      %get3A_849 = arith.constant 96 : index
      %get3A_850 = tpu.vector_load %arg7[%get3A_848, %get3A_849] {strides = array<i32>} : memref<128x128xf32, #tpu.memory_space<vmem>>, vector<1x16xf32>,
      %get3A_851 = vector.shape_cast %get3A_850 : vector<1x16xf32> to vector<16xf32>
      %mul3A_852 = arith.mulf %get3A_851, %mul3A_236 : vector<16xf32>
      %swap3A_853 = arith.index_cast %scan3A_787 : i32 to index
      %swap3A_854 = arith.constant 96 : index
      %swap3A_855 = tpu.vector_load %arg7[%swap3A_853, %swap3A_854] {strides = array<i32>} : memref<128x128xf32, #tpu.memory_space<vmem>>, vector<1x16xf32>,
      %swap3A_856 = vector.shape_cast %swap3A_855 : vector<1x16xf32> to vector<16xf32>
      %swap3A_857 = vector.shape_cast %mul3A_852 : vector<16xf32> to vector<1x16xf32>
      tpu.vector_store %arg7[%swap3A_853, %swap3A_854], %swap3A_857 {strides = array<i32>} : memref<128x128xf32, #tpu.memory_space<vmem>>, vector<1x16xf32>,
      %get3A_858 = arith.index_cast %scan3A_787 : i32 to index
      %get3A_859 = arith.constant 112 : index
      %get3A_860 = tpu.vector_load %arg7[%get3A_858, %get3A_859] {strides = array<i32>} : memref<128x128xf32, #tpu.memory_space<vmem>>, vector<1x16xf32>,
      %get3A_861 = vector.shape_cast %get3A_860 : vector<1x16xf32> to vector<16xf32>
      %mul3A_862 = arith.mulf %get3A_861, %mul3A_236 : vector<16xf32>
      %swap3A_863 = arith.index_cast %scan3A_787 : i32 to index
      %swap3A_864 = arith.constant 112 : index
      %swap3A_865 = tpu.vector_load %arg7[%swap3A_863, %swap3A_864] {strides = array<i32>} : memref<128x128xf32, #tpu.memory_space<vmem>>, vector<1x16xf32>,
      %swap3A_866 = vector.shape_cast %swap3A_865 : vector<1x16xf32> to vector<16xf32>
      %swap3A_867 = vector.shape_cast %mul3A_862 : vector<16xf32> to vector<1x16xf32>
      tpu.vector_store %arg7[%swap3A_863, %swap3A_864], %swap3A_867 {strides = array<i32>} : memref<128x128xf32, #tpu.memory_space<vmem>>, vector<1x16xf32>,
      %scan3A_868 = arith.constant 0 : i32
      scf.yield %scan3A_868 : i32
    }
    %scan3A_630 = arith.constant 128 : i32
    %add3A_631 = arith.constant 1280 : i32
    %add3A_632 = arith.addi %mul3A_245, %add3A_631 : i32
    %dma_start3A_633 = arith.constant 0 : i32
    %dma_start3A_634 = tpu.memref_slice %arg5[%add3A_632, %dma_start3A_633] : memref<65536x128xf32, #tpu.memory_space<hbm>> -> memref<128x128xf32, #tpu.memory_space<hbm>>
    %dma_start3A_635 = arith.constant 0 : i32
    %dma_start3A_636 = tpu.memref_slice %arg5[%add3A_632, %dma_start3A_635] : memref<65536x128xf32, #tpu.memory_space<hbm>> -> memref<128x128xf32, #tpu.memory_space<hbm>>
    tpu.enqueue_dma source(%arg7 : memref<128x128xf32, #tpu.memory_space<vmem>>) target(%dma_start3A_636 : memref<128x128xf32, #tpu.memory_space<hbm>>) target_semaphore(%arg16 : memref<!tpu.dma_semaphore, #tpu.memory_space<semaphore_mem>>)
    %dma_wait3A_637 = arith.constant 0 : i32
    %dma_wait3A_638 = tpu.memref_slice %arg5[%add3A_632, %dma_wait3A_637] : memref<65536x128xf32, #tpu.memory_space<hbm>> -> memref<128x128xf32, #tpu.memory_space<hbm>>
    %dma_wait3A_639 = arith.constant 0 : i32
    %dma_wait3A_640 = tpu.memref_slice %arg5[%add3A_632, %dma_wait3A_639] : memref<65536x128xf32, #tpu.memory_space<hbm>> -> memref<128x128xf32, #tpu.memory_space<hbm>>
    tpu.wait_dma2 semaphore(%arg16 : memref<!tpu.dma_semaphore, #tpu.memory_space<semaphore_mem>>) src(%arg7 : memref<128x128xf32, #tpu.memory_space<vmem>>) dst(%dma_wait3A_640 : memref<128x128xf32, #tpu.memory_space<hbm>>)
    %scan3A_641 = arith.constant 0 : i32
    %scan3A_642 = arith.constant 0 : i32
    %scan3A_643 = arith.constant 8 : i32
    %scan3A_644 = arith.addi %scan3A_642, %scan3A_643 : i32
    %scan3A_645 = arith.constant 1 : i32
    %scan3A_646 = scf.for %scan3A_787 = %scan3A_642 to %scan3A_644 step %scan3A_645 iter_args(%scan3A_788 = %scan3A_641) -> (i32)  : i32 {
      %add3A_789 = arith.constant 1664 : i32
      %add3A_790 = vector.broadcast %add3A_789 : i32 to vector<16xi32>
      %add3A_791 = arith.addi %add3A_243, %add3A_790 : vector<16xi32>
      %mul3A_792 = arith.constant 16 : i32
      %mul3A_793 = arith.muli %scan3A_787, %mul3A_792 : i32
      %add3A_794 = vector.broadcast %mul3A_793 : i32 to vector<16xi32>
      %add3A_795 = arith.addi %add3A_791, %add3A_794 : vector<16xi32>
      %add3A_796 = arith.addi %add3A_795, %iota3A : vector<16xi32>
      %mul3A_797 = arith.constant 16 : i32
      %mul3A_798 = arith.muli %scan3A_787, %mul3A_797 : i32
      %add3A_799 = arith.constant 128 : i32
      %add3A_800 = arith.addi %add3A_799, %mul3A_798 : i32
      %swap3A = arith.index_cast %add3A_800 : i32 to index
      %swap3A_801 = tpu.vector_load %arg11[%swap3A] {strides = array<i32>} : memref<384xi32, #tpu.memory_space<vmem>>, vector<16xi32>,
      %swap3A_802 = vector.shape_cast %swap3A_801 : vector<16xi32> to vector<16xi32>
      %swap3A_803 = vector.shape_cast %add3A_796 : vector<16xi32> to vector<16xi32>
      tpu.vector_store %arg11[%swap3A], %swap3A_803 {strides = array<i32>} : memref<384xi32, #tpu.memory_space<vmem>>, vector<16xi32>,
      %scan3A_804 = arith.constant 0 : i32
      scf.yield %scan3A_804 : i32
    }
    %scan3A_647 = arith.constant 8 : i32
    %dma_start3A_648 = arith.constant 128 : i32
    %dma_start3A_649 = tpu.memref_slice %arg11[%dma_start3A_648] : memref<384xi32, #tpu.memory_space<vmem>> -> memref<128xi32, #tpu.memory_space<vmem>>
    %dma_start3A_650 = arith.constant 0 : i32
    %dma_start3A_651 = arith.constant 0 : i32
    %dma_start3A_652 = tpu.memref_slice %arg2[%dma_start3A_650, %dma_start3A_651] : memref<131072x128xf32, #tpu.memory_space<hbm>> -> memref<131072x128xf32, #tpu.memory_space<hbm>>
    tpu.enqueue_indirect_dma source(%dma_start3A_652 : memref<131072x128xf32, #tpu.memory_space<hbm>>) target(%arg7 : memref<128x128xf32, #tpu.memory_space<vmem>>) offsets(%dma_start3A_649 : memref<128xi32, #tpu.memory_space<vmem>>) semaphore(%arg13 : memref<!tpu.dma_semaphore, #tpu.memory_space<semaphore_mem>>)
    %dma_wait3A_653 = arith.constant 256 : i32
    %dma_wait3A_654 = tpu.memref_slice %arg11[%dma_wait3A_653] : memref<384xi32, #tpu.memory_space<vmem>> -> memref<128xi32, #tpu.memory_space<vmem>>
    %dma_wait3A_655 = arith.constant 0 : i32
    %dma_wait3A_656 = arith.constant 0 : i32
    %dma_wait3A_657 = tpu.memref_slice %arg2[%dma_wait3A_655, %dma_wait3A_656] : memref<131072x128xf32, #tpu.memory_space<hbm>> -> memref<131072x128xf32, #tpu.memory_space<hbm>>
    tpu.wait_indirect_dma semaphore(%arg14 : memref<!tpu.dma_semaphore, #tpu.memory_space<semaphore_mem>>) src(%dma_wait3A_657 : memref<131072x128xf32, #tpu.memory_space<hbm>>) dst(%arg8 : memref<128x128xf32, #tpu.memory_space<vmem>>)
    %scan3A_658 = arith.constant 0 : i32
    %scan3A_659 = arith.constant 0 : i32
    %scan3A_660 = arith.constant 128 : i32
    %scan3A_661 = arith.addi %scan3A_659, %scan3A_660 : i32
    %scan3A_662 = arith.constant 1 : i32
    %scan3A_663 = scf.for %scan3A_787 = %scan3A_659 to %scan3A_661 step %scan3A_662 iter_args(%scan3A_788 = %scan3A_658) -> (i32)  : i32 {
      %get3A_789 = arith.index_cast %scan3A_787 : i32 to index
      %get3A_790 = arith.constant 0 : index
      %get3A_791 = tpu.vector_load %arg8[%get3A_789, %get3A_790] {strides = array<i32>} : memref<128x128xf32, #tpu.memory_space<vmem>>, vector<1x16xf32>,
      %get3A_792 = vector.shape_cast %get3A_791 : vector<1x16xf32> to vector<16xf32>
      %mul3A_793 = arith.mulf %get3A_792, %mul3A_236 : vector<16xf32>
      %swap3A = arith.index_cast %scan3A_787 : i32 to index
      %swap3A_794 = arith.constant 0 : index
      %swap3A_795 = tpu.vector_load %arg8[%swap3A, %swap3A_794] {strides = array<i32>} : memref<128x128xf32, #tpu.memory_space<vmem>>, vector<1x16xf32>,
      %swap3A_796 = vector.shape_cast %swap3A_795 : vector<1x16xf32> to vector<16xf32>
      %swap3A_797 = vector.shape_cast %mul3A_793 : vector<16xf32> to vector<1x16xf32>
      tpu.vector_store %arg8[%swap3A, %swap3A_794], %swap3A_797 {strides = array<i32>} : memref<128x128xf32, #tpu.memory_space<vmem>>, vector<1x16xf32>,
      %get3A_798 = arith.index_cast %scan3A_787 : i32 to index
      %get3A_799 = arith.constant 16 : index
      %get3A_800 = tpu.vector_load %arg8[%get3A_798, %get3A_799] {strides = array<i32>} : memref<128x128xf32, #tpu.memory_space<vmem>>, vector<1x16xf32>,
      %get3A_801 = vector.shape_cast %get3A_800 : vector<1x16xf32> to vector<16xf32>
      %mul3A_802 = arith.mulf %get3A_801, %mul3A_236 : vector<16xf32>
      %swap3A_803 = arith.index_cast %scan3A_787 : i32 to index
      %swap3A_804 = arith.constant 16 : index
      %swap3A_805 = tpu.vector_load %arg8[%swap3A_803, %swap3A_804] {strides = array<i32>} : memref<128x128xf32, #tpu.memory_space<vmem>>, vector<1x16xf32>,
      %swap3A_806 = vector.shape_cast %swap3A_805 : vector<1x16xf32> to vector<16xf32>
      %swap3A_807 = vector.shape_cast %mul3A_802 : vector<16xf32> to vector<1x16xf32>
      tpu.vector_store %arg8[%swap3A_803, %swap3A_804], %swap3A_807 {strides = array<i32>} : memref<128x128xf32, #tpu.memory_space<vmem>>, vector<1x16xf32>,
      %get3A_808 = arith.index_cast %scan3A_787 : i32 to index
      %get3A_809 = arith.constant 32 : index
      %get3A_810 = tpu.vector_load %arg8[%get3A_808, %get3A_809] {strides = array<i32>} : memref<128x128xf32, #tpu.memory_space<vmem>>, vector<1x16xf32>,
      %get3A_811 = vector.shape_cast %get3A_810 : vector<1x16xf32> to vector<16xf32>
      %mul3A_812 = arith.mulf %get3A_811, %mul3A_236 : vector<16xf32>
      %swap3A_813 = arith.index_cast %scan3A_787 : i32 to index
      %swap3A_814 = arith.constant 32 : index
      %swap3A_815 = tpu.vector_load %arg8[%swap3A_813, %swap3A_814] {strides = array<i32>} : memref<128x128xf32, #tpu.memory_space<vmem>>, vector<1x16xf32>,
      %swap3A_816 = vector.shape_cast %swap3A_815 : vector<1x16xf32> to vector<16xf32>
      %swap3A_817 = vector.shape_cast %mul3A_812 : vector<16xf32> to vector<1x16xf32>
      tpu.vector_store %arg8[%swap3A_813, %swap3A_814], %swap3A_817 {strides = array<i32>} : memref<128x128xf32, #tpu.memory_space<vmem>>, vector<1x16xf32>,
      %get3A_818 = arith.index_cast %scan3A_787 : i32 to index
      %get3A_819 = arith.constant 48 : index
      %get3A_820 = tpu.vector_load %arg8[%get3A_818, %get3A_819] {strides = array<i32>} : memref<128x128xf32, #tpu.memory_space<vmem>>, vector<1x16xf32>,
      %get3A_821 = vector.shape_cast %get3A_820 : vector<1x16xf32> to vector<16xf32>
      %mul3A_822 = arith.mulf %get3A_821, %mul3A_236 : vector<16xf32>
      %swap3A_823 = arith.index_cast %scan3A_787 : i32 to index
      %swap3A_824 = arith.constant 48 : index
      %swap3A_825 = tpu.vector_load %arg8[%swap3A_823, %swap3A_824] {strides = array<i32>} : memref<128x128xf32, #tpu.memory_space<vmem>>, vector<1x16xf32>,
      %swap3A_826 = vector.shape_cast %swap3A_825 : vector<1x16xf32> to vector<16xf32>
      %swap3A_827 = vector.shape_cast %mul3A_822 : vector<16xf32> to vector<1x16xf32>
      tpu.vector_store %arg8[%swap3A_823, %swap3A_824], %swap3A_827 {strides = array<i32>} : memref<128x128xf32, #tpu.memory_space<vmem>>, vector<1x16xf32>,
      %get3A_828 = arith.index_cast %scan3A_787 : i32 to index
      %get3A_829 = arith.constant 64 : index
      %get3A_830 = tpu.vector_load %arg8[%get3A_828, %get3A_829] {strides = array<i32>} : memref<128x128xf32, #tpu.memory_space<vmem>>, vector<1x16xf32>,
      %get3A_831 = vector.shape_cast %get3A_830 : vector<1x16xf32> to vector<16xf32>
      %mul3A_832 = arith.mulf %get3A_831, %mul3A_236 : vector<16xf32>
      %swap3A_833 = arith.index_cast %scan3A_787 : i32 to index
      %swap3A_834 = arith.constant 64 : index
      %swap3A_835 = tpu.vector_load %arg8[%swap3A_833, %swap3A_834] {strides = array<i32>} : memref<128x128xf32, #tpu.memory_space<vmem>>, vector<1x16xf32>,
      %swap3A_836 = vector.shape_cast %swap3A_835 : vector<1x16xf32> to vector<16xf32>
      %swap3A_837 = vector.shape_cast %mul3A_832 : vector<16xf32> to vector<1x16xf32>
      tpu.vector_store %arg8[%swap3A_833, %swap3A_834], %swap3A_837 {strides = array<i32>} : memref<128x128xf32, #tpu.memory_space<vmem>>, vector<1x16xf32>,
      %get3A_838 = arith.index_cast %scan3A_787 : i32 to index
      %get3A_839 = arith.constant 80 : index
      %get3A_840 = tpu.vector_load %arg8[%get3A_838, %get3A_839] {strides = array<i32>} : memref<128x128xf32, #tpu.memory_space<vmem>>, vector<1x16xf32>,
      %get3A_841 = vector.shape_cast %get3A_840 : vector<1x16xf32> to vector<16xf32>
      %mul3A_842 = arith.mulf %get3A_841, %mul3A_236 : vector<16xf32>
      %swap3A_843 = arith.index_cast %scan3A_787 : i32 to index
      %swap3A_844 = arith.constant 80 : index
      %swap3A_845 = tpu.vector_load %arg8[%swap3A_843, %swap3A_844] {strides = array<i32>} : memref<128x128xf32, #tpu.memory_space<vmem>>, vector<1x16xf32>,
      %swap3A_846 = vector.shape_cast %swap3A_845 : vector<1x16xf32> to vector<16xf32>
      %swap3A_847 = vector.shape_cast %mul3A_842 : vector<16xf32> to vector<1x16xf32>
      tpu.vector_store %arg8[%swap3A_843, %swap3A_844], %swap3A_847 {strides = array<i32>} : memref<128x128xf32, #tpu.memory_space<vmem>>, vector<1x16xf32>,
      %get3A_848 = arith.index_cast %scan3A_787 : i32 to index
      %get3A_849 = arith.constant 96 : index
      %get3A_850 = tpu.vector_load %arg8[%get3A_848, %get3A_849] {strides = array<i32>} : memref<128x128xf32, #tpu.memory_space<vmem>>, vector<1x16xf32>,
      %get3A_851 = vector.shape_cast %get3A_850 : vector<1x16xf32> to vector<16xf32>
      %mul3A_852 = arith.mulf %get3A_851, %mul3A_236 : vector<16xf32>
      %swap3A_853 = arith.index_cast %scan3A_787 : i32 to index
      %swap3A_854 = arith.constant 96 : index
      %swap3A_855 = tpu.vector_load %arg8[%swap3A_853, %swap3A_854] {strides = array<i32>} : memref<128x128xf32, #tpu.memory_space<vmem>>, vector<1x16xf32>,
      %swap3A_856 = vector.shape_cast %swap3A_855 : vector<1x16xf32> to vector<16xf32>
      %swap3A_857 = vector.shape_cast %mul3A_852 : vector<16xf32> to vector<1x16xf32>
      tpu.vector_store %arg8[%swap3A_853, %swap3A_854], %swap3A_857 {strides = array<i32>} : memref<128x128xf32, #tpu.memory_space<vmem>>, vector<1x16xf32>,
      %get3A_858 = arith.index_cast %scan3A_787 : i32 to index
      %get3A_859 = arith.constant 112 : index
      %get3A_860 = tpu.vector_load %arg8[%get3A_858, %get3A_859] {strides = array<i32>} : memref<128x128xf32, #tpu.memory_space<vmem>>, vector<1x16xf32>,
      %get3A_861 = vector.shape_cast %get3A_860 : vector<1x16xf32> to vector<16xf32>
      %mul3A_862 = arith.mulf %get3A_861, %mul3A_236 : vector<16xf32>
      %swap3A_863 = arith.index_cast %scan3A_787 : i32 to index
      %swap3A_864 = arith.constant 112 : index
      %swap3A_865 = tpu.vector_load %arg8[%swap3A_863, %swap3A_864] {strides = array<i32>} : memref<128x128xf32, #tpu.memory_space<vmem>>, vector<1x16xf32>,
      %swap3A_866 = vector.shape_cast %swap3A_865 : vector<1x16xf32> to vector<16xf32>
      %swap3A_867 = vector.shape_cast %mul3A_862 : vector<16xf32> to vector<1x16xf32>
      tpu.vector_store %arg8[%swap3A_863, %swap3A_864], %swap3A_867 {strides = array<i32>} : memref<128x128xf32, #tpu.memory_space<vmem>>, vector<1x16xf32>,
      %scan3A_868 = arith.constant 0 : i32
      scf.yield %scan3A_868 : i32
    }
    %scan3A_664 = arith.constant 128 : i32
    %add3A_665 = arith.constant 1408 : i32
    %add3A_666 = arith.addi %mul3A_245, %add3A_665 : i32
    %dma_start3A_667 = arith.constant 0 : i32
    %dma_start3A_668 = tpu.memref_slice %arg5[%add3A_666, %dma_start3A_667] : memref<65536x128xf32, #tpu.memory_space<hbm>> -> memref<128x128xf32, #tpu.memory_space<hbm>>
    %dma_start3A_669 = arith.constant 0 : i32
    %dma_start3A_670 = tpu.memref_slice %arg5[%add3A_666, %dma_start3A_669] : memref<65536x128xf32, #tpu.memory_space<hbm>> -> memref<128x128xf32, #tpu.memory_space<hbm>>
    tpu.enqueue_dma source(%arg8 : memref<128x128xf32, #tpu.memory_space<vmem>>) target(%dma_start3A_670 : memref<128x128xf32, #tpu.memory_space<hbm>>) target_semaphore(%arg17 : memref<!tpu.dma_semaphore, #tpu.memory_space<semaphore_mem>>)
    %dma_wait3A_671 = arith.constant 0 : i32
    %dma_wait3A_672 = tpu.memref_slice %arg5[%add3A_666, %dma_wait3A_671] : memref<65536x128xf32, #tpu.memory_space<hbm>> -> memref<128x128xf32, #tpu.memory_space<hbm>>
    %dma_wait3A_673 = arith.constant 0 : i32
    %dma_wait3A_674 = tpu.memref_slice %arg5[%add3A_666, %dma_wait3A_673] : memref<65536x128xf32, #tpu.memory_space<hbm>> -> memref<128x128xf32, #tpu.memory_space<hbm>>
    tpu.wait_dma2 semaphore(%arg17 : memref<!tpu.dma_semaphore, #tpu.memory_space<semaphore_mem>>) src(%arg8 : memref<128x128xf32, #tpu.memory_space<vmem>>) dst(%dma_wait3A_674 : memref<128x128xf32, #tpu.memory_space<hbm>>)
    %scan3A_675 = arith.constant 0 : i32
    %scan3A_676 = arith.constant 0 : i32
    %scan3A_677 = arith.constant 8 : i32
    %scan3A_678 = arith.addi %scan3A_676, %scan3A_677 : i32
    %scan3A_679 = arith.constant 1 : i32
    %scan3A_680 = scf.for %scan3A_787 = %scan3A_676 to %scan3A_678 step %scan3A_679 iter_args(%scan3A_788 = %scan3A_675) -> (i32)  : i32 {
      %add3A_789 = arith.constant 1792 : i32
      %add3A_790 = vector.broadcast %add3A_789 : i32 to vector<16xi32>
      %add3A_791 = arith.addi %add3A_243, %add3A_790 : vector<16xi32>
      %mul3A_792 = arith.constant 16 : i32
      %mul3A_793 = arith.muli %scan3A_787, %mul3A_792 : i32
      %add3A_794 = vector.broadcast %mul3A_793 : i32 to vector<16xi32>
      %add3A_795 = arith.addi %add3A_791, %add3A_794 : vector<16xi32>
      %add3A_796 = arith.addi %add3A_795, %iota3A : vector<16xi32>
      %mul3A_797 = arith.constant 16 : i32
      %mul3A_798 = arith.muli %scan3A_787, %mul3A_797 : i32
      %add3A_799 = arith.constant 256 : i32
      %add3A_800 = arith.addi %add3A_799, %mul3A_798 : i32
      %swap3A = arith.index_cast %add3A_800 : i32 to index
      %swap3A_801 = tpu.vector_load %arg11[%swap3A] {strides = array<i32>} : memref<384xi32, #tpu.memory_space<vmem>>, vector<16xi32>,
      %swap3A_802 = vector.shape_cast %swap3A_801 : vector<16xi32> to vector<16xi32>
      %swap3A_803 = vector.shape_cast %add3A_796 : vector<16xi32> to vector<16xi32>
      tpu.vector_store %arg11[%swap3A], %swap3A_803 {strides = array<i32>} : memref<384xi32, #tpu.memory_space<vmem>>, vector<16xi32>,
      %scan3A_804 = arith.constant 0 : i32
      scf.yield %scan3A_804 : i32
    }
    %scan3A_681 = arith.constant 8 : i32
    %dma_start3A_682 = arith.constant 256 : i32
    %dma_start3A_683 = tpu.memref_slice %arg11[%dma_start3A_682] : memref<384xi32, #tpu.memory_space<vmem>> -> memref<128xi32, #tpu.memory_space<vmem>>
    %dma_start3A_684 = arith.constant 0 : i32
    %dma_start3A_685 = arith.constant 0 : i32
    %dma_start3A_686 = tpu.memref_slice %arg2[%dma_start3A_684, %dma_start3A_685] : memref<131072x128xf32, #tpu.memory_space<hbm>> -> memref<131072x128xf32, #tpu.memory_space<hbm>>
    tpu.enqueue_indirect_dma source(%dma_start3A_686 : memref<131072x128xf32, #tpu.memory_space<hbm>>) target(%arg8 : memref<128x128xf32, #tpu.memory_space<vmem>>) offsets(%dma_start3A_683 : memref<128xi32, #tpu.memory_space<vmem>>) semaphore(%arg14 : memref<!tpu.dma_semaphore, #tpu.memory_space<semaphore_mem>>)
    %dma_wait3A_687 = arith.constant 0 : i32
    %dma_wait3A_688 = tpu.memref_slice %arg11[%dma_wait3A_687] : memref<384xi32, #tpu.memory_space<vmem>> -> memref<128xi32, #tpu.memory_space<vmem>>
    %dma_wait3A_689 = arith.constant 0 : i32
    %dma_wait3A_690 = arith.constant 0 : i32
    %dma_wait3A_691 = tpu.memref_slice %arg2[%dma_wait3A_689, %dma_wait3A_690] : memref<131072x128xf32, #tpu.memory_space<hbm>> -> memref<131072x128xf32, #tpu.memory_space<hbm>>
    tpu.wait_indirect_dma semaphore(%arg12 : memref<!tpu.dma_semaphore, #tpu.memory_space<semaphore_mem>>) src(%dma_wait3A_691 : memref<131072x128xf32, #tpu.memory_space<hbm>>) dst(%arg6 : memref<128x128xf32, #tpu.memory_space<vmem>>)
    %scan3A_692 = arith.constant 0 : i32
    %scan3A_693 = arith.constant 0 : i32
    %scan3A_694 = arith.constant 128 : i32
    %scan3A_695 = arith.addi %scan3A_693, %scan3A_694 : i32
    %scan3A_696 = arith.constant 1 : i32
    %scan3A_697 = scf.for %scan3A_787 = %scan3A_693 to %scan3A_695 step %scan3A_696 iter_args(%scan3A_788 = %scan3A_692) -> (i32)  : i32 {
      %get3A_789 = arith.index_cast %scan3A_787 : i32 to index
      %get3A_790 = arith.constant 0 : index
      %get3A_791 = tpu.vector_load %arg6[%get3A_789, %get3A_790] {strides = array<i32>} : memref<128x128xf32, #tpu.memory_space<vmem>>, vector<1x16xf32>,
      %get3A_792 = vector.shape_cast %get3A_791 : vector<1x16xf32> to vector<16xf32>
      %mul3A_793 = arith.mulf %get3A_792, %mul3A_236 : vector<16xf32>
      %swap3A = arith.index_cast %scan3A_787 : i32 to index
      %swap3A_794 = arith.constant 0 : index
      %swap3A_795 = tpu.vector_load %arg6[%swap3A, %swap3A_794] {strides = array<i32>} : memref<128x128xf32, #tpu.memory_space<vmem>>, vector<1x16xf32>,
      %swap3A_796 = vector.shape_cast %swap3A_795 : vector<1x16xf32> to vector<16xf32>
      %swap3A_797 = vector.shape_cast %mul3A_793 : vector<16xf32> to vector<1x16xf32>
      tpu.vector_store %arg6[%swap3A, %swap3A_794], %swap3A_797 {strides = array<i32>} : memref<128x128xf32, #tpu.memory_space<vmem>>, vector<1x16xf32>,
      %get3A_798 = arith.index_cast %scan3A_787 : i32 to index
      %get3A_799 = arith.constant 16 : index
      %get3A_800 = tpu.vector_load %arg6[%get3A_798, %get3A_799] {strides = array<i32>} : memref<128x128xf32, #tpu.memory_space<vmem>>, vector<1x16xf32>,
      %get3A_801 = vector.shape_cast %get3A_800 : vector<1x16xf32> to vector<16xf32>
      %mul3A_802 = arith.mulf %get3A_801, %mul3A_236 : vector<16xf32>
      %swap3A_803 = arith.index_cast %scan3A_787 : i32 to index
      %swap3A_804 = arith.constant 16 : index
      %swap3A_805 = tpu.vector_load %arg6[%swap3A_803, %swap3A_804] {strides = array<i32>} : memref<128x128xf32, #tpu.memory_space<vmem>>, vector<1x16xf32>,
      %swap3A_806 = vector.shape_cast %swap3A_805 : vector<1x16xf32> to vector<16xf32>
      %swap3A_807 = vector.shape_cast %mul3A_802 : vector<16xf32> to vector<1x16xf32>
      tpu.vector_store %arg6[%swap3A_803, %swap3A_804], %swap3A_807 {strides = array<i32>} : memref<128x128xf32, #tpu.memory_space<vmem>>, vector<1x16xf32>,
      %get3A_808 = arith.index_cast %scan3A_787 : i32 to index
      %get3A_809 = arith.constant 32 : index
      %get3A_810 = tpu.vector_load %arg6[%get3A_808, %get3A_809] {strides = array<i32>} : memref<128x128xf32, #tpu.memory_space<vmem>>, vector<1x16xf32>,
      %get3A_811 = vector.shape_cast %get3A_810 : vector<1x16xf32> to vector<16xf32>
      %mul3A_812 = arith.mulf %get3A_811, %mul3A_236 : vector<16xf32>
      %swap3A_813 = arith.index_cast %scan3A_787 : i32 to index
      %swap3A_814 = arith.constant 32 : index
      %swap3A_815 = tpu.vector_load %arg6[%swap3A_813, %swap3A_814] {strides = array<i32>} : memref<128x128xf32, #tpu.memory_space<vmem>>, vector<1x16xf32>,
      %swap3A_816 = vector.shape_cast %swap3A_815 : vector<1x16xf32> to vector<16xf32>
      %swap3A_817 = vector.shape_cast %mul3A_812 : vector<16xf32> to vector<1x16xf32>
      tpu.vector_store %arg6[%swap3A_813, %swap3A_814], %swap3A_817 {strides = array<i32>} : memref<128x128xf32, #tpu.memory_space<vmem>>, vector<1x16xf32>,
      %get3A_818 = arith.index_cast %scan3A_787 : i32 to index
      %get3A_819 = arith.constant 48 : index
      %get3A_820 = tpu.vector_load %arg6[%get3A_818, %get3A_819] {strides = array<i32>} : memref<128x128xf32, #tpu.memory_space<vmem>>, vector<1x16xf32>,
      %get3A_821 = vector.shape_cast %get3A_820 : vector<1x16xf32> to vector<16xf32>
      %mul3A_822 = arith.mulf %get3A_821, %mul3A_236 : vector<16xf32>
      %swap3A_823 = arith.index_cast %scan3A_787 : i32 to index
      %swap3A_824 = arith.constant 48 : index
      %swap3A_825 = tpu.vector_load %arg6[%swap3A_823, %swap3A_824] {strides = array<i32>} : memref<128x128xf32, #tpu.memory_space<vmem>>, vector<1x16xf32>,
      %swap3A_826 = vector.shape_cast %swap3A_825 : vector<1x16xf32> to vector<16xf32>
      %swap3A_827 = vector.shape_cast %mul3A_822 : vector<16xf32> to vector<1x16xf32>
      tpu.vector_store %arg6[%swap3A_823, %swap3A_824], %swap3A_827 {strides = array<i32>} : memref<128x128xf32, #tpu.memory_space<vmem>>, vector<1x16xf32>,
      %get3A_828 = arith.index_cast %scan3A_787 : i32 to index
      %get3A_829 = arith.constant 64 : index
      %get3A_830 = tpu.vector_load %arg6[%get3A_828, %get3A_829] {strides = array<i32>} : memref<128x128xf32, #tpu.memory_space<vmem>>, vector<1x16xf32>,
      %get3A_831 = vector.shape_cast %get3A_830 : vector<1x16xf32> to vector<16xf32>
      %mul3A_832 = arith.mulf %get3A_831, %mul3A_236 : vector<16xf32>
      %swap3A_833 = arith.index_cast %scan3A_787 : i32 to index
      %swap3A_834 = arith.constant 64 : index
      %swap3A_835 = tpu.vector_load %arg6[%swap3A_833, %swap3A_834] {strides = array<i32>} : memref<128x128xf32, #tpu.memory_space<vmem>>, vector<1x16xf32>,
      %swap3A_836 = vector.shape_cast %swap3A_835 : vector<1x16xf32> to vector<16xf32>
      %swap3A_837 = vector.shape_cast %mul3A_832 : vector<16xf32> to vector<1x16xf32>
      tpu.vector_store %arg6[%swap3A_833, %swap3A_834], %swap3A_837 {strides = array<i32>} : memref<128x128xf32, #tpu.memory_space<vmem>>, vector<1x16xf32>,
      %get3A_838 = arith.index_cast %scan3A_787 : i32 to index
      %get3A_839 = arith.constant 80 : index
      %get3A_840 = tpu.vector_load %arg6[%get3A_838, %get3A_839] {strides = array<i32>} : memref<128x128xf32, #tpu.memory_space<vmem>>, vector<1x16xf32>,
      %get3A_841 = vector.shape_cast %get3A_840 : vector<1x16xf32> to vector<16xf32>
      %mul3A_842 = arith.mulf %get3A_841, %mul3A_236 : vector<16xf32>
      %swap3A_843 = arith.index_cast %scan3A_787 : i32 to index
      %swap3A_844 = arith.constant 80 : index
      %swap3A_845 = tpu.vector_load %arg6[%swap3A_843, %swap3A_844] {strides = array<i32>} : memref<128x128xf32, #tpu.memory_space<vmem>>, vector<1x16xf32>,
      %swap3A_846 = vector.shape_cast %swap3A_845 : vector<1x16xf32> to vector<16xf32>
      %swap3A_847 = vector.shape_cast %mul3A_842 : vector<16xf32> to vector<1x16xf32>
      tpu.vector_store %arg6[%swap3A_843, %swap3A_844], %swap3A_847 {strides = array<i32>} : memref<128x128xf32, #tpu.memory_space<vmem>>, vector<1x16xf32>,
      %get3A_848 = arith.index_cast %scan3A_787 : i32 to index
      %get3A_849 = arith.constant 96 : index
      %get3A_850 = tpu.vector_load %arg6[%get3A_848, %get3A_849] {strides = array<i32>} : memref<128x128xf32, #tpu.memory_space<vmem>>, vector<1x16xf32>,
      %get3A_851 = vector.shape_cast %get3A_850 : vector<1x16xf32> to vector<16xf32>
      %mul3A_852 = arith.mulf %get3A_851, %mul3A_236 : vector<16xf32>
      %swap3A_853 = arith.index_cast %scan3A_787 : i32 to index
      %swap3A_854 = arith.constant 96 : index
      %swap3A_855 = tpu.vector_load %arg6[%swap3A_853, %swap3A_854] {strides = array<i32>} : memref<128x128xf32, #tpu.memory_space<vmem>>, vector<1x16xf32>,
      %swap3A_856 = vector.shape_cast %swap3A_855 : vector<1x16xf32> to vector<16xf32>
      %swap3A_857 = vector.shape_cast %mul3A_852 : vector<16xf32> to vector<1x16xf32>
      tpu.vector_store %arg6[%swap3A_853, %swap3A_854], %swap3A_857 {strides = array<i32>} : memref<128x128xf32, #tpu.memory_space<vmem>>, vector<1x16xf32>,
      %get3A_858 = arith.index_cast %scan3A_787 : i32 to index
      %get3A_859 = arith.constant 112 : index
      %get3A_860 = tpu.vector_load %arg6[%get3A_858, %get3A_859] {strides = array<i32>} : memref<128x128xf32, #tpu.memory_space<vmem>>, vector<1x16xf32>,
      %get3A_861 = vector.shape_cast %get3A_860 : vector<1x16xf32> to vector<16xf32>
      %mul3A_862 = arith.mulf %get3A_861, %mul3A_236 : vector<16xf32>
      %swap3A_863 = arith.index_cast %scan3A_787 : i32 to index
      %swap3A_864 = arith.constant 112 : index
      %swap3A_865 = tpu.vector_load %arg6[%swap3A_863, %swap3A_864] {strides = array<i32>} : memref<128x128xf32, #tpu.memory_space<vmem>>, vector<1x16xf32>,
      %swap3A_866 = vector.shape_cast %swap3A_865 : vector<1x16xf32> to vector<16xf32>
      %swap3A_867 = vector.shape_cast %mul3A_862 : vector<16xf32> to vector<1x16xf32>
      tpu.vector_store %arg6[%swap3A_863, %swap3A_864], %swap3A_867 {strides = array<i32>} : memref<128x128xf32, #tpu.memory_space<vmem>>, vector<1x16xf32>,
      %scan3A_868 = arith.constant 0 : i32
      scf.yield %scan3A_868 : i32
    }
    %scan3A_698 = arith.constant 128 : i32
    %add3A_699 = arith.constant 1536 : i32
    %add3A_700 = arith.addi %mul3A_245, %add3A_699 : i32
    %dma_start3A_701 = arith.constant 0 : i32
    %dma_start3A_702 = tpu.memref_slice %arg5[%add3A_700, %dma_start3A_701] : memref<65536x128xf32, #tpu.memory_space<hbm>> -> memref<128x128xf32, #tpu.memory_space<hbm>>
    %dma_start3A_703 = arith.constant 0 : i32
    %dma_start3A_704 = tpu.memref_slice %arg5[%add3A_700, %dma_start3A_703] : memref<65536x128xf32, #tpu.memory_space<hbm>> -> memref<128x128xf32, #tpu.memory_space<hbm>>
    tpu.enqueue_dma source(%arg6 : memref<128x128xf32, #tpu.memory_space<vmem>>) target(%dma_start3A_704 : memref<128x128xf32, #tpu.memory_space<hbm>>) target_semaphore(%arg15 : memref<!tpu.dma_semaphore, #tpu.memory_space<semaphore_mem>>)
    %dma_wait3A_705 = arith.constant 0 : i32
    %dma_wait3A_706 = tpu.memref_slice %arg5[%add3A_700, %dma_wait3A_705] : memref<65536x128xf32, #tpu.memory_space<hbm>> -> memref<128x128xf32, #tpu.memory_space<hbm>>
    %dma_wait3A_707 = arith.constant 0 : i32
    %dma_wait3A_708 = tpu.memref_slice %arg5[%add3A_700, %dma_wait3A_707] : memref<65536x128xf32, #tpu.memory_space<hbm>> -> memref<128x128xf32, #tpu.memory_space<hbm>>
    tpu.wait_dma2 semaphore(%arg15 : memref<!tpu.dma_semaphore, #tpu.memory_space<semaphore_mem>>) src(%arg6 : memref<128x128xf32, #tpu.memory_space<vmem>>) dst(%dma_wait3A_708 : memref<128x128xf32, #tpu.memory_space<hbm>>)
    %scan3A_709 = arith.constant 0 : i32
    %scan3A_710 = arith.constant 0 : i32
    %scan3A_711 = arith.constant 8 : i32
    %scan3A_712 = arith.addi %scan3A_710, %scan3A_711 : i32
    %scan3A_713 = arith.constant 1 : i32
    %scan3A_714 = scf.for %scan3A_787 = %scan3A_710 to %scan3A_712 step %scan3A_713 iter_args(%scan3A_788 = %scan3A_709) -> (i32)  : i32 {
      %add3A_789 = arith.constant 1920 : i32
      %add3A_790 = vector.broadcast %add3A_789 : i32 to vector<16xi32>
      %add3A_791 = arith.addi %add3A_243, %add3A_790 : vector<16xi32>
      %mul3A_792 = arith.constant 16 : i32
      %mul3A_793 = arith.muli %scan3A_787, %mul3A_792 : i32
      %add3A_794 = vector.broadcast %mul3A_793 : i32 to vector<16xi32>
      %add3A_795 = arith.addi %add3A_791, %add3A_794 : vector<16xi32>
      %add3A_796 = arith.addi %add3A_795, %iota3A : vector<16xi32>
      %mul3A_797 = arith.constant 16 : i32
      %mul3A_798 = arith.muli %scan3A_787, %mul3A_797 : i32
      %add3A_799 = arith.constant 0 : i32
      %add3A_800 = arith.addi %add3A_799, %mul3A_798 : i32
      %swap3A = arith.index_cast %add3A_800 : i32 to index
      %swap3A_801 = tpu.vector_load %arg11[%swap3A] {strides = array<i32>} : memref<384xi32, #tpu.memory_space<vmem>>, vector<16xi32>,
      %swap3A_802 = vector.shape_cast %swap3A_801 : vector<16xi32> to vector<16xi32>
      %swap3A_803 = vector.shape_cast %add3A_796 : vector<16xi32> to vector<16xi32>
      tpu.vector_store %arg11[%swap3A], %swap3A_803 {strides = array<i32>} : memref<384xi32, #tpu.memory_space<vmem>>, vector<16xi32>,
      %scan3A_804 = arith.constant 0 : i32
      scf.yield %scan3A_804 : i32
    }
    %scan3A_715 = arith.constant 8 : i32
    %dma_start3A_716 = arith.constant 0 : i32
    %dma_start3A_717 = tpu.memref_slice %arg11[%dma_start3A_716] : memref<384xi32, #tpu.memory_space<vmem>> -> memref<128xi32, #tpu.memory_space<vmem>>
    %dma_start3A_718 = arith.constant 0 : i32
    %dma_start3A_719 = arith.constant 0 : i32
    %dma_start3A_720 = tpu.memref_slice %arg2[%dma_start3A_718, %dma_start3A_719] : memref<131072x128xf32, #tpu.memory_space<hbm>> -> memref<131072x128xf32, #tpu.memory_space<hbm>>
    tpu.enqueue_indirect_dma source(%dma_start3A_720 : memref<131072x128xf32, #tpu.memory_space<hbm>>) target(%arg6 : memref<128x128xf32, #tpu.memory_space<vmem>>) offsets(%dma_start3A_717 : memref<128xi32, #tpu.memory_space<vmem>>) semaphore(%arg12 : memref<!tpu.dma_semaphore, #tpu.memory_space<semaphore_mem>>)
    %dma_wait3A_721 = arith.constant 128 : i32
    %dma_wait3A_722 = tpu.memref_slice %arg11[%dma_wait3A_721] : memref<384xi32, #tpu.memory_space<vmem>> -> memref<128xi32, #tpu.memory_space<vmem>>
    %dma_wait3A_723 = arith.constant 0 : i32
    %dma_wait3A_724 = arith.constant 0 : i32
    %dma_wait3A_725 = tpu.memref_slice %arg2[%dma_wait3A_723, %dma_wait3A_724] : memref<131072x128xf32, #tpu.memory_space<hbm>> -> memref<131072x128xf32, #tpu.memory_space<hbm>>
    tpu.wait_indirect_dma semaphore(%arg13 : memref<!tpu.dma_semaphore, #tpu.memory_space<semaphore_mem>>) src(%dma_wait3A_725 : memref<131072x128xf32, #tpu.memory_space<hbm>>) dst(%arg7 : memref<128x128xf32, #tpu.memory_space<vmem>>)
    %scan3A_726 = arith.constant 0 : i32
    %scan3A_727 = arith.constant 0 : i32
    %scan3A_728 = arith.constant 128 : i32
    %scan3A_729 = arith.addi %scan3A_727, %scan3A_728 : i32
    %scan3A_730 = arith.constant 1 : i32
    %scan3A_731 = scf.for %scan3A_787 = %scan3A_727 to %scan3A_729 step %scan3A_730 iter_args(%scan3A_788 = %scan3A_726) -> (i32)  : i32 {
      %get3A_789 = arith.index_cast %scan3A_787 : i32 to index
      %get3A_790 = arith.constant 0 : index
      %get3A_791 = tpu.vector_load %arg7[%get3A_789, %get3A_790] {strides = array<i32>} : memref<128x128xf32, #tpu.memory_space<vmem>>, vector<1x16xf32>,
      %get3A_792 = vector.shape_cast %get3A_791 : vector<1x16xf32> to vector<16xf32>
      %mul3A_793 = arith.mulf %get3A_792, %mul3A_236 : vector<16xf32>
      %swap3A = arith.index_cast %scan3A_787 : i32 to index
      %swap3A_794 = arith.constant 0 : index
      %swap3A_795 = tpu.vector_load %arg7[%swap3A, %swap3A_794] {strides = array<i32>} : memref<128x128xf32, #tpu.memory_space<vmem>>, vector<1x16xf32>,
      %swap3A_796 = vector.shape_cast %swap3A_795 : vector<1x16xf32> to vector<16xf32>
      %swap3A_797 = vector.shape_cast %mul3A_793 : vector<16xf32> to vector<1x16xf32>
      tpu.vector_store %arg7[%swap3A, %swap3A_794], %swap3A_797 {strides = array<i32>} : memref<128x128xf32, #tpu.memory_space<vmem>>, vector<1x16xf32>,
      %get3A_798 = arith.index_cast %scan3A_787 : i32 to index
      %get3A_799 = arith.constant 16 : index
      %get3A_800 = tpu.vector_load %arg7[%get3A_798, %get3A_799] {strides = array<i32>} : memref<128x128xf32, #tpu.memory_space<vmem>>, vector<1x16xf32>,
      %get3A_801 = vector.shape_cast %get3A_800 : vector<1x16xf32> to vector<16xf32>
      %mul3A_802 = arith.mulf %get3A_801, %mul3A_236 : vector<16xf32>
      %swap3A_803 = arith.index_cast %scan3A_787 : i32 to index
      %swap3A_804 = arith.constant 16 : index
      %swap3A_805 = tpu.vector_load %arg7[%swap3A_803, %swap3A_804] {strides = array<i32>} : memref<128x128xf32, #tpu.memory_space<vmem>>, vector<1x16xf32>,
      %swap3A_806 = vector.shape_cast %swap3A_805 : vector<1x16xf32> to vector<16xf32>
      %swap3A_807 = vector.shape_cast %mul3A_802 : vector<16xf32> to vector<1x16xf32>
      tpu.vector_store %arg7[%swap3A_803, %swap3A_804], %swap3A_807 {strides = array<i32>} : memref<128x128xf32, #tpu.memory_space<vmem>>, vector<1x16xf32>,
      %get3A_808 = arith.index_cast %scan3A_787 : i32 to index
      %get3A_809 = arith.constant 32 : index
      %get3A_810 = tpu.vector_load %arg7[%get3A_808, %get3A_809] {strides = array<i32>} : memref<128x128xf32, #tpu.memory_space<vmem>>, vector<1x16xf32>,
      %get3A_811 = vector.shape_cast %get3A_810 : vector<1x16xf32> to vector<16xf32>
      %mul3A_812 = arith.mulf %get3A_811, %mul3A_236 : vector<16xf32>
      %swap3A_813 = arith.index_cast %scan3A_787 : i32 to index
      %swap3A_814 = arith.constant 32 : index
      %swap3A_815 = tpu.vector_load %arg7[%swap3A_813, %swap3A_814] {strides = array<i32>} : memref<128x128xf32, #tpu.memory_space<vmem>>, vector<1x16xf32>,
      %swap3A_816 = vector.shape_cast %swap3A_815 : vector<1x16xf32> to vector<16xf32>
      %swap3A_817 = vector.shape_cast %mul3A_812 : vector<16xf32> to vector<1x16xf32>
      tpu.vector_store %arg7[%swap3A_813, %swap3A_814], %swap3A_817 {strides = array<i32>} : memref<128x128xf32, #tpu.memory_space<vmem>>, vector<1x16xf32>,
      %get3A_818 = arith.index_cast %scan3A_787 : i32 to index
      %get3A_819 = arith.constant 48 : index
      %get3A_820 = tpu.vector_load %arg7[%get3A_818, %get3A_819] {strides = array<i32>} : memref<128x128xf32, #tpu.memory_space<vmem>>, vector<1x16xf32>,
      %get3A_821 = vector.shape_cast %get3A_820 : vector<1x16xf32> to vector<16xf32>
      %mul3A_822 = arith.mulf %get3A_821, %mul3A_236 : vector<16xf32>
      %swap3A_823 = arith.index_cast %scan3A_787 : i32 to index
      %swap3A_824 = arith.constant 48 : index
      %swap3A_825 = tpu.vector_load %arg7[%swap3A_823, %swap3A_824] {strides = array<i32>} : memref<128x128xf32, #tpu.memory_space<vmem>>, vector<1x16xf32>,
      %swap3A_826 = vector.shape_cast %swap3A_825 : vector<1x16xf32> to vector<16xf32>
      %swap3A_827 = vector.shape_cast %mul3A_822 : vector<16xf32> to vector<1x16xf32>
      tpu.vector_store %arg7[%swap3A_823, %swap3A_824], %swap3A_827 {strides = array<i32>} : memref<128x128xf32, #tpu.memory_space<vmem>>, vector<1x16xf32>,
      %get3A_828 = arith.index_cast %scan3A_787 : i32 to index
      %get3A_829 = arith.constant 64 : index
      %get3A_830 = tpu.vector_load %arg7[%get3A_828, %get3A_829] {strides = array<i32>} : memref<128x128xf32, #tpu.memory_space<vmem>>, vector<1x16xf32>,
      %get3A_831 = vector.shape_cast %get3A_830 : vector<1x16xf32> to vector<16xf32>
      %mul3A_832 = arith.mulf %get3A_831, %mul3A_236 : vector<16xf32>
      %swap3A_833 = arith.index_cast %scan3A_787 : i32 to index
      %swap3A_834 = arith.constant 64 : index
      %swap3A_835 = tpu.vector_load %arg7[%swap3A_833, %swap3A_834] {strides = array<i32>} : memref<128x128xf32, #tpu.memory_space<vmem>>, vector<1x16xf32>,
      %swap3A_836 = vector.shape_cast %swap3A_835 : vector<1x16xf32> to vector<16xf32>
      %swap3A_837 = vector.shape_cast %mul3A_832 : vector<16xf32> to vector<1x16xf32>
      tpu.vector_store %arg7[%swap3A_833, %swap3A_834], %swap3A_837 {strides = array<i32>} : memref<128x128xf32, #tpu.memory_space<vmem>>, vector<1x16xf32>,
      %get3A_838 = arith.index_cast %scan3A_787 : i32 to index
      %get3A_839 = arith.constant 80 : index
      %get3A_840 = tpu.vector_load %arg7[%get3A_838, %get3A_839] {strides = array<i32>} : memref<128x128xf32, #tpu.memory_space<vmem>>, vector<1x16xf32>,
      %get3A_841 = vector.shape_cast %get3A_840 : vector<1x16xf32> to vector<16xf32>
      %mul3A_842 = arith.mulf %get3A_841, %mul3A_236 : vector<16xf32>
      %swap3A_843 = arith.index_cast %scan3A_787 : i32 to index
      %swap3A_844 = arith.constant 80 : index
      %swap3A_845 = tpu.vector_load %arg7[%swap3A_843, %swap3A_844] {strides = array<i32>} : memref<128x128xf32, #tpu.memory_space<vmem>>, vector<1x16xf32>,
      %swap3A_846 = vector.shape_cast %swap3A_845 : vector<1x16xf32> to vector<16xf32>
      %swap3A_847 = vector.shape_cast %mul3A_842 : vector<16xf32> to vector<1x16xf32>
      tpu.vector_store %arg7[%swap3A_843, %swap3A_844], %swap3A_847 {strides = array<i32>} : memref<128x128xf32, #tpu.memory_space<vmem>>, vector<1x16xf32>,
      %get3A_848 = arith.index_cast %scan3A_787 : i32 to index
      %get3A_849 = arith.constant 96 : index
      %get3A_850 = tpu.vector_load %arg7[%get3A_848, %get3A_849] {strides = array<i32>} : memref<128x128xf32, #tpu.memory_space<vmem>>, vector<1x16xf32>,
      %get3A_851 = vector.shape_cast %get3A_850 : vector<1x16xf32> to vector<16xf32>
      %mul3A_852 = arith.mulf %get3A_851, %mul3A_236 : vector<16xf32>
      %swap3A_853 = arith.index_cast %scan3A_787 : i32 to index
      %swap3A_854 = arith.constant 96 : index
      %swap3A_855 = tpu.vector_load %arg7[%swap3A_853, %swap3A_854] {strides = array<i32>} : memref<128x128xf32, #tpu.memory_space<vmem>>, vector<1x16xf32>,
      %swap3A_856 = vector.shape_cast %swap3A_855 : vector<1x16xf32> to vector<16xf32>
      %swap3A_857 = vector.shape_cast %mul3A_852 : vector<16xf32> to vector<1x16xf32>
      tpu.vector_store %arg7[%swap3A_853, %swap3A_854], %swap3A_857 {strides = array<i32>} : memref<128x128xf32, #tpu.memory_space<vmem>>, vector<1x16xf32>,
      %get3A_858 = arith.index_cast %scan3A_787 : i32 to index
      %get3A_859 = arith.constant 112 : index
      %get3A_860 = tpu.vector_load %arg7[%get3A_858, %get3A_859] {strides = array<i32>} : memref<128x128xf32, #tpu.memory_space<vmem>>, vector<1x16xf32>,
      %get3A_861 = vector.shape_cast %get3A_860 : vector<1x16xf32> to vector<16xf32>
      %mul3A_862 = arith.mulf %get3A_861, %mul3A_236 : vector<16xf32>
      %swap3A_863 = arith.index_cast %scan3A_787 : i32 to index
      %swap3A_864 = arith.constant 112 : index
      %swap3A_865 = tpu.vector_load %arg7[%swap3A_863, %swap3A_864] {strides = array<i32>} : memref<128x128xf32, #tpu.memory_space<vmem>>, vector<1x16xf32>,
      %swap3A_866 = vector.shape_cast %swap3A_865 : vector<1x16xf32> to vector<16xf32>
      %swap3A_867 = vector.shape_cast %mul3A_862 : vector<16xf32> to vector<1x16xf32>
      tpu.vector_store %arg7[%swap3A_863, %swap3A_864], %swap3A_867 {strides = array<i32>} : memref<128x128xf32, #tpu.memory_space<vmem>>, vector<1x16xf32>,
      %scan3A_868 = arith.constant 0 : i32
      scf.yield %scan3A_868 : i32
    }
    %scan3A_732 = arith.constant 128 : i32
    %add3A_733 = arith.constant 1664 : i32
    %add3A_734 = arith.addi %mul3A_245, %add3A_733 : i32
    %dma_start3A_735 = arith.constant 0 : i32
    %dma_start3A_736 = tpu.memref_slice %arg5[%add3A_734, %dma_start3A_735] : memref<65536x128xf32, #tpu.memory_space<hbm>> -> memref<128x128xf32, #tpu.memory_space<hbm>>
    %dma_start3A_737 = arith.constant 0 : i32
    %dma_start3A_738 = tpu.memref_slice %arg5[%add3A_734, %dma_start3A_737] : memref<65536x128xf32, #tpu.memory_space<hbm>> -> memref<128x128xf32, #tpu.memory_space<hbm>>
    tpu.enqueue_dma source(%arg7 : memref<128x128xf32, #tpu.memory_space<vmem>>) target(%dma_start3A_738 : memref<128x128xf32, #tpu.memory_space<hbm>>) target_semaphore(%arg16 : memref<!tpu.dma_semaphore, #tpu.memory_space<semaphore_mem>>)
    %dma_wait3A_739 = arith.constant 256 : i32
    %dma_wait3A_740 = tpu.memref_slice %arg11[%dma_wait3A_739] : memref<384xi32, #tpu.memory_space<vmem>> -> memref<128xi32, #tpu.memory_space<vmem>>
    %dma_wait3A_741 = arith.constant 0 : i32
    %dma_wait3A_742 = arith.constant 0 : i32
    %dma_wait3A_743 = tpu.memref_slice %arg2[%dma_wait3A_741, %dma_wait3A_742] : memref<131072x128xf32, #tpu.memory_space<hbm>> -> memref<131072x128xf32, #tpu.memory_space<hbm>>
    tpu.wait_indirect_dma semaphore(%arg14 : memref<!tpu.dma_semaphore, #tpu.memory_space<semaphore_mem>>) src(%dma_wait3A_743 : memref<131072x128xf32, #tpu.memory_space<hbm>>) dst(%arg8 : memref<128x128xf32, #tpu.memory_space<vmem>>)
    %scan3A_744 = arith.constant 0 : i32
    %scan3A_745 = arith.constant 0 : i32
    %scan3A_746 = arith.constant 128 : i32
    %scan3A_747 = arith.addi %scan3A_745, %scan3A_746 : i32
    %scan3A_748 = arith.constant 1 : i32
    %scan3A_749 = scf.for %scan3A_787 = %scan3A_745 to %scan3A_747 step %scan3A_748 iter_args(%scan3A_788 = %scan3A_744) -> (i32)  : i32 {
      %get3A_789 = arith.index_cast %scan3A_787 : i32 to index
      %get3A_790 = arith.constant 0 : index
      %get3A_791 = tpu.vector_load %arg8[%get3A_789, %get3A_790] {strides = array<i32>} : memref<128x128xf32, #tpu.memory_space<vmem>>, vector<1x16xf32>,
      %get3A_792 = vector.shape_cast %get3A_791 : vector<1x16xf32> to vector<16xf32>
      %mul3A_793 = arith.mulf %get3A_792, %mul3A_236 : vector<16xf32>
      %swap3A = arith.index_cast %scan3A_787 : i32 to index
      %swap3A_794 = arith.constant 0 : index
      %swap3A_795 = tpu.vector_load %arg8[%swap3A, %swap3A_794] {strides = array<i32>} : memref<128x128xf32, #tpu.memory_space<vmem>>, vector<1x16xf32>,
      %swap3A_796 = vector.shape_cast %swap3A_795 : vector<1x16xf32> to vector<16xf32>
      %swap3A_797 = vector.shape_cast %mul3A_793 : vector<16xf32> to vector<1x16xf32>
      tpu.vector_store %arg8[%swap3A, %swap3A_794], %swap3A_797 {strides = array<i32>} : memref<128x128xf32, #tpu.memory_space<vmem>>, vector<1x16xf32>,
      %get3A_798 = arith.index_cast %scan3A_787 : i32 to index
      %get3A_799 = arith.constant 16 : index
      %get3A_800 = tpu.vector_load %arg8[%get3A_798, %get3A_799] {strides = array<i32>} : memref<128x128xf32, #tpu.memory_space<vmem>>, vector<1x16xf32>,
      %get3A_801 = vector.shape_cast %get3A_800 : vector<1x16xf32> to vector<16xf32>
      %mul3A_802 = arith.mulf %get3A_801, %mul3A_236 : vector<16xf32>
      %swap3A_803 = arith.index_cast %scan3A_787 : i32 to index
      %swap3A_804 = arith.constant 16 : index
      %swap3A_805 = tpu.vector_load %arg8[%swap3A_803, %swap3A_804] {strides = array<i32>} : memref<128x128xf32, #tpu.memory_space<vmem>>, vector<1x16xf32>,
      %swap3A_806 = vector.shape_cast %swap3A_805 : vector<1x16xf32> to vector<16xf32>
      %swap3A_807 = vector.shape_cast %mul3A_802 : vector<16xf32> to vector<1x16xf32>
      tpu.vector_store %arg8[%swap3A_803, %swap3A_804], %swap3A_807 {strides = array<i32>} : memref<128x128xf32, #tpu.memory_space<vmem>>, vector<1x16xf32>,
      %get3A_808 = arith.index_cast %scan3A_787 : i32 to index
      %get3A_809 = arith.constant 32 : index
      %get3A_810 = tpu.vector_load %arg8[%get3A_808, %get3A_809] {strides = array<i32>} : memref<128x128xf32, #tpu.memory_space<vmem>>, vector<1x16xf32>,
      %get3A_811 = vector.shape_cast %get3A_810 : vector<1x16xf32> to vector<16xf32>
      %mul3A_812 = arith.mulf %get3A_811, %mul3A_236 : vector<16xf32>
      %swap3A_813 = arith.index_cast %scan3A_787 : i32 to index
      %swap3A_814 = arith.constant 32 : index
      %swap3A_815 = tpu.vector_load %arg8[%swap3A_813, %swap3A_814] {strides = array<i32>} : memref<128x128xf32, #tpu.memory_space<vmem>>, vector<1x16xf32>,
      %swap3A_816 = vector.shape_cast %swap3A_815 : vector<1x16xf32> to vector<16xf32>
      %swap3A_817 = vector.shape_cast %mul3A_812 : vector<16xf32> to vector<1x16xf32>
      tpu.vector_store %arg8[%swap3A_813, %swap3A_814], %swap3A_817 {strides = array<i32>} : memref<128x128xf32, #tpu.memory_space<vmem>>, vector<1x16xf32>,
      %get3A_818 = arith.index_cast %scan3A_787 : i32 to index
      %get3A_819 = arith.constant 48 : index
      %get3A_820 = tpu.vector_load %arg8[%get3A_818, %get3A_819] {strides = array<i32>} : memref<128x128xf32, #tpu.memory_space<vmem>>, vector<1x16xf32>,
      %get3A_821 = vector.shape_cast %get3A_820 : vector<1x16xf32> to vector<16xf32>
      %mul3A_822 = arith.mulf %get3A_821, %mul3A_236 : vector<16xf32>
      %swap3A_823 = arith.index_cast %scan3A_787 : i32 to index
      %swap3A_824 = arith.constant 48 : index
      %swap3A_825 = tpu.vector_load %arg8[%swap3A_823, %swap3A_824] {strides = array<i32>} : memref<128x128xf32, #tpu.memory_space<vmem>>, vector<1x16xf32>,
      %swap3A_826 = vector.shape_cast %swap3A_825 : vector<1x16xf32> to vector<16xf32>
      %swap3A_827 = vector.shape_cast %mul3A_822 : vector<16xf32> to vector<1x16xf32>
      tpu.vector_store %arg8[%swap3A_823, %swap3A_824], %swap3A_827 {strides = array<i32>} : memref<128x128xf32, #tpu.memory_space<vmem>>, vector<1x16xf32>,
      %get3A_828 = arith.index_cast %scan3A_787 : i32 to index
      %get3A_829 = arith.constant 64 : index
      %get3A_830 = tpu.vector_load %arg8[%get3A_828, %get3A_829] {strides = array<i32>} : memref<128x128xf32, #tpu.memory_space<vmem>>, vector<1x16xf32>,
      %get3A_831 = vector.shape_cast %get3A_830 : vector<1x16xf32> to vector<16xf32>
      %mul3A_832 = arith.mulf %get3A_831, %mul3A_236 : vector<16xf32>
      %swap3A_833 = arith.index_cast %scan3A_787 : i32 to index
      %swap3A_834 = arith.constant 64 : index
      %swap3A_835 = tpu.vector_load %arg8[%swap3A_833, %swap3A_834] {strides = array<i32>} : memref<128x128xf32, #tpu.memory_space<vmem>>, vector<1x16xf32>,
      %swap3A_836 = vector.shape_cast %swap3A_835 : vector<1x16xf32> to vector<16xf32>
      %swap3A_837 = vector.shape_cast %mul3A_832 : vector<16xf32> to vector<1x16xf32>
      tpu.vector_store %arg8[%swap3A_833, %swap3A_834], %swap3A_837 {strides = array<i32>} : memref<128x128xf32, #tpu.memory_space<vmem>>, vector<1x16xf32>,
      %get3A_838 = arith.index_cast %scan3A_787 : i32 to index
      %get3A_839 = arith.constant 80 : index
      %get3A_840 = tpu.vector_load %arg8[%get3A_838, %get3A_839] {strides = array<i32>} : memref<128x128xf32, #tpu.memory_space<vmem>>, vector<1x16xf32>,
      %get3A_841 = vector.shape_cast %get3A_840 : vector<1x16xf32> to vector<16xf32>
      %mul3A_842 = arith.mulf %get3A_841, %mul3A_236 : vector<16xf32>
      %swap3A_843 = arith.index_cast %scan3A_787 : i32 to index
      %swap3A_844 = arith.constant 80 : index
      %swap3A_845 = tpu.vector_load %arg8[%swap3A_843, %swap3A_844] {strides = array<i32>} : memref<128x128xf32, #tpu.memory_space<vmem>>, vector<1x16xf32>,
      %swap3A_846 = vector.shape_cast %swap3A_845 : vector<1x16xf32> to vector<16xf32>
      %swap3A_847 = vector.shape_cast %mul3A_842 : vector<16xf32> to vector<1x16xf32>
      tpu.vector_store %arg8[%swap3A_843, %swap3A_844], %swap3A_847 {strides = array<i32>} : memref<128x128xf32, #tpu.memory_space<vmem>>, vector<1x16xf32>,
      %get3A_848 = arith.index_cast %scan3A_787 : i32 to index
      %get3A_849 = arith.constant 96 : index
      %get3A_850 = tpu.vector_load %arg8[%get3A_848, %get3A_849] {strides = array<i32>} : memref<128x128xf32, #tpu.memory_space<vmem>>, vector<1x16xf32>,
      %get3A_851 = vector.shape_cast %get3A_850 : vector<1x16xf32> to vector<16xf32>
      %mul3A_852 = arith.mulf %get3A_851, %mul3A_236 : vector<16xf32>
      %swap3A_853 = arith.index_cast %scan3A_787 : i32 to index
      %swap3A_854 = arith.constant 96 : index
      %swap3A_855 = tpu.vector_load %arg8[%swap3A_853, %swap3A_854] {strides = array<i32>} : memref<128x128xf32, #tpu.memory_space<vmem>>, vector<1x16xf32>,
      %swap3A_856 = vector.shape_cast %swap3A_855 : vector<1x16xf32> to vector<16xf32>
      %swap3A_857 = vector.shape_cast %mul3A_852 : vector<16xf32> to vector<1x16xf32>
      tpu.vector_store %arg8[%swap3A_853, %swap3A_854], %swap3A_857 {strides = array<i32>} : memref<128x128xf32, #tpu.memory_space<vmem>>, vector<1x16xf32>,
      %get3A_858 = arith.index_cast %scan3A_787 : i32 to index
      %get3A_859 = arith.constant 112 : index
      %get3A_860 = tpu.vector_load %arg8[%get3A_858, %get3A_859] {strides = array<i32>} : memref<128x128xf32, #tpu.memory_space<vmem>>, vector<1x16xf32>,
      %get3A_861 = vector.shape_cast %get3A_860 : vector<1x16xf32> to vector<16xf32>
      %mul3A_862 = arith.mulf %get3A_861, %mul3A_236 : vector<16xf32>
      %swap3A_863 = arith.index_cast %scan3A_787 : i32 to index
      %swap3A_864 = arith.constant 112 : index
      %swap3A_865 = tpu.vector_load %arg8[%swap3A_863, %swap3A_864] {strides = array<i32>} : memref<128x128xf32, #tpu.memory_space<vmem>>, vector<1x16xf32>,
      %swap3A_866 = vector.shape_cast %swap3A_865 : vector<1x16xf32> to vector<16xf32>
      %swap3A_867 = vector.shape_cast %mul3A_862 : vector<16xf32> to vector<1x16xf32>
      tpu.vector_store %arg8[%swap3A_863, %swap3A_864], %swap3A_867 {strides = array<i32>} : memref<128x128xf32, #tpu.memory_space<vmem>>, vector<1x16xf32>,
      %scan3A_868 = arith.constant 0 : i32
      scf.yield %scan3A_868 : i32
    }
    %scan3A_750 = arith.constant 128 : i32
    %add3A_751 = arith.constant 1792 : i32
    %add3A_752 = arith.addi %mul3A_245, %add3A_751 : i32
    %dma_start3A_753 = arith.constant 0 : i32
    %dma_start3A_754 = tpu.memref_slice %arg5[%add3A_752, %dma_start3A_753] : memref<65536x128xf32, #tpu.memory_space<hbm>> -> memref<128x128xf32, #tpu.memory_space<hbm>>
    %dma_start3A_755 = arith.constant 0 : i32
    %dma_start3A_756 = tpu.memref_slice %arg5[%add3A_752, %dma_start3A_755] : memref<65536x128xf32, #tpu.memory_space<hbm>> -> memref<128x128xf32, #tpu.memory_space<hbm>>
    tpu.enqueue_dma source(%arg8 : memref<128x128xf32, #tpu.memory_space<vmem>>) target(%dma_start3A_756 : memref<128x128xf32, #tpu.memory_space<hbm>>) target_semaphore(%arg17 : memref<!tpu.dma_semaphore, #tpu.memory_space<semaphore_mem>>)
    %dma_wait3A_757 = arith.constant 0 : i32
    %dma_wait3A_758 = tpu.memref_slice %arg11[%dma_wait3A_757] : memref<384xi32, #tpu.memory_space<vmem>> -> memref<128xi32, #tpu.memory_space<vmem>>
    %dma_wait3A_759 = arith.constant 0 : i32
    %dma_wait3A_760 = arith.constant 0 : i32
    %dma_wait3A_761 = tpu.memref_slice %arg2[%dma_wait3A_759, %dma_wait3A_760] : memref<131072x128xf32, #tpu.memory_space<hbm>> -> memref<131072x128xf32, #tpu.memory_space<hbm>>
    tpu.wait_indirect_dma semaphore(%arg12 : memref<!tpu.dma_semaphore, #tpu.memory_space<semaphore_mem>>) src(%dma_wait3A_761 : memref<131072x128xf32, #tpu.memory_space<hbm>>) dst(%arg6 : memref<128x128xf32, #tpu.memory_space<vmem>>)
    %scan3A_762 = arith.constant 0 : i32
    %scan3A_763 = arith.constant 0 : i32
    %scan3A_764 = arith.constant 128 : i32
    %scan3A_765 = arith.addi %scan3A_763, %scan3A_764 : i32
    %scan3A_766 = arith.constant 1 : i32
    %scan3A_767 = scf.for %scan3A_787 = %scan3A_763 to %scan3A_765 step %scan3A_766 iter_args(%scan3A_788 = %scan3A_762) -> (i32)  : i32 {
      %get3A_789 = arith.index_cast %scan3A_787 : i32 to index
      %get3A_790 = arith.constant 0 : index
      %get3A_791 = tpu.vector_load %arg6[%get3A_789, %get3A_790] {strides = array<i32>} : memref<128x128xf32, #tpu.memory_space<vmem>>, vector<1x16xf32>,
      %get3A_792 = vector.shape_cast %get3A_791 : vector<1x16xf32> to vector<16xf32>
      %mul3A_793 = arith.mulf %get3A_792, %mul3A_236 : vector<16xf32>
      %swap3A = arith.index_cast %scan3A_787 : i32 to index
      %swap3A_794 = arith.constant 0 : index
      %swap3A_795 = tpu.vector_load %arg6[%swap3A, %swap3A_794] {strides = array<i32>} : memref<128x128xf32, #tpu.memory_space<vmem>>, vector<1x16xf32>,
      %swap3A_796 = vector.shape_cast %swap3A_795 : vector<1x16xf32> to vector<16xf32>
      %swap3A_797 = vector.shape_cast %mul3A_793 : vector<16xf32> to vector<1x16xf32>
      tpu.vector_store %arg6[%swap3A, %swap3A_794], %swap3A_797 {strides = array<i32>} : memref<128x128xf32, #tpu.memory_space<vmem>>, vector<1x16xf32>,
      %get3A_798 = arith.index_cast %scan3A_787 : i32 to index
      %get3A_799 = arith.constant 16 : index
      %get3A_800 = tpu.vector_load %arg6[%get3A_798, %get3A_799] {strides = array<i32>} : memref<128x128xf32, #tpu.memory_space<vmem>>, vector<1x16xf32>,
      %get3A_801 = vector.shape_cast %get3A_800 : vector<1x16xf32> to vector<16xf32>
      %mul3A_802 = arith.mulf %get3A_801, %mul3A_236 : vector<16xf32>
      %swap3A_803 = arith.index_cast %scan3A_787 : i32 to index
      %swap3A_804 = arith.constant 16 : index
      %swap3A_805 = tpu.vector_load %arg6[%swap3A_803, %swap3A_804] {strides = array<i32>} : memref<128x128xf32, #tpu.memory_space<vmem>>, vector<1x16xf32>,
      %swap3A_806 = vector.shape_cast %swap3A_805 : vector<1x16xf32> to vector<16xf32>
      %swap3A_807 = vector.shape_cast %mul3A_802 : vector<16xf32> to vector<1x16xf32>
      tpu.vector_store %arg6[%swap3A_803, %swap3A_804], %swap3A_807 {strides = array<i32>} : memref<128x128xf32, #tpu.memory_space<vmem>>, vector<1x16xf32>,
      %get3A_808 = arith.index_cast %scan3A_787 : i32 to index
      %get3A_809 = arith.constant 32 : index
      %get3A_810 = tpu.vector_load %arg6[%get3A_808, %get3A_809] {strides = array<i32>} : memref<128x128xf32, #tpu.memory_space<vmem>>, vector<1x16xf32>,
      %get3A_811 = vector.shape_cast %get3A_810 : vector<1x16xf32> to vector<16xf32>
      %mul3A_812 = arith.mulf %get3A_811, %mul3A_236 : vector<16xf32>
      %swap3A_813 = arith.index_cast %scan3A_787 : i32 to index
      %swap3A_814 = arith.constant 32 : index
      %swap3A_815 = tpu.vector_load %arg6[%swap3A_813, %swap3A_814] {strides = array<i32>} : memref<128x128xf32, #tpu.memory_space<vmem>>, vector<1x16xf32>,
      %swap3A_816 = vector.shape_cast %swap3A_815 : vector<1x16xf32> to vector<16xf32>
      %swap3A_817 = vector.shape_cast %mul3A_812 : vector<16xf32> to vector<1x16xf32>
      tpu.vector_store %arg6[%swap3A_813, %swap3A_814], %swap3A_817 {strides = array<i32>} : memref<128x128xf32, #tpu.memory_space<vmem>>, vector<1x16xf32>,
      %get3A_818 = arith.index_cast %scan3A_787 : i32 to index
      %get3A_819 = arith.constant 48 : index
      %get3A_820 = tpu.vector_load %arg6[%get3A_818, %get3A_819] {strides = array<i32>} : memref<128x128xf32, #tpu.memory_space<vmem>>, vector<1x16xf32>,
      %get3A_821 = vector.shape_cast %get3A_820 : vector<1x16xf32> to vector<16xf32>
      %mul3A_822 = arith.mulf %get3A_821, %mul3A_236 : vector<16xf32>
      %swap3A_823 = arith.index_cast %scan3A_787 : i32 to index
      %swap3A_824 = arith.constant 48 : index
      %swap3A_825 = tpu.vector_load %arg6[%swap3A_823, %swap3A_824] {strides = array<i32>} : memref<128x128xf32, #tpu.memory_space<vmem>>, vector<1x16xf32>,
      %swap3A_826 = vector.shape_cast %swap3A_825 : vector<1x16xf32> to vector<16xf32>
      %swap3A_827 = vector.shape_cast %mul3A_822 : vector<16xf32> to vector<1x16xf32>
      tpu.vector_store %arg6[%swap3A_823, %swap3A_824], %swap3A_827 {strides = array<i32>} : memref<128x128xf32, #tpu.memory_space<vmem>>, vector<1x16xf32>,
      %get3A_828 = arith.index_cast %scan3A_787 : i32 to index
      %get3A_829 = arith.constant 64 : index
      %get3A_830 = tpu.vector_load %arg6[%get3A_828, %get3A_829] {strides = array<i32>} : memref<128x128xf32, #tpu.memory_space<vmem>>, vector<1x16xf32>,
      %get3A_831 = vector.shape_cast %get3A_830 : vector<1x16xf32> to vector<16xf32>
      %mul3A_832 = arith.mulf %get3A_831, %mul3A_236 : vector<16xf32>
      %swap3A_833 = arith.index_cast %scan3A_787 : i32 to index
      %swap3A_834 = arith.constant 64 : index
      %swap3A_835 = tpu.vector_load %arg6[%swap3A_833, %swap3A_834] {strides = array<i32>} : memref<128x128xf32, #tpu.memory_space<vmem>>, vector<1x16xf32>,
      %swap3A_836 = vector.shape_cast %swap3A_835 : vector<1x16xf32> to vector<16xf32>
      %swap3A_837 = vector.shape_cast %mul3A_832 : vector<16xf32> to vector<1x16xf32>
      tpu.vector_store %arg6[%swap3A_833, %swap3A_834], %swap3A_837 {strides = array<i32>} : memref<128x128xf32, #tpu.memory_space<vmem>>, vector<1x16xf32>,
      %get3A_838 = arith.index_cast %scan3A_787 : i32 to index
      %get3A_839 = arith.constant 80 : index
      %get3A_840 = tpu.vector_load %arg6[%get3A_838, %get3A_839] {strides = array<i32>} : memref<128x128xf32, #tpu.memory_space<vmem>>, vector<1x16xf32>,
      %get3A_841 = vector.shape_cast %get3A_840 : vector<1x16xf32> to vector<16xf32>
      %mul3A_842 = arith.mulf %get3A_841, %mul3A_236 : vector<16xf32>
      %swap3A_843 = arith.index_cast %scan3A_787 : i32 to index
      %swap3A_844 = arith.constant 80 : index
      %swap3A_845 = tpu.vector_load %arg6[%swap3A_843, %swap3A_844] {strides = array<i32>} : memref<128x128xf32, #tpu.memory_space<vmem>>, vector<1x16xf32>,
      %swap3A_846 = vector.shape_cast %swap3A_845 : vector<1x16xf32> to vector<16xf32>
      %swap3A_847 = vector.shape_cast %mul3A_842 : vector<16xf32> to vector<1x16xf32>
      tpu.vector_store %arg6[%swap3A_843, %swap3A_844], %swap3A_847 {strides = array<i32>} : memref<128x128xf32, #tpu.memory_space<vmem>>, vector<1x16xf32>,
      %get3A_848 = arith.index_cast %scan3A_787 : i32 to index
      %get3A_849 = arith.constant 96 : index
      %get3A_850 = tpu.vector_load %arg6[%get3A_848, %get3A_849] {strides = array<i32>} : memref<128x128xf32, #tpu.memory_space<vmem>>, vector<1x16xf32>,
      %get3A_851 = vector.shape_cast %get3A_850 : vector<1x16xf32> to vector<16xf32>
      %mul3A_852 = arith.mulf %get3A_851, %mul3A_236 : vector<16xf32>
      %swap3A_853 = arith.index_cast %scan3A_787 : i32 to index
      %swap3A_854 = arith.constant 96 : index
      %swap3A_855 = tpu.vector_load %arg6[%swap3A_853, %swap3A_854] {strides = array<i32>} : memref<128x128xf32, #tpu.memory_space<vmem>>, vector<1x16xf32>,
      %swap3A_856 = vector.shape_cast %swap3A_855 : vector<1x16xf32> to vector<16xf32>
      %swap3A_857 = vector.shape_cast %mul3A_852 : vector<16xf32> to vector<1x16xf32>
      tpu.vector_store %arg6[%swap3A_853, %swap3A_854], %swap3A_857 {strides = array<i32>} : memref<128x128xf32, #tpu.memory_space<vmem>>, vector<1x16xf32>,
      %get3A_858 = arith.index_cast %scan3A_787 : i32 to index
      %get3A_859 = arith.constant 112 : index
      %get3A_860 = tpu.vector_load %arg6[%get3A_858, %get3A_859] {strides = array<i32>} : memref<128x128xf32, #tpu.memory_space<vmem>>, vector<1x16xf32>,
      %get3A_861 = vector.shape_cast %get3A_860 : vector<1x16xf32> to vector<16xf32>
      %mul3A_862 = arith.mulf %get3A_861, %mul3A_236 : vector<16xf32>
      %swap3A_863 = arith.index_cast %scan3A_787 : i32 to index
      %swap3A_864 = arith.constant 112 : index
      %swap3A_865 = tpu.vector_load %arg6[%swap3A_863, %swap3A_864] {strides = array<i32>} : memref<128x128xf32, #tpu.memory_space<vmem>>, vector<1x16xf32>,
      %swap3A_866 = vector.shape_cast %swap3A_865 : vector<1x16xf32> to vector<16xf32>
      %swap3A_867 = vector.shape_cast %mul3A_862 : vector<16xf32> to vector<1x16xf32>
      tpu.vector_store %arg6[%swap3A_863, %swap3A_864], %swap3A_867 {strides = array<i32>} : memref<128x128xf32, #tpu.memory_space<vmem>>, vector<1x16xf32>,
      %scan3A_868 = arith.constant 0 : i32
      scf.yield %scan3A_868 : i32
    }
    %scan3A_768 = arith.constant 128 : i32
    %add3A_769 = arith.constant 1920 : i32
    %add3A_770 = arith.addi %mul3A_245, %add3A_769 : i32
    %dma_start3A_771 = arith.constant 0 : i32
    %dma_start3A_772 = tpu.memref_slice %arg5[%add3A_770, %dma_start3A_771] : memref<65536x128xf32, #tpu.memory_space<hbm>> -> memref<128x128xf32, #tpu.memory_space<hbm>>
    %dma_start3A_773 = arith.constant 0 : i32
    %dma_start3A_774 = tpu.memref_slice %arg5[%add3A_770, %dma_start3A_773] : memref<65536x128xf32, #tpu.memory_space<hbm>> -> memref<128x128xf32, #tpu.memory_space<hbm>>
    tpu.enqueue_dma source(%arg6 : memref<128x128xf32, #tpu.memory_space<vmem>>) target(%dma_start3A_774 : memref<128x128xf32, #tpu.memory_space<hbm>>) target_semaphore(%arg15 : memref<!tpu.dma_semaphore, #tpu.memory_space<semaphore_mem>>)
    %dma_wait3A_775 = arith.constant 0 : i32
    %dma_wait3A_776 = tpu.memref_slice %arg5[%add3A_770, %dma_wait3A_775] : memref<65536x128xf32, #tpu.memory_space<hbm>> -> memref<128x128xf32, #tpu.memory_space<hbm>>
    %dma_wait3A_777 = arith.constant 0 : i32
    %dma_wait3A_778 = tpu.memref_slice %arg5[%add3A_770, %dma_wait3A_777] : memref<65536x128xf32, #tpu.memory_space<hbm>> -> memref<128x128xf32, #tpu.memory_space<hbm>>
    tpu.wait_dma2 semaphore(%arg15 : memref<!tpu.dma_semaphore, #tpu.memory_space<semaphore_mem>>) src(%arg6 : memref<128x128xf32, #tpu.memory_space<vmem>>) dst(%dma_wait3A_778 : memref<128x128xf32, #tpu.memory_space<hbm>>)
    %dma_wait3A_779 = arith.constant 0 : i32
    %dma_wait3A_780 = tpu.memref_slice %arg5[%add3A_734, %dma_wait3A_779] : memref<65536x128xf32, #tpu.memory_space<hbm>> -> memref<128x128xf32, #tpu.memory_space<hbm>>
    %dma_wait3A_781 = arith.constant 0 : i32
    %dma_wait3A_782 = tpu.memref_slice %arg5[%add3A_734, %dma_wait3A_781] : memref<65536x128xf32, #tpu.memory_space<hbm>> -> memref<128x128xf32, #tpu.memory_space<hbm>>
    tpu.wait_dma2 semaphore(%arg16 : memref<!tpu.dma_semaphore, #tpu.memory_space<semaphore_mem>>) src(%arg7 : memref<128x128xf32, #tpu.memory_space<vmem>>) dst(%dma_wait3A_782 : memref<128x128xf32, #tpu.memory_space<hbm>>)
    %dma_wait3A_783 = arith.constant 0 : i32
    %dma_wait3A_784 = tpu.memref_slice %arg5[%add3A_752, %dma_wait3A_783] : memref<65536x128xf32, #tpu.memory_space<hbm>> -> memref<128x128xf32, #tpu.memory_space<hbm>>
    %dma_wait3A_785 = arith.constant 0 : i32
    %dma_wait3A_786 = tpu.memref_slice %arg5[%add3A_752, %dma_wait3A_785] : memref<65536x128xf32, #tpu.memory_space<hbm>> -> memref<128x128xf32, #tpu.memory_space<hbm>>
    tpu.wait_dma2 semaphore(%arg17 : memref<!tpu.dma_semaphore, #tpu.memory_space<semaphore_mem>>) src(%arg8 : memref<128x128xf32, #tpu.memory_space<vmem>>) dst(%dma_wait3A_786 : memref<128x128xf32, #tpu.memory_space<hbm>>)
    return
  }
}

module attributes {stable_mosaic.version = 14 : i64} {
  func.func @_tc_tails_body(%arg0: i32, %arg1: i32, %arg2: memref<131072xf32, #tpu.memory_space<vmem>>, %arg3: memref<2x1xf32, #tpu.memory_space<smem>>, %arg4: memref<8x128xf32, #tpu.memory_space<vmem>>) attributes {dimension_semantics = [#tpu.dimension_semantics<arbitrary>, #tpu.dimension_semantics<arbitrary>], iteration_bounds = array<i64: 2, 12>, scalar_prefetch = 0 : i64, scratch_operands = 1 : i64, tpu.core_type = #tpu.core_type<tc>, window_params = [{transform_indices = @transform_0, window_bounds = array<i64: 131072>}, {transform_indices = @transform_1, window_bounds = array<i64: 2, 1>}]} {
    %eq3A = arith.constant 0 : i32
    %eq3A_0 = arith.cmpi eq, %arg1, %eq3A : i32
    %convert_element_type3A = arith.extui %eq3A_0 : i1 to i32
    %cond3A = arith.constant 0 : i32
    %cond3A_1 = arith.cmpi ne, %convert_element_type3A, %cond3A : i32
    scf.if %cond3A_1 {
      %broadcast_in_dim3A = arith.constant 0.000000e+00 : f32
      %broadcast_in_dim3A_14 = vector.broadcast %broadcast_in_dim3A : f32 to vector<8x128xf32>
      %swap3A_15 = arith.constant 0 : index
      %swap3A_16 = arith.constant 0 : index
      %swap3A_17 = vector.load %arg4[%swap3A_15, %swap3A_16] : memref<8x128xf32, #tpu.memory_space<vmem>>, vector<8x128xf32>
      tpu.vector_store %arg4[%swap3A_15, %swap3A_16], %broadcast_in_dim3A_14 {strides = array<i32>} : memref<8x128xf32, #tpu.memory_space<vmem>>, vector<8x128xf32>,
    } else {
    }
    %get3A = arith.constant 0 : index
    %get3A_2 = vector.load %arg2[%get3A] : memref<131072xf32, #tpu.memory_space<vmem>>, vector<131072xf32>
    %reshape3A = vector.shape_cast %get3A_2 : vector<131072xf32> to vector<128x8x128xf32>
    %get3A_3 = arith.constant 0 : index
    %get3A_4 = arith.constant 0 : index
    %get3A_5 = vector.load %arg4[%get3A_3, %get3A_4] : memref<8x128xf32, #tpu.memory_space<vmem>>, vector<8x128xf32>
    %mul3A = arith.mulf %reshape3A, %reshape3A : vector<128x8x128xf32>
    %reduce_sum3A = arith.constant dense<0.000000e+00> : vector<8x128xf32>
    %reduce_sum3A_6 = vector.multi_reduction <add>, %mul3A, %reduce_sum3A [0] : vector<128x8x128xf32> to vector<8x128xf32>
    %add3A = arith.addf %get3A_5, %reduce_sum3A_6 : vector<8x128xf32>
    %swap3A = arith.constant 0 : index
    %swap3A_7 = arith.constant 0 : index
    %swap3A_8 = vector.load %arg4[%swap3A, %swap3A_7] : memref<8x128xf32, #tpu.memory_space<vmem>>, vector<8x128xf32>
    tpu.vector_store %arg4[%swap3A, %swap3A_7], %add3A {strides = array<i32>} : memref<8x128xf32, #tpu.memory_space<vmem>>, vector<8x128xf32>,
    %eq3A_9 = arith.constant 11 : i32
    %eq3A_10 = arith.cmpi eq, %arg1, %eq3A_9 : i32
    %convert_element_type3A_11 = arith.extui %eq3A_10 : i1 to i32
    %cond3A_12 = arith.constant 0 : i32
    %cond3A_13 = arith.cmpi ne, %convert_element_type3A_11, %cond3A_12 : i32
    scf.if %cond3A_13 {
      %get3A_14 = arith.constant 0 : index
      %get3A_15 = arith.constant 0 : index
      %get3A_16 = vector.load %arg4[%get3A_14, %get3A_15] : memref<8x128xf32, #tpu.memory_space<vmem>>, vector<8x128xf32>
      %reduce_sum3A_17 = vector.shape_cast %get3A_16 : vector<8x128xf32> to vector<1x8x128xf32>
      %reduce_sum3A_18 = arith.constant dense<0.000000e+00> : vector<1xf32>
      %reduce_sum3A_19 = vector.multi_reduction <add>, %reduce_sum3A_17, %reduce_sum3A_18 [1, 2] : vector<1x8x128xf32> to vector<1xf32>
      %reduce_sum3A_20 = vector.shape_cast %reduce_sum3A_19 : vector<1xf32> to vector<1x1x1xf32>
      %reduce_sum3A_21 = vector.extract %reduce_sum3A_20[0, 0, 0] : f32 from vector<1x1x1xf32>
      %swap3A_22 = arith.index_cast %arg0 : i32 to index
      %swap3A_23 = arith.constant 0 : index
      %swap3A_24 = memref.load %arg3[%swap3A_22, %swap3A_23] : memref<2x1xf32, #tpu.memory_space<smem>>
      memref.store %reduce_sum3A_21, %arg3[%swap3A_22, %swap3A_23] : memref<2x1xf32, #tpu.memory_space<smem>>
    } else {
    }
    return
  }
  func.func @transform_0(%arg0: i32, %arg1: i32) -> i32 {
    %mul3A = arith.constant 64 : i32
    %mul3A_0 = arith.muli %arg0, %mul3A : i32
    %add3A = arith.constant 52 : i32
    %add3A_1 = arith.addi %mul3A_0, %add3A : i32
    %add3A_2 = arith.addi %add3A_1, %arg1 : i32
    %c0_i32 = arith.constant 0 : i32
    return %add3A_2 : i32
  }
  func.func @transform_1(%arg0: i32, %arg1: i32) -> (i32, i32) {
    %c0_i32 = arith.constant 0 : i32
    %c0_i32_0 = arith.constant 0 : i32
    %c0_i32_1 = arith.constant 0 : i32
    return %c0_i32, %c0_i32_0 : i32, i32
  }
}

</mosaic_0001>

<sc_bundles>
// kernel: kernel.5.cloned.1.call-start
scs
__scs_entry_jumppad:
0x0: {  	(pc) =	sbr.rel $0x88, $3  }
0x1: {  	(tag) =	ssettag $0x0;
	lr =	simm.s32 $0x1  }
0x2: {  	[smem:$0x3F9F] =	sst lr;
	_ =	strace $0xD0000000  }
0x3: {  	_ = 	snop  }
0x4: {  	_ = 	snop  }
0x5: {  	_ = 	snop  }
0x6: {  	_ = 	snop  }
0x7: {  	_ = 	snop  }
__scs_overlays_trampoline_lowered:
0x8: {  	[smem:$0x3FAE] =	sst s0  }
0x9: {  	[smem:$0x3FAF] =	sst s1  }
0xa: {  	[smem:$0x3FB0] =	sst s2  }
0xb: {  	[smem:$0x3FB1] =	sst s3  }
0xc: {  	[smem:$0x3FB2] =	sst s4  }
0xd: {  	[smem:$0x3FB3] =	sst s5  }
0xe: {  	[smem:$0x3FB4] =	sst s6  }
0xf: {  	[smem:$0x3FB5] =	sst s7  }
0x10: {  	[smem:$0x3FB6] =	sst s8  }
0x11: {  	[smem:$0x3FB7] =	sst s9;
	s0 =	simm.s32 @!p0 $0x0  }
0x12: {  	s1 =	sld [smem:$0x3F9D];
	s0 =	simm.s32 @p0 $0x1  }
0x13: {  	[smem:$0x3FB8] =	sst s0;
	s0 =	simm.s32 @!p1 $0x0  }
0x14: {  	s2 =	sld [smem:$0x3F9C];
	s0 =	simm.s32 @p1 $0x1  }
0x15: {  	[smem:$0x3FB9] =	sst s0;
	s0 =	simm.s32 @!p2 $0x0  }
0x16: {  	s3 =	sld [smem:$0x3FDB];
	s0 =	simm.s32 @p2 $0x1  }
0x17: {  	s4 =	simm.s32 $0x1BF5;
	[smem:$0x3FBB] =	sst s0  }
0x18: {  	s0 =	sld [smem:$0x3F9E];
	_ =	swait.ge [sflag:s4], $0x0  }
0x19: {  	s7 =	sld [smem:$0x3F9F]  }
0x1a: {  	s8 =	sadd.s32 $0xFFFFE003, lr  }
0x1b: {  	s9 =	sadd.s32 $0xFFFFFEF7, lr;
	s5 =	simm.s32 $0xFFFFFFFF;
	p2 =	slt.u32 s8, $0xFFFFF086  }
0x1c: {  	p1 =	slt.u32 s9, $0xF7A;
	s5 =	simm.s32 @!p2 $0x0  }
0x1d: {  	s5 =	simm.s32 @p1 $0x1;
	p0 =	seq.s32 s7, s2  }
0x1e: {  	s7 =	smul.u32 @!p0 $0xF7A, s2;
	p2 =	seq.s32 @!p0 s5, $0x0  }
0x1f: {  	s9 =	smul.u32 $0xF7A, s1;
	s8 =	simm.s32 @!p0 $0x1BF5;
	p2 =	por !p2, p0  }
0x20: {  	[sflag:s8] =	ssyncset.s32 @!p0 $0xFFFFF086;
	s6 =	sadd.s32 @!p0 s3, s7;
	s7 =	simm.s32 @!p0 $0x108  }
0x21: {  	s3 =	sadd.s32 s3, s9;
	s6 =	sadd.s32 @!p0 $0x88, s6;
	s7 =	simm.s32 @p2 $0x1082  }
0x22: {  	[simem:s7], [sflag:s8] =	dma.local @!p0 [hbm:s6], $0xF7A  }
0x23: {  	s9 =	sor.u32 $0xD0000000, s2;
	s6 =	simm.s32 $0x108;
	_ =	swait.ge @!p0 [sflag:s8], $0x0  }
0x24: {  	s3 =	sadd.s32 $0x88, s3;
	s6 =	simm.s32 @!p1 $0x1082;
	[sflag:s4] =	ssyncset.s32 $0xFFFFF086  }
0x25: {  	[simem:s6], [sflag:s4] =	dma.local [hbm:s3], $0xF7A  }
0x26: {  	[smem:$0x3F9F] =	sst s1;
	(tag) =	ssettag s2;
	_ =	strace s9  }
0x27: {  	s1 =	sld [smem:$0x3FAF]  }
0x28: {  	s2 =	sld [smem:$0x3FB0]  }
0x29: {  	s4 =	sld [smem:$0x3FB2]  }
0x2a: {  	p0 =	seq.s32 s5, $0x0;
	s5 =	sld [smem:$0x3FB3]  }
0x2b: {  	s6 =	sld [smem:$0x3FB4]  }
0x2c: {  	s7 =	sld [smem:$0x3FB5]  }
0x2d: {  	s3 =	simm.s32 $0x108;
	s8 =	sld [smem:$0x3FB6]  }
0x2e: {  	s3 =	simm.s32 @!p0 $0x1082;
	s9 =	sld [smem:$0x3FB7]  }
0x2f: {  	lr =	sadd.s32 s0, s3;
	s0 =	sld [smem:$0x3FAE]  }
0x30: {  	s3 =	sld [smem:$0x3FB1]  }
0x31: {  	[smem:$0x3FBA] =	sst s10  }
0x32: {  	s10 =	sld [smem:$0x3FB8];
	_ =	sdelay $0x3  }
0x33: {  	p0 =	seq.s32 s10, $0x1;
	s10 =	sld [smem:$0x3FBA];
	_ =	sdelay $0x3  }
0x34: {  	[smem:$0x3FBA] =	sst s10  }
0x35: {  	s10 =	sld [smem:$0x3FB9];
	_ =	sdelay $0x3  }
0x36: {  	p1 =	seq.s32 s10, $0x1;
	s10 =	sld [smem:$0x3FBA];
	_ =	sdelay $0x3  }
0x37: {  	[smem:$0x3FBA] =	sst s10  }
0x38: {  	s10 =	sld [smem:$0x3FBB]  }
0x39: {  	_ = 	snop;
	(pc) =	sbr.ind lr, $3  }
0x3a: {  	_ = 	snop  }
0x3b: {  	_ = 	snop  }
0x3c: {  	p2 =	seq.s32 s10, $0x1;
	s10 =	sld [smem:$0x3FBA]  }
0x3d: {  	_ =	shalt  }
0x3e: {  	_ =	shalt  }
0x3f: {  	_ =	shalt  }
0x40: {  	_ =	shalt  }
0x41: {  	_ =	shalt  }
0x42: {  	_ =	shalt  }
0x43: {  	_ =	shalt  }
0x44: {  	_ =	shalt  }
0x45: {  	_ =	shalt  }
0x46: {  	_ =	shalt  }
0x47: {  	_ =	shalt  }
0x48: {  	_ =	shalt  }
0x49: {  	_ =	shalt  }
0x4a: {  	_ =	shalt  }
0x4b: {  	_ =	shalt  }
0x4c: {  	_ =	shalt  }
0x4d: {  	_ =	shalt  }
0x4e: {  	_ =	shalt  }
0x4f: {  	_ =	shalt  }
0x50: {  	_ =	shalt  }
0x51: {  	_ =	shalt  }
0x52: {  	_ =	shalt  }
0x53: {  	_ =	shalt  }
0x54: {  	_ =	shalt  }
0x55: {  	_ =	shalt  }
0x56: {  	_ =	shalt  }
0x57: {  	_ =	shalt  }
0x58: {  	_ =	shalt  }
0x59: {  	_ =	shalt  }
0x5a: {  	_ =	shalt  }
0x5b: {  	_ =	shalt  }
0x5c: {  	_ =	shalt  }
0x5d: {  	_ =	shalt  }
0x5e: {  	_ =	shalt  }
0x5f: {  	_ =	shalt  }
0x60: {  	_ =	shalt  }
0x61: {  	_ =	shalt  }
0x62: {  	_ =	shalt  }
0x63: {  	_ =	shalt  }
0x64: {  	_ =	shalt  }
0x65: {  	_ =	shalt  }
0x66: {  	_ =	shalt  }
0x67: {  	_ =	shalt  }
0x68: {  	_ =	shalt  }
0x69: {  	_ =	shalt  }
0x6a: {  	_ =	shalt  }
0x6b: {  	_ =	shalt  }
0x6c: {  	_ =	shalt  }
0x6d: {  	_ =	shalt  }
0x6e: {  	_ =	shalt  }
0x6f: {  	_ =	shalt  }
0x70: {  	_ =	shalt  }
0x71: {  	_ =	shalt  }
0x72: {  	_ =	shalt  }
0x73: {  	_ =	shalt  }
0x74: {  	_ =	shalt  }
0x75: {  	_ =	shalt  }
0x76: {  	_ =	shalt  }
0x77: {  	_ =	shalt  }
0x78: {  	_ =	shalt  }
0x79: {  	_ =	shalt  }
0x7a: {  	_ =	shalt  }
0x7b: {  	_ =	shalt  }
0x7c: {  	_ =	shalt  }
0x7d: {  	_ =	shalt  }
0x7e: {  	_ =	shalt  }
0x7f: {  	_ =	shalt  }
0x80: {  	_ =	shalt  }
0x81: {  	_ =	shalt  }
0x82: {  	_ =	shalt  }
0x83: {  	_ =	shalt  }
0x84: {  	_ =	shalt  }
0x85: {  	_ =	shalt  }
0x86: {  	_ =	shalt  }
0x87: {  	_ =	shalt  }
.Lfunc_end0:
.L_simem_size_0:
called_computation_lowered:
.L_overlay_start_0:
0x88: {  	s2 =	sld [smem:$0x3FD9]  }
0x89: {  	s3 =	sld [smem:$0x3FFE];
	_ =	sdelay $0x1  }
0x8a: {  	s1 =	srdreg.scid  }
0x8b: {  	s0 =	sand.u32 $0x1, s1  }
0x8c: {  	s17 =	sshll.u32 s0, $0xA;
	s2 =	sadd.s32 s3, s2  }
0x8d: {  	s2 =	sadd.s32 s2, s17  }
0x8e: {  	[smem:$0x3FC6] =	sst s2  }
0x8f: {  	_ = 	snop  }
0x90: {  	s2 =	sld [smem:$0x3FC9];
	(tm) =	ssettm $0x1  }
0x91: {  	s18 =	sld [smem:$0x3FFB];
	_ =	sdelay $0x3  }
0x92: {  	_ =	strace s18  }
0x93: {  	s3 =	sld [smem:$0x3FFC];
	_ =	sdelay $0x3  }
0x94: {  	_ =	strace s3  }
0x95: {  	s3 =	sld [smem:$0x3FFD];
	_ =	sdelay $0x3  }
0x96: {  	_ =	strace s3  }
0x97: {  	_ =	strace $0x8FFFFFFF  }
0x98: {  	s19 =	sld [smem:$0x3FDB];
	_ =	sdelay $0x1  }
0x99: {  	s4 =	simm.s32 $_scs_section_size  }
0x9a: {  	s5 =	simm.s32 $_size__tile_overlayer_lowered;
	s6 =	simm.s32 $_tile_overlayer_lowered  }
0x9b: {  	s22 =	simm.s32 $0x1BFF;
	s21 =	sshll.u32 s6, $0x1;
	s3 =	sadd.s32 s4, s19  }
0x9c: {  	s7 =	simm.s32 $0x0;
	s20 =	sshll.u32 s5, $0x1;
	s5 =	sadd.s32 s21, s3  }
0x9d: {  	[timem:s7], [sflag:s22] =	dma.local [hbm:s5], s20  }
0x9e: {  	_ =	swait.ge [sflag:s22], s20  }
0x9f: {  	s4 =	ssub.s32 $0x0, s20;
	[sflag:s22] =	ssyncset.done $0x0  }
0xa0: {  	[sflag:s22] =	ssyncadd.s32 s4;
	_ =	sdelay $0x1  }
0xa1: {  	s23 =	simm.s32 $0x1B8B  }
0xa2: {  	_ =	swait.ge [sflag:s23], $0x1  }
0xa3: {  	[sflag:s23] =	ssyncset.done $0x0  }
0xa4: {  	s25 =	simm.s32 $0x1B8E;
	s24 =	sld [smem:$0x3FFE];
	[sflag:s23] =	ssyncadd.s32 $0xFFFFFFFF  }
0xa5: {  	s26 =	simm.s32 $execute0_lowered;
	[smem:$0x3FD2] =	sst s25  }
0xa6: {  	s5 =	sshll.u32 s26, $0x1;
	_ =	strace $0x80000046;
	[dreg:$0x1] =	wrdreg $0xFFFFFFFF  }
0xa7: {  	s28 =	simm.s32 $_size_execute0_lowered;
	s3 =	sadd.s32 s3, s5;
	[dreg:$0x0] =	wrdreg $0x0  }
0xa8: {  	s5 =	sshll.u32 s28, $0x1;
	[dreg:$0x2] =	wrdreg s3  }
0xa9: {  	[dreg:$0x3] =	wrdreg s5  }
0xaa: {  	[dreg:$0x4] =	wrdreg $0xC0  }
0xab: {  	_ =	task [dreg:s7], $0x5FFFF  }
0xac: {  	[dreg:$0x1] =	wrdreg $0xFFFFFFFF  }
0xad: {  	[dreg:$0x0] =	wrdreg $0x60  }
0xae: {  	[dreg:$0x2] =	wrdreg s2  }
0xaf: {  	[dreg:$0x3] =	wrdreg s24  }
0xb0: {  	[dreg:$0x4] =	wrdreg $0x180800  }
0xb1: {  	[dreg:$0x5] =	wrdreg $0x9  }
0xb2: {  	_ =	task.clear_ibuf [dreg:s7], $0x6FFFF;
	_ =	strace $0x90000046  }
0xb3: {  	s29 =	simm.s32 $0x9;
	_ =	strace $0x80000048  }
0xb4: {  	_ =	swait.ge [sflag:s29], $0x1  }
0xb5: {  	[sflag:s29] =	ssyncadd.s32 $0xFFFFFFFF  }
0xb6: {  	_ =	strace $0x90000048  }
0xb7: {  	_ =	sfence  }
0xb8: {  	s30 =	sld [smem:$0x0];
	_ =	sdelay $0x2  }
0xb9: {  	s31 =	sshll.u32 s1, $0xD;
	s1 =	sshrl.u32 s1, $0x2  }
0xba: {  	s3 =	sand.u32 $0x4000, s31;
	s1 =	sadd.s32 s1, s30  }
0xbb: {  	s0 =	sor.u32 s3, s0;
	s1 =	sshll.u32 s1, $0x11  }
0xbc: {  	s0 =	sor.u32 s1, s0  }
0xbd: {  	s0 =	sadd.s32 $0x8F2B, s0  }
0xbe: {  	[sflag:s0] =	ssyncadd.remote.s32 $0x1  }
0xbf: {  	_ =	sfence.sel $0xFFFF  }
0xc0: {  	[dreg:$0x0] =	wrdreg $0xFFFFFFFF;
	(pc) =	sbr.abs _section_cstart, $3  }
0xc1: {  	[dreg:$0x1] =	wrdreg $0xFFFFFFFF  }
0xc2: {  	_ =	task.clear_ibuf [dreg:s7], $0x2FFFF;
	_ =	strace $0x9FFFFFFF  }
0xc3: {  	(tm) =	ssettm $0x7FFFFFFF  }
tec
execute0_lowered:
.L_overlay_start_1:
0x0: {  	(tag) =	ssettag $0x1  }
0x1: {  	s4 =	rddreg [dreg:$0x0]  }
0x2: {  	s1 =	srdreg.scid;
	s6 =	rddreg [dreg:$0x1]  }
0x3: {  	s0 =	stileid.u32;
	s2 =	rddreg [dreg:$0x2]  }
0x4: {  	s3 =	simm.s32 $0x0;
	s20 =	simm.s32 $0x8000;
	s21 =	simm.s32 $0x10000  }
0x5: {  	s22 =	simm.s32 $0x1;
	s23 =	simm.s32 $0x2;
	s24 =	simm.s32 $0x3  }
0x6: {  	s26 =	simm.s32 $0x4;
	s5 =	sand.u32 $0x1, s1;
	s30 =	sshll.u32 s0, $0x1  }
0x7: {  	s28 =	simm.s32 $0x0;
	s1 =	rddreg [dreg:$0x3];
	s7 =	sor.u32 s5, s30  }
0x8: {  	[smem:$0x7FF] =	sst s3;
	p0 =	slt.u32 s0, $0x8;
	s8 =	smul.u32 $0x68000, s7  }
0x9: {  	s25 =	sshll.u32 s0, $0x4;
	_ =	strace $0x80000047;
	s5 =	ssub.s32 $0x2, s5  }
0xa: {  	s17 =	sadd.s32 s25, s2;
	v0 =	vmov s25;
	s25 =	simm.s32 $0x18000;
	s9 =	sadd.s32 $0x180000, s8  }
0xb: {  	s7 =	sshll.u32 s7, $0x4;
	s31 =	sshrl.u32 s5, $0x1;
	s9 =	smov.u32 @p0 s8  }
0xc: {  	s18 =	sadd.s32 s7, s6;
	s19 =	ssub.s32 s5, s31;
	s9 =	sshrl.u32 s9, $0x3  }
0xd: {  	s18 =	sadd.s32 $0xA00, s18;
	s19 =	smax.u32 s19, $0x1;
	s4 =	sadd.s32 s4, s9  }
0xe: {  	s5 =	sadd.s32 $0x1000, s4;
	s6 =	sadd.s32 $0x2000, s4;
	s7 =	sadd.s32 $0x3000, s4  }
0xf: {  	s8 =	sadd.s32 $0x4000, s4;
	s9 =	sadd.s32 $0x5000, s4;
	s10 =	sadd.s32 $0x6000, s4  }
0x10: {  	s11 =	sadd.s32 $0x7000, s4;
	s12 =	sadd.s32 $0x8000, s4;
	s13 =	sadd.s32 $0x9000, s4  }
0x11: {  	v1 =	vimm.f32 $0.0e+00;
	vm0 =	vmmov $0xffff;
	s14 =	sadd.s32 $0xA000, s4;
	s15 =	sadd.s32 $0xB000, s4;
	s16 =	sadd.s32 $0xC000, s4  }
.LBB2_1:
0x12: {  	[tilespmem:s3], [sflag:$0x1] =	stream.linear.gather [hbm4b:s4+s3], $0x8000, $0x38;
	[tilespmem:$0x18090] =	vst v63  }
0x13: {  	_ = 	snop  }
0x14: {  	[tilespmem:s20], [sflag:$0x2] =	stream.linear.gather [hbm4b:s5+s3], $0x8000, $0x38;
	[tilespmem:$0x18090] =	vst v63  }
0x15: {  	_ = 	snop  }
0x16: {  	[tilespmem:s21], [sflag:$0x3] =	stream.linear.gather [hbm4b:s6+s3], $0x8000, $0x38;
	[tilespmem:$0x18090] =	vst v63  }
0x17: {  	_ =	swait.ge [sflag:s22], $0x8000  }
0x18: {  	[sflag:s22] =	ssyncset.done $0x0  }
0x19: {  	s30 =	simm.s32 $0x0;
	[sflag:s22] =	ssyncadd.s32 $0xFFFF8000  }
0x1a: {  	v3 =	vld [tilespmem:s30+$0x40]  }
0x1b: {  	v4 =	vld [tilespmem:s30+$0x50]  }
0x1c: {  	v6 =	vld [tilespmem:s30+$0x0]  }
0x1d: {  	v8 =	vld [tilespmem:s30+$0x10]  }
0x1e: {  	v9 =	vld [tilespmem:s30+$0x20]  }
0x1f: {  	v10 =	vld [tilespmem:s30+$0x30]  }
0x20: {  	v12 =	vld [tilespmem:s30+$0x60]  }
0x21: {  	s29 =	simm.s32 $0x80;
	v14 =	vld [tilespmem:s30+$0x70]  }
0x22: {  	v2 =	vld [tilespmem:s29+$0x40];
	v7 =	vmul.f32 v3, v3;
	v5 =	vmul.f32 v4, v4  }
0x23: {  	v3 =	vld [tilespmem:s29+$0x50];
	v11 =	vmul.f32 v6, v6;
	v8 =	vmul.f32 v8, v8  }
0x24: {  	v4 =	vld [tilespmem:s29+$0x0];
	v13 =	vmul.f32 v9, v9;
	v15 =	vmul.f32 v10, v10  }
0x25: {  	v6 =	vld [tilespmem:s29+$0x10];
	v9 =	vmul.f32 v12, v12;
	v11 =	vadd.f32 v11, v1;
	v10 =	vadd.f32 v8, v1  }
0x26: {  	s30 =	simm.s32 $0x400;
	v14 =	vmul.f32 v14, v14;
	v8 =	vld [tilespmem:s29+$0x20];
	v13 =	vadd.f32 v13, v1;
	v12 =	vadd.f32 v15, v1  }
.LBB2_2:
0x27: {  	p0 =	sne.s32 s30, $0x1FE00;
	v15 =	vld [tilespmem:s29+$0x30];
	v11 =	vadd.f32 v7, v11;
	v10 =	vadd.f32 v5, v10  }
0x28: {  	v16 =	vld [tilespmem:s29+$0x60];
	v13 =	vadd.f32 v9, v13;
	v12 =	vadd.f32 v14, v12  }
0x29: {  	v14 =	vld [tilespmem:s29+$0x70];
	s29 =	sshra.s32 s30, $0x2  }
.Ltmp0:
0x2a: {  	v7 =	vmul.f32 v2, v2;
	v5 =	vmul.f32 v3, v3;
	v2 =	vld [tilespmem:s29+$0x40];
	(pc) =	sbr.rel @p0 .LBB2_2-.Ltmp0, $4  }
0x2b: {  	v9 =	vmul.f32 v4, v4;
	v17 =	vmul.f32 v6, v6;
	v3 =	vld [tilespmem:s29+$0x50]  }
0x2c: {  	v18 =	vmul.f32 v8, v8;
	v4 =	vld [tilespmem:s29+$0x0];
	v15 =	vmul.f32 v15, v15  }
0x2d: {  	v11 =	vadd.f32 v9, v11;
	v10 =	vadd.f32 v17, v10;
	v6 =	vld [tilespmem:s29+$0x10];
	v9 =	vmul.f32 v16, v16  }
0x2e: {  	s30 =	sadd.s32 $0x200, s30;
	v13 =	vadd.f32 v18, v13;
	v8 =	vld [tilespmem:s29+$0x20];
	v12 =	vadd.f32 v15, v12;
	v14 =	vmul.f32 v14, v14  }
0x2f: {  	v15 =	vld [tilespmem:s29+$0x30]  }
0x30: {  	v16 =	vld [tilespmem:s29+$0x60]  }
0x31: {  	v17 =	vld [tilespmem:s29+$0x70];
	s29 =	simm.s32 $0x0  }
0x32: {  	[tilespmem:s29], [sflag:$0x1] =	stream.linear.gather [hbm4b:s7+s29], $0x8000, $0x38;
	[tilespmem:$0x18090] =	vst v63  }
0x33: {  	_ =	swait.ge [sflag:s23], $0x8000  }
0x34: {  	[sflag:s23] =	ssyncset.done $0x0  }
0x35: {  	s30 =	simm.s32 $0x0;
	[sflag:s23] =	ssyncadd.s32 $0xFFFF8000  }
0x36: {  	v18 =	vld [tilespmem:s30+$0x8040]  }
0x37: {  	v19 =	vld [tilespmem:s30+$0x8050]  }
0x38: {  	v7 =	vadd.f32 v7, v11;
	v4 =	vmul.f32 v4, v4;
	v11 =	vld [tilespmem:s30+$0x8000]  }
0x39: {  	v5 =	vadd.f32 v5, v10;
	v2 =	vmul.f32 v2, v2;
	v9 =	vadd.f32 v9, v13;
	v10 =	vld [tilespmem:s30+$0x8010]  }
0x3a: {  	v6 =	vmul.f32 v6, v6;
	v8 =	vmul.f32 v8, v8;
	v4 =	vadd.f32 v4, v7;
	v7 =	vld [tilespmem:s30+$0x8020]  }
0x3b: {  	v12 =	vadd.f32 v14, v12;
	v3 =	vmul.f32 v3, v3;
	v13 =	vmul.f32 v15, v15;
	v14 =	vld [tilespmem:s30+$0x8030]  }
0x3c: {  	v5 =	vadd.f32 v6, v5;
	v15 =	vmul.f32 v16, v16;
	v8 =	vadd.f32 v8, v9;
	v9 =	vld [tilespmem:s30+$0x8060]  }
0x3d: {  	s29 =	simm.s32 $0x80;
	v63 =	vld [tilespmem:s30+$0x8070];
	v62 =	vadd.f32 v2, v4;
	v12 =	vadd.f32 v13, v12;
	v13 =	vmul.f32 v17, v17  }
0x3e: {  	v2 =	vld [tilespmem:s29+$0x8040];
	v20 =	vadd.f32 v3, v5;
	v6 =	vmul.f32 v18, v18;
	v4 =	vmul.f32 v19, v19  }
0x3f: {  	v3 =	vld [tilespmem:s29+$0x8050];
	v15 =	vadd.f32 v15, v8;
	v8 =	vmul.f32 v11, v11;
	v10 =	vmul.f32 v10, v10  }
0x40: {  	v5 =	vld [tilespmem:s29+$0x8000];
	v12 =	vadd.f32 v13, v12;
	v13 =	vmul.f32 v7, v7;
	v14 =	vmul.f32 v14, v14  }
0x41: {  	v7 =	vld [tilespmem:s29+$0x8010];
	v9 =	vmul.f32 v9, v9;
	v11 =	vadd.f32 v8, v62;
	v10 =	vadd.f32 v10, v20  }
0x42: {  	s30 =	simm.s32 $0x400;
	v8 =	vld [tilespmem:s29+$0x8020];
	v13 =	vadd.f32 v13, v15;
	v12 =	vadd.f32 v14, v12;
	v14 =	vmul.f32 v63, v63  }
.LBB2_4:
0x43: {  	p0 =	sne.s32 s30, $0x1FE00;
	v15 =	vld [tilespmem:s29+$0x8030];
	v11 =	vadd.f32 v6, v11;
	v10 =	vadd.f32 v4, v10  }
0x44: {  	v16 =	vld [tilespmem:s29+$0x8060];
	v13 =	vadd.f32 v9, v13;
	v12 =	vadd.f32 v14, v12  }
0x45: {  	v14 =	vld [tilespmem:s29+$0x8070];
	s29 =	sshra.s32 s30, $0x2  }
.Ltmp1:
0x46: {  	v6 =	vmul.f32 v2, v2;
	v4 =	vmul.f32 v3, v3;
	v2 =	vld [tilespmem:s29+$0x8040];
	(pc) =	sbr.rel @p0 .LBB2_4-.Ltmp1, $4  }
0x47: {  	v9 =	vmul.f32 v5, v5;
	v17 =	vmul.f32 v7, v7;
	v3 =	vld [tilespmem:s29+$0x8050]  }
0x48: {  	v18 =	vmul.f32 v8, v8;
	v5 =	vld [tilespmem:s29+$0x8000];
	v15 =	vmul.f32 v15, v15  }
0x49: {  	v11 =	vadd.f32 v9, v11;
	v10 =	vadd.f32 v17, v10;
	v7 =	vld [tilespmem:s29+$0x8010];
	v9 =	vmul.f32 v16, v16  }
0x4a: {  	s30 =	sadd.s32 $0x200, s30;
	v13 =	vadd.f32 v18, v13;
	v8 =	vld [tilespmem:s29+$0x8020];
	v12 =	vadd.f32 v15, v12;
	v14 =	vmul.f32 v14, v14  }
0x4b: {  	v15 =	vld [tilespmem:s29+$0x8030]  }
0x4c: {  	v16 =	vld [tilespmem:s29+$0x8060]  }
0x4d: {  	v17 =	vld [tilespmem:s29+$0x8070];
	s29 =	simm.s32 $0x0  }
0x4e: {  	[tilespmem:s20], [sflag:$0x2] =	stream.linear.gather [hbm4b:s8+s29], $0x8000, $0x38;
	[tilespmem:$0x18090] =	vst v63  }
0x4f: {  	_ =	swait.ge [sflag:s24], $0x8000  }
0x50: {  	[sflag:s24] =	ssyncset.done $0x0  }
0x51: {  	s30 =	simm.s32 $0x0;
	[sflag:s24] =	ssyncadd.s32 $0xFFFF8000  }
0x52: {  	v18 =	vld [tilespmem:s30+$0x10040]  }
0x53: {  	v19 =	vld [tilespmem:s30+$0x10050]  }
0x54: {  	v6 =	vadd.f32 v6, v11;
	v2 =	vmul.f32 v2, v2;
	v11 =	vld [tilespmem:s30+$0x10000]  }
0x55: {  	v4 =	vadd.f32 v4, v10;
	v5 =	vmul.f32 v5, v5;
	v7 =	vmul.f32 v7, v7;
	v10 =	vld [tilespmem:s30+$0x10010]  }
0x56: {  	v9 =	vadd.f32 v9, v13;
	v12 =	vadd.f32 v14, v12;
	v8 =	vmul.f32 v8, v8;
	v13 =	vld [tilespmem:s30+$0x10020]  }
0x57: {  	v5 =	vadd.f32 v5, v6;
	v6 =	vmul.f32 v15, v15;
	v4 =	vadd.f32 v7, v4;
	v7 =	vld [tilespmem:s30+$0x10030]  }
0x58: {  	v3 =	vmul.f32 v3, v3;
	v14 =	vmul.f32 v16, v16;
	v8 =	vadd.f32 v8, v9;
	v9 =	vld [tilespmem:s30+$0x10060]  }
0x59: {  	s29 =	simm.s32 $0x80;
	v15 =	vmul.f32 v17, v17;
	v63 =	vld [tilespmem:s30+$0x10070];
	v62 =	vadd.f32 v2, v5;
	v12 =	vadd.f32 v6, v12  }
0x5a: {  	v2 =	vld [tilespmem:s29+$0x10040];
	v20 =	vadd.f32 v3, v4;
	v6 =	vmul.f32 v18, v18;
	v4 =	vmul.f32 v19, v19  }
0x5b: {  	v5 =	vld [tilespmem:s29+$0x10000];
	v14 =	vadd.f32 v14, v8;
	v8 =	vmul.f32 v11, v11;
	v10 =	vmul.f32 v10, v10  }
0x5c: {  	v3 =	vld [tilespmem:s29+$0x10050];
	v12 =	vadd.f32 v15, v12;
	v13 =	vmul.f32 v13, v13;
	v15 =	vmul.f32 v7, v7  }
0x5d: {  	v7 =	vld [tilespmem:s29+$0x10010];
	v9 =	vmul.f32 v9, v9;
	v11 =	vadd.f32 v8, v62;
	v10 =	vadd.f32 v10, v20  }
0x5e: {  	s30 =	simm.s32 $0x400;
	v8 =	vld [tilespmem:s29+$0x10020];
	v13 =	vadd.f32 v13, v14;
	v12 =	vadd.f32 v15, v12;
	v14 =	vmul.f32 v63, v63  }
.LBB2_6:
0x5f: {  	p0 =	sne.s32 s30, $0x1FE00;
	v15 =	vld [tilespmem:s29+$0x10030];
	v11 =	vadd.f32 v6, v11;
	v10 =	vadd.f32 v4, v10  }
0x60: {  	v16 =	vld [tilespmem:s29+$0x10060];
	v13 =	vadd.f32 v9, v13;
	v12 =	vadd.f32 v14, v12  }
0x61: {  	v14 =	vld [tilespmem:s29+$0x10070];
	s29 =	sshra.s32 s30, $0x2  }
.Ltmp2:
0x62: {  	v6 =	vmul.f32 v2, v2;
	v4 =	vmul.f32 v3, v3;
	v2 =	vld [tilespmem:s29+$0x10040];
	(pc) =	sbr.rel @p0 .LBB2_6-.Ltmp2, $4  }
0x63: {  	v9 =	vmul.f32 v5, v5;
	v17 =	vmul.f32 v7, v7;
	v3 =	vld [tilespmem:s29+$0x10050]  }
0x64: {  	v18 =	vmul.f32 v8, v8;
	v5 =	vld [tilespmem:s29+$0x10000];
	v15 =	vmul.f32 v15, v15  }
0x65: {  	v11 =	vadd.f32 v9, v11;
	v10 =	vadd.f32 v17, v10;
	v7 =	vld [tilespmem:s29+$0x10010];
	v9 =	vmul.f32 v16, v16  }
0x66: {  	s30 =	sadd.s32 $0x200, s30;
	v13 =	vadd.f32 v18, v13;
	v8 =	vld [tilespmem:s29+$0x10020];
	v12 =	vadd.f32 v15, v12;
	v14 =	vmul.f32 v14, v14  }
0x67: {  	v15 =	vld [tilespmem:s29+$0x10030]  }
0x68: {  	v16 =	vld [tilespmem:s29+$0x10060]  }
0x69: {  	v17 =	vld [tilespmem:s29+$0x10070];
	s29 =	simm.s32 $0x0  }
0x6a: {  	[tilespmem:s21], [sflag:$0x3] =	stream.linear.gather [hbm4b:s9+s29], $0x8000, $0x38;
	[tilespmem:$0x18090] =	vst v63  }
0x6b: {  	_ =	swait.ge [sflag:s22], $0x8000  }
0x6c: {  	[sflag:s22] =	ssyncset.done $0x0  }
0x6d: {  	s30 =	simm.s32 $0x0;
	[sflag:s22] =	ssyncadd.s32 $0xFFFF8000  }
0x6e: {  	v18 =	vld [tilespmem:s30+$0x40]  }
0x6f: {  	v19 =	vld [tilespmem:s30+$0x50]  }
0x70: {  	v6 =	vadd.f32 v6, v11;
	v2 =	vmul.f32 v2, v2;
	v11 =	vld [tilespmem:s30+$0x0]  }
0x71: {  	v4 =	vadd.f32 v4, v10;
	v5 =	vmul.f32 v5, v5;
	v7 =	vmul.f32 v7, v7;
	v10 =	vld [tilespmem:s30+$0x10]  }
0x72: {  	v9 =	vadd.f32 v9, v13;
	v12 =	vadd.f32 v14, v12;
	v8 =	vmul.f32 v8, v8;
	v13 =	vld [tilespmem:s30+$0x20]  }
0x73: {  	v5 =	vadd.f32 v5, v6;
	v6 =	vmul.f32 v15, v15;
	v4 =	vadd.f32 v7, v4;
	v7 =	vld [tilespmem:s30+$0x30]  }
0x74: {  	v3 =	vmul.f32 v3, v3;
	v14 =	vmul.f32 v16, v16;
	v8 =	vadd.f32 v8, v9;
	v9 =	vld [tilespmem:s30+$0x60]  }
0x75: {  	s29 =	simm.s32 $0x80;
	v15 =	vmul.f32 v17, v17;
	v63 =	vld [tilespmem:s30+$0x70];
	v62 =	vadd.f32 v2, v5;
	v12 =	vadd.f32 v6, v12  }
0x76: {  	v2 =	vld [tilespmem:s29+$0x40];
	v20 =	vadd.f32 v3, v4;
	v6 =	vmul.f32 v18, v18;
	v4 =	vmul.f32 v19, v19  }
0x77: {  	v5 =	vld [tilespmem:s29+$0x0];
	v14 =	vadd.f32 v14, v8;
	v8 =	vmul.f32 v11, v11;
	v10 =	vmul.f32 v10, v10  }
0x78: {  	v3 =	vld [tilespmem:s29+$0x50];
	v12 =	vadd.f32 v15, v12;
	v13 =	vmul.f32 v13, v13;
	v15 =	vmul.f32 v7, v7  }
0x79: {  	v7 =	vld [tilespmem:s29+$0x10];
	v9 =	vmul.f32 v9, v9;
	v11 =	vadd.f32 v8, v62;
	v10 =	vadd.f32 v10, v20  }
0x7a: {  	s30 =	simm.s32 $0x400;
	v8 =	vld [tilespmem:s29+$0x20];
	v13 =	vadd.f32 v13, v14;
	v12 =	vadd.f32 v15, v12;
	v14 =	vmul.f32 v63, v63  }
.LBB2_8:
0x7b: {  	p0 =	sne.s32 s30, $0x1FE00;
	v15 =	vld [tilespmem:s29+$0x30];
	v11 =	vadd.f32 v6, v11;
	v10 =	vadd.f32 v4, v10  }
0x7c: {  	v16 =	vld [tilespmem:s29+$0x60];
	v13 =	vadd.f32 v9, v13;
	v12 =	vadd.f32 v14, v12  }
0x7d: {  	v14 =	vld [tilespmem:s29+$0x70];
	s29 =	sshra.s32 s30, $0x2  }
.Ltmp3:
0x7e: {  	v6 =	vmul.f32 v2, v2;
	v4 =	vmul.f32 v3, v3;
	v2 =	vld [tilespmem:s29+$0x40];
	(pc) =	sbr.rel @p0 .LBB2_8-.Ltmp3, $4  }
0x7f: {  	v9 =	vmul.f32 v5, v5;
	v17 =	vmul.f32 v7, v7;
	v3 =	vld [tilespmem:s29+$0x50]  }
0x80: {  	v18 =	vmul.f32 v8, v8;
	v5 =	vld [tilespmem:s29+$0x0];
	v15 =	vmul.f32 v15, v15  }
0x81: {  	v11 =	vadd.f32 v9, v11;
	v10 =	vadd.f32 v17, v10;
	v7 =	vld [tilespmem:s29+$0x10];
	v9 =	vmul.f32 v16, v16  }
0x82: {  	s30 =	sadd.s32 $0x200, s30;
	v13 =	vadd.f32 v18, v13;
	v8 =	vld [tilespmem:s29+$0x20];
	v12 =	vadd.f32 v15, v12;
	v14 =	vmul.f32 v14, v14  }
0x83: {  	v15 =	vld [tilespmem:s29+$0x30]  }
0x84: {  	v16 =	vld [tilespmem:s29+$0x60]  }
0x85: {  	v17 =	vld [tilespmem:s29+$0x70];
	s29 =	simm.s32 $0x0  }
0x86: {  	[tilespmem:s29], [sflag:$0x1] =	stream.linear.gather [hbm4b:s10+s29], $0x8000, $0x38;
	[tilespmem:$0x18090] =	vst v63  }
0x87: {  	_ =	swait.ge [sflag:s23], $0x8000  }
0x88: {  	[sflag:s23] =	ssyncset.done $0x0  }
0x89: {  	s30 =	simm.s32 $0x0;
	[sflag:s23] =	ssyncadd.s32 $0xFFFF8000  }
0x8a: {  	v18 =	vld [tilespmem:s30+$0x8040]  }
0x8b: {  	v19 =	vld [tilespmem:s30+$0x8050]  }
0x8c: {  	v6 =	vadd.f32 v6, v11;
	v2 =	vmul.f32 v2, v2;
	v11 =	vld [tilespmem:s30+$0x8000]  }
0x8d: {  	v4 =	vadd.f32 v4, v10;
	v5 =	vmul.f32 v5, v5;
	v7 =	vmul.f32 v7, v7;
	v10 =	vld [tilespmem:s30+$0x8010]  }
0x8e: {  	v9 =	vadd.f32 v9, v13;
	v12 =	vadd.f32 v14, v12;
	v8 =	vmul.f32 v8, v8;
	v13 =	vld [tilespmem:s30+$0x8020]  }
0x8f: {  	v5 =	vadd.f32 v5, v6;
	v6 =	vmul.f32 v15, v15;
	v4 =	vadd.f32 v7, v4;
	v7 =	vld [tilespmem:s30+$0x8030]  }
0x90: {  	v3 =	vmul.f32 v3, v3;
	v14 =	vmul.f32 v16, v16;
	v8 =	vadd.f32 v8, v9;
	v9 =	vld [tilespmem:s30+$0x8060]  }
0x91: {  	s29 =	simm.s32 $0x80;
	v15 =	vmul.f32 v17, v17;
	v63 =	vld [tilespmem:s30+$0x8070];
	v62 =	vadd.f32 v2, v5;
	v12 =	vadd.f32 v6, v12  }
0x92: {  	v2 =	vld [tilespmem:s29+$0x8040];
	v20 =	vadd.f32 v3, v4;
	v6 =	vmul.f32 v18, v18;
	v4 =	vmul.f32 v19, v19  }
0x93: {  	v5 =	vld [tilespmem:s29+$0x8000];
	v14 =	vadd.f32 v14, v8;
	v8 =	vmul.f32 v11, v11;
	v10 =	vmul.f32 v10, v10  }
0x94: {  	v3 =	vld [tilespmem:s29+$0x8050];
	v12 =	vadd.f32 v15, v12;
	v13 =	vmul.f32 v13, v13;
	v15 =	vmul.f32 v7, v7  }
0x95: {  	v7 =	vld [tilespmem:s29+$0x8010];
	v9 =	vmul.f32 v9, v9;
	v11 =	vadd.f32 v8, v62;
	v10 =	vadd.f32 v10, v20  }
0x96: {  	s30 =	simm.s32 $0x400;
	v8 =	vld [tilespmem:s29+$0x8020];
	v13 =	vadd.f32 v13, v14;
	v12 =	vadd.f32 v15, v12;
	v14 =	vmul.f32 v63, v63  }
.LBB2_10:
0x97: {  	p0 =	sne.s32 s30, $0x1FE00;
	v15 =	vld [tilespmem:s29+$0x8030];
	v11 =	vadd.f32 v6, v11;
	v10 =	vadd.f32 v4, v10  }
0x98: {  	v16 =	vld [tilespmem:s29+$0x8060];
	v13 =	vadd.f32 v9, v13;
	v12 =	vadd.f32 v14, v12  }
0x99: {  	v14 =	vld [tilespmem:s29+$0x8070];
	s29 =	sshra.s32 s30, $0x2  }
.Ltmp4:
0x9a: {  	v6 =	vmul.f32 v2, v2;
	v4 =	vmul.f32 v3, v3;
	v2 =	vld [tilespmem:s29+$0x8040];
	(pc) =	sbr.rel @p0 .LBB2_10-.Ltmp4, $4  }
0x9b: {  	v9 =	vmul.f32 v5, v5;
	v17 =	vmul.f32 v7, v7;
	v3 =	vld [tilespmem:s29+$0x8050]  }
0x9c: {  	v18 =	vmul.f32 v8, v8;
	v5 =	vld [tilespmem:s29+$0x8000];
	v15 =	vmul.f32 v15, v15  }
0x9d: {  	v11 =	vadd.f32 v9, v11;
	v10 =	vadd.f32 v17, v10;
	v7 =	vld [tilespmem:s29+$0x8010];
	v9 =	vmul.f32 v16, v16  }
0x9e: {  	s30 =	sadd.s32 $0x200, s30;
	v13 =	vadd.f32 v18, v13;
	v8 =	vld [tilespmem:s29+$0x8020];
	v12 =	vadd.f32 v15, v12;
	v14 =	vmul.f32 v14, v14  }
0x9f: {  	v15 =	vld [tilespmem:s29+$0x8030]  }
0xa0: {  	v16 =	vld [tilespmem:s29+$0x8060]  }
0xa1: {  	v17 =	vld [tilespmem:s29+$0x8070];
	s29 =	simm.s32 $0x0  }
0xa2: {  	[tilespmem:s20], [sflag:$0x2] =	stream.linear.gather [hbm4b:s11+s29], $0x8000, $0x38;
	[tilespmem:$0x18090] =	vst v63  }
0xa3: {  	_ =	swait.ge [sflag:s24], $0x8000  }
0xa4: {  	[sflag:s24] =	ssyncset.done $0x0  }
0xa5: {  	s30 =	simm.s32 $0x0;
	[sflag:s24] =	ssyncadd.s32 $0xFFFF8000  }
0xa6: {  	v18 =	vld [tilespmem:s30+$0x10040]  }
0xa7: {  	v19 =	vld [tilespmem:s30+$0x10050]  }
0xa8: {  	v6 =	vadd.f32 v6, v11;
	v2 =	vmul.f32 v2, v2;
	v11 =	vld [tilespmem:s30+$0x10000]  }
0xa9: {  	v4 =	vadd.f32 v4, v10;
	v5 =	vmul.f32 v5, v5;
	v7 =	vmul.f32 v7, v7;
	v10 =	vld [tilespmem:s30+$0x10010]  }
0xaa: {  	v9 =	vadd.f32 v9, v13;
	v12 =	vadd.f32 v14, v12;
	v8 =	vmul.f32 v8, v8;
	v13 =	vld [tilespmem:s30+$0x10020]  }
0xab: {  	v5 =	vadd.f32 v5, v6;
	v6 =	vmul.f32 v15, v15;
	v4 =	vadd.f32 v7, v4;
	v7 =	vld [tilespmem:s30+$0x10030]  }
0xac: {  	v3 =	vmul.f32 v3, v3;
	v14 =	vmul.f32 v16, v16;
	v8 =	vadd.f32 v8, v9;
	v9 =	vld [tilespmem:s30+$0x10060]  }
0xad: {  	s29 =	simm.s32 $0x80;
	v15 =	vmul.f32 v17, v17;
	v63 =	vld [tilespmem:s30+$0x10070];
	v62 =	vadd.f32 v2, v5;
	v12 =	vadd.f32 v6, v12  }
0xae: {  	v2 =	vld [tilespmem:s29+$0x10040];
	v20 =	vadd.f32 v3, v4;
	v6 =	vmul.f32 v18, v18;
	v4 =	vmul.f32 v19, v19  }
0xaf: {  	v5 =	vld [tilespmem:s29+$0x10000];
	v14 =	vadd.f32 v14, v8;
	v8 =	vmul.f32 v11, v11;
	v10 =	vmul.f32 v10, v10  }
0xb0: {  	v3 =	vld [tilespmem:s29+$0x10050];
	v12 =	vadd.f32 v15, v12;
	v13 =	vmul.f32 v13, v13;
	v15 =	vmul.f32 v7, v7  }
0xb1: {  	v7 =	vld [tilespmem:s29+$0x10010];
	v9 =	vmul.f32 v9, v9;
	v11 =	vadd.f32 v8, v62;
	v10 =	vadd.f32 v10, v20  }
0xb2: {  	s30 =	simm.s32 $0x400;
	v8 =	vld [tilespmem:s29+$0x10020];
	v13 =	vadd.f32 v13, v14;
	v12 =	vadd.f32 v15, v12;
	v14 =	vmul.f32 v63, v63  }
.LBB2_12:
0xb3: {  	p0 =	sne.s32 s30, $0x1FE00;
	v15 =	vld [tilespmem:s29+$0x10030];
	v11 =	vadd.f32 v6, v11;
	v10 =	vadd.f32 v4, v10  }
0xb4: {  	v16 =	vld [tilespmem:s29+$0x10060];
	v13 =	vadd.f32 v9, v13;
	v12 =	vadd.f32 v14, v12  }
0xb5: {  	v14 =	vld [tilespmem:s29+$0x10070];
	s29 =	sshra.s32 s30, $0x2  }
.Ltmp5:
0xb6: {  	v6 =	vmul.f32 v2, v2;
	v4 =	vmul.f32 v3, v3;
	v2 =	vld [tilespmem:s29+$0x10040];
	(pc) =	sbr.rel @p0 .LBB2_12-.Ltmp5, $4  }
0xb7: {  	v9 =	vmul.f32 v5, v5;
	v17 =	vmul.f32 v7, v7;
	v3 =	vld [tilespmem:s29+$0x10050]  }
0xb8: {  	v18 =	vmul.f32 v8, v8;
	v5 =	vld [tilespmem:s29+$0x10000];
	v15 =	vmul.f32 v15, v15  }
0xb9: {  	v11 =	vadd.f32 v9, v11;
	v10 =	vadd.f32 v17, v10;
	v7 =	vld [tilespmem:s29+$0x10010];
	v9 =	vmul.f32 v16, v16  }
0xba: {  	s30 =	sadd.s32 $0x200, s30;
	v13 =	vadd.f32 v18, v13;
	v8 =	vld [tilespmem:s29+$0x10020];
	v12 =	vadd.f32 v15, v12;
	v14 =	vmul.f32 v14, v14  }
0xbb: {  	v15 =	vld [tilespmem:s29+$0x10030]  }
0xbc: {  	v16 =	vld [tilespmem:s29+$0x10060]  }
0xbd: {  	v17 =	vld [tilespmem:s29+$0x10070];
	s29 =	simm.s32 $0x0  }
0xbe: {  	[tilespmem:s21], [sflag:$0x3] =	stream.linear.gather [hbm4b:s12+s29], $0x8000, $0x38;
	[tilespmem:$0x18090] =	vst v63  }
0xbf: {  	_ =	swait.ge [sflag:s22], $0x8000  }
0xc0: {  	[sflag:s22] =	ssyncset.done $0x0  }
0xc1: {  	s30 =	simm.s32 $0x0;
	[sflag:s22] =	ssyncadd.s32 $0xFFFF8000  }
0xc2: {  	v18 =	vld [tilespmem:s30+$0x40]  }
0xc3: {  	v19 =	vld [tilespmem:s30+$0x50]  }
0xc4: {  	v6 =	vadd.f32 v6, v11;
	v2 =	vmul.f32 v2, v2;
	v11 =	vld [tilespmem:s30+$0x0]  }
0xc5: {  	v4 =	vadd.f32 v4, v10;
	v5 =	vmul.f32 v5, v5;
	v7 =	vmul.f32 v7, v7;
	v10 =	vld [tilespmem:s30+$0x10]  }
0xc6: {  	v9 =	vadd.f32 v9, v13;
	v12 =	vadd.f32 v14, v12;
	v8 =	vmul.f32 v8, v8;
	v13 =	vld [tilespmem:s30+$0x20]  }
0xc7: {  	v5 =	vadd.f32 v5, v6;
	v6 =	vmul.f32 v15, v15;
	v4 =	vadd.f32 v7, v4;
	v7 =	vld [tilespmem:s30+$0x30]  }
0xc8: {  	v3 =	vmul.f32 v3, v3;
	v14 =	vmul.f32 v16, v16;
	v8 =	vadd.f32 v8, v9;
	v9 =	vld [tilespmem:s30+$0x60]  }
0xc9: {  	s29 =	simm.s32 $0x80;
	v15 =	vmul.f32 v17, v17;
	v63 =	vld [tilespmem:s30+$0x70];
	v62 =	vadd.f32 v2, v5;
	v12 =	vadd.f32 v6, v12  }
0xca: {  	v2 =	vld [tilespmem:s29+$0x40];
	v20 =	vadd.f32 v3, v4;
	v6 =	vmul.f32 v18, v18;
	v4 =	vmul.f32 v19, v19  }
0xcb: {  	v5 =	vld [tilespmem:s29+$0x0];
	v14 =	vadd.f32 v14, v8;
	v8 =	vmul.f32 v11, v11;
	v10 =	vmul.f32 v10, v10  }
0xcc: {  	v3 =	vld [tilespmem:s29+$0x50];
	v12 =	vadd.f32 v15, v12;
	v13 =	vmul.f32 v13, v13;
	v15 =	vmul.f32 v7, v7  }
0xcd: {  	v7 =	vld [tilespmem:s29+$0x10];
	v9 =	vmul.f32 v9, v9;
	v11 =	vadd.f32 v8, v62;
	v10 =	vadd.f32 v10, v20  }
0xce: {  	s30 =	simm.s32 $0x400;
	v8 =	vld [tilespmem:s29+$0x20];
	v13 =	vadd.f32 v13, v14;
	v12 =	vadd.f32 v15, v12;
	v14 =	vmul.f32 v63, v63  }
.LBB2_14:
0xcf: {  	p0 =	sne.s32 s30, $0x1FE00;
	v15 =	vld [tilespmem:s29+$0x30];
	v11 =	vadd.f32 v6, v11;
	v10 =	vadd.f32 v4, v10  }
0xd0: {  	v16 =	vld [tilespmem:s29+$0x60];
	v13 =	vadd.f32 v9, v13;
	v12 =	vadd.f32 v14, v12  }
0xd1: {  	v14 =	vld [tilespmem:s29+$0x70];
	s29 =	sshra.s32 s30, $0x2  }
.Ltmp6:
0xd2: {  	v6 =	vmul.f32 v2, v2;
	v4 =	vmul.f32 v3, v3;
	v2 =	vld [tilespmem:s29+$0x40];
	(pc) =	sbr.rel @p0 .LBB2_14-.Ltmp6, $4  }
0xd3: {  	v9 =	vmul.f32 v5, v5;
	v17 =	vmul.f32 v7, v7;
	v3 =	vld [tilespmem:s29+$0x50]  }
0xd4: {  	v18 =	vmul.f32 v8, v8;
	v5 =	vld [tilespmem:s29+$0x0];
	v15 =	vmul.f32 v15, v15  }
0xd5: {  	v11 =	vadd.f32 v9, v11;
	v10 =	vadd.f32 v17, v10;
	v7 =	vld [tilespmem:s29+$0x10];
	v9 =	vmul.f32 v16, v16  }
0xd6: {  	s30 =	sadd.s32 $0x200, s30;
	v13 =	vadd.f32 v18, v13;
	v8 =	vld [tilespmem:s29+$0x20];
	v12 =	vadd.f32 v15, v12;
	v14 =	vmul.f32 v14, v14  }
0xd7: {  	v15 =	vld [tilespmem:s29+$0x30]  }
0xd8: {  	v16 =	vld [tilespmem:s29+$0x60]  }
0xd9: {  	v17 =	vld [tilespmem:s29+$0x70];
	s29 =	simm.s32 $0x0  }
0xda: {  	[tilespmem:s29], [sflag:$0x1] =	stream.linear.gather [hbm4b:s13+s29], $0x8000, $0x38;
	[tilespmem:$0x18090] =	vst v63  }
0xdb: {  	_ =	swait.ge [sflag:s23], $0x8000  }
0xdc: {  	[sflag:s23] =	ssyncset.done $0x0  }
0xdd: {  	s30 =	simm.s32 $0x0;
	[sflag:s23] =	ssyncadd.s32 $0xFFFF8000  }
0xde: {  	v18 =	vld [tilespmem:s30+$0x8040]  }
0xdf: {  	v19 =	vld [tilespmem:s30+$0x8050]  }
0xe0: {  	v6 =	vadd.f32 v6, v11;
	v2 =	vmul.f32 v2, v2;
	v11 =	vld [tilespmem:s30+$0x8000]  }
0xe1: {  	v4 =	vadd.f32 v4, v10;
	v5 =	vmul.f32 v5, v5;
	v7 =	vmul.f32 v7, v7;
	v10 =	vld [tilespmem:s30+$0x8010]  }
0xe2: {  	v9 =	vadd.f32 v9, v13;
	v12 =	vadd.f32 v14, v12;
	v8 =	vmul.f32 v8, v8;
	v13 =	vld [tilespmem:s30+$0x8020]  }
0xe3: {  	v5 =	vadd.f32 v5, v6;
	v6 =	vmul.f32 v15, v15;
	v4 =	vadd.f32 v7, v4;
	v7 =	vld [tilespmem:s30+$0x8030]  }
0xe4: {  	v3 =	vmul.f32 v3, v3;
	v14 =	vmul.f32 v16, v16;
	v8 =	vadd.f32 v8, v9;
	v9 =	vld [tilespmem:s30+$0x8060]  }
0xe5: {  	s29 =	simm.s32 $0x80;
	v15 =	vmul.f32 v17, v17;
	v63 =	vld [tilespmem:s30+$0x8070];
	v62 =	vadd.f32 v2, v5;
	v12 =	vadd.f32 v6, v12  }
0xe6: {  	v2 =	vld [tilespmem:s29+$0x8040];
	v20 =	vadd.f32 v3, v4;
	v6 =	vmul.f32 v18, v18;
	v4 =	vmul.f32 v19, v19  }
0xe7: {  	v5 =	vld [tilespmem:s29+$0x8000];
	v14 =	vadd.f32 v14, v8;
	v8 =	vmul.f32 v11, v11;
	v10 =	vmul.f32 v10, v10  }
0xe8: {  	v3 =	vld [tilespmem:s29+$0x8050];
	v12 =	vadd.f32 v15, v12;
	v13 =	vmul.f32 v13, v13;
	v15 =	vmul.f32 v7, v7  }
0xe9: {  	v7 =	vld [tilespmem:s29+$0x8010];
	v9 =	vmul.f32 v9, v9;
	v11 =	vadd.f32 v8, v62;
	v10 =	vadd.f32 v10, v20  }
0xea: {  	s30 =	simm.s32 $0x400;
	v8 =	vld [tilespmem:s29+$0x8020];
	v13 =	vadd.f32 v13, v14;
	v12 =	vadd.f32 v15, v12;
	v14 =	vmul.f32 v63, v63  }
.LBB2_16:
0xeb: {  	p0 =	sne.s32 s30, $0x1FE00;
	v15 =	vld [tilespmem:s29+$0x8030];
	v11 =	vadd.f32 v6, v11;
	v10 =	vadd.f32 v4, v10  }
0xec: {  	v16 =	vld [tilespmem:s29+$0x8060];
	v13 =	vadd.f32 v9, v13;
	v12 =	vadd.f32 v14, v12  }
0xed: {  	v14 =	vld [tilespmem:s29+$0x8070];
	s29 =	sshra.s32 s30, $0x2  }
.Ltmp7:
0xee: {  	v6 =	vmul.f32 v2, v2;
	v4 =	vmul.f32 v3, v3;
	v2 =	vld [tilespmem:s29+$0x8040];
	(pc) =	sbr.rel @p0 .LBB2_16-.Ltmp7, $4  }
0xef: {  	v9 =	vmul.f32 v5, v5;
	v17 =	vmul.f32 v7, v7;
	v3 =	vld [tilespmem:s29+$0x8050]  }
0xf0: {  	v18 =	vmul.f32 v8, v8;
	v5 =	vld [tilespmem:s29+$0x8000];
	v15 =	vmul.f32 v15, v15  }
0xf1: {  	v11 =	vadd.f32 v9, v11;
	v10 =	vadd.f32 v17, v10;
	v7 =	vld [tilespmem:s29+$0x8010];
	v9 =	vmul.f32 v16, v16  }
0xf2: {  	s30 =	sadd.s32 $0x200, s30;
	v13 =	vadd.f32 v18, v13;
	v8 =	vld [tilespmem:s29+$0x8020];
	v12 =	vadd.f32 v15, v12;
	v14 =	vmul.f32 v14, v14  }
0xf3: {  	v15 =	vld [tilespmem:s29+$0x8030]  }
0xf4: {  	v16 =	vld [tilespmem:s29+$0x8060]  }
0xf5: {  	v17 =	vld [tilespmem:s29+$0x8070];
	s29 =	simm.s32 $0x0  }
0xf6: {  	[tilespmem:s20], [sflag:$0x2] =	stream.linear.gather [hbm4b:s14+s29], $0x8000, $0x38;
	[tilespmem:$0x18090] =	vst v63  }
0xf7: {  	_ =	swait.ge [sflag:s24], $0x8000  }
0xf8: {  	[sflag:s24] =	ssyncset.done $0x0  }
0xf9: {  	s30 =	simm.s32 $0x0;
	[sflag:s24] =	ssyncadd.s32 $0xFFFF8000  }
0xfa: {  	v18 =	vld [tilespmem:s30+$0x10040]  }
0xfb: {  	v19 =	vld [tilespmem:s30+$0x10050]  }
0xfc: {  	v6 =	vadd.f32 v6, v11;
	v2 =	vmul.f32 v2, v2;
	v11 =	vld [tilespmem:s30+$0x10000]  }
0xfd: {  	v4 =	vadd.f32 v4, v10;
	v5 =	vmul.f32 v5, v5;
	v7 =	vmul.f32 v7, v7;
	v10 =	vld [tilespmem:s30+$0x10010]  }
0xfe: {  	v9 =	vadd.f32 v9, v13;
	v12 =	vadd.f32 v14, v12;
	v8 =	vmul.f32 v8, v8;
	v13 =	vld [tilespmem:s30+$0x10020]  }
0xff: {  	v5 =	vadd.f32 v5, v6;
	v6 =	vmul.f32 v15, v15;
	v4 =	vadd.f32 v7, v4;
	v7 =	vld [tilespmem:s30+$0x10030]  }
0x100: {  	v3 =	vmul.f32 v3, v3;
	v14 =	vmul.f32 v16, v16;
	v8 =	vadd.f32 v8, v9;
	v9 =	vld [tilespmem:s30+$0x10060]  }
0x101: {  	s29 =	simm.s32 $0x80;
	v15 =	vmul.f32 v17, v17;
	v63 =	vld [tilespmem:s30+$0x10070];
	v62 =	vadd.f32 v2, v5;
	v12 =	vadd.f32 v6, v12  }
0x102: {  	v2 =	vld [tilespmem:s29+$0x10040];
	v20 =	vadd.f32 v3, v4;
	v6 =	vmul.f32 v18, v18;
	v4 =	vmul.f32 v19, v19  }
0x103: {  	v5 =	vld [tilespmem:s29+$0x10000];
	v14 =	vadd.f32 v14, v8;
	v8 =	vmul.f32 v11, v11;
	v10 =	vmul.f32 v10, v10  }
0x104: {  	v3 =	vld [tilespmem:s29+$0x10050];
	v12 =	vadd.f32 v15, v12;
	v13 =	vmul.f32 v13, v13;
	v15 =	vmul.f32 v7, v7  }
0x105: {  	v7 =	vld [tilespmem:s29+$0x10010];
	v9 =	vmul.f32 v9, v9;
	v11 =	vadd.f32 v8, v62;
	v10 =	vadd.f32 v10, v20  }
0x106: {  	s30 =	simm.s32 $0x400;
	v8 =	vld [tilespmem:s29+$0x10020];
	v13 =	vadd.f32 v13, v14;
	v12 =	vadd.f32 v15, v12;
	v14 =	vmul.f32 v63, v63  }
.LBB2_18:
0x107: {  	p0 =	sne.s32 s30, $0x1FE00;
	v15 =	vld [tilespmem:s29+$0x10030];
	v11 =	vadd.f32 v6, v11;
	v10 =	vadd.f32 v4, v10  }
0x108: {  	v16 =	vld [tilespmem:s29+$0x10060];
	v13 =	vadd.f32 v9, v13;
	v12 =	vadd.f32 v14, v12  }
0x109: {  	v14 =	vld [tilespmem:s29+$0x10070];
	s29 =	sshra.s32 s30, $0x2  }
.Ltmp8:
0x10a: {  	v6 =	vmul.f32 v2, v2;
	v4 =	vmul.f32 v3, v3;
	v2 =	vld [tilespmem:s29+$0x10040];
	(pc) =	sbr.rel @p0 .LBB2_18-.Ltmp8, $4  }
0x10b: {  	v9 =	vmul.f32 v5, v5;
	v17 =	vmul.f32 v7, v7;
	v3 =	vld [tilespmem:s29+$0x10050]  }
0x10c: {  	v18 =	vmul.f32 v8, v8;
	v5 =	vld [tilespmem:s29+$0x10000];
	v15 =	vmul.f32 v15, v15  }
0x10d: {  	v11 =	vadd.f32 v9, v11;
	v10 =	vadd.f32 v17, v10;
	v7 =	vld [tilespmem:s29+$0x10010];
	v9 =	vmul.f32 v16, v16  }
0x10e: {  	s30 =	sadd.s32 $0x200, s30;
	v13 =	vadd.f32 v18, v13;
	v8 =	vld [tilespmem:s29+$0x10020];
	v12 =	vadd.f32 v15, v12;
	v14 =	vmul.f32 v14, v14  }
0x10f: {  	v15 =	vld [tilespmem:s29+$0x10030]  }
0x110: {  	v16 =	vld [tilespmem:s29+$0x10060]  }
0x111: {  	v17 =	vld [tilespmem:s29+$0x10070];
	s29 =	simm.s32 $0x0  }
0x112: {  	[tilespmem:s21], [sflag:$0x3] =	stream.linear.gather [hbm4b:s15+s29], $0x8000, $0x38;
	[tilespmem:$0x18090] =	vst v63  }
0x113: {  	_ =	swait.ge [sflag:s22], $0x8000  }
0x114: {  	[sflag:s22] =	ssyncset.done $0x0  }
0x115: {  	s30 =	simm.s32 $0x0;
	[sflag:s22] =	ssyncadd.s32 $0xFFFF8000  }
0x116: {  	v18 =	vld [tilespmem:s30+$0x40]  }
0x117: {  	v19 =	vld [tilespmem:s30+$0x50]  }
0x118: {  	v6 =	vadd.f32 v6, v11;
	v2 =	vmul.f32 v2, v2;
	v11 =	vld [tilespmem:s30+$0x0]  }
0x119: {  	v4 =	vadd.f32 v4, v10;
	v5 =	vmul.f32 v5, v5;
	v7 =	vmul.f32 v7, v7;
	v10 =	vld [tilespmem:s30+$0x10]  }
0x11a: {  	v9 =	vadd.f32 v9, v13;
	v12 =	vadd.f32 v14, v12;
	v8 =	vmul.f32 v8, v8;
	v13 =	vld [tilespmem:s30+$0x20]  }
0x11b: {  	v5 =	vadd.f32 v5, v6;
	v6 =	vmul.f32 v15, v15;
	v4 =	vadd.f32 v7, v4;
	v7 =	vld [tilespmem:s30+$0x30]  }
0x11c: {  	v3 =	vmul.f32 v3, v3;
	v14 =	vmul.f32 v16, v16;
	v8 =	vadd.f32 v8, v9;
	v9 =	vld [tilespmem:s30+$0x60]  }
0x11d: {  	s29 =	simm.s32 $0x80;
	v15 =	vmul.f32 v17, v17;
	v63 =	vld [tilespmem:s30+$0x70];
	v62 =	vadd.f32 v2, v5;
	v12 =	vadd.f32 v6, v12  }
0x11e: {  	v2 =	vld [tilespmem:s29+$0x40];
	v20 =	vadd.f32 v3, v4;
	v6 =	vmul.f32 v18, v18;
	v4 =	vmul.f32 v19, v19  }
0x11f: {  	v5 =	vld [tilespmem:s29+$0x0];
	v14 =	vadd.f32 v14, v8;
	v8 =	vmul.f32 v11, v11;
	v10 =	vmul.f32 v10, v10  }
0x120: {  	v3 =	vld [tilespmem:s29+$0x50];
	v12 =	vadd.f32 v15, v12;
	v13 =	vmul.f32 v13, v13;
	v15 =	vmul.f32 v7, v7  }
0x121: {  	v7 =	vld [tilespmem:s29+$0x10];
	v9 =	vmul.f32 v9, v9;
	v11 =	vadd.f32 v8, v62;
	v10 =	vadd.f32 v10, v20  }
0x122: {  	s30 =	simm.s32 $0x400;
	v8 =	vld [tilespmem:s29+$0x20];
	v13 =	vadd.f32 v13, v14;
	v12 =	vadd.f32 v15, v12;
	v14 =	vmul.f32 v63, v63  }
.LBB2_20:
0x123: {  	p0 =	sne.s32 s30, $0x1FE00;
	v15 =	vld [tilespmem:s29+$0x30];
	v11 =	vadd.f32 v6, v11;
	v10 =	vadd.f32 v4, v10  }
0x124: {  	v16 =	vld [tilespmem:s29+$0x60];
	v13 =	vadd.f32 v9, v13;
	v12 =	vadd.f32 v14, v12  }
0x125: {  	v14 =	vld [tilespmem:s29+$0x70];
	s29 =	sshra.s32 s30, $0x2  }
.Ltmp9:
0x126: {  	v6 =	vmul.f32 v2, v2;
	v4 =	vmul.f32 v3, v3;
	v2 =	vld [tilespmem:s29+$0x40];
	(pc) =	sbr.rel @p0 .LBB2_20-.Ltmp9, $4  }
0x127: {  	v9 =	vmul.f32 v5, v5;
	v17 =	vmul.f32 v7, v7;
	v3 =	vld [tilespmem:s29+$0x50]  }
0x128: {  	v18 =	vmul.f32 v8, v8;
	v5 =	vld [tilespmem:s29+$0x0];
	v15 =	vmul.f32 v15, v15  }
0x129: {  	v11 =	vadd.f32 v9, v11;
	v10 =	vadd.f32 v17, v10;
	v7 =	vld [tilespmem:s29+$0x10];
	v9 =	vmul.f32 v16, v16  }
0x12a: {  	s30 =	sadd.s32 $0x200, s30;
	v13 =	vadd.f32 v18, v13;
	v8 =	vld [tilespmem:s29+$0x20];
	v12 =	vadd.f32 v15, v12;
	v14 =	vmul.f32 v14, v14  }
0x12b: {  	v15 =	vld [tilespmem:s29+$0x30]  }
0x12c: {  	v16 =	vld [tilespmem:s29+$0x60]  }
0x12d: {  	v17 =	vld [tilespmem:s29+$0x70];
	s29 =	simm.s32 $0x0  }
0x12e: {  	[tilespmem:s29], [sflag:$0x1] =	stream.linear.gather [hbm4b:s16+s29], $0x8000, $0x38;
	[tilespmem:$0x18090] =	vst v63  }
0x12f: {  	_ =	swait.ge [sflag:s23], $0x8000  }
0x130: {  	[sflag:s23] =	ssyncset.done $0x0  }
0x131: {  	s30 =	simm.s32 $0x0;
	[sflag:s23] =	ssyncadd.s32 $0xFFFF8000  }
0x132: {  	v18 =	vld [tilespmem:s30+$0x8040]  }
0x133: {  	v19 =	vld [tilespmem:s30+$0x8050]  }
0x134: {  	v6 =	vadd.f32 v6, v11;
	v2 =	vmul.f32 v2, v2;
	v11 =	vld [tilespmem:s30+$0x8000]  }
0x135: {  	v4 =	vadd.f32 v4, v10;
	v5 =	vmul.f32 v5, v5;
	v7 =	vmul.f32 v7, v7;
	v10 =	vld [tilespmem:s30+$0x8010]  }
0x136: {  	v9 =	vadd.f32 v9, v13;
	v12 =	vadd.f32 v14, v12;
	v8 =	vmul.f32 v8, v8;
	v13 =	vld [tilespmem:s30+$0x8020]  }
0x137: {  	v5 =	vadd.f32 v5, v6;
	v6 =	vmul.f32 v15, v15;
	v4 =	vadd.f32 v7, v4;
	v7 =	vld [tilespmem:s30+$0x8030]  }
0x138: {  	v3 =	vmul.f32 v3, v3;
	v14 =	vmul.f32 v16, v16;
	v8 =	vadd.f32 v8, v9;
	v9 =	vld [tilespmem:s30+$0x8060]  }
0x139: {  	s29 =	simm.s32 $0x80;
	v15 =	vmul.f32 v17, v17;
	v63 =	vld [tilespmem:s30+$0x8070];
	v62 =	vadd.f32 v2, v5;
	v12 =	vadd.f32 v6, v12  }
0x13a: {  	v2 =	vld [tilespmem:s29+$0x8040];
	v20 =	vadd.f32 v3, v4;
	v6 =	vmul.f32 v18, v18;
	v4 =	vmul.f32 v19, v19  }
0x13b: {  	v5 =	vld [tilespmem:s29+$0x8000];
	v14 =	vadd.f32 v14, v8;
	v8 =	vmul.f32 v11, v11;
	v10 =	vmul.f32 v10, v10  }
0x13c: {  	v3 =	vld [tilespmem:s29+$0x8050];
	v12 =	vadd.f32 v15, v12;
	v13 =	vmul.f32 v13, v13;
	v15 =	vmul.f32 v7, v7  }
0x13d: {  	v7 =	vld [tilespmem:s29+$0x8010];
	v9 =	vmul.f32 v9, v9;
	v11 =	vadd.f32 v8, v62;
	v10 =	vadd.f32 v10, v20  }
0x13e: {  	s30 =	simm.s32 $0x400;
	v8 =	vld [tilespmem:s29+$0x8020];
	v13 =	vadd.f32 v13, v14;
	v12 =	vadd.f32 v15, v12;
	v14 =	vmul.f32 v63, v63  }
.LBB2_22:
0x13f: {  	p0 =	sne.s32 s30, $0x1FE00;
	v15 =	vld [tilespmem:s29+$0x8030];
	v11 =	vadd.f32 v6, v11;
	v10 =	vadd.f32 v4, v10  }
0x140: {  	v16 =	vld [tilespmem:s29+$0x8060];
	v13 =	vadd.f32 v9, v13;
	v12 =	vadd.f32 v14, v12  }
0x141: {  	v14 =	vld [tilespmem:s29+$0x8070];
	s29 =	sshra.s32 s30, $0x2  }
.Ltmp10:
0x142: {  	v6 =	vmul.f32 v2, v2;
	v4 =	vmul.f32 v3, v3;
	v2 =	vld [tilespmem:s29+$0x8040];
	(pc) =	sbr.rel @p0 .LBB2_22-.Ltmp10, $4  }
0x143: {  	v9 =	vmul.f32 v5, v5;
	v17 =	vmul.f32 v7, v7;
	v3 =	vld [tilespmem:s29+$0x8050]  }
0x144: {  	v18 =	vmul.f32 v8, v8;
	v5 =	vld [tilespmem:s29+$0x8000];
	v15 =	vmul.f32 v15, v15  }
0x145: {  	v11 =	vadd.f32 v9, v11;
	v10 =	vadd.f32 v17, v10;
	v7 =	vld [tilespmem:s29+$0x8010];
	v9 =	vmul.f32 v16, v16  }
0x146: {  	s30 =	sadd.s32 $0x200, s30;
	v13 =	vadd.f32 v18, v13;
	v8 =	vld [tilespmem:s29+$0x8020];
	v12 =	vadd.f32 v15, v12;
	v14 =	vmul.f32 v14, v14  }
0x147: {  	v15 =	vld [tilespmem:s29+$0x8030]  }
0x148: {  	v16 =	vld [tilespmem:s29+$0x8060]  }
0x149: {  	v17 =	vld [tilespmem:s29+$0x8070];
	_ =	swait.ge [sflag:s24], $0x8000  }
0x14a: {  	[sflag:s24] =	ssyncset.done $0x0  }
0x14b: {  	s30 =	simm.s32 $0x0;
	[sflag:s24] =	ssyncadd.s32 $0xFFFF8000  }
0x14c: {  	v18 =	vld [tilespmem:s30+$0x10040]  }
0x14d: {  	v19 =	vld [tilespmem:s30+$0x10050]  }
0x14e: {  	v6 =	vadd.f32 v6, v11;
	v2 =	vmul.f32 v2, v2;
	v11 =	vld [tilespmem:s30+$0x10000]  }
0x14f: {  	v4 =	vadd.f32 v4, v10;
	v5 =	vmul.f32 v5, v5;
	v7 =	vmul.f32 v7, v7;
	v10 =	vld [tilespmem:s30+$0x10010]  }
0x150: {  	v9 =	vadd.f32 v9, v13;
	v12 =	vadd.f32 v14, v12;
	v13 =	vld [tilespmem:s30+$0x10020];
	v8 =	vmul.f32 v8, v8  }
0x151: {  	v5 =	vadd.f32 v5, v6;
	v6 =	vmul.f32 v15, v15;
	v4 =	vadd.f32 v7, v4;
	v7 =	vld [tilespmem:s30+$0x10030]  }
0x152: {  	v3 =	vmul.f32 v3, v3;
	v63 =	vld [tilespmem:s30+$0x10070];
	v14 =	vmul.f32 v16, v16;
	v8 =	vadd.f32 v8, v9  }
0x153: {  	s29 =	simm.s32 $0x80;
	v15 =	vmul.f32 v17, v17;
	v9 =	vld [tilespmem:s30+$0x10060];
	v62 =	vadd.f32 v2, v5;
	v12 =	vadd.f32 v6, v12  }
0x154: {  	v2 =	vld [tilespmem:s29+$0x10040];
	v6 =	vmul.f32 v18, v18;
	v14 =	vadd.f32 v14, v8;
	v8 =	vmul.f32 v11, v11  }
0x155: {  	v5 =	vld [tilespmem:s29+$0x10000];
	v20 =	vadd.f32 v3, v4;
	v10 =	vmul.f32 v10, v10;
	v13 =	vmul.f32 v13, v13  }
0x156: {  	v3 =	vld [tilespmem:s29+$0x10050];
	v12 =	vadd.f32 v15, v12;
	v15 =	vmul.f32 v7, v7;
	v11 =	vadd.f32 v8, v62  }
0x157: {  	v4 =	vmul.f32 v19, v19;
	v7 =	vld [tilespmem:s29+$0x10010];
	v10 =	vadd.f32 v10, v20;
	v13 =	vadd.f32 v13, v14  }
0x158: {  	s30 =	simm.s32 $0x400;
	v8 =	vld [tilespmem:s29+$0x10020];
	v14 =	vmul.f32 v63, v63;
	v9 =	vmul.f32 v9, v9;
	v12 =	vadd.f32 v15, v12  }
.LBB2_24:
0x159: {  	p0 =	sne.s32 s30, $0x1FE00;
	v15 =	vld [tilespmem:s29+$0x10030];
	v11 =	vadd.f32 v6, v11;
	v10 =	vadd.f32 v4, v10  }
0x15a: {  	v16 =	vld [tilespmem:s29+$0x10060];
	v13 =	vadd.f32 v9, v13;
	v12 =	vadd.f32 v14, v12  }
0x15b: {  	v14 =	vld [tilespmem:s29+$0x10070];
	s29 =	sshra.s32 s30, $0x2  }
.Ltmp11:
0x15c: {  	v6 =	vmul.f32 v2, v2;
	v4 =	vmul.f32 v3, v3;
	v2 =	vld [tilespmem:s29+$0x10040];
	(pc) =	sbr.rel @p0 .LBB2_24-.Ltmp11, $4  }
0x15d: {  	v9 =	vmul.f32 v5, v5;
	v17 =	vmul.f32 v7, v7;
	v3 =	vld [tilespmem:s29+$0x10050]  }
0x15e: {  	v18 =	vmul.f32 v8, v8;
	v5 =	vld [tilespmem:s29+$0x10000];
	v15 =	vmul.f32 v15, v15  }
0x15f: {  	v11 =	vadd.f32 v9, v11;
	v10 =	vadd.f32 v17, v10;
	v7 =	vld [tilespmem:s29+$0x10010];
	v9 =	vmul.f32 v16, v16  }
0x160: {  	s30 =	sadd.s32 $0x200, s30;
	v13 =	vadd.f32 v18, v13;
	v8 =	vld [tilespmem:s29+$0x10020];
	v12 =	vadd.f32 v15, v12;
	v14 =	vmul.f32 v14, v14  }
0x161: {  	v15 =	vld [tilespmem:s29+$0x10030]  }
0x162: {  	v16 =	vld [tilespmem:s29+$0x10060]  }
0x163: {  	v17 =	vld [tilespmem:s29+$0x10070];
	_ =	swait.ge [sflag:s22], $0x8000  }
0x164: {  	[sflag:s22] =	ssyncset.done $0x0  }
0x165: {  	s30 =	simm.s32 $0x0;
	[sflag:s22] =	ssyncadd.s32 $0xFFFF8000  }
0x166: {  	v18 =	vld [tilespmem:s30+$0x40]  }
0x167: {  	v19 =	vld [tilespmem:s30+$0x50]  }
0x168: {  	v6 =	vadd.f32 v6, v11;
	v4 =	vadd.f32 v4, v10;
	v11 =	vld [tilespmem:s30+$0x0]  }
0x169: {  	v2 =	vmul.f32 v2, v2;
	v9 =	vadd.f32 v9, v13;
	v5 =	vmul.f32 v5, v5;
	v10 =	vld [tilespmem:s30+$0x10]  }
0x16a: {  	v12 =	vadd.f32 v14, v12;
	v7 =	vmul.f32 v7, v7;
	v13 =	vld [tilespmem:s30+$0x20];
	v8 =	vmul.f32 v8, v8  }
0x16b: {  	v3 =	vmul.f32 v3, v3;
	v14 =	vld [tilespmem:s30+$0x30];
	v5 =	vadd.f32 v5, v6;
	v6 =	vmul.f32 v15, v15  }
0x16c: {  	v20 =	vld [tilespmem:s30+$0x70];
	v4 =	vadd.f32 v7, v4;
	v15 =	vmul.f32 v16, v16;
	v8 =	vadd.f32 v8, v9  }
0x16d: {  	s29 =	simm.s32 $0x80;
	v62 =	vmul.f32 v17, v17;
	v9 =	vld [tilespmem:s30+$0x60];
	v63 =	vadd.f32 v2, v5;
	v12 =	vadd.f32 v6, v12  }
0x16e: {  	v2 =	vld [tilespmem:s29+$0x40];
	v6 =	vmul.f32 v18, v18;
	v15 =	vadd.f32 v15, v8;
	v8 =	vmul.f32 v11, v11  }
0x16f: {  	v5 =	vld [tilespmem:s29+$0x10];
	v21 =	vadd.f32 v3, v4;
	v10 =	vmul.f32 v10, v10;
	v13 =	vmul.f32 v13, v13  }
0x170: {  	v3 =	vld [tilespmem:s29+$0x50];
	v14 =	vmul.f32 v14, v14;
	v12 =	vadd.f32 v62, v12;
	v11 =	vadd.f32 v8, v63  }
0x171: {  	v4 =	vld [tilespmem:s29+$0x0];
	v7 =	vmul.f32 v19, v19;
	v10 =	vadd.f32 v10, v21;
	v13 =	vadd.f32 v13, v15  }
0x172: {  	s30 =	simm.s32 $0x400;
	v8 =	vld [tilespmem:s29+$0x20];
	v9 =	vmul.f32 v9, v9;
	v12 =	vadd.f32 v14, v12;
	v14 =	vmul.f32 v20, v20  }
.LBB2_26:
0x173: {  	p0 =	sne.s32 s30, $0x1FE00;
	v15 =	vld [tilespmem:s29+$0x30];
	v11 =	vadd.f32 v6, v11;
	v10 =	vadd.f32 v7, v10  }
0x174: {  	v16 =	vld [tilespmem:s29+$0x60];
	v13 =	vadd.f32 v9, v13;
	v12 =	vadd.f32 v14, v12  }
0x175: {  	v14 =	vld [tilespmem:s29+$0x70];
	s29 =	sshra.s32 s30, $0x2  }
.Ltmp12:
0x176: {  	v6 =	vmul.f32 v2, v2;
	v7 =	vmul.f32 v3, v3;
	v2 =	vld [tilespmem:s29+$0x40];
	(pc) =	sbr.rel @p0 .LBB2_26-.Ltmp12, $4  }
0x177: {  	v9 =	vmul.f32 v4, v4;
	v17 =	vmul.f32 v5, v5;
	v3 =	vld [tilespmem:s29+$0x50]  }
0x178: {  	v18 =	vmul.f32 v8, v8;
	v4 =	vld [tilespmem:s29+$0x0];
	v15 =	vmul.f32 v15, v15  }
0x179: {  	v11 =	vadd.f32 v9, v11;
	v10 =	vadd.f32 v17, v10;
	v5 =	vld [tilespmem:s29+$0x10];
	v9 =	vmul.f32 v16, v16  }
0x17a: {  	s30 =	sadd.s32 $0x200, s30;
	v13 =	vadd.f32 v18, v13;
	v8 =	vld [tilespmem:s29+$0x20];
	v12 =	vadd.f32 v15, v12;
	v14 =	vmul.f32 v14, v14  }
0x17b: {  	v15 =	vld [tilespmem:s29+$0x30]  }
0x17c: {  	v16 =	vld [tilespmem:s29+$0x60]  }
0x17d: {  	v6 =	vadd.f32 v6, v11;
	v55 =	vld [tilespmem:s29+$0x70]  }
0x17e: {  	v7 =	vadd.f32 v7, v10;
	v2 =	vmul.f32 v2, v2;
	v3 =	vmul.f32 v3, v3  }
0x17f: {  	v9 =	vadd.f32 v9, v13;
	v4 =	vmul.f32 v4, v4;
	v5 =	vmul.f32 v5, v5  }
0x180: {  	v56 =	vadd.f32 v14, v12;
	v8 =	vmul.f32 v8, v8;
	v57 =	vmul.f32 v15, v15  }
0x181: {  	v4 =	vadd.f32 v4, v6;
	v5 =	vadd.f32 v5, v7;
	v58 =	vmul.f32 v16, v16  }
0x182: {  	v61 =	vmul.f32 v55, v55;
	v59 =	vadd.f32 v8, v9;
	v60 =	vadd.f32 v57, v56  }
0x183: {  	v2 =	vadd.f32 v2, v4;
	v3 =	vadd.f32 v3, v5  }
0x184: {  	v62 =	vadd.f32 v58, v59;
	v63 =	vadd.f32 v61, v60  }
0x185: {  	[tilespmem:$0x18000] =	vst v1  }
0x186: {  	[spmem:s17] =	stream.linear.scatter [tilespmem:s25], [sflag:$0x4], $0x10, $0x38;
	v2 =	vadd.f32 v3, v2;
	v3 =	vadd.f32 v63, v62;
	[tilespmem:$0x18090] =	vst v63  }
0x187: {  	_ =	swait.ge [sflag:s26], $0x10  }
0x188: {  	[sflag:s26] =	ssyncset.done $0x0;
	v2 =	vadd.f32 v3, v2  }
0x189: {  	[sflag:s26] =	ssyncadd.s32 $0xFFFFFFF0  }
0x18a: {  	[tilespmem:$0x18000] =	vst v2  }
0x18b: {  	[spmem:s2] =	stream.indirect_vreg.scatter.add.f32 [tilespmem:s25], [sflag:$0x4], $0x1, v0, vm0, $0xb8;
	[tilespmem:$0x18090] =	vst v63  }
0x18c: {  	_ =	swait.ge [sflag:s26], $0x10  }
0x18d: {  	[sflag:s26] =	ssyncset.done $0x0  }
0x18e: {  	[sflag:s26] =	ssyncadd.s32 $0xFFFFFFF0  }
0x18f: {  	[tilespmem:s25], [sflag:$0x4] =	stream.indirect_vreg.gather [spmem:s2], $0x1, v0, vm0, $0xb8;
	[tilespmem:$0x18090] =	vst v63  }
0x190: {  	s28 =	sadd.s32 $0x1, s28;
	_ =	swait.ge [sflag:s26], $0x10  }
0x191: {  	p0 =	sne.s32 s28, s19;
	[sflag:s26] =	ssyncset.done $0x0  }
.Ltmp13:
0x192: {  	[sflag:s26] =	ssyncadd.s32 $0xFFFFFFF0;
	(pc) =	sbr.rel @p0 .LBB2_1-.Ltmp13, $4  }
0x193: {  	[hbm4b:s18+s3] =	stream.linear.scatter [tilespmem:s25], [sflag:$0x4], $0x80, $0x38;
	[tilespmem:$0x18090] =	vst v63  }
0x194: {  	_ =	swait.ge [sflag:s26], $0x80  }
0x195: {  	[sflag:s26] =	ssyncset.done $0x0  }
0x196: {  	[sflag:s26] =	ssyncadd.s32 $0xFFFFFF80  }
0x197: {  	_ =	sfence.sel $0x180000  }
0x198: {  	[bflag:$0x0] =	sbarrier.arrive $0xFFFF  }
0x199: {  	p0 =	sne.s32 s0, $0x0;
	_ =	strace $0x90000047  }
0x19a: {  	s0 =	sadd.s32 @!p0 $0x100000, s1;
	[bflag:$0x2] =	sbarrier.arrive $0xFFFF  }
0x19b: {  	[sflag:s0] =	ssyncadd.tile.s32 @!p0 $0x1;
	_ =	shalt  }
.Lfunc_end2:
_tile_overlayer_lowered:
.L_overlay_start_2:
0x19c: {  	(tag) =	ssettag $0x2  }
0x19d: {  	s0 =	rddreg [dreg:$0x0];
	s2 =	stileid.u32  }
0x19e: {  	s1 =	rddreg [dreg:$0x1];
	p0 =	sne.s32 s2, $0x0  }
0x19f: {  	s3 =	rddreg [dreg:$0x2];
	[bflag:$0x3] =	sbarrier.arrive $0xFFFF;
	s2 =	simm.s32 @!p0 $0x1C04  }
0x1a0: {  	[timem:s3], [sflag:s2] =	dma.local @!p0 [hbm:s0], s1  }
0x1a1: {  	s0 =	simm.s32 @!p0 $0x4  }
0x1a2: {  	_ =	swait.ge @!p0 [sflag:s0], s1  }
0x1a3: {  	s1 =	ssub.s32 @!p0 $0x0, s1;
	[sflag:s0] =	ssyncset.done @!p0 $0x0  }
0x1a4: {  	[sflag:s0] =	ssyncadd.s32 @!p0 s1  }
0x1a5: {  	[bflag:$0x3] =	sbarrier.arrive $0xFFFF  }
0x1a6: {  	_ =	shalt  }

// kernel: kernel.8.cloned.1.call-start
scs
__scs_entry_jumppad:
0x0: {  	(pc) =	sbr.rel $0x88, $3  }
0x1: {  	(tag) =	ssettag $0x0;
	lr =	simm.s32 $0x1  }
0x2: {  	[smem:$0x3F9F] =	sst lr;
	_ =	strace $0xD0000000  }
0x3: {  	_ = 	snop  }
0x4: {  	_ = 	snop  }
0x5: {  	_ = 	snop  }
0x6: {  	_ = 	snop  }
0x7: {  	_ = 	snop  }
__scs_overlays_trampoline_lowered:
0x8: {  	[smem:$0x3FAE] =	sst s0  }
0x9: {  	[smem:$0x3FAF] =	sst s1  }
0xa: {  	[smem:$0x3FB0] =	sst s2  }
0xb: {  	[smem:$0x3FB1] =	sst s3  }
0xc: {  	[smem:$0x3FB2] =	sst s4  }
0xd: {  	[smem:$0x3FB3] =	sst s5  }
0xe: {  	[smem:$0x3FB4] =	sst s6  }
0xf: {  	[smem:$0x3FB5] =	sst s7  }
0x10: {  	[smem:$0x3FB6] =	sst s8  }
0x11: {  	[smem:$0x3FB7] =	sst s9;
	s0 =	simm.s32 @!p0 $0x0  }
0x12: {  	s1 =	sld [smem:$0x3F9D];
	s0 =	simm.s32 @p0 $0x1  }
0x13: {  	[smem:$0x3FB8] =	sst s0;
	s0 =	simm.s32 @!p1 $0x0  }
0x14: {  	s2 =	sld [smem:$0x3F9C];
	s0 =	simm.s32 @p1 $0x1  }
0x15: {  	[smem:$0x3FB9] =	sst s0;
	s0 =	simm.s32 @!p2 $0x0  }
0x16: {  	s3 =	sld [smem:$0x3FDB];
	s0 =	simm.s32 @p2 $0x1  }
0x17: {  	s4 =	simm.s32 $0x1BF5;
	[smem:$0x3FBB] =	sst s0  }
0x18: {  	s0 =	sld [smem:$0x3F9E];
	_ =	swait.ge [sflag:s4], $0x0  }
0x19: {  	s7 =	sld [smem:$0x3F9F]  }
0x1a: {  	s8 =	sadd.s32 $0xFFFFE003, lr  }
0x1b: {  	s9 =	sadd.s32 $0xFFFFFEF7, lr;
	s5 =	simm.s32 $0xFFFFFFFF;
	p2 =	slt.u32 s8, $0xFFFFF086  }
0x1c: {  	p1 =	slt.u32 s9, $0xF7A;
	s5 =	simm.s32 @!p2 $0x0  }
0x1d: {  	s5 =	simm.s32 @p1 $0x1;
	p0 =	seq.s32 s7, s2  }
0x1e: {  	s7 =	smul.u32 @!p0 $0xF7A, s2;
	p2 =	seq.s32 @!p0 s5, $0x0  }
0x1f: {  	s9 =	smul.u32 $0xF7A, s1;
	s8 =	simm.s32 @!p0 $0x1BF5;
	p2 =	por !p2, p0  }
0x20: {  	[sflag:s8] =	ssyncset.s32 @!p0 $0xFFFFF086;
	s6 =	sadd.s32 @!p0 s3, s7;
	s7 =	simm.s32 @!p0 $0x108  }
0x21: {  	s3 =	sadd.s32 s3, s9;
	s6 =	sadd.s32 @!p0 $0x88, s6;
	s7 =	simm.s32 @p2 $0x1082  }
0x22: {  	[simem:s7], [sflag:s8] =	dma.local @!p0 [hbm:s6], $0xF7A  }
0x23: {  	s9 =	sor.u32 $0xD0000000, s2;
	s6 =	simm.s32 $0x108;
	_ =	swait.ge @!p0 [sflag:s8], $0x0  }
0x24: {  	s3 =	sadd.s32 $0x88, s3;
	s6 =	simm.s32 @!p1 $0x1082;
	[sflag:s4] =	ssyncset.s32 $0xFFFFF086  }
0x25: {  	[simem:s6], [sflag:s4] =	dma.local [hbm:s3], $0xF7A  }
0x26: {  	[smem:$0x3F9F] =	sst s1;
	(tag) =	ssettag s2;
	_ =	strace s9  }
0x27: {  	s1 =	sld [smem:$0x3FAF]  }
0x28: {  	s2 =	sld [smem:$0x3FB0]  }
0x29: {  	s4 =	sld [smem:$0x3FB2]  }
0x2a: {  	p0 =	seq.s32 s5, $0x0;
	s5 =	sld [smem:$0x3FB3]  }
0x2b: {  	s6 =	sld [smem:$0x3FB4]  }
0x2c: {  	s7 =	sld [smem:$0x3FB5]  }
0x2d: {  	s3 =	simm.s32 $0x108;
	s8 =	sld [smem:$0x3FB6]  }
0x2e: {  	s3 =	simm.s32 @!p0 $0x1082;
	s9 =	sld [smem:$0x3FB7]  }
0x2f: {  	lr =	sadd.s32 s0, s3;
	s0 =	sld [smem:$0x3FAE]  }
0x30: {  	s3 =	sld [smem:$0x3FB1]  }
0x31: {  	[smem:$0x3FBA] =	sst s10  }
0x32: {  	s10 =	sld [smem:$0x3FB8];
	_ =	sdelay $0x3  }
0x33: {  	p0 =	seq.s32 s10, $0x1;
	s10 =	sld [smem:$0x3FBA];
	_ =	sdelay $0x3  }
0x34: {  	[smem:$0x3FBA] =	sst s10  }
0x35: {  	s10 =	sld [smem:$0x3FB9];
	_ =	sdelay $0x3  }
0x36: {  	p1 =	seq.s32 s10, $0x1;
	s10 =	sld [smem:$0x3FBA];
	_ =	sdelay $0x3  }
0x37: {  	[smem:$0x3FBA] =	sst s10  }
0x38: {  	s10 =	sld [smem:$0x3FBB]  }
0x39: {  	_ = 	snop;
	(pc) =	sbr.ind lr, $3  }
0x3a: {  	_ = 	snop  }
0x3b: {  	_ = 	snop  }
0x3c: {  	p2 =	seq.s32 s10, $0x1;
	s10 =	sld [smem:$0x3FBA]  }
0x3d: {  	_ =	shalt  }
0x3e: {  	_ =	shalt  }
0x3f: {  	_ =	shalt  }
0x40: {  	_ =	shalt  }
0x41: {  	_ =	shalt  }
0x42: {  	_ =	shalt  }
0x43: {  	_ =	shalt  }
0x44: {  	_ =	shalt  }
0x45: {  	_ =	shalt  }
0x46: {  	_ =	shalt  }
0x47: {  	_ =	shalt  }
0x48: {  	_ =	shalt  }
0x49: {  	_ =	shalt  }
0x4a: {  	_ =	shalt  }
0x4b: {  	_ =	shalt  }
0x4c: {  	_ =	shalt  }
0x4d: {  	_ =	shalt  }
0x4e: {  	_ =	shalt  }
0x4f: {  	_ =	shalt  }
0x50: {  	_ =	shalt  }
0x51: {  	_ =	shalt  }
0x52: {  	_ =	shalt  }
0x53: {  	_ =	shalt  }
0x54: {  	_ =	shalt  }
0x55: {  	_ =	shalt  }
0x56: {  	_ =	shalt  }
0x57: {  	_ =	shalt  }
0x58: {  	_ =	shalt  }
0x59: {  	_ =	shalt  }
0x5a: {  	_ =	shalt  }
0x5b: {  	_ =	shalt  }
0x5c: {  	_ =	shalt  }
0x5d: {  	_ =	shalt  }
0x5e: {  	_ =	shalt  }
0x5f: {  	_ =	shalt  }
0x60: {  	_ =	shalt  }
0x61: {  	_ =	shalt  }
0x62: {  	_ =	shalt  }
0x63: {  	_ =	shalt  }
0x64: {  	_ =	shalt  }
0x65: {  	_ =	shalt  }
0x66: {  	_ =	shalt  }
0x67: {  	_ =	shalt  }
0x68: {  	_ =	shalt  }
0x69: {  	_ =	shalt  }
0x6a: {  	_ =	shalt  }
0x6b: {  	_ =	shalt  }
0x6c: {  	_ =	shalt  }
0x6d: {  	_ =	shalt  }
0x6e: {  	_ =	shalt  }
0x6f: {  	_ =	shalt  }
0x70: {  	_ =	shalt  }
0x71: {  	_ =	shalt  }
0x72: {  	_ =	shalt  }
0x73: {  	_ =	shalt  }
0x74: {  	_ =	shalt  }
0x75: {  	_ =	shalt  }
0x76: {  	_ =	shalt  }
0x77: {  	_ =	shalt  }
0x78: {  	_ =	shalt  }
0x79: {  	_ =	shalt  }
0x7a: {  	_ =	shalt  }
0x7b: {  	_ =	shalt  }
0x7c: {  	_ =	shalt  }
0x7d: {  	_ =	shalt  }
0x7e: {  	_ =	shalt  }
0x7f: {  	_ =	shalt  }
0x80: {  	_ =	shalt  }
0x81: {  	_ =	shalt  }
0x82: {  	_ =	shalt  }
0x83: {  	_ =	shalt  }
0x84: {  	_ =	shalt  }
0x85: {  	_ =	shalt  }
0x86: {  	_ =	shalt  }
0x87: {  	_ =	shalt  }
.Lfunc_end0:
.L_simem_size_0:
called_computation.1_lowered:
.L_overlay_start_0:
0x88: {  	s2 =	sld [smem:$0x3FD9]  }
0x89: {  	s3 =	sld [smem:$0x3FFE];
	_ =	sdelay $0x1  }
0x8a: {  	s1 =	srdreg.scid  }
0x8b: {  	s0 =	sand.u32 $0x1, s1  }
0x8c: {  	s17 =	sshll.u32 s0, $0xA;
	s2 =	sadd.s32 s3, s2  }
0x8d: {  	s2 =	sadd.s32 s2, s17  }
0x8e: {  	[smem:$0x3FC6] =	sst s2  }
0x8f: {  	_ = 	snop  }
0x90: {  	s2 =	sld [smem:$0x3FC9]  }
0x91: {  	s18 =	sld [smem:$0x3FD0];
	(tm) =	ssettm $0x1  }
0x92: {  	s4 =	sld [smem:$0x3FFB];
	_ =	sdelay $0x3  }
0x93: {  	_ =	strace s4  }
0x94: {  	s4 =	sld [smem:$0x3FFC];
	_ =	sdelay $0x3  }
0x95: {  	_ =	strace s4  }
0x96: {  	s4 =	sld [smem:$0x3FFD];
	_ =	sdelay $0x3  }
0x97: {  	_ =	strace s4  }
0x98: {  	_ =	strace $0x8FFFFFFF  }
0x99: {  	s19 =	sld [smem:$0x3FDB];
	_ =	sdelay $0x1  }
0x9a: {  	s5 =	simm.s32 $_scs_section_size  }
0x9b: {  	s6 =	simm.s32 $_size__tile_overlayer_lowered;
	s7 =	simm.s32 $_tile_overlayer_lowered  }
0x9c: {  	s22 =	simm.s32 $0x1BFF;
	s21 =	sshll.u32 s7, $0x1;
	s4 =	sadd.s32 s5, s19  }
0x9d: {  	s8 =	simm.s32 $0x0;
	s20 =	sshll.u32 s6, $0x1;
	s6 =	sadd.s32 s21, s4  }
0x9e: {  	[timem:s8], [sflag:s22] =	dma.local [hbm:s6], s20  }
0x9f: {  	_ =	swait.ge [sflag:s22], s20  }
0xa0: {  	s5 =	ssub.s32 $0x0, s20;
	[sflag:s22] =	ssyncset.done $0x0  }
0xa1: {  	[sflag:s22] =	ssyncadd.s32 s5;
	_ =	sdelay $0x1  }
0xa2: {  	s23 =	simm.s32 $0x1B8B  }
0xa3: {  	_ =	swait.ge [sflag:s23], $0x1  }
0xa4: {  	[sflag:s23] =	ssyncset.done $0x0  }
0xa5: {  	s25 =	simm.s32 $0x1B8E;
	s24 =	sld [smem:$0x3FFE];
	[sflag:s23] =	ssyncadd.s32 $0xFFFFFFFF  }
0xa6: {  	s26 =	simm.s32 $execute0_lowered;
	[smem:$0x3FD2] =	sst s25  }
0xa7: {  	s6 =	sshll.u32 s26, $0x1;
	_ =	strace $0x80000049;
	[dreg:$0x1] =	wrdreg $0xFFFFFFFF  }
0xa8: {  	s28 =	simm.s32 $_size_execute0_lowered;
	s4 =	sadd.s32 s4, s6;
	[dreg:$0x0] =	wrdreg $0x0  }
0xa9: {  	s6 =	sshll.u32 s28, $0x1;
	[dreg:$0x2] =	wrdreg s4  }
0xaa: {  	[dreg:$0x3] =	wrdreg s6  }
0xab: {  	[dreg:$0x4] =	wrdreg $0xC0  }
0xac: {  	_ =	task [dreg:s8], $0x5FFFF  }
0xad: {  	[dreg:$0x1] =	wrdreg $0xFFFFFFFF  }
0xae: {  	[dreg:$0x0] =	wrdreg $0x60  }
0xaf: {  	[dreg:$0x2] =	wrdreg s2  }
0xb0: {  	[dreg:$0x3] =	wrdreg s24  }
0xb1: {  	[dreg:$0x4] =	wrdreg s18  }
0xb2: {  	[dreg:$0x5] =	wrdreg $0x9  }
0xb3: {  	_ =	task.clear_ibuf [dreg:s8], $0x6FFFF;
	_ =	strace $0x90000049  }
0xb4: {  	s29 =	simm.s32 $0x9;
	_ =	strace $0x8000004B  }
0xb5: {  	_ =	swait.ge [sflag:s29], $0x1  }
0xb6: {  	[sflag:s29] =	ssyncadd.s32 $0xFFFFFFFF  }
0xb7: {  	_ =	strace $0x9000004B  }
0xb8: {  	_ =	sfence  }
0xb9: {  	s30 =	sld [smem:$0x0];
	_ =	sdelay $0x2  }
0xba: {  	s31 =	sshll.u32 s1, $0xD;
	s1 =	sshrl.u32 s1, $0x2  }
0xbb: {  	s3 =	sand.u32 $0x4000, s31;
	s1 =	sadd.s32 s1, s30  }
0xbc: {  	s0 =	sor.u32 s3, s0;
	s1 =	sshll.u32 s1, $0x11  }
0xbd: {  	s0 =	sor.u32 s1, s0  }
0xbe: {  	s0 =	sadd.s32 $0x8F2B, s0  }
0xbf: {  	[sflag:s0] =	ssyncadd.remote.s32 $0x1  }
0xc0: {  	_ =	sfence.sel $0xFFFF  }
0xc1: {  	[dreg:$0x0] =	wrdreg $0xFFFFFFFF;
	(pc) =	sbr.abs _section_cstart, $3  }
0xc2: {  	[dreg:$0x1] =	wrdreg $0xFFFFFFFF  }
0xc3: {  	_ =	task.clear_ibuf [dreg:s8], $0x2FFFF;
	_ =	strace $0x9FFFFFFF  }
0xc4: {  	(tm) =	ssettm $0x7FFFFFFF  }
0xc5: {  	_ =	shalt  }
tec
execute0_lowered:
.L_overlay_start_1:
0x0: {  	(tag) =	ssettag $0x1  }
0x1: {  	s0 =	srdreg.scid  }
0x2: {  	s1 =	stileid.u32;
	s0 =	sand.u32 $0x1, s0  }
0x3: {  	s1 =	sshll.u32 s1, $0xC;
	s2 =	sshll.u32 s0, $0xB  }
0x4: {  	s2 =	sor.u32 s2, s1  }
0x5: {  	v0 =	vlaneseq.u32;
	v1 =	vmov s2  }
0x6: {  	[tilespmem:$0x1FF60] =	vst v1;
	v1 =	vor.u32 $0x10, v0  }
0x7: {  	v12 =	vor.u32 $0xA0, v0;
	v13 =	vor.u32 $0xB0, v0;
	[tilespmem:$0x1FF70] =	vst v1;
	v1 =	vor.u32 $0x20, v0  }
0x8: {  	v14 =	vor.u32 $0xC0, v0;
	v15 =	vor.u32 $0xD0, v0;
	[tilespmem:$0x1FF80] =	vst v1;
	v1 =	vor.u32 $0x30, v0  }
0x9: {  	s4 =	rddreg [dreg:$0x1];
	v16 =	vor.u32 $0xE0, v0;
	v17 =	vor.u32 $0xF0, v0;
	[tilespmem:$0x1FF90] =	vst v1;
	v1 =	vor.u32 $0x40, v0  }
0xa: {  	s5 =	rddreg [dreg:$0x2];
	v18 =	vor.u32 $0x100, v0;
	v19 =	vor.u32 $0x110, v0;
	[tilespmem:$0x1FFA0] =	vst v1;
	v1 =	vor.u32 $0x50, v0  }
0xb: {  	s3 =	simm.s32 $0x0;
	s28 =	simm.s32 $0xD200;
	s29 =	simm.s32 $0xD280;
	v20 =	vor.u32 $0x120, v0;
	v21 =	vor.u32 $0x130, v0;
	[tilespmem:$0x1FFB0] =	vst v1;
	v1 =	vor.u32 $0x60, v0  }
0xc: {  	s30 =	simm.s32 $0x4000;
	s31 =	simm.s32 $0xD300;
	s7 =	simm.s32 $0x6;
	v22 =	vor.u32 $0x140, v0;
	v23 =	vor.u32 $0x150, v0;
	[tilespmem:$0x1FFC0] =	vst v1;
	v1 =	vor.u32 $0x70, v0  }
0xd: {  	s8 =	simm.s32 $0x0;
	[smem:$0x7FF] =	sst s3;
	v24 =	vor.u32 $0x160, v0;
	v25 =	vor.u32 $0x170, v0;
	s0 =	ssub.s32 $0x2, s0;
	[tilespmem:$0x1FFD0] =	vst v1;
	v1 =	vor.u32 $0x80, v0  }
0xe: {  	s6 =	sadd.s32 $0xA00, s4;
	v26 =	vor.u32 $0x180, v0;
	v27 =	vor.u32 $0x190, v0;
	s4 =	sadd.s32 $0xC00, s4;
	s22 =	sshrl.u32 s0, $0x1;
	[tilespmem:$0x1FFE0] =	vst v1;
	v1 =	vor.u32 $0x90, v0  }
0xf: {  	v28 =	vor.u32 $0x1A0, v0;
	v29 =	vor.u32 $0x1B0, v0;
	v30 =	vor.u32 $0x1C0, v0;
	s1 =	rddreg [dreg:$0x0];
	s2 =	sshll.u32 s2, $0x4;
	s0 =	ssub.s32 s0, s22;
	[tilespmem:$0x1FFF0] =	vst v1  }
0x10: {  	v31 =	vor.u32 $0x1D0, v0;
	v32 =	vor.u32 $0x1E0, v0;
	v33 =	vor.u32 $0x1F0, v0;
	s22 =	smax.u32 s0, $0x1;
	_ =	strace $0x8000004A;
	[dreg:$0x4] =	wrdreg s6  }
0x11: {  	v34 =	vor.u32 $0x200, v0;
	v35 =	vor.u32 $0x210, v0;
	v36 =	vor.u32 $0x220, v0;
	s0 =	simm.s32 $0x1;
	[dreg:$0x5] =	wrdreg s4;
	s6 =	sadd.s32 s5, s2  }
0x12: {  	v37 =	vor.u32 $0x230, v0;
	v38 =	vor.u32 $0x240, v0;
	v39 =	vor.u32 $0x250, v0;
	s4 =	simm.s32 $0x5;
	s5 =	simm.s32 $0x3;
	s2 =	sadd.s32 $0x800, s6  }
0x13: {  	v40 =	vor.u32 $0x260, v0;
	v41 =	vor.u32 $0x270, v0;
	v42 =	vor.u32 $0x280, v0;
	s23 =	sadd.s32 $0x1000, s6;
	s24 =	sadd.s32 $0x1800, s6;
	s25 =	sadd.s32 $0x2000, s6  }
0x14: {  	v43 =	vor.u32 $0x290, v0;
	v44 =	vor.u32 $0x2A0, v0;
	v45 =	vor.u32 $0x2B0, v0;
	s26 =	sadd.s32 $0x2800, s6;
	s12 =	sadd.s32 $0x3000, s6;
	s13 =	sadd.s32 $0x3800, s6  }
0x15: {  	v46 =	vor.u32 $0x2C0, v0;
	v47 =	vor.u32 $0x2D0, v0;
	v48 =	vor.u32 $0x2E0, v0;
	s14 =	sadd.s32 $0x4000, s6;
	s15 =	sadd.s32 $0x4800, s6;
	[dreg:$0x6] =	wrdreg s2  }
0x16: {  	v49 =	vor.u32 $0x2F0, v0;
	v50 =	vor.u32 $0x300, v0;
	v51 =	vor.u32 $0x310, v0;
	s16 =	sadd.s32 $0x5000, s6;
	s17 =	sadd.s32 $0x5800, s6;
	[dreg:$0x7] =	wrdreg s23  }
0x17: {  	v52 =	vor.u32 $0x320, v0;
	v53 =	vor.u32 $0x330, v0;
	v54 =	vor.u32 $0x340, v0;
	s18 =	sadd.s32 $0x6000, s6;
	s19 =	sadd.s32 $0x6800, s6;
	[dreg:$0x8] =	wrdreg s24  }
0x18: {  	v55 =	vor.u32 $0x350, v0;
	v56 =	vor.u32 $0x360, v0;
	v57 =	vor.u32 $0x370, v0;
	s20 =	sadd.s32 $0x7000, s6;
	s21 =	sadd.s32 $0x7800, s6;
	[dreg:$0x9] =	wrdreg s25  }
0x19: {  	v58 =	vor.u32 $0x380, v0;
	v59 =	vor.u32 $0x390, v0;
	v60 =	vor.u32 $0x3A0, v0;
	[dreg:$0xa] =	wrdreg s26;
	s24 =	simm.s32 $0x7;
	s26 =	simm.s32 $0x80  }
0x1a: {  	v61 =	vor.u32 $0x3B0, v0;
	v62 =	vor.u32 $0x3C0, v0;
	v63 =	vor.u32 $0x3D0, v0;
	s2 =	simm.s32 $0x8000;
	s23 =	simm.s32 $0x4;
	s25 =	simm.s32 $0x2  }
.LBB2_1:
0x1b: {  	s9 =	rddreg [dreg:$0x4];
	s10 =	simm.s32 $0xC000  }
0x1c: {  	[tilespmem:s10], [sflag:$0x7] =	stream.linear.gather [hbm4b:s9+s3], $0x1000, $0x38;
	[tilespmem:$0xD380] =	vst v63  }
0x1d: {  	_ =	swait.ge [sflag:s24], $0x1000  }
0x1e: {  	[sflag:s24] =	ssyncset.done $0x0  }
0x1f: {  	s11 =	simm.s32 $0xD000;
	s10 =	rddreg [dreg:$0x5];
	[sflag:s24] =	ssyncadd.s32 $0xFFFFF000  }
0x20: {  	[tilespmem:s11], [sflag:$0x7] =	stream.linear.gather [hbm4b:s10+s3], $0x180, $0x38;
	[tilespmem:$0xD380] =	vst v63  }
0x21: {  	_ =	swait.ge [sflag:s24], $0x180  }
0x22: {  	[sflag:s24] =	ssyncset.done $0x0  }
0x23: {  	[sflag:s24] =	ssyncadd.s32 $0xFFFFFE80  }
0x24: {  	v1 =	vld [tilespmem:$0xC000]  }
0x25: {  	v2 =	vld [tilespmem:$0xC080]  }
0x26: {  	v3 =	vld [tilespmem:$0xC100]  }
0x27: {  	v4 =	vld [tilespmem:$0xC800]  }
0x28: {  	v5 =	vld [tilespmem:$0xC880]  }
0x29: {  	v6 =	vld [tilespmem:$0xC180]  }
0x2a: {  	v7 =	vld [tilespmem:$0xC900]  }
0x2b: {  	v8 =	vld [tilespmem:$0xC980];
	v1 =	vadd.f32 v2, v1  }
0x2c: {  	v2 =	vld [tilespmem:$0xC200]  }
0x2d: {  	v4 =	vadd.f32 v5, v4;
	v5 =	vld [tilespmem:$0xCA00];
	v1 =	vadd.f32 v3, v1  }
0x2e: {  	v3 =	vld [tilespmem:$0xC280]  }
0x2f: {  	v4 =	vadd.f32 v7, v4;
	v7 =	vld [tilespmem:$0xCA80];
	v1 =	vadd.f32 v6, v1  }
0x30: {  	v6 =	vld [tilespmem:$0xC300]  }
0x31: {  	v4 =	vadd.f32 v8, v4;
	v8 =	vld [tilespmem:$0xCB00];
	v1 =	vadd.f32 v2, v1  }
0x32: {  	v2 =	vld [tilespmem:$0xC380]  }
0x33: {  	v4 =	vadd.f32 v5, v4;
	v5 =	vld [tilespmem:$0xCB80];
	v1 =	vadd.f32 v3, v1  }
0x34: {  	v3 =	vld [tilespmem:$0xC400]  }
0x35: {  	v4 =	vadd.f32 v7, v4;
	v7 =	vld [tilespmem:$0xCC00];
	v1 =	vadd.f32 v6, v1  }
0x36: {  	v6 =	vld [tilespmem:$0xC480]  }
0x37: {  	v4 =	vadd.f32 v8, v4;
	v8 =	vld [tilespmem:$0xCC80];
	v1 =	vadd.f32 v2, v1  }
0x38: {  	v2 =	vld [tilespmem:$0xC500]  }
0x39: {  	v4 =	vadd.f32 v5, v4;
	v5 =	vld [tilespmem:$0xCD00];
	v1 =	vadd.f32 v3, v1  }
0x3a: {  	v3 =	vld [tilespmem:$0xC580]  }
0x3b: {  	v4 =	vadd.f32 v7, v4;
	v7 =	vld [tilespmem:$0xCD80];
	v1 =	vadd.f32 v6, v1  }
0x3c: {  	v6 =	vld [tilespmem:$0xC600]  }
0x3d: {  	v4 =	vadd.f32 v8, v4;
	v8 =	vld [tilespmem:$0xCE00];
	v1 =	vadd.f32 v2, v1  }
0x3e: {  	v2 =	vld [tilespmem:$0xC680]  }
0x3f: {  	v4 =	vadd.f32 v5, v4;
	v5 =	vld [tilespmem:$0xCE80];
	v1 =	vadd.f32 v3, v1  }
0x40: {  	v3 =	vld [tilespmem:$0xC700]  }
0x41: {  	v4 =	vadd.f32 v7, v4;
	v7 =	vld [tilespmem:$0xCF00];
	v1 =	vadd.f32 v6, v1  }
0x42: {  	v6 =	vld [tilespmem:$0xC780]  }
0x43: {  	v1 =	vadd.f32 v2, v1;
	v2 =	vadd.f32 v8, v4;
	v4 =	vld [tilespmem:$0xCF80]  }
0x44: {  	v8 =	vld [tilespmem:$0xD000]  }
0x45: {  	v1 =	vadd.f32 v3, v1;
	v2 =	vadd.f32 v5, v2;
	_ =	sdelay $0x1  }
0x46: {  	v1 =	vadd.f32 v6, v1;
	v2 =	vadd.f32 v7, v2  }
0x47: {  	v3 =	vld [tilespmem:$0xD080]  }
0x48: {  	v2 =	vadd.f32 v4, v2;
	v1 =	vadd.f32 v8, v1;
	_ =	sdelay $0x1  }
0x49: {  	v2 =	vadd.f32 v1, v2;
	_ =	sdelay $0x1  }
0x4a: {  	v2 =	vadd.f32 v2, v3;
	_ =	sdelay $0x1  }
0x4b: {  	(erf) = vrcp.f32 v2;
	_ =	sdelay $0x6  }
0x4c: {  	v2 =	vld [tilespmem:$0xD100];
	_ =	sdelay $0x1  }
0x4d: {  	v3 =	vpop (erf)  }
0x4e: {  	v3 =	vmul.f32 v3, v1;
	_ =	sdelay $0x1  }
0x4f: {  	vm0 =	vgt.f32 v2, v3;
	v2 =	vld [tilespmem:$0x1FF60];
	_ =	sdelay $0x2  }
0x50: {  	v1 =	vimm.s32 $0x0  }
0x51: {  	v1 =	vsel vm0, $0x10000, v1  }
0x52: {  	v1 =	vor.u32 v2, v1  }
0x53: {  	v2 =	vor.u32 v0, v1  }
0x54: {  	[tilespmem:$0xD200] =	vst v2;
	v2 =	vld [tilespmem:$0x1FF70];
	_ =	sdelay $0x4  }
0x55: {  	v2 =	vor.u32 v2, v1  }
0x56: {  	[tilespmem:$0xD210] =	vst v2;
	v2 =	vld [tilespmem:$0x1FF80];
	_ =	sdelay $0x4  }
0x57: {  	v2 =	vor.u32 v2, v1  }
0x58: {  	[tilespmem:$0xD220] =	vst v2;
	v2 =	vld [tilespmem:$0x1FF90];
	_ =	sdelay $0x4  }
0x59: {  	v2 =	vor.u32 v2, v1  }
0x5a: {  	[tilespmem:$0xD230] =	vst v2;
	v2 =	vld [tilespmem:$0x1FFA0];
	_ =	sdelay $0x4  }
0x5b: {  	v2 =	vor.u32 v2, v1  }
0x5c: {  	[tilespmem:$0xD240] =	vst v2;
	v2 =	vld [tilespmem:$0x1FFB0];
	_ =	sdelay $0x4  }
0x5d: {  	v2 =	vor.u32 v2, v1  }
0x5e: {  	[tilespmem:$0xD250] =	vst v2;
	v2 =	vld [tilespmem:$0x1FFC0];
	_ =	sdelay $0x4  }
0x5f: {  	v2 =	vor.u32 v2, v1  }
0x60: {  	[tilespmem:$0xD260] =	vst v2;
	v2 =	vld [tilespmem:$0x1FFD0];
	_ =	sdelay $0x1  }
0x61: {  	v4 =	vld [tilespmem:$0x1FFE0];
	_ =	sdelay $0x2  }
0x62: {  	v2 =	vor.u32 v2, v1  }
0x63: {  	[tilespmem:$0xD270] =	vst v2  }
0x64: {  	v4 =	vor.u32 v4, v1;
	[tilespmem:s3], [sflag:$0x1] =	stream.indirect.gather [hbm4b:s1+s26], $0x80, s28, s26, $0xb8;
	[tilespmem:$0xD380] =	vst v63  }
0x65: {  	[tilespmem:$0xD280] =	vst v4;
	v4 =	vld [tilespmem:$0x1FFF0];
	_ =	sdelay $0x2  }
0x66: {  	v2 =	vsub.f32 $1.000000000e+00, v3;
	_ =	sdelay $0x1  }
0x67: {  	v2 =	vsel vm0, v2, v3;
	v4 =	vor.u32 v4, v1  }
0x68: {  	v3 =	vor.u32 v12, v1;
	[tilespmem:$0xD290] =	vst v4;
	v4 =	vshrl.u32 v2, $0x1;
	v2 =	vmul.f32 $5.000000000e-01, v2  }
0x69: {  	[tilespmem:$0xD2A0] =	vst v3;
	v3 =	vor.u32 v13, v1;
	v4 =	vsub.s32 $0x5F3759DF, v4  }
0x6a: {  	[tilespmem:$0xD2B0] =	vst v3;
	v3 =	vor.u32 v14, v1;
	v5 =	vmul.f32 v4, v2  }
0x6b: {  	[tilespmem:$0xD2C0] =	vst v3;
	v3 =	vor.u32 v15, v1  }
0x6c: {  	[tilespmem:$0xD2D0] =	vst v3;
	v3 =	vor.u32 v16, v1;
	v5 =	vmul.f32 v4, v5  }
0x6d: {  	[tilespmem:$0xD2E0] =	vst v3;
	v3 =	vor.u32 v17, v1  }
0x6e: {  	[tilespmem:$0xD2F0] =	vst v3;
	v3 =	vsub.f32 $1.500000000e+00, v5;
	_ =	sdelay $0x1  }
0x6f: {  	[tilespmem:s30], [sflag:$0x2] =	stream.indirect.gather [hbm4b:s1+s26], $0x80, s29, s26, $0xb8;
	v5 =	vor.u32 v18, v1;
	v3 =	vmul.f32 v4, v3;
	[tilespmem:$0xD380] =	vst v63  }
0x70: {  	[tilespmem:$0xD300] =	vst v5;
	v5 =	vor.u32 v19, v1  }
0x71: {  	[tilespmem:$0xD310] =	vst v5;
	v4 =	vor.u32 v20, v1;
	v5 =	vmul.f32 v3, v2  }
0x72: {  	[tilespmem:$0xD320] =	vst v4;
	v4 =	vor.u32 v21, v1  }
0x73: {  	[tilespmem:$0xD330] =	vst v4;
	v4 =	vor.u32 v22, v1;
	v5 =	vmul.f32 v5, v3  }
0x74: {  	[tilespmem:$0xD340] =	vst v4;
	v4 =	vor.u32 v23, v1  }
0x75: {  	[tilespmem:$0xD350] =	vst v4;
	v4 =	vor.u32 v24, v1;
	v5 =	vsub.f32 $1.500000000e+00, v5  }
0x76: {  	[tilespmem:$0xD360] =	vst v4;
	v4 =	vor.u32 v25, v1  }
0x77: {  	[tilespmem:$0xD370] =	vst v4;
	v4 =	vmul.f32 v5, v3  }
0x78: {  	[tilespmem:s2], [sflag:$0x3] =	stream.indirect.gather [hbm4b:s1+s26], $0x80, s31, s26, $0xb8;
	[tilespmem:$0xD380] =	vst v63  }
0x79: {  	_ =	swait.ge [sflag:s0], $0x4000;
	v2 =	vmul.f32 v4, v2  }
0x7a: {  	[sflag:s0] =	ssyncset.done $0x0  }
0x7b: {  	s9 =	simm.s32 $0x0;
	[sflag:s0] =	ssyncadd.s32 $0xFFFFC000;
	v2 =	vmul.f32 v2, v4  }
0x7c: {  	v6 =	vld [tilespmem:s9+$0x0]  }
0x7d: {  	v8 =	vld [tilespmem:s9+$0x10];
	v2 =	vsub.f32 $1.500000000e+00, v2  }
0x7e: {  	v7 =	vld [tilespmem:s9+$0x20]  }
0x7f: {  	v3 =	vld [tilespmem:s9+$0x30];
	v2 =	vmul.f32 v2, v4  }
0x80: {  	v4 =	vld [tilespmem:s9+$0x40]  }
0x81: {  	v5 =	vld [tilespmem:s9+$0x50];
	v9 =	vmul.f32 v6, v2  }
0x82: {  	s10 =	simm.s32 $0x200;
	v8 =	vmul.f32 v8, v2;
	v6 =	vld [tilespmem:s9+$0x60]  }
.LBB2_2:
0x83: {  	s11 =	sshra.s32 s10, $0x2;
	p0 =	sne.s32 s10, $0xFE00;
	[tilespmem:s9+$0x0] =	vst v9;
	v7 =	vmul.f32 v7, v2;
	v9 =	vld [tilespmem:s9+$0x70]  }
0x84: {  	v10 =	vld [tilespmem:s11+$0x0];
	[tilespmem:s9+$0x10] =	vst v8;
	v3 =	vmul.f32 v3, v2  }
0x85: {  	v8 =	vld [tilespmem:s11+$0x10];
	[tilespmem:s9+$0x20] =	vst v7;
	v4 =	vmul.f32 v4, v2  }
.Ltmp0:
0x86: {  	v7 =	vld [tilespmem:s11+$0x20];
	[tilespmem:s9+$0x30] =	vst v3;
	v5 =	vmul.f32 v5, v2;
	(pc) =	sbr.rel @p0 .LBB2_2-.Ltmp0, $4  }
0x87: {  	v3 =	vld [tilespmem:s11+$0x30];
	[tilespmem:s9+$0x40] =	vst v4;
	v6 =	vmul.f32 v6, v2  }
0x88: {  	v4 =	vld [tilespmem:s11+$0x40];
	[tilespmem:s9+$0x50] =	vst v5;
	v11 =	vmul.f32 v9, v2  }
0x89: {  	v9 =	vmul.f32 v10, v2;
	v5 =	vld [tilespmem:s11+$0x50];
	[tilespmem:s9+$0x60] =	vst v6  }
0x8a: {  	s10 =	sadd.s32 $0x200, s10;
	v8 =	vmul.f32 v8, v2;
	v6 =	vld [tilespmem:s11+$0x60];
	[tilespmem:s9+$0x70] =	vst v11;
	s9 =	smov.u32 s11  }
0x8b: {  	[tilespmem:s9+$0x0] =	vst v9;
	v7 =	vmul.f32 v7, v2;
	v9 =	vld [tilespmem:s9+$0x70]  }
0x8c: {  	[tilespmem:s9+$0x10] =	vst v8;
	v3 =	vmul.f32 v3, v2  }
0x8d: {  	[tilespmem:s9+$0x20] =	vst v7;
	v4 =	vmul.f32 v4, v2  }
0x8e: {  	[tilespmem:s9+$0x30] =	vst v3;
	v3 =	vmul.f32 v5, v2  }
0x8f: {  	[tilespmem:s9+$0x40] =	vst v4;
	v4 =	vmul.f32 v6, v2  }
0x90: {  	[tilespmem:s9+$0x50] =	vst v3;
	v3 =	vmul.f32 v9, v2  }
0x91: {  	[tilespmem:s9+$0x60] =	vst v4  }
0x92: {  	s11 =	simm.s32 $0x0;
	[tilespmem:s9+$0x70] =	vst v3  }
0x93: {  	[hbm4b:s6+s11] =	stream.linear.scatter [tilespmem:s11], [sflag:$0x4], $0x4000, $0x38;
	[tilespmem:$0xD380] =	vst v63  }
0x94: {  	_ =	swait.ge [sflag:s23], $0x4000  }
0x95: {  	[sflag:s23] =	ssyncset.done $0x0  }
0x96: {  	v3 =	vor.u32 v26, v1;
	[sflag:s23] =	ssyncadd.s32 $0xFFFFC000  }
0x97: {  	[tilespmem:$0xD200] =	vst v3;
	v3 =	vor.u32 v27, v1  }
0x98: {  	[tilespmem:$0xD210] =	vst v3;
	v3 =	vor.u32 v28, v1  }
0x99: {  	[tilespmem:$0xD220] =	vst v3;
	v3 =	vor.u32 v29, v1  }
0x9a: {  	[tilespmem:$0xD230] =	vst v3;
	v3 =	vor.u32 v30, v1  }
0x9b: {  	[tilespmem:$0xD240] =	vst v3;
	v3 =	vor.u32 v31, v1  }
0x9c: {  	[tilespmem:$0xD250] =	vst v3;
	v3 =	vor.u32 v32, v1  }
0x9d: {  	[tilespmem:$0xD260] =	vst v3;
	v3 =	vor.u32 v33, v1  }
0x9e: {  	[tilespmem:$0xD270] =	vst v3  }
0x9f: {  	[tilespmem:s11], [sflag:$0x1] =	stream.indirect.gather [hbm4b:s1+s26], $0x80, s28, s26, $0xb8;
	[tilespmem:$0xD380] =	vst v63  }
0xa0: {  	_ =	swait.ge [sflag:s25], $0x4000  }
0xa1: {  	[sflag:s25] =	ssyncset.done $0x0  }
0xa2: {  	s9 =	simm.s32 $0x0;
	[sflag:s25] =	ssyncadd.s32 $0xFFFFC000  }
0xa3: {  	v6 =	vld [tilespmem:s9+$0x4000]  }
0xa4: {  	v8 =	vld [tilespmem:s9+$0x4010]  }
0xa5: {  	v7 =	vld [tilespmem:s9+$0x4020]  }
0xa6: {  	v5 =	vld [tilespmem:s9+$0x4030]  }
0xa7: {  	v3 =	vld [tilespmem:s9+$0x4040]  }
0xa8: {  	v4 =	vld [tilespmem:s9+$0x4050];
	v9 =	vmul.f32 v6, v2  }
0xa9: {  	s10 =	simm.s32 $0x200;
	v8 =	vmul.f32 v8, v2;
	v6 =	vld [tilespmem:s9+$0x4060]  }
.LBB2_4:
0xaa: {  	s11 =	sshra.s32 s10, $0x2;
	p0 =	sne.s32 s10, $0xFE00;
	[tilespmem:s9+$0x4000] =	vst v9;
	v7 =	vmul.f32 v7, v2;
	v9 =	vld [tilespmem:s9+$0x4070]  }
0xab: {  	v10 =	vld [tilespmem:s11+$0x4000];
	[tilespmem:s9+$0x4010] =	vst v8;
	v5 =	vmul.f32 v5, v2  }
0xac: {  	v8 =	vld [tilespmem:s11+$0x4010];
	[tilespmem:s9+$0x4020] =	vst v7;
	v3 =	vmul.f32 v3, v2  }
.Ltmp1:
0xad: {  	v7 =	vld [tilespmem:s11+$0x4020];
	[tilespmem:s9+$0x4030] =	vst v5;
	v4 =	vmul.f32 v4, v2;
	(pc) =	sbr.rel @p0 .LBB2_4-.Ltmp1, $4  }
0xae: {  	v5 =	vld [tilespmem:s11+$0x4030];
	[tilespmem:s9+$0x4040] =	vst v3;
	v6 =	vmul.f32 v6, v2  }
0xaf: {  	v3 =	vld [tilespmem:s11+$0x4040];
	[tilespmem:s9+$0x4050] =	vst v4;
	v11 =	vmul.f32 v9, v2  }
0xb0: {  	v9 =	vmul.f32 v10, v2;
	v4 =	vld [tilespmem:s11+$0x4050];
	[tilespmem:s9+$0x4060] =	vst v6  }
0xb1: {  	s10 =	sadd.s32 $0x200, s10;
	v8 =	vmul.f32 v8, v2;
	v6 =	vld [tilespmem:s11+$0x4060];
	[tilespmem:s9+$0x4070] =	vst v11;
	s9 =	smov.u32 s11  }
0xb2: {  	[tilespmem:s9+$0x4000] =	vst v9;
	v7 =	vmul.f32 v7, v2;
	v9 =	vld [tilespmem:s9+$0x4070]  }
0xb3: {  	[tilespmem:s9+$0x4010] =	vst v8;
	v5 =	vmul.f32 v5, v2  }
0xb4: {  	[tilespmem:s9+$0x4020] =	vst v7;
	v3 =	vmul.f32 v3, v2  }
0xb5: {  	[tilespmem:s9+$0x4030] =	vst v5;
	v4 =	vmul.f32 v4, v2  }
0xb6: {  	[tilespmem:s9+$0x4040] =	vst v3;
	v3 =	vmul.f32 v6, v2  }
0xb7: {  	[tilespmem:s9+$0x4050] =	vst v4;
	v4 =	vmul.f32 v9, v2  }
0xb8: {  	[tilespmem:s9+$0x4060] =	vst v3  }
0xb9: {  	s11 =	simm.s32 $0x0;
	s10 =	rddreg [dreg:$0x6];
	[tilespmem:s9+$0x4070] =	vst v4  }
0xba: {  	[hbm4b:s10+s11] =	stream.linear.scatter [tilespmem:s30], [sflag:$0x5], $0x4000, $0x38;
	[tilespmem:$0xD380] =	vst v63  }
0xbb: {  	_ =	swait.ge [sflag:s4], $0x4000  }
0xbc: {  	[sflag:s4] =	ssyncset.done $0x0  }
0xbd: {  	v3 =	vor.u32 v34, v1;
	[sflag:s4] =	ssyncadd.s32 $0xFFFFC000  }
0xbe: {  	[tilespmem:$0xD280] =	vst v3;
	v3 =	vor.u32 v35, v1  }
0xbf: {  	[tilespmem:$0xD290] =	vst v3;
	v3 =	vor.u32 v36, v1  }
0xc0: {  	[tilespmem:$0xD2A0] =	vst v3;
	v3 =	vor.u32 v37, v1  }
0xc1: {  	[tilespmem:$0xD2B0] =	vst v3;
	v3 =	vor.u32 v38, v1  }
0xc2: {  	[tilespmem:$0xD2C0] =	vst v3;
	v3 =	vor.u32 v39, v1  }
0xc3: {  	[tilespmem:$0xD2D0] =	vst v3;
	v3 =	vor.u32 v40, v1  }
0xc4: {  	[tilespmem:$0xD2E0] =	vst v3;
	v3 =	vor.u32 v41, v1  }
0xc5: {  	[tilespmem:$0xD2F0] =	vst v3  }
0xc6: {  	[tilespmem:s30], [sflag:$0x2] =	stream.indirect.gather [hbm4b:s1+s26], $0x80, s29, s26, $0xb8;
	[tilespmem:$0xD380] =	vst v63  }
0xc7: {  	_ =	swait.ge [sflag:s5], $0x4000  }
0xc8: {  	[sflag:s5] =	ssyncset.done $0x0  }
0xc9: {  	s9 =	simm.s32 $0x0;
	[sflag:s5] =	ssyncadd.s32 $0xFFFFC000  }
0xca: {  	v6 =	vld [tilespmem:s9+$0x8000]  }
0xcb: {  	v8 =	vld [tilespmem:s9+$0x8010]  }
0xcc: {  	v7 =	vld [tilespmem:s9+$0x8020]  }
0xcd: {  	v5 =	vld [tilespmem:s9+$0x8030]  }
0xce: {  	v3 =	vld [tilespmem:s9+$0x8040]  }
0xcf: {  	v4 =	vld [tilespmem:s9+$0x8050];
	v9 =	vmul.f32 v6, v2  }
0xd0: {  	s10 =	simm.s32 $0x200;
	v8 =	vmul.f32 v8, v2;
	v6 =	vld [tilespmem:s9+$0x8060]  }
.LBB2_6:
0xd1: {  	s11 =	sshra.s32 s10, $0x2;
	p0 =	sne.s32 s10, $0xFE00;
	[tilespmem:s9+$0x8000] =	vst v9;
	v7 =	vmul.f32 v7, v2;
	v9 =	vld [tilespmem:s9+$0x8070]  }
0xd2: {  	v10 =	vld [tilespmem:s11+$0x8000];
	[tilespmem:s9+$0x8010] =	vst v8;
	v5 =	vmul.f32 v5, v2  }
0xd3: {  	v8 =	vld [tilespmem:s11+$0x8010];
	[tilespmem:s9+$0x8020] =	vst v7;
	v3 =	vmul.f32 v3, v2  }
.Ltmp2:
0xd4: {  	v7 =	vld [tilespmem:s11+$0x8020];
	[tilespmem:s9+$0x8030] =	vst v5;
	v4 =	vmul.f32 v4, v2;
	(pc) =	sbr.rel @p0 .LBB2_6-.Ltmp2, $4  }
0xd5: {  	v5 =	vld [tilespmem:s11+$0x8030];
	[tilespmem:s9+$0x8040] =	vst v3;
	v6 =	vmul.f32 v6, v2  }
0xd6: {  	v3 =	vld [tilespmem:s11+$0x8040];
	[tilespmem:s9+$0x8050] =	vst v4;
	v11 =	vmul.f32 v9, v2  }
0xd7: {  	v9 =	vmul.f32 v10, v2;
	v4 =	vld [tilespmem:s11+$0x8050];
	[tilespmem:s9+$0x8060] =	vst v6  }
0xd8: {  	s10 =	sadd.s32 $0x200, s10;
	v8 =	vmul.f32 v8, v2;
	v6 =	vld [tilespmem:s11+$0x8060];
	[tilespmem:s9+$0x8070] =	vst v11;
	s9 =	smov.u32 s11  }
0xd9: {  	[tilespmem:s9+$0x8000] =	vst v9;
	v7 =	vmul.f32 v7, v2;
	v9 =	vld [tilespmem:s9+$0x8070]  }
0xda: {  	[tilespmem:s9+$0x8010] =	vst v8;
	v5 =	vmul.f32 v5, v2  }
0xdb: {  	[tilespmem:s9+$0x8020] =	vst v7;
	v3 =	vmul.f32 v3, v2  }
0xdc: {  	[tilespmem:s9+$0x8030] =	vst v5;
	v4 =	vmul.f32 v4, v2  }
0xdd: {  	[tilespmem:s9+$0x8040] =	vst v3;
	v3 =	vmul.f32 v6, v2  }
0xde: {  	[tilespmem:s9+$0x8050] =	vst v4;
	v4 =	vmul.f32 v9, v2  }
0xdf: {  	[tilespmem:s9+$0x8060] =	vst v3  }
0xe0: {  	s11 =	simm.s32 $0x0;
	s10 =	rddreg [dreg:$0x7];
	[tilespmem:s9+$0x8070] =	vst v4  }
0xe1: {  	[hbm4b:s10+s11] =	stream.linear.scatter [tilespmem:s2], [sflag:$0x6], $0x4000, $0x38;
	[tilespmem:$0xD380] =	vst v63  }
0xe2: {  	_ =	swait.ge [sflag:s7], $0x4000  }
0xe3: {  	[sflag:s7] =	ssyncset.done $0x0  }
0xe4: {  	v3 =	vor.u32 v42, v1;
	[sflag:s7] =	ssyncadd.s32 $0xFFFFC000  }
0xe5: {  	[tilespmem:$0xD300] =	vst v3;
	v3 =	vor.u32 v43, v1  }
0xe6: {  	[tilespmem:$0xD310] =	vst v3;
	v3 =	vor.u32 v44, v1  }
0xe7: {  	[tilespmem:$0xD320] =	vst v3;
	v3 =	vor.u32 v45, v1  }
0xe8: {  	[tilespmem:$0xD330] =	vst v3;
	v3 =	vor.u32 v46, v1  }
0xe9: {  	[tilespmem:$0xD340] =	vst v3;
	v3 =	vor.u32 v47, v1  }
0xea: {  	[tilespmem:$0xD350] =	vst v3;
	v3 =	vor.u32 v48, v1  }
0xeb: {  	[tilespmem:$0xD360] =	vst v3;
	v3 =	vor.u32 v49, v1  }
0xec: {  	[tilespmem:$0xD370] =	vst v3  }
0xed: {  	[tilespmem:s2], [sflag:$0x3] =	stream.indirect.gather [hbm4b:s1+s26], $0x80, s31, s26, $0xb8;
	[tilespmem:$0xD380] =	vst v63  }
0xee: {  	_ =	swait.ge [sflag:s0], $0x4000  }
0xef: {  	[sflag:s0] =	ssyncset.done $0x0  }
0xf0: {  	s9 =	simm.s32 $0x0;
	[sflag:s0] =	ssyncadd.s32 $0xFFFFC000  }
0xf1: {  	v6 =	vld [tilespmem:s9+$0x0]  }
0xf2: {  	v8 =	vld [tilespmem:s9+$0x10]  }
0xf3: {  	v7 =	vld [tilespmem:s9+$0x20]  }
0xf4: {  	v5 =	vld [tilespmem:s9+$0x30]  }
0xf5: {  	v3 =	vld [tilespmem:s9+$0x40]  }
0xf6: {  	v4 =	vld [tilespmem:s9+$0x50];
	v9 =	vmul.f32 v6, v2  }
0xf7: {  	s10 =	simm.s32 $0x200;
	v8 =	vmul.f32 v8, v2;
	v6 =	vld [tilespmem:s9+$0x60]  }
.LBB2_8:
0xf8: {  	s11 =	sshra.s32 s10, $0x2;
	p0 =	sne.s32 s10, $0xFE00;
	[tilespmem:s9+$0x0] =	vst v9;
	v7 =	vmul.f32 v7, v2;
	v9 =	vld [tilespmem:s9+$0x70]  }
0xf9: {  	v10 =	vld [tilespmem:s11+$0x0];
	[tilespmem:s9+$0x10] =	vst v8;
	v5 =	vmul.f32 v5, v2  }
0xfa: {  	v8 =	vld [tilespmem:s11+$0x10];
	[tilespmem:s9+$0x20] =	vst v7;
	v3 =	vmul.f32 v3, v2  }
.Ltmp3:
0xfb: {  	v7 =	vld [tilespmem:s11+$0x20];
	[tilespmem:s9+$0x30] =	vst v5;
	v4 =	vmul.f32 v4, v2;
	(pc) =	sbr.rel @p0 .LBB2_8-.Ltmp3, $4  }
0xfc: {  	v5 =	vld [tilespmem:s11+$0x30];
	[tilespmem:s9+$0x40] =	vst v3;
	v6 =	vmul.f32 v6, v2  }
0xfd: {  	v3 =	vld [tilespmem:s11+$0x40];
	[tilespmem:s9+$0x50] =	vst v4;
	v11 =	vmul.f32 v9, v2  }
0xfe: {  	v9 =	vmul.f32 v10, v2;
	v4 =	vld [tilespmem:s11+$0x50];
	[tilespmem:s9+$0x60] =	vst v6  }
0xff: {  	s10 =	sadd.s32 $0x200, s10;
	v8 =	vmul.f32 v8, v2;
	v6 =	vld [tilespmem:s11+$0x60];
	[tilespmem:s9+$0x70] =	vst v11;
	s9 =	smov.u32 s11  }
0x100: {  	[tilespmem:s9+$0x0] =	vst v9;
	v7 =	vmul.f32 v7, v2;
	v9 =	vld [tilespmem:s9+$0x70]  }
0x101: {  	[tilespmem:s9+$0x10] =	vst v8;
	v5 =	vmul.f32 v5, v2  }
0x102: {  	[tilespmem:s9+$0x20] =	vst v7;
	v3 =	vmul.f32 v3, v2  }
0x103: {  	[tilespmem:s9+$0x30] =	vst v5;
	v4 =	vmul.f32 v4, v2  }
0x104: {  	[tilespmem:s9+$0x40] =	vst v3;
	v3 =	vmul.f32 v6, v2  }
0x105: {  	[tilespmem:s9+$0x50] =	vst v4;
	v4 =	vmul.f32 v9, v2  }
0x106: {  	[tilespmem:s9+$0x60] =	vst v3  }
0x107: {  	s11 =	simm.s32 $0x0;
	s10 =	rddreg [dreg:$0x8];
	[tilespmem:s9+$0x70] =	vst v4  }
0x108: {  	[hbm4b:s10+s11] =	stream.linear.scatter [tilespmem:s11], [sflag:$0x4], $0x4000, $0x38;
	[tilespmem:$0xD380] =	vst v63  }
0x109: {  	_ =	swait.ge [sflag:s23], $0x4000  }
0x10a: {  	[sflag:s23] =	ssyncset.done $0x0  }
0x10b: {  	v3 =	vor.u32 v50, v1;
	[sflag:s23] =	ssyncadd.s32 $0xFFFFC000  }
0x10c: {  	[tilespmem:$0xD200] =	vst v3;
	v3 =	vor.u32 v51, v1  }
0x10d: {  	[tilespmem:$0xD210] =	vst v3;
	v3 =	vor.u32 v52, v1  }
0x10e: {  	[tilespmem:$0xD220] =	vst v3;
	v3 =	vor.u32 v53, v1  }
0x10f: {  	[tilespmem:$0xD230] =	vst v3;
	v3 =	vor.u32 v54, v1  }
0x110: {  	[tilespmem:$0xD240] =	vst v3;
	v3 =	vor.u32 v55, v1  }
0x111: {  	[tilespmem:$0xD250] =	vst v3;
	v3 =	vor.u32 v56, v1  }
0x112: {  	[tilespmem:$0xD260] =	vst v3;
	v3 =	vor.u32 v57, v1  }
0x113: {  	[tilespmem:$0xD270] =	vst v3  }
0x114: {  	[tilespmem:s11], [sflag:$0x1] =	stream.indirect.gather [hbm4b:s1+s26], $0x80, s28, s26, $0xb8;
	[tilespmem:$0xD380] =	vst v63  }
0x115: {  	_ =	swait.ge [sflag:s25], $0x4000  }
0x116: {  	[sflag:s25] =	ssyncset.done $0x0  }
0x117: {  	s9 =	simm.s32 $0x0;
	[sflag:s25] =	ssyncadd.s32 $0xFFFFC000  }
0x118: {  	v6 =	vld [tilespmem:s9+$0x4000]  }
0x119: {  	v8 =	vld [tilespmem:s9+$0x4010]  }
0x11a: {  	v7 =	vld [tilespmem:s9+$0x4020]  }
0x11b: {  	v5 =	vld [tilespmem:s9+$0x4030]  }
0x11c: {  	v3 =	vld [tilespmem:s9+$0x4040]  }
0x11d: {  	v4 =	vld [tilespmem:s9+$0x4050];
	v9 =	vmul.f32 v6, v2  }
0x11e: {  	s10 =	simm.s32 $0x200;
	v8 =	vmul.f32 v8, v2;
	v6 =	vld [tilespmem:s9+$0x4060]  }
.LBB2_10:
0x11f: {  	s11 =	sshra.s32 s10, $0x2;
	p0 =	sne.s32 s10, $0xFE00;
	[tilespmem:s9+$0x4000] =	vst v9;
	v7 =	vmul.f32 v7, v2;
	v9 =	vld [tilespmem:s9+$0x4070]  }
0x120: {  	v10 =	vld [tilespmem:s11+$0x4000];
	[tilespmem:s9+$0x4010] =	vst v8;
	v5 =	vmul.f32 v5, v2  }
0x121: {  	v8 =	vld [tilespmem:s11+$0x4010];
	[tilespmem:s9+$0x4020] =	vst v7;
	v3 =	vmul.f32 v3, v2  }
.Ltmp4:
0x122: {  	v7 =	vld [tilespmem:s11+$0x4020];
	[tilespmem:s9+$0x4030] =	vst v5;
	v4 =	vmul.f32 v4, v2;
	(pc) =	sbr.rel @p0 .LBB2_10-.Ltmp4, $4  }
0x123: {  	v5 =	vld [tilespmem:s11+$0x4030];
	[tilespmem:s9+$0x4040] =	vst v3;
	v6 =	vmul.f32 v6, v2  }
0x124: {  	v3 =	vld [tilespmem:s11+$0x4040];
	[tilespmem:s9+$0x4050] =	vst v4;
	v11 =	vmul.f32 v9, v2  }
0x125: {  	v9 =	vmul.f32 v10, v2;
	v4 =	vld [tilespmem:s11+$0x4050];
	[tilespmem:s9+$0x4060] =	vst v6  }
0x126: {  	s10 =	sadd.s32 $0x200, s10;
	v8 =	vmul.f32 v8, v2;
	v6 =	vld [tilespmem:s11+$0x4060];
	[tilespmem:s9+$0x4070] =	vst v11;
	s9 =	smov.u32 s11  }
0x127: {  	[tilespmem:s9+$0x4000] =	vst v9;
	v7 =	vmul.f32 v7, v2;
	v9 =	vld [tilespmem:s9+$0x4070]  }
0x128: {  	[tilespmem:s9+$0x4010] =	vst v8;
	v5 =	vmul.f32 v5, v2  }
0x129: {  	[tilespmem:s9+$0x4020] =	vst v7;
	v3 =	vmul.f32 v3, v2  }
0x12a: {  	[tilespmem:s9+$0x4030] =	vst v5;
	v4 =	vmul.f32 v4, v2  }
0x12b: {  	[tilespmem:s9+$0x4040] =	vst v3;
	v3 =	vmul.f32 v6, v2  }
0x12c: {  	[tilespmem:s9+$0x4050] =	vst v4;
	v4 =	vmul.f32 v9, v2  }
0x12d: {  	[tilespmem:s9+$0x4060] =	vst v3  }
0x12e: {  	s11 =	simm.s32 $0x0;
	s10 =	rddreg [dreg:$0x9];
	[tilespmem:s9+$0x4070] =	vst v4  }
0x12f: {  	[hbm4b:s10+s11] =	stream.linear.scatter [tilespmem:s30], [sflag:$0x5], $0x4000, $0x38;
	[tilespmem:$0xD380] =	vst v63  }
0x130: {  	_ =	swait.ge [sflag:s4], $0x4000  }
0x131: {  	[sflag:s4] =	ssyncset.done $0x0  }
0x132: {  	v3 =	vor.u32 v58, v1;
	[sflag:s4] =	ssyncadd.s32 $0xFFFFC000  }
0x133: {  	[tilespmem:$0xD280] =	vst v3;
	v3 =	vor.u32 v59, v1  }
0x134: {  	[tilespmem:$0xD290] =	vst v3;
	v3 =	vor.u32 v60, v1  }
0x135: {  	[tilespmem:$0xD2A0] =	vst v3;
	v3 =	vor.u32 v61, v1  }
0x136: {  	[tilespmem:$0xD2B0] =	vst v3;
	v3 =	vor.u32 v62, v1  }
0x137: {  	v4 =	vor.u32 $0x3E0, v0;
	[tilespmem:$0xD2C0] =	vst v3;
	v3 =	vor.u32 v63, v1  }
0x138: {  	[tilespmem:$0xD2D0] =	vst v3;
	v3 =	vor.u32 v4, v1;
	v4 =	vor.u32 $0x3F0, v0  }
0x139: {  	[tilespmem:$0xD2E0] =	vst v3;
	v3 =	vor.u32 v4, v1  }
0x13a: {  	[tilespmem:$0xD2F0] =	vst v3  }
0x13b: {  	[tilespmem:s30], [sflag:$0x2] =	stream.indirect.gather [hbm4b:s1+s26], $0x80, s29, s26, $0xb8;
	[tilespmem:$0xD380] =	vst v63  }
0x13c: {  	_ =	swait.ge [sflag:s5], $0x4000  }
0x13d: {  	[sflag:s5] =	ssyncset.done $0x0  }
0x13e: {  	s9 =	simm.s32 $0x0;
	[sflag:s5] =	ssyncadd.s32 $0xFFFFC000  }
0x13f: {  	v6 =	vld [tilespmem:s9+$0x8000]  }
0x140: {  	v8 =	vld [tilespmem:s9+$0x8010]  }
0x141: {  	v7 =	vld [tilespmem:s9+$0x8020]  }
0x142: {  	v5 =	vld [tilespmem:s9+$0x8030]  }
0x143: {  	v3 =	vld [tilespmem:s9+$0x8040]  }
0x144: {  	v4 =	vld [tilespmem:s9+$0x8050];
	v9 =	vmul.f32 v6, v2  }
0x145: {  	s10 =	simm.s32 $0x200;
	v8 =	vmul.f32 v8, v2;
	v6 =	vld [tilespmem:s9+$0x8060]  }
.LBB2_12:
0x146: {  	s11 =	sshra.s32 s10, $0x2;
	p0 =	sne.s32 s10, $0xFE00;
	[tilespmem:s9+$0x8000] =	vst v9;
	v7 =	vmul.f32 v7, v2;
	v9 =	vld [tilespmem:s9+$0x8070]  }
0x147: {  	v10 =	vld [tilespmem:s11+$0x8000];
	[tilespmem:s9+$0x8010] =	vst v8;
	v5 =	vmul.f32 v5, v2  }
0x148: {  	v8 =	vld [tilespmem:s11+$0x8010];
	[tilespmem:s9+$0x8020] =	vst v7;
	v3 =	vmul.f32 v3, v2  }
.Ltmp5:
0x149: {  	v7 =	vld [tilespmem:s11+$0x8020];
	[tilespmem:s9+$0x8030] =	vst v5;
	v4 =	vmul.f32 v4, v2;
	(pc) =	sbr.rel @p0 .LBB2_12-.Ltmp5, $4  }
0x14a: {  	v5 =	vld [tilespmem:s11+$0x8030];
	[tilespmem:s9+$0x8040] =	vst v3;
	v6 =	vmul.f32 v6, v2  }
0x14b: {  	v3 =	vld [tilespmem:s11+$0x8040];
	[tilespmem:s9+$0x8050] =	vst v4;
	v11 =	vmul.f32 v9, v2  }
0x14c: {  	v9 =	vmul.f32 v10, v2;
	v4 =	vld [tilespmem:s11+$0x8050];
	[tilespmem:s9+$0x8060] =	vst v6  }
0x14d: {  	s10 =	sadd.s32 $0x200, s10;
	v8 =	vmul.f32 v8, v2;
	v6 =	vld [tilespmem:s11+$0x8060];
	[tilespmem:s9+$0x8070] =	vst v11;
	s9 =	smov.u32 s11  }
0x14e: {  	[tilespmem:s9+$0x8000] =	vst v9;
	v7 =	vmul.f32 v7, v2;
	v9 =	vld [tilespmem:s9+$0x8070]  }
0x14f: {  	[tilespmem:s9+$0x8010] =	vst v8;
	v5 =	vmul.f32 v5, v2  }
0x150: {  	[tilespmem:s9+$0x8020] =	vst v7;
	v3 =	vmul.f32 v3, v2  }
0x151: {  	[tilespmem:s9+$0x8030] =	vst v5;
	v4 =	vmul.f32 v4, v2  }
0x152: {  	[tilespmem:s9+$0x8040] =	vst v3;
	v3 =	vmul.f32 v6, v2  }
0x153: {  	[tilespmem:s9+$0x8050] =	vst v4;
	v4 =	vmul.f32 v9, v2  }
0x154: {  	[tilespmem:s9+$0x8060] =	vst v3  }
0x155: {  	s11 =	simm.s32 $0x0;
	s10 =	rddreg [dreg:$0xa];
	[tilespmem:s9+$0x8070] =	vst v4  }
0x156: {  	[hbm4b:s10+s11] =	stream.linear.scatter [tilespmem:s2], [sflag:$0x6], $0x4000, $0x38;
	[tilespmem:$0xD380] =	vst v63  }
0x157: {  	_ =	swait.ge [sflag:s7], $0x4000  }
0x158: {  	v3 =	vor.u32 $0x400, v0;
	[sflag:s7] =	ssyncset.done $0x0  }
0x159: {  	v3 =	vor.u32 v3, v1;
	v4 =	vor.u32 $0x410, v0;
	[sflag:s7] =	ssyncadd.s32 $0xFFFFC000  }
0x15a: {  	[tilespmem:$0xD300] =	vst v3;
	v3 =	vor.u32 v4, v1;
	v4 =	vor.u32 $0x420, v0  }
0x15b: {  	[tilespmem:$0xD310] =	vst v3;
	v3 =	vor.u32 v4, v1;
	v4 =	vor.u32 $0x430, v0  }
0x15c: {  	[tilespmem:$0xD320] =	vst v3;
	v3 =	vor.u32 v4, v1;
	v4 =	vor.u32 $0x440, v0  }
0x15d: {  	[tilespmem:$0xD330] =	vst v3;
	v3 =	vor.u32 v4, v1;
	v4 =	vor.u32 $0x450, v0  }
0x15e: {  	[tilespmem:$0xD340] =	vst v3;
	v3 =	vor.u32 v4, v1;
	v4 =	vor.u32 $0x460, v0  }
0x15f: {  	[tilespmem:$0xD350] =	vst v3;
	v3 =	vor.u32 v4, v1;
	v4 =	vor.u32 $0x470, v0  }
0x160: {  	[tilespmem:$0xD360] =	vst v3;
	v3 =	vor.u32 v4, v1  }
0x161: {  	[tilespmem:$0xD370] =	vst v3  }
0x162: {  	[tilespmem:s2], [sflag:$0x3] =	stream.indirect.gather [hbm4b:s1+s26], $0x80, s31, s26, $0xb8;
	[tilespmem:$0xD380] =	vst v63  }
0x163: {  	_ =	swait.ge [sflag:s0], $0x4000  }
0x164: {  	[sflag:s0] =	ssyncset.done $0x0  }
0x165: {  	s9 =	simm.s32 $0x0;
	[sflag:s0] =	ssyncadd.s32 $0xFFFFC000  }
0x166: {  	v6 =	vld [tilespmem:s9+$0x0]  }
0x167: {  	v8 =	vld [tilespmem:s9+$0x10]  }
0x168: {  	v7 =	vld [tilespmem:s9+$0x20]  }
0x169: {  	v5 =	vld [tilespmem:s9+$0x30]  }
0x16a: {  	v3 =	vld [tilespmem:s9+$0x40]  }
0x16b: {  	v4 =	vld [tilespmem:s9+$0x50];
	v9 =	vmul.f32 v6, v2  }
0x16c: {  	s10 =	simm.s32 $0x200;
	v8 =	vmul.f32 v8, v2;
	v6 =	vld [tilespmem:s9+$0x60]  }
.LBB2_14:
0x16d: {  	s11 =	sshra.s32 s10, $0x2;
	p0 =	sne.s32 s10, $0xFE00;
	[tilespmem:s9+$0x0] =	vst v9;
	v7 =	vmul.f32 v7, v2;
	v9 =	vld [tilespmem:s9+$0x70]  }
0x16e: {  	v10 =	vld [tilespmem:s11+$0x0];
	[tilespmem:s9+$0x10] =	vst v8;
	v5 =	vmul.f32 v5, v2  }
0x16f: {  	v8 =	vld [tilespmem:s11+$0x10];
	[tilespmem:s9+$0x20] =	vst v7;
	v3 =	vmul.f32 v3, v2  }
.Ltmp6:
0x170: {  	v7 =	vld [tilespmem:s11+$0x20];
	[tilespmem:s9+$0x30] =	vst v5;
	v4 =	vmul.f32 v4, v2;
	(pc) =	sbr.rel @p0 .LBB2_14-.Ltmp6, $4  }
0x171: {  	v5 =	vld [tilespmem:s11+$0x30];
	[tilespmem:s9+$0x40] =	vst v3;
	v6 =	vmul.f32 v6, v2  }
0x172: {  	v3 =	vld [tilespmem:s11+$0x40];
	[tilespmem:s9+$0x50] =	vst v4;
	v11 =	vmul.f32 v9, v2  }
0x173: {  	v9 =	vmul.f32 v10, v2;
	v4 =	vld [tilespmem:s11+$0x50];
	[tilespmem:s9+$0x60] =	vst v6  }
0x174: {  	s10 =	sadd.s32 $0x200, s10;
	v8 =	vmul.f32 v8, v2;
	v6 =	vld [tilespmem:s11+$0x60];
	[tilespmem:s9+$0x70] =	vst v11;
	s9 =	smov.u32 s11  }
0x175: {  	[tilespmem:s9+$0x0] =	vst v9;
	v7 =	vmul.f32 v7, v2;
	v9 =	vld [tilespmem:s9+$0x70]  }
0x176: {  	[tilespmem:s9+$0x10] =	vst v8;
	v5 =	vmul.f32 v5, v2  }
0x177: {  	[tilespmem:s9+$0x20] =	vst v7;
	v3 =	vmul.f32 v3, v2  }
0x178: {  	[tilespmem:s9+$0x30] =	vst v5;
	v4 =	vmul.f32 v4, v2  }
0x179: {  	[tilespmem:s9+$0x40] =	vst v3;
	v3 =	vmul.f32 v6, v2  }
0x17a: {  	[tilespmem:s9+$0x50] =	vst v4;
	v4 =	vmul.f32 v9, v2  }
0x17b: {  	[tilespmem:s9+$0x60] =	vst v3  }
0x17c: {  	s11 =	simm.s32 $0x0;
	[tilespmem:s9+$0x70] =	vst v4  }
0x17d: {  	[hbm4b:s12+s11] =	stream.linear.scatter [tilespmem:s11], [sflag:$0x4], $0x4000, $0x38;
	[tilespmem:$0xD380] =	vst v63  }
0x17e: {  	_ =	swait.ge [sflag:s23], $0x4000  }
0x17f: {  	v3 =	vor.u32 $0x480, v0;
	[sflag:s23] =	ssyncset.done $0x0  }
0x180: {  	v3 =	vor.u32 v3, v1;
	v4 =	vor.u32 $0x490, v0;
	[sflag:s23] =	ssyncadd.s32 $0xFFFFC000  }
0x181: {  	[tilespmem:$0xD200] =	vst v3;
	v3 =	vor.u32 v4, v1;
	v4 =	vor.u32 $0x4A0, v0  }
0x182: {  	[tilespmem:$0xD210] =	vst v3;
	v3 =	vor.u32 v4, v1;
	v4 =	vor.u32 $0x4B0, v0  }
0x183: {  	[tilespmem:$0xD220] =	vst v3;
	v3 =	vor.u32 v4, v1;
	v4 =	vor.u32 $0x4C0, v0  }
0x184: {  	[tilespmem:$0xD230] =	vst v3;
	v3 =	vor.u32 v4, v1;
	v4 =	vor.u32 $0x4D0, v0  }
0x185: {  	[tilespmem:$0xD240] =	vst v3;
	v3 =	vor.u32 v4, v1;
	v4 =	vor.u32 $0x4E0, v0  }
0x186: {  	[tilespmem:$0xD250] =	vst v3;
	v3 =	vor.u32 v4, v1;
	v4 =	vor.u32 $0x4F0, v0  }
0x187: {  	[tilespmem:$0xD260] =	vst v3;
	v3 =	vor.u32 v4, v1  }
0x188: {  	[tilespmem:$0xD270] =	vst v3  }
0x189: {  	[tilespmem:s11], [sflag:$0x1] =	stream.indirect.gather [hbm4b:s1+s26], $0x80, s28, s26, $0xb8;
	[tilespmem:$0xD380] =	vst v63  }
0x18a: {  	_ =	swait.ge [sflag:s25], $0x4000  }
0x18b: {  	[sflag:s25] =	ssyncset.done $0x0  }
0x18c: {  	s9 =	simm.s32 $0x0;
	[sflag:s25] =	ssyncadd.s32 $0xFFFFC000  }
0x18d: {  	v6 =	vld [tilespmem:s9+$0x4000]  }
0x18e: {  	v8 =	vld [tilespmem:s9+$0x4010]  }
0x18f: {  	v7 =	vld [tilespmem:s9+$0x4020]  }
0x190: {  	v5 =	vld [tilespmem:s9+$0x4030]  }
0x191: {  	v3 =	vld [tilespmem:s9+$0x4040]  }
0x192: {  	v4 =	vld [tilespmem:s9+$0x4050];
	v9 =	vmul.f32 v6, v2  }
0x193: {  	s10 =	simm.s32 $0x200;
	v8 =	vmul.f32 v8, v2;
	v6 =	vld [tilespmem:s9+$0x4060]  }
.LBB2_16:
0x194: {  	s11 =	sshra.s32 s10, $0x2;
	p0 =	sne.s32 s10, $0xFE00;
	[tilespmem:s9+$0x4000] =	vst v9;
	v7 =	vmul.f32 v7, v2;
	v9 =	vld [tilespmem:s9+$0x4070]  }
0x195: {  	v10 =	vld [tilespmem:s11+$0x4000];
	[tilespmem:s9+$0x4010] =	vst v8;
	v5 =	vmul.f32 v5, v2  }
0x196: {  	v8 =	vld [tilespmem:s11+$0x4010];
	[tilespmem:s9+$0x4020] =	vst v7;
	v3 =	vmul.f32 v3, v2  }
.Ltmp7:
0x197: {  	v7 =	vld [tilespmem:s11+$0x4020];
	[tilespmem:s9+$0x4030] =	vst v5;
	v4 =	vmul.f32 v4, v2;
	(pc) =	sbr.rel @p0 .LBB2_16-.Ltmp7, $4  }
0x198: {  	v5 =	vld [tilespmem:s11+$0x4030];
	[tilespmem:s9+$0x4040] =	vst v3;
	v6 =	vmul.f32 v6, v2  }
0x199: {  	v3 =	vld [tilespmem:s11+$0x4040];
	[tilespmem:s9+$0x4050] =	vst v4;
	v11 =	vmul.f32 v9, v2  }
0x19a: {  	v9 =	vmul.f32 v10, v2;
	v4 =	vld [tilespmem:s11+$0x4050];
	[tilespmem:s9+$0x4060] =	vst v6  }
0x19b: {  	s10 =	sadd.s32 $0x200, s10;
	v8 =	vmul.f32 v8, v2;
	v6 =	vld [tilespmem:s11+$0x4060];
	[tilespmem:s9+$0x4070] =	vst v11;
	s9 =	smov.u32 s11  }
0x19c: {  	[tilespmem:s9+$0x4000] =	vst v9;
	v7 =	vmul.f32 v7, v2;
	v9 =	vld [tilespmem:s9+$0x4070]  }
0x19d: {  	[tilespmem:s9+$0x4010] =	vst v8;
	v5 =	vmul.f32 v5, v2  }
0x19e: {  	[tilespmem:s9+$0x4020] =	vst v7;
	v3 =	vmul.f32 v3, v2  }
0x19f: {  	[tilespmem:s9+$0x4030] =	vst v5;
	v4 =	vmul.f32 v4, v2  }
0x1a0: {  	[tilespmem:s9+$0x4040] =	vst v3;
	v3 =	vmul.f32 v6, v2  }
0x1a1: {  	[tilespmem:s9+$0x4050] =	vst v4;
	v4 =	vmul.f32 v9, v2  }
0x1a2: {  	[tilespmem:s9+$0x4060] =	vst v3  }
0x1a3: {  	s11 =	simm.s32 $0x0;
	[tilespmem:s9+$0x4070] =	vst v4  }
0x1a4: {  	[hbm4b:s13+s11] =	stream.linear.scatter [tilespmem:s30], [sflag:$0x5], $0x4000, $0x38;
	[tilespmem:$0xD380] =	vst v63  }
0x1a5: {  	_ =	swait.ge [sflag:s4], $0x4000  }
0x1a6: {  	v3 =	vor.u32 $0x500, v0;
	[sflag:s4] =	ssyncset.done $0x0  }
0x1a7: {  	v3 =	vor.u32 v3, v1;
	v4 =	vor.u32 $0x510, v0;
	[sflag:s4] =	ssyncadd.s32 $0xFFFFC000  }
0x1a8: {  	[tilespmem:$0xD280] =	vst v3;
	v3 =	vor.u32 v4, v1;
	v4 =	vor.u32 $0x520, v0  }
0x1a9: {  	[tilespmem:$0xD290] =	vst v3;
	v3 =	vor.u32 v4, v1;
	v4 =	vor.u32 $0x530, v0  }
0x1aa: {  	[tilespmem:$0xD2A0] =	vst v3;
	v3 =	vor.u32 v4, v1;
	v4 =	vor.u32 $0x540, v0  }
0x1ab: {  	[tilespmem:$0xD2B0] =	vst v3;
	v3 =	vor.u32 v4, v1;
	v4 =	vor.u32 $0x550, v0  }
0x1ac: {  	[tilespmem:$0xD2C0] =	vst v3;
	v3 =	vor.u32 v4, v1;
	v4 =	vor.u32 $0x560, v0  }
0x1ad: {  	[tilespmem:$0xD2D0] =	vst v3;
	v3 =	vor.u32 v4, v1;
	v4 =	vor.u32 $0x570, v0  }
0x1ae: {  	[tilespmem:$0xD2E0] =	vst v3;
	v3 =	vor.u32 v4, v1  }
0x1af: {  	[tilespmem:$0xD2F0] =	vst v3  }
0x1b0: {  	[tilespmem:s30], [sflag:$0x2] =	stream.indirect.gather [hbm4b:s1+s26], $0x80, s29, s26, $0xb8;
	[tilespmem:$0xD380] =	vst v63  }
0x1b1: {  	_ =	swait.ge [sflag:s5], $0x4000  }
0x1b2: {  	[sflag:s5] =	ssyncset.done $0x0  }
0x1b3: {  	s9 =	simm.s32 $0x0;
	[sflag:s5] =	ssyncadd.s32 $0xFFFFC000  }
0x1b4: {  	v6 =	vld [tilespmem:s9+$0x8000]  }
0x1b5: {  	v8 =	vld [tilespmem:s9+$0x8010]  }
0x1b6: {  	v7 =	vld [tilespmem:s9+$0x8020]  }
0x1b7: {  	v5 =	vld [tilespmem:s9+$0x8030]  }
0x1b8: {  	v3 =	vld [tilespmem:s9+$0x8040]  }
0x1b9: {  	v4 =	vld [tilespmem:s9+$0x8050];
	v9 =	vmul.f32 v6, v2  }
0x1ba: {  	s10 =	simm.s32 $0x200;
	v8 =	vmul.f32 v8, v2;
	v6 =	vld [tilespmem:s9+$0x8060]  }
.LBB2_18:
0x1bb: {  	s11 =	sshra.s32 s10, $0x2;
	p0 =	sne.s32 s10, $0xFE00;
	[tilespmem:s9+$0x8000] =	vst v9;
	v7 =	vmul.f32 v7, v2;
	v9 =	vld [tilespmem:s9+$0x8070]  }
0x1bc: {  	v10 =	vld [tilespmem:s11+$0x8000];
	[tilespmem:s9+$0x8010] =	vst v8;
	v5 =	vmul.f32 v5, v2  }
0x1bd: {  	v8 =	vld [tilespmem:s11+$0x8010];
	[tilespmem:s9+$0x8020] =	vst v7;
	v3 =	vmul.f32 v3, v2  }
.Ltmp8:
0x1be: {  	v7 =	vld [tilespmem:s11+$0x8020];
	[tilespmem:s9+$0x8030] =	vst v5;
	v4 =	vmul.f32 v4, v2;
	(pc) =	sbr.rel @p0 .LBB2_18-.Ltmp8, $4  }
0x1bf: {  	v5 =	vld [tilespmem:s11+$0x8030];
	[tilespmem:s9+$0x8040] =	vst v3;
	v6 =	vmul.f32 v6, v2  }
0x1c0: {  	v3 =	vld [tilespmem:s11+$0x8040];
	[tilespmem:s9+$0x8050] =	vst v4;
	v11 =	vmul.f32 v9, v2  }
0x1c1: {  	v9 =	vmul.f32 v10, v2;
	v4 =	vld [tilespmem:s11+$0x8050];
	[tilespmem:s9+$0x8060] =	vst v6  }
0x1c2: {  	s10 =	sadd.s32 $0x200, s10;
	v8 =	vmul.f32 v8, v2;
	v6 =	vld [tilespmem:s11+$0x8060];
	[tilespmem:s9+$0x8070] =	vst v11;
	s9 =	smov.u32 s11  }
0x1c3: {  	[tilespmem:s9+$0x8000] =	vst v9;
	v7 =	vmul.f32 v7, v2;
	v9 =	vld [tilespmem:s9+$0x8070]  }
0x1c4: {  	[tilespmem:s9+$0x8010] =	vst v8;
	v5 =	vmul.f32 v5, v2  }
0x1c5: {  	[tilespmem:s9+$0x8020] =	vst v7;
	v3 =	vmul.f32 v3, v2  }
0x1c6: {  	[tilespmem:s9+$0x8030] =	vst v5;
	v4 =	vmul.f32 v4, v2  }
0x1c7: {  	[tilespmem:s9+$0x8040] =	vst v3;
	v3 =	vmul.f32 v6, v2  }
0x1c8: {  	[tilespmem:s9+$0x8050] =	vst v4;
	v4 =	vmul.f32 v9, v2  }
0x1c9: {  	[tilespmem:s9+$0x8060] =	vst v3  }
0x1ca: {  	s11 =	simm.s32 $0x0;
	[tilespmem:s9+$0x8070] =	vst v4  }
0x1cb: {  	[hbm4b:s14+s11] =	stream.linear.scatter [tilespmem:s2], [sflag:$0x6], $0x4000, $0x38;
	[tilespmem:$0xD380] =	vst v63  }
0x1cc: {  	_ =	swait.ge [sflag:s7], $0x4000  }
0x1cd: {  	v3 =	vor.u32 $0x580, v0;
	[sflag:s7] =	ssyncset.done $0x0  }
0x1ce: {  	v3 =	vor.u32 v3, v1;
	v4 =	vor.u32 $0x590, v0;
	[sflag:s7] =	ssyncadd.s32 $0xFFFFC000  }
0x1cf: {  	[tilespmem:$0xD300] =	vst v3;
	v3 =	vor.u32 v4, v1;
	v4 =	vor.u32 $0x5A0, v0  }
0x1d0: {  	[tilespmem:$0xD310] =	vst v3;
	v3 =	vor.u32 v4, v1;
	v4 =	vor.u32 $0x5B0, v0  }
0x1d1: {  	[tilespmem:$0xD320] =	vst v3;
	v3 =	vor.u32 v4, v1;
	v4 =	vor.u32 $0x5C0, v0  }
0x1d2: {  	[tilespmem:$0xD330] =	vst v3;
	v3 =	vor.u32 v4, v1;
	v4 =	vor.u32 $0x5D0, v0  }
0x1d3: {  	[tilespmem:$0xD340] =	vst v3;
	v3 =	vor.u32 v4, v1;
	v4 =	vor.u32 $0x5E0, v0  }
0x1d4: {  	[tilespmem:$0xD350] =	vst v3;
	v3 =	vor.u32 v4, v1;
	v4 =	vor.u32 $0x5F0, v0  }
0x1d5: {  	[tilespmem:$0xD360] =	vst v3;
	v3 =	vor.u32 v4, v1  }
0x1d6: {  	[tilespmem:$0xD370] =	vst v3  }
0x1d7: {  	[tilespmem:s2], [sflag:$0x3] =	stream.indirect.gather [hbm4b:s1+s26], $0x80, s31, s26, $0xb8;
	[tilespmem:$0xD380] =	vst v63  }
0x1d8: {  	_ =	swait.ge [sflag:s0], $0x4000  }
0x1d9: {  	[sflag:s0] =	ssyncset.done $0x0  }
0x1da: {  	s9 =	simm.s32 $0x0;
	[sflag:s0] =	ssyncadd.s32 $0xFFFFC000  }
0x1db: {  	v6 =	vld [tilespmem:s9+$0x0]  }
0x1dc: {  	v8 =	vld [tilespmem:s9+$0x10]  }
0x1dd: {  	v7 =	vld [tilespmem:s9+$0x20]  }
0x1de: {  	v5 =	vld [tilespmem:s9+$0x30]  }
0x1df: {  	v3 =	vld [tilespmem:s9+$0x40]  }
0x1e0: {  	v4 =	vld [tilespmem:s9+$0x50];
	v9 =	vmul.f32 v6, v2  }
0x1e1: {  	s10 =	simm.s32 $0x200;
	v8 =	vmul.f32 v8, v2;
	v6 =	vld [tilespmem:s9+$0x60]  }
.LBB2_20:
0x1e2: {  	s11 =	sshra.s32 s10, $0x2;
	p0 =	sne.s32 s10, $0xFE00;
	[tilespmem:s9+$0x0] =	vst v9;
	v7 =	vmul.f32 v7, v2;
	v9 =	vld [tilespmem:s9+$0x70]  }
0x1e3: {  	v10 =	vld [tilespmem:s11+$0x0];
	[tilespmem:s9+$0x10] =	vst v8;
	v5 =	vmul.f32 v5, v2  }
0x1e4: {  	v8 =	vld [tilespmem:s11+$0x10];
	[tilespmem:s9+$0x20] =	vst v7;
	v3 =	vmul.f32 v3, v2  }
.Ltmp9:
0x1e5: {  	v7 =	vld [tilespmem:s11+$0x20];
	[tilespmem:s9+$0x30] =	vst v5;
	v4 =	vmul.f32 v4, v2;
	(pc) =	sbr.rel @p0 .LBB2_20-.Ltmp9, $4  }
0x1e6: {  	v5 =	vld [tilespmem:s11+$0x30];
	[tilespmem:s9+$0x40] =	vst v3;
	v6 =	vmul.f32 v6, v2  }
0x1e7: {  	v3 =	vld [tilespmem:s11+$0x40];
	[tilespmem:s9+$0x50] =	vst v4;
	v11 =	vmul.f32 v9, v2  }
0x1e8: {  	v9 =	vmul.f32 v10, v2;
	v4 =	vld [tilespmem:s11+$0x50];
	[tilespmem:s9+$0x60] =	vst v6  }
0x1e9: {  	s10 =	sadd.s32 $0x200, s10;
	v8 =	vmul.f32 v8, v2;
	v6 =	vld [tilespmem:s11+$0x60];
	[tilespmem:s9+$0x70] =	vst v11;
	s9 =	smov.u32 s11  }
0x1ea: {  	[tilespmem:s9+$0x0] =	vst v9;
	v7 =	vmul.f32 v7, v2;
	v9 =	vld [tilespmem:s9+$0x70]  }
0x1eb: {  	[tilespmem:s9+$0x10] =	vst v8;
	v5 =	vmul.f32 v5, v2  }
0x1ec: {  	[tilespmem:s9+$0x20] =	vst v7;
	v3 =	vmul.f32 v3, v2  }
0x1ed: {  	[tilespmem:s9+$0x30] =	vst v5;
	v4 =	vmul.f32 v4, v2  }
0x1ee: {  	[tilespmem:s9+$0x40] =	vst v3;
	v3 =	vmul.f32 v6, v2  }
0x1ef: {  	[tilespmem:s9+$0x50] =	vst v4;
	v4 =	vmul.f32 v9, v2  }
0x1f0: {  	[tilespmem:s9+$0x60] =	vst v3  }
0x1f1: {  	s11 =	simm.s32 $0x0;
	[tilespmem:s9+$0x70] =	vst v4  }
0x1f2: {  	[hbm4b:s15+s11] =	stream.linear.scatter [tilespmem:s11], [sflag:$0x4], $0x4000, $0x38;
	[tilespmem:$0xD380] =	vst v63  }
0x1f3: {  	_ =	swait.ge [sflag:s23], $0x4000  }
0x1f4: {  	v3 =	vor.u32 $0x600, v0;
	[sflag:s23] =	ssyncset.done $0x0  }
0x1f5: {  	v3 =	vor.u32 v3, v1;
	v4 =	vor.u32 $0x610, v0;
	[sflag:s23] =	ssyncadd.s32 $0xFFFFC000  }
0x1f6: {  	[tilespmem:$0xD200] =	vst v3;
	v3 =	vor.u32 v4, v1;
	v4 =	vor.u32 $0x620, v0  }
0x1f7: {  	[tilespmem:$0xD210] =	vst v3;
	v3 =	vor.u32 v4, v1;
	v4 =	vor.u32 $0x630, v0  }
0x1f8: {  	[tilespmem:$0xD220] =	vst v3;
	v3 =	vor.u32 v4, v1;
	v4 =	vor.u32 $0x640, v0  }
0x1f9: {  	[tilespmem:$0xD230] =	vst v3;
	v3 =	vor.u32 v4, v1;
	v4 =	vor.u32 $0x650, v0  }
0x1fa: {  	[tilespmem:$0xD240] =	vst v3;
	v3 =	vor.u32 v4, v1;
	v4 =	vor.u32 $0x660, v0  }
0x1fb: {  	[tilespmem:$0xD250] =	vst v3;
	v3 =	vor.u32 v4, v1;
	v4 =	vor.u32 $0x670, v0  }
0x1fc: {  	[tilespmem:$0xD260] =	vst v3;
	v3 =	vor.u32 v4, v1  }
0x1fd: {  	[tilespmem:$0xD270] =	vst v3  }
0x1fe: {  	[tilespmem:s11], [sflag:$0x1] =	stream.indirect.gather [hbm4b:s1+s26], $0x80, s28, s26, $0xb8;
	[tilespmem:$0xD380] =	vst v63  }
0x1ff: {  	_ =	swait.ge [sflag:s25], $0x4000  }
0x200: {  	[sflag:s25] =	ssyncset.done $0x0  }
0x201: {  	s9 =	simm.s32 $0x0;
	[sflag:s25] =	ssyncadd.s32 $0xFFFFC000  }
0x202: {  	v6 =	vld [tilespmem:s9+$0x4000]  }
0x203: {  	v8 =	vld [tilespmem:s9+$0x4010]  }
0x204: {  	v7 =	vld [tilespmem:s9+$0x4020]  }
0x205: {  	v5 =	vld [tilespmem:s9+$0x4030]  }
0x206: {  	v3 =	vld [tilespmem:s9+$0x4040]  }
0x207: {  	v4 =	vld [tilespmem:s9+$0x4050];
	v9 =	vmul.f32 v6, v2  }
0x208: {  	s10 =	simm.s32 $0x200;
	v8 =	vmul.f32 v8, v2;
	v6 =	vld [tilespmem:s9+$0x4060]  }
.LBB2_22:
0x209: {  	s11 =	sshra.s32 s10, $0x2;
	p0 =	sne.s32 s10, $0xFE00;
	[tilespmem:s9+$0x4000] =	vst v9;
	v7 =	vmul.f32 v7, v2;
	v9 =	vld [tilespmem:s9+$0x4070]  }
0x20a: {  	v10 =	vld [tilespmem:s11+$0x4000];
	[tilespmem:s9+$0x4010] =	vst v8;
	v5 =	vmul.f32 v5, v2  }
0x20b: {  	v8 =	vld [tilespmem:s11+$0x4010];
	[tilespmem:s9+$0x4020] =	vst v7;
	v3 =	vmul.f32 v3, v2  }
.Ltmp10:
0x20c: {  	v7 =	vld [tilespmem:s11+$0x4020];
	[tilespmem:s9+$0x4030] =	vst v5;
	v4 =	vmul.f32 v4, v2;
	(pc) =	sbr.rel @p0 .LBB2_22-.Ltmp10, $4  }
0x20d: {  	v5 =	vld [tilespmem:s11+$0x4030];
	[tilespmem:s9+$0x4040] =	vst v3;
	v6 =	vmul.f32 v6, v2  }
0x20e: {  	v3 =	vld [tilespmem:s11+$0x4040];
	[tilespmem:s9+$0x4050] =	vst v4;
	v11 =	vmul.f32 v9, v2  }
0x20f: {  	v9 =	vmul.f32 v10, v2;
	v4 =	vld [tilespmem:s11+$0x4050];
	[tilespmem:s9+$0x4060] =	vst v6  }
0x210: {  	s10 =	sadd.s32 $0x200, s10;
	v8 =	vmul.f32 v8, v2;
	v6 =	vld [tilespmem:s11+$0x4060];
	[tilespmem:s9+$0x4070] =	vst v11;
	s9 =	smov.u32 s11  }
0x211: {  	[tilespmem:s9+$0x4000] =	vst v9;
	v7 =	vmul.f32 v7, v2;
	v9 =	vld [tilespmem:s9+$0x4070]  }
0x212: {  	[tilespmem:s9+$0x4010] =	vst v8;
	v5 =	vmul.f32 v5, v2  }
0x213: {  	[tilespmem:s9+$0x4020] =	vst v7;
	v3 =	vmul.f32 v3, v2  }
0x214: {  	[tilespmem:s9+$0x4030] =	vst v5;
	v4 =	vmul.f32 v4, v2  }
0x215: {  	[tilespmem:s9+$0x4040] =	vst v3;
	v3 =	vmul.f32 v6, v2  }
0x216: {  	[tilespmem:s9+$0x4050] =	vst v4;
	v4 =	vmul.f32 v9, v2  }
0x217: {  	[tilespmem:s9+$0x4060] =	vst v3  }
0x218: {  	s11 =	simm.s32 $0x0;
	[tilespmem:s9+$0x4070] =	vst v4  }
0x219: {  	[hbm4b:s16+s11] =	stream.linear.scatter [tilespmem:s30], [sflag:$0x5], $0x4000, $0x38;
	[tilespmem:$0xD380] =	vst v63  }
0x21a: {  	_ =	swait.ge [sflag:s4], $0x4000  }
0x21b: {  	v3 =	vor.u32 $0x680, v0;
	[sflag:s4] =	ssyncset.done $0x0  }
0x21c: {  	v3 =	vor.u32 v3, v1;
	v4 =	vor.u32 $0x690, v0;
	[sflag:s4] =	ssyncadd.s32 $0xFFFFC000  }
0x21d: {  	[tilespmem:$0xD280] =	vst v3;
	v3 =	vor.u32 v4, v1;
	v4 =	vor.u32 $0x6A0, v0  }
0x21e: {  	[tilespmem:$0xD290] =	vst v3;
	v3 =	vor.u32 v4, v1;
	v4 =	vor.u32 $0x6B0, v0  }
0x21f: {  	[tilespmem:$0xD2A0] =	vst v3;
	v3 =	vor.u32 v4, v1;
	v4 =	vor.u32 $0x6C0, v0  }
0x220: {  	[tilespmem:$0xD2B0] =	vst v3;
	v3 =	vor.u32 v4, v1;
	v4 =	vor.u32 $0x6D0, v0  }
0x221: {  	[tilespmem:$0xD2C0] =	vst v3;
	v3 =	vor.u32 v4, v1;
	v4 =	vor.u32 $0x6E0, v0  }
0x222: {  	[tilespmem:$0xD2D0] =	vst v3;
	v3 =	vor.u32 v4, v1;
	v4 =	vor.u32 $0x6F0, v0  }
0x223: {  	[tilespmem:$0xD2E0] =	vst v3;
	v3 =	vor.u32 v4, v1  }
0x224: {  	[tilespmem:$0xD2F0] =	vst v3  }
0x225: {  	[tilespmem:s30], [sflag:$0x2] =	stream.indirect.gather [hbm4b:s1+s26], $0x80, s29, s26, $0xb8;
	[tilespmem:$0xD380] =	vst v63  }
0x226: {  	_ =	swait.ge [sflag:s5], $0x4000  }
0x227: {  	[sflag:s5] =	ssyncset.done $0x0  }
0x228: {  	s9 =	simm.s32 $0x0;
	[sflag:s5] =	ssyncadd.s32 $0xFFFFC000  }
0x229: {  	v6 =	vld [tilespmem:s9+$0x8000]  }
0x22a: {  	v8 =	vld [tilespmem:s9+$0x8010]  }
0x22b: {  	v7 =	vld [tilespmem:s9+$0x8020]  }
0x22c: {  	v5 =	vld [tilespmem:s9+$0x8030]  }
0x22d: {  	v3 =	vld [tilespmem:s9+$0x8040]  }
0x22e: {  	v4 =	vld [tilespmem:s9+$0x8050];
	v9 =	vmul.f32 v6, v2  }
0x22f: {  	s10 =	simm.s32 $0x200;
	v8 =	vmul.f32 v8, v2;
	v6 =	vld [tilespmem:s9+$0x8060]  }
.LBB2_24:
0x230: {  	s11 =	sshra.s32 s10, $0x2;
	p0 =	sne.s32 s10, $0xFE00;
	[tilespmem:s9+$0x8000] =	vst v9;
	v7 =	vmul.f32 v7, v2;
	v9 =	vld [tilespmem:s9+$0x8070]  }
0x231: {  	v10 =	vld [tilespmem:s11+$0x8000];
	[tilespmem:s9+$0x8010] =	vst v8;
	v5 =	vmul.f32 v5, v2  }
0x232: {  	v8 =	vld [tilespmem:s11+$0x8010];
	[tilespmem:s9+$0x8020] =	vst v7;
	v3 =	vmul.f32 v3, v2  }
.Ltmp11:
0x233: {  	v7 =	vld [tilespmem:s11+$0x8020];
	[tilespmem:s9+$0x8030] =	vst v5;
	v4 =	vmul.f32 v4, v2;
	(pc) =	sbr.rel @p0 .LBB2_24-.Ltmp11, $4  }
0x234: {  	v5 =	vld [tilespmem:s11+$0x8030];
	[tilespmem:s9+$0x8040] =	vst v3;
	v6 =	vmul.f32 v6, v2  }
0x235: {  	v3 =	vld [tilespmem:s11+$0x8040];
	[tilespmem:s9+$0x8050] =	vst v4;
	v11 =	vmul.f32 v9, v2  }
0x236: {  	v9 =	vmul.f32 v10, v2;
	v4 =	vld [tilespmem:s11+$0x8050];
	[tilespmem:s9+$0x8060] =	vst v6  }
0x237: {  	s10 =	sadd.s32 $0x200, s10;
	v8 =	vmul.f32 v8, v2;
	v6 =	vld [tilespmem:s11+$0x8060];
	[tilespmem:s9+$0x8070] =	vst v11;
	s9 =	smov.u32 s11  }
0x238: {  	[tilespmem:s9+$0x8000] =	vst v9;
	v7 =	vmul.f32 v7, v2;
	v9 =	vld [tilespmem:s9+$0x8070]  }
0x239: {  	[tilespmem:s9+$0x8010] =	vst v8;
	v5 =	vmul.f32 v5, v2  }
0x23a: {  	[tilespmem:s9+$0x8020] =	vst v7;
	v3 =	vmul.f32 v3, v2  }
0x23b: {  	[tilespmem:s9+$0x8030] =	vst v5;
	v4 =	vmul.f32 v4, v2  }
0x23c: {  	[tilespmem:s9+$0x8040] =	vst v3;
	v3 =	vmul.f32 v6, v2  }
0x23d: {  	[tilespmem:s9+$0x8050] =	vst v4;
	v4 =	vmul.f32 v9, v2  }
0x23e: {  	[tilespmem:s9+$0x8060] =	vst v3  }
0x23f: {  	s11 =	simm.s32 $0x0;
	[tilespmem:s9+$0x8070] =	vst v4  }
0x240: {  	[hbm4b:s17+s11] =	stream.linear.scatter [tilespmem:s2], [sflag:$0x6], $0x4000, $0x38;
	[tilespmem:$0xD380] =	vst v63  }
0x241: {  	_ =	swait.ge [sflag:s7], $0x4000  }
0x242: {  	v3 =	vor.u32 $0x700, v0;
	[sflag:s7] =	ssyncset.done $0x0  }
0x243: {  	v3 =	vor.u32 v3, v1;
	v4 =	vor.u32 $0x710, v0;
	[sflag:s7] =	ssyncadd.s32 $0xFFFFC000  }
0x244: {  	[tilespmem:$0xD300] =	vst v3;
	v3 =	vor.u32 v4, v1;
	v4 =	vor.u32 $0x720, v0  }
0x245: {  	[tilespmem:$0xD310] =	vst v3;
	v3 =	vor.u32 v4, v1;
	v4 =	vor.u32 $0x730, v0  }
0x246: {  	[tilespmem:$0xD320] =	vst v3;
	v3 =	vor.u32 v4, v1;
	v4 =	vor.u32 $0x740, v0  }
0x247: {  	[tilespmem:$0xD330] =	vst v3;
	v3 =	vor.u32 v4, v1;
	v4 =	vor.u32 $0x750, v0  }
0x248: {  	[tilespmem:$0xD340] =	vst v3;
	v3 =	vor.u32 v4, v1;
	v4 =	vor.u32 $0x760, v0  }
0x249: {  	[tilespmem:$0xD350] =	vst v3;
	v3 =	vor.u32 v4, v1;
	v4 =	vor.u32 $0x770, v0  }
0x24a: {  	[tilespmem:$0xD360] =	vst v3;
	v3 =	vor.u32 v4, v1  }
0x24b: {  	[tilespmem:$0xD370] =	vst v3  }
0x24c: {  	[tilespmem:s2], [sflag:$0x3] =	stream.indirect.gather [hbm4b:s1+s26], $0x80, s31, s26, $0xb8;
	[tilespmem:$0xD380] =	vst v63  }
0x24d: {  	_ =	swait.ge [sflag:s0], $0x4000  }
0x24e: {  	[sflag:s0] =	ssyncset.done $0x0  }
0x24f: {  	s9 =	simm.s32 $0x0;
	[sflag:s0] =	ssyncadd.s32 $0xFFFFC000  }
0x250: {  	v6 =	vld [tilespmem:s9+$0x0]  }
0x251: {  	v8 =	vld [tilespmem:s9+$0x10]  }
0x252: {  	v7 =	vld [tilespmem:s9+$0x20]  }
0x253: {  	v5 =	vld [tilespmem:s9+$0x30]  }
0x254: {  	v3 =	vld [tilespmem:s9+$0x40]  }
0x255: {  	v4 =	vld [tilespmem:s9+$0x50];
	v9 =	vmul.f32 v6, v2  }
0x256: {  	s10 =	simm.s32 $0x200;
	v8 =	vmul.f32 v8, v2;
	v6 =	vld [tilespmem:s9+$0x60]  }
.LBB2_26:
0x257: {  	s11 =	sshra.s32 s10, $0x2;
	p0 =	sne.s32 s10, $0xFE00;
	[tilespmem:s9+$0x0] =	vst v9;
	v7 =	vmul.f32 v7, v2;
	v9 =	vld [tilespmem:s9+$0x70]  }
0x258: {  	v10 =	vld [tilespmem:s11+$0x0];
	[tilespmem:s9+$0x10] =	vst v8;
	v5 =	vmul.f32 v5, v2  }
0x259: {  	v8 =	vld [tilespmem:s11+$0x10];
	[tilespmem:s9+$0x20] =	vst v7;
	v3 =	vmul.f32 v3, v2  }
.Ltmp12:
0x25a: {  	v7 =	vld [tilespmem:s11+$0x20];
	[tilespmem:s9+$0x30] =	vst v5;
	v4 =	vmul.f32 v4, v2;
	(pc) =	sbr.rel @p0 .LBB2_26-.Ltmp12, $4  }
0x25b: {  	v5 =	vld [tilespmem:s11+$0x30];
	[tilespmem:s9+$0x40] =	vst v3;
	v6 =	vmul.f32 v6, v2  }
0x25c: {  	v3 =	vld [tilespmem:s11+$0x40];
	[tilespmem:s9+$0x50] =	vst v4;
	v11 =	vmul.f32 v9, v2  }
0x25d: {  	v9 =	vmul.f32 v10, v2;
	v4 =	vld [tilespmem:s11+$0x50];
	[tilespmem:s9+$0x60] =	vst v6  }
0x25e: {  	s10 =	sadd.s32 $0x200, s10;
	v8 =	vmul.f32 v8, v2;
	v6 =	vld [tilespmem:s11+$0x60];
	[tilespmem:s9+$0x70] =	vst v11;
	s9 =	smov.u32 s11  }
0x25f: {  	[tilespmem:s9+$0x0] =	vst v9;
	v7 =	vmul.f32 v7, v2;
	v9 =	vld [tilespmem:s9+$0x70]  }
0x260: {  	[tilespmem:s9+$0x10] =	vst v8;
	v5 =	vmul.f32 v5, v2  }
0x261: {  	[tilespmem:s9+$0x20] =	vst v7;
	v3 =	vmul.f32 v3, v2  }
0x262: {  	[tilespmem:s9+$0x30] =	vst v5;
	v4 =	vmul.f32 v4, v2  }
0x263: {  	[tilespmem:s9+$0x40] =	vst v3;
	v3 =	vmul.f32 v6, v2  }
0x264: {  	[tilespmem:s9+$0x50] =	vst v4;
	v4 =	vmul.f32 v9, v2  }
0x265: {  	[tilespmem:s9+$0x60] =	vst v3  }
0x266: {  	s11 =	simm.s32 $0x0;
	[tilespmem:s9+$0x70] =	vst v4  }
0x267: {  	[hbm4b:s18+s11] =	stream.linear.scatter [tilespmem:s11], [sflag:$0x4], $0x4000, $0x38;
	[tilespmem:$0xD380] =	vst v63  }
0x268: {  	_ =	swait.ge [sflag:s23], $0x4000  }
0x269: {  	v3 =	vor.u32 $0x780, v0;
	[sflag:s23] =	ssyncset.done $0x0  }
0x26a: {  	v3 =	vor.u32 v3, v1;
	v4 =	vor.u32 $0x790, v0;
	[sflag:s23] =	ssyncadd.s32 $0xFFFFC000  }
0x26b: {  	[tilespmem:$0xD200] =	vst v3;
	v3 =	vor.u32 v4, v1;
	v4 =	vor.u32 $0x7A0, v0  }
0x26c: {  	[tilespmem:$0xD210] =	vst v3;
	v3 =	vor.u32 v4, v1;
	v4 =	vor.u32 $0x7B0, v0  }
0x26d: {  	[tilespmem:$0xD220] =	vst v3;
	v3 =	vor.u32 v4, v1;
	v4 =	vor.u32 $0x7C0, v0  }
0x26e: {  	[tilespmem:$0xD230] =	vst v3;
	v3 =	vor.u32 v4, v1;
	v4 =	vor.u32 $0x7D0, v0  }
0x26f: {  	[tilespmem:$0xD240] =	vst v3;
	v3 =	vor.u32 v4, v1;
	v4 =	vor.u32 $0x7E0, v0  }
0x270: {  	[tilespmem:$0xD250] =	vst v3;
	v3 =	vor.u32 v4, v1;
	v4 =	vor.u32 $0x7F0, v0  }
0x271: {  	[tilespmem:$0xD260] =	vst v3;
	v1 =	vor.u32 v4, v1  }
0x272: {  	[tilespmem:$0xD270] =	vst v1  }
0x273: {  	[tilespmem:s11], [sflag:$0x1] =	stream.indirect.gather [hbm4b:s1+s26], $0x80, s28, s26, $0xb8;
	[tilespmem:$0xD380] =	vst v63  }
0x274: {  	_ =	swait.ge [sflag:s25], $0x4000  }
0x275: {  	[sflag:s25] =	ssyncset.done $0x0  }
0x276: {  	s9 =	simm.s32 $0x0;
	[sflag:s25] =	ssyncadd.s32 $0xFFFFC000  }
0x277: {  	v5 =	vld [tilespmem:s9+$0x4000]  }
0x278: {  	v7 =	vld [tilespmem:s9+$0x4010]  }
0x279: {  	v6 =	vld [tilespmem:s9+$0x4020]  }
0x27a: {  	v4 =	vld [tilespmem:s9+$0x4030]  }
0x27b: {  	v1 =	vld [tilespmem:s9+$0x4040]  }
0x27c: {  	v3 =	vld [tilespmem:s9+$0x4050];
	v8 =	vmul.f32 v5, v2  }
0x27d: {  	s10 =	simm.s32 $0x200;
	v7 =	vmul.f32 v7, v2;
	v5 =	vld [tilespmem:s9+$0x4060]  }
.LBB2_28:
0x27e: {  	s11 =	sshra.s32 s10, $0x2;
	p0 =	sne.s32 s10, $0xFE00;
	[tilespmem:s9+$0x4000] =	vst v8;
	v6 =	vmul.f32 v6, v2;
	v8 =	vld [tilespmem:s9+$0x4070]  }
0x27f: {  	v9 =	vld [tilespmem:s11+$0x4000];
	[tilespmem:s9+$0x4010] =	vst v7;
	v4 =	vmul.f32 v4, v2  }
0x280: {  	v7 =	vld [tilespmem:s11+$0x4010];
	[tilespmem:s9+$0x4020] =	vst v6;
	v1 =	vmul.f32 v1, v2  }
.Ltmp13:
0x281: {  	v6 =	vld [tilespmem:s11+$0x4020];
	[tilespmem:s9+$0x4030] =	vst v4;
	v3 =	vmul.f32 v3, v2;
	(pc) =	sbr.rel @p0 .LBB2_28-.Ltmp13, $4  }
0x282: {  	v4 =	vld [tilespmem:s11+$0x4030];
	[tilespmem:s9+$0x4040] =	vst v1;
	v5 =	vmul.f32 v5, v2  }
0x283: {  	v1 =	vld [tilespmem:s11+$0x4040];
	[tilespmem:s9+$0x4050] =	vst v3;
	v10 =	vmul.f32 v8, v2  }
0x284: {  	v8 =	vmul.f32 v9, v2;
	v3 =	vld [tilespmem:s11+$0x4050];
	[tilespmem:s9+$0x4060] =	vst v5  }
0x285: {  	s10 =	sadd.s32 $0x200, s10;
	v7 =	vmul.f32 v7, v2;
	v5 =	vld [tilespmem:s11+$0x4060];
	[tilespmem:s9+$0x4070] =	vst v10;
	s9 =	smov.u32 s11  }
0x286: {  	[tilespmem:s9+$0x4000] =	vst v8;
	v6 =	vmul.f32 v6, v2;
	v8 =	vld [tilespmem:s9+$0x4070]  }
0x287: {  	[tilespmem:s9+$0x4010] =	vst v7;
	v4 =	vmul.f32 v4, v2  }
0x288: {  	[tilespmem:s9+$0x4020] =	vst v6;
	v1 =	vmul.f32 v1, v2  }
0x289: {  	[tilespmem:s9+$0x4030] =	vst v4;
	v3 =	vmul.f32 v3, v2  }
0x28a: {  	[tilespmem:s9+$0x4040] =	vst v1;
	v1 =	vmul.f32 v5, v2  }
0x28b: {  	[tilespmem:s9+$0x4050] =	vst v3;
	v3 =	vmul.f32 v8, v2  }
0x28c: {  	[tilespmem:s9+$0x4060] =	vst v1  }
0x28d: {  	s11 =	simm.s32 $0x0;
	[tilespmem:s9+$0x4070] =	vst v3  }
0x28e: {  	[hbm4b:s19+s11] =	stream.linear.scatter [tilespmem:s30], [sflag:$0x5], $0x4000, $0x38;
	[tilespmem:$0xD380] =	vst v63  }
0x28f: {  	_ =	swait.ge [sflag:s5], $0x4000  }
0x290: {  	[sflag:s5] =	ssyncset.done $0x0  }
0x291: {  	s9 =	simm.s32 $0x0;
	[sflag:s5] =	ssyncadd.s32 $0xFFFFC000  }
0x292: {  	v5 =	vld [tilespmem:s9+$0x8000]  }
0x293: {  	v7 =	vld [tilespmem:s9+$0x8010]  }
0x294: {  	v6 =	vld [tilespmem:s9+$0x8020]  }
0x295: {  	v4 =	vld [tilespmem:s9+$0x8030]  }
0x296: {  	v1 =	vld [tilespmem:s9+$0x8040]  }
0x297: {  	v3 =	vld [tilespmem:s9+$0x8050];
	v8 =	vmul.f32 v5, v2  }
0x298: {  	s10 =	simm.s32 $0x200;
	v7 =	vmul.f32 v7, v2;
	v5 =	vld [tilespmem:s9+$0x8060]  }
.LBB2_30:
0x299: {  	s11 =	sshra.s32 s10, $0x2;
	p0 =	sne.s32 s10, $0xFE00;
	[tilespmem:s9+$0x8000] =	vst v8;
	v6 =	vmul.f32 v6, v2;
	v8 =	vld [tilespmem:s9+$0x8070]  }
0x29a: {  	v9 =	vld [tilespmem:s11+$0x8000];
	[tilespmem:s9+$0x8010] =	vst v7;
	v4 =	vmul.f32 v4, v2  }
0x29b: {  	v7 =	vld [tilespmem:s11+$0x8010];
	[tilespmem:s9+$0x8020] =	vst v6;
	v1 =	vmul.f32 v1, v2  }
.Ltmp14:
0x29c: {  	v6 =	vld [tilespmem:s11+$0x8020];
	[tilespmem:s9+$0x8030] =	vst v4;
	v3 =	vmul.f32 v3, v2;
	(pc) =	sbr.rel @p0 .LBB2_30-.Ltmp14, $4  }
0x29d: {  	v4 =	vld [tilespmem:s11+$0x8030];
	[tilespmem:s9+$0x8040] =	vst v1;
	v5 =	vmul.f32 v5, v2  }
0x29e: {  	v1 =	vld [tilespmem:s11+$0x8040];
	[tilespmem:s9+$0x8050] =	vst v3;
	v10 =	vmul.f32 v8, v2  }
0x29f: {  	v8 =	vmul.f32 v9, v2;
	v3 =	vld [tilespmem:s11+$0x8050];
	[tilespmem:s9+$0x8060] =	vst v5  }
0x2a0: {  	s10 =	sadd.s32 $0x200, s10;
	v7 =	vmul.f32 v7, v2;
	v5 =	vld [tilespmem:s11+$0x8060];
	[tilespmem:s9+$0x8070] =	vst v10;
	s9 =	smov.u32 s11  }
0x2a1: {  	[tilespmem:s9+$0x8000] =	vst v8;
	v6 =	vmul.f32 v6, v2;
	v8 =	vld [tilespmem:s9+$0x8070]  }
0x2a2: {  	[tilespmem:s9+$0x8010] =	vst v7;
	v4 =	vmul.f32 v4, v2  }
0x2a3: {  	[tilespmem:s9+$0x8020] =	vst v6;
	v1 =	vmul.f32 v1, v2  }
0x2a4: {  	[tilespmem:s9+$0x8030] =	vst v4;
	v3 =	vmul.f32 v3, v2  }
0x2a5: {  	[tilespmem:s9+$0x8040] =	vst v1;
	v1 =	vmul.f32 v5, v2  }
0x2a6: {  	[tilespmem:s9+$0x8050] =	vst v3;
	v3 =	vmul.f32 v8, v2  }
0x2a7: {  	[tilespmem:s9+$0x8060] =	vst v1  }
0x2a8: {  	s11 =	simm.s32 $0x0;
	[tilespmem:s9+$0x8070] =	vst v3  }
0x2a9: {  	[hbm4b:s20+s11] =	stream.linear.scatter [tilespmem:s2], [sflag:$0x6], $0x4000, $0x38;
	[tilespmem:$0xD380] =	vst v63  }
0x2aa: {  	_ =	swait.ge [sflag:s0], $0x4000  }
0x2ab: {  	[sflag:s0] =	ssyncset.done $0x0  }
0x2ac: {  	s9 =	simm.s32 $0x0;
	[sflag:s0] =	ssyncadd.s32 $0xFFFFC000  }
0x2ad: {  	v5 =	vld [tilespmem:s9+$0x0]  }
0x2ae: {  	v7 =	vld [tilespmem:s9+$0x10]  }
0x2af: {  	v6 =	vld [tilespmem:s9+$0x20]  }
0x2b0: {  	v4 =	vld [tilespmem:s9+$0x30]  }
0x2b1: {  	v1 =	vld [tilespmem:s9+$0x40]  }
0x2b2: {  	v3 =	vld [tilespmem:s9+$0x50];
	v8 =	vmul.f32 v5, v2  }
0x2b3: {  	s10 =	simm.s32 $0x200;
	v7 =	vmul.f32 v7, v2;
	v5 =	vld [tilespmem:s9+$0x60]  }
.LBB2_32:
0x2b4: {  	s11 =	sshra.s32 s10, $0x2;
	p0 =	sne.s32 s10, $0xFE00;
	[tilespmem:s9+$0x0] =	vst v8;
	v6 =	vmul.f32 v6, v2;
	v8 =	vld [tilespmem:s9+$0x70]  }
0x2b5: {  	v9 =	vld [tilespmem:s11+$0x0];
	[tilespmem:s9+$0x10] =	vst v7;
	v4 =	vmul.f32 v4, v2  }
0x2b6: {  	v7 =	vld [tilespmem:s11+$0x10];
	[tilespmem:s9+$0x20] =	vst v6;
	v1 =	vmul.f32 v1, v2  }
.Ltmp15:
0x2b7: {  	v6 =	vld [tilespmem:s11+$0x20];
	[tilespmem:s9+$0x30] =	vst v4;
	v3 =	vmul.f32 v3, v2;
	(pc) =	sbr.rel @p0 .LBB2_32-.Ltmp15, $4  }
0x2b8: {  	v4 =	vld [tilespmem:s11+$0x30];
	[tilespmem:s9+$0x40] =	vst v1;
	v5 =	vmul.f32 v5, v2  }
0x2b9: {  	v1 =	vld [tilespmem:s11+$0x40];
	[tilespmem:s9+$0x50] =	vst v3;
	v10 =	vmul.f32 v8, v2  }
0x2ba: {  	v8 =	vmul.f32 v9, v2;
	v3 =	vld [tilespmem:s11+$0x50];
	[tilespmem:s9+$0x60] =	vst v5  }
0x2bb: {  	s10 =	sadd.s32 $0x200, s10;
	v7 =	vmul.f32 v7, v2;
	v5 =	vld [tilespmem:s11+$0x60];
	[tilespmem:s9+$0x70] =	vst v10;
	s9 =	smov.u32 s11  }
0x2bc: {  	[tilespmem:s9+$0x0] =	vst v8;
	v6 =	vmul.f32 v6, v2;
	v8 =	vld [tilespmem:s9+$0x70]  }
0x2bd: {  	[tilespmem:s9+$0x10] =	vst v7;
	v4 =	vmul.f32 v4, v2  }
0x2be: {  	[tilespmem:s9+$0x20] =	vst v6;
	v1 =	vmul.f32 v1, v2  }
0x2bf: {  	[tilespmem:s9+$0x30] =	vst v4;
	v3 =	vmul.f32 v3, v2  }
0x2c0: {  	[tilespmem:s9+$0x40] =	vst v1;
	v1 =	vmul.f32 v5, v2  }
0x2c1: {  	[tilespmem:s9+$0x50] =	vst v3;
	v2 =	vmul.f32 v8, v2  }
0x2c2: {  	[tilespmem:s9+$0x60] =	vst v1  }
0x2c3: {  	[tilespmem:s9+$0x70] =	vst v2  }
0x2c4: {  	[hbm4b:s21+s3] =	stream.linear.scatter [tilespmem:s3], [sflag:$0x4], $0x4000, $0x38;
	[tilespmem:$0xD380] =	vst v63  }
0x2c5: {  	_ =	swait.ge [sflag:s23], $0x4000  }
0x2c6: {  	[sflag:s23] =	ssyncset.done $0x0  }
0x2c7: {  	s8 =	sadd.s32 $0x1, s8;
	[sflag:s23] =	ssyncadd.s32 $0xFFFFC000  }
0x2c8: {  	p0 =	sne.s32 s8, s22;
	_ =	swait.ge [sflag:s4], $0x4000  }
.Ltmp16:
0x2c9: {  	[sflag:s4] =	ssyncset.done $0x0;
	(pc) =	sbr.rel @p0 .LBB2_1-.Ltmp16, $4  }
0x2ca: {  	[sflag:s4] =	ssyncadd.s32 $0xFFFFC000  }
0x2cb: {  	_ =	swait.ge [sflag:s7], $0x4000  }
0x2cc: {  	[sflag:s7] =	ssyncset.done $0x0  }
0x2cd: {  	[sflag:s7] =	ssyncadd.s32 $0xFFFFC000  }
0x2ce: {  	_ =	sfence.sel $0x180000  }
0x2cf: {  	[bflag:$0x0] =	sbarrier.arrive $0xFFFF  }
0x2d0: {  	_ =	strace $0x9000004A  }
0x2d1: {  	s0 =	stileid.u32;
	[bflag:$0x2] =	sbarrier.arrive $0xFFFF  }
0x2d2: {  	p0 =	sne.s32 s0, $0x0;
	s0 =	rddreg [dreg:$0x3]  }
0x2d3: {  	s0 =	sadd.s32 @!p0 $0x100000, s0  }
0x2d4: {  	[sflag:s0] =	ssyncadd.tile.s32 @!p0 $0x1;
	_ =	shalt  }
.Lfunc_end2:
_tile_overlayer_lowered:
.L_overlay_start_2:
0x2d5: {  	(tag) =	ssettag $0x2  }
0x2d6: {  	s0 =	rddreg [dreg:$0x0];
	s2 =	stileid.u32  }
0x2d7: {  	s1 =	rddreg [dreg:$0x1];
	p0 =	sne.s32 s2, $0x0  }
0x2d8: {  	s3 =	rddreg [dreg:$0x2];
	[bflag:$0x3] =	sbarrier.arrive $0xFFFF;
	s2 =	simm.s32 @!p0 $0x1C07  }
0x2d9: {  	[timem:s3], [sflag:s2] =	dma.local @!p0 [hbm:s0], s1  }
0x2da: {  	s0 =	simm.s32 @!p0 $0x7  }
0x2db: {  	_ =	swait.ge @!p0 [sflag:s0], s1  }
0x2dc: {  	s1 =	ssub.s32 @!p0 $0x0, s1;
	[sflag:s0] =	ssyncset.done @!p0 $0x0  }
0x2dd: {  	[sflag:s0] =	ssyncadd.s32 @!p0 s1  }
0x2de: {  	[bflag:$0x3] =	sbarrier.arrive $0xFFFF  }
0x2df: {  	_ =	shalt  }

</sc_bundles>
